<compile_context>
chip_gen: v7x
topology: tpu7x:2x2x1
jax: 0.10.2.dev20260603
libtpu: 0.0.44.dev20260713+nightly
codegen_flags: <defaults>
</compile_context>

<pallas_src>
import functools

import jax
import jax.numpy as jnp
from jax import lax
from jax.experimental import pallas as pl
from jax.experimental.pallas import tpu as pltpu
from jax.experimental.pallas import tpu_sc as plsc

N = 10000
E = 320000
D = 128

NC = 2
NS = 16
NW = NC * NS

E_PER_TILE = E // NW
CHUNK = 80
STEPS = E_PER_TILE // CHUNK

N_ROWS = 10240
ROWS_PER_TILE = N_ROWS // NS
ZCHUNK = 32

_MESH = plsc.VectorSubcoreMesh(core_axis_name="c", subcore_axis_name="s")


def _zero_vmem_2d(ref, rows, cols):
  zero = jnp.zeros((16,), jnp.float32)

  def body(r, carry):
    for j in range(cols // 16):
      ref[r, pl.ds(j * 16, 16)] = zero
    return carry

  lax.fori_loop(0, rows, body, 0)


def _zero_acc(zrow_v, zch, acc_sh, row_base, nrows, zsem):
  ncopies = nrows // zch
  k = 0
  while k < ncopies:
    batchn = min(5, ncopies - k)
    for t in range(batchn):
      pltpu.async_copy(
          zrow_v, acc_sh.at[pl.ds(row_base + (k + t) * zch, zch)], zsem
      )
    for t in range(batchn):
      pltpu.make_async_copy(
          zrow_v, acc_sh.at[pl.ds(row_base, zch)], zsem
      ).wait()
    k += batchn


DEG_CHUNK = 80
DEG_STEPS = E_PER_TILE // DEG_CHUNK
DEG_NBUF = 5


def _make_deg():
  scratch = (
      [pltpu.VMEM((DEG_CHUNK,), jnp.int32) for _ in range(DEG_NBUF)]
      + [
          pltpu.VMEM((DEG_CHUNK, D), jnp.float32),
          pltpu.VMEM((128, D), jnp.float32),
          pltpu.VMEM_SHARED((N_ROWS, D), jnp.float32),
      ]
      + [pltpu.SemaphoreType.DMA for _ in range(2 * DEG_NBUF + 1)]
  )

  @functools.partial(
      pl.kernel,
      out_type=jax.ShapeDtypeStruct((NC, N_ROWS, D), jnp.float32),
      mesh=_MESH,
      scratch_types=scratch,
  )
  def deg_kernel(dst_hbm, out_hbm, *refs):
    dstv = refs[0:DEG_NBUF]
    ones_v = refs[DEG_NBUF]
    zrow_v = refs[DEG_NBUF + 1]
    acc_sh = refs[DEG_NBUF + 2]
    isem = refs[DEG_NBUF + 3:DEG_NBUF + 3 + DEG_NBUF]
    ssem = refs[DEG_NBUF + 3 + DEG_NBUF:DEG_NBUF + 3 + 2 * DEG_NBUF]
    zsem = refs[DEG_NBUF + 3 + 2 * DEG_NBUF]

    c = lax.axis_index("c")
    s = lax.axis_index("s")
    wid = s * NC + c

    one = jnp.full((16,), 1.0, jnp.float32)

    def fill(r, carry):
      for j in range(D // 16):
        ones_v[r, pl.ds(j * 16, 16)] = one
      return carry

    lax.fori_loop(0, DEG_CHUNK, fill, 0)
    _zero_vmem_2d(zrow_v, 128, D)
    _zero_acc(zrow_v, 128, acc_sh, s * ROWS_PER_TILE, ROWS_PER_TILE, zsem)
    plsc.subcore_barrier()

    base = wid * E_PER_TILE

    def i_start(i, b):
      pltpu.async_copy(
          dst_hbm.at[pl.ds(base + i * DEG_CHUNK, DEG_CHUNK)], dstv[b], isem[b]
      )

    def iw_ss(i, b):
      pltpu.make_async_copy(
          dst_hbm.at[pl.ds(base + i * DEG_CHUNK, DEG_CHUNK)], dstv[b], isem[b]
      ).wait()
      pltpu.async_copy(ones_v, acc_sh.at[dstv[b]], ssem[b], add=True)

    def s_wait(b):
      pltpu.make_async_copy(ones_v, acc_sh.at[dstv[b]], ssem[b]).wait()

    for t in range(DEG_NBUF):
      i_start(t, t)
      if t >= 1:
        iw_ss(t - 1, t - 1)

    def batch(j, carry):
      for b in range(DEG_NBUF):
        t = j * DEG_NBUF + b
        s_wait(b)
        i_start(t, b)
        iw_ss(t - 1, (b + DEG_NBUF - 1) % DEG_NBUF)
      return carry

    lax.fori_loop(1, DEG_STEPS // DEG_NBUF, batch, 0)

    for t in range(DEG_STEPS, DEG_STEPS + DEG_NBUF):
      s_wait((t - DEG_NBUF) % DEG_NBUF)
      if t - 1 < DEG_STEPS:
        iw_ss(t - 1, (t - 1) % DEG_NBUF)

    plsc.subcore_barrier()

    pltpu.sync_copy(
        acc_sh.at[pl.ds(s * ROWS_PER_TILE, ROWS_PER_TILE)],
        out_hbm.at[c, pl.ds(s * ROWS_PER_TILE, ROWS_PER_TILE)],
    )

  return deg_kernel


NBUF = 4


def _make_agg():
  scratch = (
      [pltpu.VMEM((CHUNK,), jnp.int32) for _ in range(NBUF)]
      + [pltpu.VMEM((CHUNK,), jnp.int32) for _ in range(NBUF)]
      + [pltpu.VMEM((CHUNK, D), jnp.float32) for _ in range(NBUF)]
      + [pltpu.VMEM((ZCHUNK, D), jnp.float32)]
      + [pltpu.VMEM_SHARED((N_ROWS, D), jnp.float32)]
      + [pltpu.SemaphoreType.DMA for _ in range(3 * NBUF + 1)]
  )

  @functools.partial(
      pl.kernel,
      out_type=jax.ShapeDtypeStruct((NC, N_ROWS, D), jnp.float32),
      mesh=_MESH,
      scratch_types=scratch,
  )
  def agg_kernel(y_hbm, src_hbm, dst_hbm, out_hbm, *refs):
    srcv = refs[0:NBUF]
    dstv = refs[NBUF:2 * NBUF]
    rows = refs[2 * NBUF:3 * NBUF]
    zrow_v = refs[3 * NBUF]
    acc_sh = refs[3 * NBUF + 1]
    isem = refs[3 * NBUF + 2:3 * NBUF + 2 + NBUF]
    gsem = refs[3 * NBUF + 2 + NBUF:3 * NBUF + 2 + 2 * NBUF]
    ssem = refs[3 * NBUF + 2 + 2 * NBUF:3 * NBUF + 2 + 3 * NBUF]
    zsem = refs[3 * NBUF + 2 + 3 * NBUF]

    c = lax.axis_index("c")
    s = lax.axis_index("s")
    wid = s * NC + c

    _zero_vmem_2d(zrow_v, ZCHUNK, D)
    _zero_acc(zrow_v, ZCHUNK, acc_sh, s * ROWS_PER_TILE, ROWS_PER_TILE, zsem)
    plsc.subcore_barrier()

    base = wid * E_PER_TILE

    def i_start(i, b):
      off = base + i * CHUNK
      pltpu.async_copy(src_hbm.at[pl.ds(off, CHUNK)], srcv[b], isem[b])
      pltpu.async_copy(dst_hbm.at[pl.ds(off, CHUNK)], dstv[b], isem[b])

    def iw_gs(i, b):
      off = base + i * CHUNK
      pltpu.make_async_copy(src_hbm.at[pl.ds(off, CHUNK)], srcv[b], isem[b]).wait()
      pltpu.make_async_copy(dst_hbm.at[pl.ds(off, CHUNK)], dstv[b], isem[b]).wait()
      pltpu.async_copy(y_hbm.at[srcv[b]], rows[b], gsem[b])

    def gw_ss(i, b):
      pltpu.make_async_copy(y_hbm.at[srcv[b]], rows[b], gsem[b]).wait()
      pltpu.async_copy(rows[b], acc_sh.at[dstv[b]], ssem[b], add=True)

    def s_wait(i, b):
      pltpu.make_async_copy(rows[b], acc_sh.at[dstv[b]], ssem[b]).wait()

    def full_step(t, b):
      s_wait(t - NBUF, b)
      i_start(t, b)
      iw_gs(t - 1, (b + NBUF - 1) % NBUF)
      gw_ss(t - 2, (b + NBUF - 2) % NBUF)

    for t in range(NBUF):
      i_start(t, t % NBUF)
      if t - 1 >= 0:
        iw_gs(t - 1, (t - 1) % NBUF)
      if t - 2 >= 0:
        gw_ss(t - 2, (t - 2) % NBUF)

    def batch(j, carry):
      for b in range(NBUF):
        full_step(j * NBUF + b, b)
      return carry

    lax.fori_loop(1, STEPS // NBUF, batch, 0)

    for t in range((STEPS // NBUF) * NBUF, STEPS):
      full_step(t, t % NBUF)
    for t in range(STEPS, STEPS + NBUF):
      s_wait(t - NBUF, (t - NBUF) % NBUF)
      if t - 1 < STEPS:
        iw_gs(t - 1, (t - 1) % NBUF)
      if t - 2 < STEPS:
        gw_ss(t - 2, (t - 2) % NBUF)

    plsc.subcore_barrier()

    pltpu.sync_copy(
        acc_sh.at[pl.ds(s * ROWS_PER_TILE, ROWS_PER_TILE)],
        out_hbm.at[c, pl.ds(s * ROWS_PER_TILE, ROWS_PER_TILE)],
    )

  return agg_kernel


_deg_call = _make_deg()
_agg_call = _make_agg()


R_BLK = 5000
GRID = N // R_BLK


def _tc_mm_body(x_ref, w_ref, xw_ref):
  xw_ref[...] = jnp.dot(
      x_ref[...], w_ref[...], preferred_element_type=jnp.float32
  )


def _tc_mm(x, w1):
  return pl.pallas_call(
      _tc_mm_body,
      grid=(GRID,),
      in_specs=[
          pl.BlockSpec((R_BLK, D), lambda i: (i, 0)),
          pl.BlockSpec((D, D), lambda i: (0, 0)),
      ],
      out_specs=pl.BlockSpec((R_BLK, D), lambda i: (i, 0)),
      out_shape=jax.ShapeDtypeStruct((N, D), jnp.float32),
  )(x, w1)


def _tc_scale_body(xw_ref, dis_ref, y_ref):
  y_ref[...] = xw_ref[...] * dis_ref[...]


def _tc_scale(xw, dis2d):
  return pl.pallas_call(
      _tc_scale_body,
      grid=(GRID,),
      in_specs=[
          pl.BlockSpec((R_BLK, D), lambda i: (i, 0)),
          pl.BlockSpec((R_BLK, 1), lambda i: (i, 0)),
      ],
      out_specs=pl.BlockSpec((R_BLK, D), lambda i: (i, 0)),
      out_shape=jax.ShapeDtypeStruct((N, D), jnp.float32),
  )(xw, dis2d)


def _tc2_body(p_ref, xw_ref, dis_ref, b_ref, w_ref, xw2_ref, y2_ref):
  dis = dis_ref[...]
  agg = p_ref[0] + p_ref[1]
  h = jnp.maximum(dis * agg + (dis * dis) * xw_ref[...] + b_ref[...], 0.0)
  xw2 = jnp.dot(h, w_ref[...], preferred_element_type=jnp.float32)
  xw2_ref[...] = xw2
  y2_ref[...] = xw2 * dis


def _tc2(p, xw1, dis2d, b1, w2):
  return pl.pallas_call(
      _tc2_body,
      grid=(GRID,),
      in_specs=[
          pl.BlockSpec((NC, R_BLK, D), lambda i: (0, i, 0)),
          pl.BlockSpec((R_BLK, D), lambda i: (i, 0)),
          pl.BlockSpec((R_BLK, 1), lambda i: (i, 0)),
          pl.BlockSpec((1, D), lambda i: (0, 0)),
          pl.BlockSpec((D, D), lambda i: (0, 0)),
      ],
      out_specs=[
          pl.BlockSpec((R_BLK, D), lambda i: (i, 0)),
          pl.BlockSpec((R_BLK, D), lambda i: (i, 0)),
      ],
      out_shape=[
          jax.ShapeDtypeStruct((N, D), jnp.float32),
          jax.ShapeDtypeStruct((N, D), jnp.float32),
      ],
  )(p, xw1, dis2d, b1, w2)


def _tc3_body(p_ref, xw_ref, dis_ref, b_ref, wout_ref, bout_ref, out_ref):
  dis = dis_ref[...]
  agg = p_ref[0] + p_ref[1]
  h = jnp.maximum(dis * agg + (dis * dis) * xw_ref[...] + b_ref[...], 0.0)
  logit = jnp.dot(h, wout_ref[...], preferred_element_type=jnp.float32)
  logit = logit + bout_ref[...]
  out_ref[...] = 1.0 / (1.0 + jnp.exp(-logit))


def _tc3(p, xw2, dis2d, b2, w_out, b_out):
  return pl.pallas_call(
      _tc3_body,
      grid=(GRID,),
      in_specs=[
          pl.BlockSpec((NC, R_BLK, D), lambda i: (0, i, 0)),
          pl.BlockSpec((R_BLK, D), lambda i: (i, 0)),
          pl.BlockSpec((R_BLK, 1), lambda i: (i, 0)),
          pl.BlockSpec((1, D), lambda i: (0, 0)),
          pl.BlockSpec((D, 1), lambda i: (0, 0)),
          pl.BlockSpec((1, 1), lambda i: (0, 0)),
      ],
      out_specs=pl.BlockSpec((R_BLK, 1), lambda i: (i, 0)),
      out_shape=jax.ShapeDtypeStruct((N, 1), jnp.float32),
  )(p, xw2, dis2d, b2, w_out, b_out)


def kernel(x, edge_index, W1, b1, W2, b2, W_out, b_out):
  src = edge_index[0].astype(jnp.int32)
  dst = edge_index[1].astype(jnp.int32)

  deg_p = _deg_call(dst)
  xw1 = _tc_mm(x, W1)
  deg = 1.0 + deg_p[0, :N, 0] + deg_p[1, :N, 0]
  dis2d = lax.rsqrt(deg)[:, None]

  y1 = _tc_scale(xw1, dis2d)
  p1 = _agg_call(y1, src, dst)
  xw2, y2 = _tc2(p1, xw1, dis2d, b1.reshape(1, D), W2)
  p2 = _agg_call(y2, src, dst)
  out = _tc3(p2, xw2, dis2d, b2.reshape(1, D), W_out, b_out.reshape(1, 1))
  return out[:, 0]

# --- scband reference (transcript-rebuilt; emitter-appended) ---
"""Pipeline reference for scband-deck-gnn-2456721293532 (READ-ONLY COPY).

The authoritative reference and input builder live on the scoring server;
editing this copy changes nothing except your own understanding.
"""

import jax, jax.numpy as jnp
import numpy as np

N = 10000
E = 320000
D_IN = 128
D_H = 128


def gcn_conv(x, edge_index, W, b):
    num_nodes = x.shape[0]
    src = edge_index[0]
    dst = edge_index[1]
    # add self loops (GCNConv default)
    loop = jnp.arange(num_nodes, dtype=src.dtype)
    src = jnp.concatenate([src, loop])
    dst = jnp.concatenate([dst, loop])
    # symmetric normalization D^{-1/2} (A+I) D^{-1/2}
    deg = jax.ops.segment_sum(jnp.ones(src.shape[0], dtype=x.dtype), dst, num_segments=num_nodes)
    deg_inv_sqrt = jnp.where(deg > 0, jax.lax.rsqrt(jnp.maximum(deg, 1e-12)), 0.0)
    norm = deg_inv_sqrt[src] * deg_inv_sqrt[dst]
    xw = x @ W
    msg = xw[src] * norm[:, None]
    out = jax.ops.segment_sum(msg, dst, num_segments=num_nodes)
    return out + b


def setup_inputs(seed: int = 0):
    key = jax.random.key(seed)
    ks = jax.random.split(key, 8)
    x = jax.random.normal(ks[0], (N, D_IN), dtype=jnp.float32)
    edge_index = jax.random.randint(ks[1], (2, E), 0, N)
    W1 = jax.random.normal(ks[2], (D_IN, D_H), dtype=jnp.float32) * (1.0 / np.sqrt(D_IN))
    b1 = jnp.zeros((D_H,), dtype=jnp.float32)
    W2 = jax.random.normal(ks[3], (D_H, D_H), dtype=jnp.float32) * (1.0 / np.sqrt(D_H))
    b2 = jnp.zeros((D_H,), dtype=jnp.float32)
    W_out = jax.random.normal(ks[4], (D_H, 1), dtype=jnp.float32) * (1.0 / np.sqrt(D_H))
    b_out = jnp.zeros((1,), dtype=jnp.float32)
    return {"x": x, "edge_index": edge_index, "W1": W1, "b1": b1, "W2": W2, "b2": b2, "W_out": W_out, "b_out": b_out}


def reference(x, edge_index, W1, b1, W2, b2, W_out, b_out):
    h = jax.nn.relu(gcn_conv(x, edge_index, W1, b1))
    h = jax.nn.relu(gcn_conv(h, edge_index, W2, b2))
    out = h @ W_out + b_out
    return jax.nn.sigmoid(out).squeeze(-1)

if __name__ == "__main__":
    import jax
    _d = setup_inputs()
    print(jax.jit(kernel)(*tuple(_d.values())))

</pallas_src>

<mosaic_0001>
#map = affine_map<(d0, d1) -> (0, 0)>
#map1 = affine_map<(d0, d1) -> (0)>
#map2 = affine_map<(d0, d1) -> (0, 0, 0)>
module attributes {stable_mosaic.version = 14 : i64} {
  func.func @agg_kernel(%arg0: i32, %arg1: i32, %arg2: memref<10000x128xf32, #tpu.memory_space<hbm>>, %arg3: memref<320000xi32, #tpu.memory_space<hbm>>, %arg4: memref<320000xi32, #tpu.memory_space<hbm>>, %arg5: memref<2x10240x128xf32, #tpu.memory_space<hbm>>, %arg6: memref<80xi32, #tpu.memory_space<vmem>>, %arg7: memref<80xi32, #tpu.memory_space<vmem>>, %arg8: memref<80xi32, #tpu.memory_space<vmem>>, %arg9: memref<80xi32, #tpu.memory_space<vmem>>, %arg10: memref<80xi32, #tpu.memory_space<vmem>>, %arg11: memref<80xi32, #tpu.memory_space<vmem>>, %arg12: memref<80xi32, #tpu.memory_space<vmem>>, %arg13: memref<80xi32, #tpu.memory_space<vmem>>, %arg14: memref<80x128xf32, #tpu.memory_space<vmem>>, %arg15: memref<80x128xf32, #tpu.memory_space<vmem>>, %arg16: memref<80x128xf32, #tpu.memory_space<vmem>>, %arg17: memref<80x128xf32, #tpu.memory_space<vmem>>, %arg18: memref<32x128xf32, #tpu.memory_space<vmem>>, %arg19: memref<10240x128xf32, #tpu.memory_space<vmem_shared>>, %arg20: memref<!tpu.dma_semaphore, #tpu.memory_space<semaphore_mem>>, %arg21: memref<!tpu.dma_semaphore, #tpu.memory_space<semaphore_mem>>, %arg22: memref<!tpu.dma_semaphore, #tpu.memory_space<semaphore_mem>>, %arg23: memref<!tpu.dma_semaphore, #tpu.memory_space<semaphore_mem>>, %arg24: memref<!tpu.dma_semaphore, #tpu.memory_space<semaphore_mem>>, %arg25: memref<!tpu.dma_semaphore, #tpu.memory_space<semaphore_mem>>, %arg26: memref<!tpu.dma_semaphore, #tpu.memory_space<semaphore_mem>>, %arg27: memref<!tpu.dma_semaphore, #tpu.memory_space<semaphore_mem>>, %arg28: memref<!tpu.dma_semaphore, #tpu.memory_space<semaphore_mem>>, %arg29: memref<!tpu.dma_semaphore, #tpu.memory_space<semaphore_mem>>, %arg30: memref<!tpu.dma_semaphore, #tpu.memory_space<semaphore_mem>>, %arg31: memref<!tpu.dma_semaphore, #tpu.memory_space<semaphore_mem>>, %arg32: memref<!tpu.dma_semaphore, #tpu.memory_space<semaphore_mem>>) attributes {dimension_semantics = [#tpu.dimension_semantics<core_parallel>, #tpu.dimension_semantics<subcore_parallel>], iteration_bounds = array<i64: 2, 16>, scalar_prefetch = 0 : i64, scratch_operands = 27 : i64, tpu.core_type = #tpu.core_type<sc_vector_subcore>, window_params = [{transform_indices = #map}, {transform_indices = #map1}, {transform_indices = #map1}, {transform_indices = #map2}]} {
    %mul3A = arith.constant 2 : i32
    %mul3A_0 = arith.muli %arg1, %mul3A : i32
    %add3A = arith.addi %mul3A_0, %arg0 : i32
    %broadcast_in_dim3A = arith.constant 0.000000e+00 : f32
    %broadcast_in_dim3A_1 = vector.broadcast %broadcast_in_dim3A : f32 to vector<16xf32>
    %scan3A = arith.constant 0 : i32
    %scan3A_2 = arith.constant 0 : i32
    %scan3A_3 = arith.constant 32 : i32
    %scan3A_4 = arith.addi %scan3A_2, %scan3A_3 : i32
    %scan3A_5 = arith.constant 1 : i32
    scf.for %scan3A_340 = %scan3A_2 to %scan3A_4 step %scan3A_5  : i32 {
      %swap3A = arith.index_cast %scan3A_340 : i32 to index
      %swap3A_341 = arith.constant 0 : index
      %swap3A_342 = tpu.vector_load %arg18[%swap3A, %swap3A_341] {strides = array<i32>} : memref<32x128xf32, #tpu.memory_space<vmem>>, vector<1x16xf32>,
      %swap3A_343 = vector.shape_cast %swap3A_342 : vector<1x16xf32> to vector<16xf32>
      %swap3A_344 = vector.shape_cast %broadcast_in_dim3A_1 : vector<16xf32> to vector<1x16xf32>
      tpu.vector_store %arg18[%swap3A, %swap3A_341], %swap3A_344 {strides = array<i32>} : memref<32x128xf32, #tpu.memory_space<vmem>>, vector<1x16xf32>,
      %swap3A_345 = arith.index_cast %scan3A_340 : i32 to index
      %swap3A_346 = arith.constant 16 : index
      %swap3A_347 = tpu.vector_load %arg18[%swap3A_345, %swap3A_346] {strides = array<i32>} : memref<32x128xf32, #tpu.memory_space<vmem>>, vector<1x16xf32>,
      %swap3A_348 = vector.shape_cast %swap3A_347 : vector<1x16xf32> to vector<16xf32>
      %swap3A_349 = vector.shape_cast %broadcast_in_dim3A_1 : vector<16xf32> to vector<1x16xf32>
      tpu.vector_store %arg18[%swap3A_345, %swap3A_346], %swap3A_349 {strides = array<i32>} : memref<32x128xf32, #tpu.memory_space<vmem>>, vector<1x16xf32>,
      %swap3A_350 = arith.index_cast %scan3A_340 : i32 to index
      %swap3A_351 = arith.constant 32 : index
      %swap3A_352 = tpu.vector_load %arg18[%swap3A_350, %swap3A_351] {strides = array<i32>} : memref<32x128xf32, #tpu.memory_space<vmem>>, vector<1x16xf32>,
      %swap3A_353 = vector.shape_cast %swap3A_352 : vector<1x16xf32> to vector<16xf32>
      %swap3A_354 = vector.shape_cast %broadcast_in_dim3A_1 : vector<16xf32> to vector<1x16xf32>
      tpu.vector_store %arg18[%swap3A_350, %swap3A_351], %swap3A_354 {strides = array<i32>} : memref<32x128xf32, #tpu.memory_space<vmem>>, vector<1x16xf32>,
      %swap3A_355 = arith.index_cast %scan3A_340 : i32 to index
      %swap3A_356 = arith.constant 48 : index
      %swap3A_357 = tpu.vector_load %arg18[%swap3A_355, %swap3A_356] {strides = array<i32>} : memref<32x128xf32, #tpu.memory_space<vmem>>, vector<1x16xf32>,
      %swap3A_358 = vector.shape_cast %swap3A_357 : vector<1x16xf32> to vector<16xf32>
      %swap3A_359 = vector.shape_cast %broadcast_in_dim3A_1 : vector<16xf32> to vector<1x16xf32>
      tpu.vector_store %arg18[%swap3A_355, %swap3A_356], %swap3A_359 {strides = array<i32>} : memref<32x128xf32, #tpu.memory_space<vmem>>, vector<1x16xf32>,
      %swap3A_360 = arith.index_cast %scan3A_340 : i32 to index
      %swap3A_361 = arith.constant 64 : index
      %swap3A_362 = tpu.vector_load %arg18[%swap3A_360, %swap3A_361] {strides = array<i32>} : memref<32x128xf32, #tpu.memory_space<vmem>>, vector<1x16xf32>,
      %swap3A_363 = vector.shape_cast %swap3A_362 : vector<1x16xf32> to vector<16xf32>
      %swap3A_364 = vector.shape_cast %broadcast_in_dim3A_1 : vector<16xf32> to vector<1x16xf32>
      tpu.vector_store %arg18[%swap3A_360, %swap3A_361], %swap3A_364 {strides = array<i32>} : memref<32x128xf32, #tpu.memory_space<vmem>>, vector<1x16xf32>,
      %swap3A_365 = arith.index_cast %scan3A_340 : i32 to index
      %swap3A_366 = arith.constant 80 : index
      %swap3A_367 = tpu.vector_load %arg18[%swap3A_365, %swap3A_366] {strides = array<i32>} : memref<32x128xf32, #tpu.memory_space<vmem>>, vector<1x16xf32>,
      %swap3A_368 = vector.shape_cast %swap3A_367 : vector<1x16xf32> to vector<16xf32>
      %swap3A_369 = vector.shape_cast %broadcast_in_dim3A_1 : vector<16xf32> to vector<1x16xf32>
      tpu.vector_store %arg18[%swap3A_365, %swap3A_366], %swap3A_369 {strides = array<i32>} : memref<32x128xf32, #tpu.memory_space<vmem>>, vector<1x16xf32>,
      %swap3A_370 = arith.index_cast %scan3A_340 : i32 to index
      %swap3A_371 = arith.constant 96 : index
      %swap3A_372 = tpu.vector_load %arg18[%swap3A_370, %swap3A_371] {strides = array<i32>} : memref<32x128xf32, #tpu.memory_space<vmem>>, vector<1x16xf32>,
      %swap3A_373 = vector.shape_cast %swap3A_372 : vector<1x16xf32> to vector<16xf32>
      %swap3A_374 = vector.shape_cast %broadcast_in_dim3A_1 : vector<16xf32> to vector<1x16xf32>
      tpu.vector_store %arg18[%swap3A_370, %swap3A_371], %swap3A_374 {strides = array<i32>} : memref<32x128xf32, #tpu.memory_space<vmem>>, vector<1x16xf32>,
      %swap3A_375 = arith.index_cast %scan3A_340 : i32 to index
      %swap3A_376 = arith.constant 112 : index
      %swap3A_377 = tpu.vector_load %arg18[%swap3A_375, %swap3A_376] {strides = array<i32>} : memref<32x128xf32, #tpu.memory_space<vmem>>, vector<1x16xf32>,
      %swap3A_378 = vector.shape_cast %swap3A_377 : vector<1x16xf32> to vector<16xf32>
      %swap3A_379 = vector.shape_cast %broadcast_in_dim3A_1 : vector<16xf32> to vector<1x16xf32>
      tpu.vector_store %arg18[%swap3A_375, %swap3A_376], %swap3A_379 {strides = array<i32>} : memref<32x128xf32, #tpu.memory_space<vmem>>, vector<1x16xf32>,
    }
    %scan3A_6 = arith.constant 32 : i32
    %mul3A_7 = arith.constant 640 : i32
    %mul3A_8 = arith.muli %arg1, %mul3A_7 : i32
    %add3A_9 = arith.constant 0 : i32
    %add3A_10 = arith.addi %mul3A_8, %add3A_9 : i32
    %dma_start3A = arith.constant 0 : i32
    %dma_start3A_11 = tpu.memref_slice %arg19[%add3A_10, %dma_start3A] : memref<10240x128xf32, #tpu.memory_space<vmem_shared>> -> memref<32x128xf32, #tpu.memory_space<vmem_shared>>
    %dma_start3A_12 = arith.constant 0 : i32
    %dma_start3A_13 = tpu.memref_slice %arg19[%add3A_10, %dma_start3A_12] : memref<10240x128xf32, #tpu.memory_space<vmem_shared>> -> memref<32x128xf32, #tpu.memory_space<vmem_shared>>
    tpu.enqueue_dma source(%arg18 : memref<32x128xf32, #tpu.memory_space<vmem>>) target(%dma_start3A_13 : memref<32x128xf32, #tpu.memory_space<vmem_shared>>) target_semaphore(%arg32 : memref<!tpu.dma_semaphore, #tpu.memory_space<semaphore_mem>>)
    %add3A_14 = arith.constant 32 : i32
    %add3A_15 = arith.addi %mul3A_8, %add3A_14 : i32
    %dma_start3A_16 = arith.constant 0 : i32
    %dma_start3A_17 = tpu.memref_slice %arg19[%add3A_15, %dma_start3A_16] : memref<10240x128xf32, #tpu.memory_space<vmem_shared>> -> memref<32x128xf32, #tpu.memory_space<vmem_shared>>
    %dma_start3A_18 = arith.constant 0 : i32
    %dma_start3A_19 = tpu.memref_slice %arg19[%add3A_15, %dma_start3A_18] : memref<10240x128xf32, #tpu.memory_space<vmem_shared>> -> memref<32x128xf32, #tpu.memory_space<vmem_shared>>
    tpu.enqueue_dma source(%arg18 : memref<32x128xf32, #tpu.memory_space<vmem>>) target(%dma_start3A_19 : memref<32x128xf32, #tpu.memory_space<vmem_shared>>) target_semaphore(%arg32 : memref<!tpu.dma_semaphore, #tpu.memory_space<semaphore_mem>>)
    %add3A_20 = arith.constant 64 : i32
    %add3A_21 = arith.addi %mul3A_8, %add3A_20 : i32
    %dma_start3A_22 = arith.constant 0 : i32
    %dma_start3A_23 = tpu.memref_slice %arg19[%add3A_21, %dma_start3A_22] : memref<10240x128xf32, #tpu.memory_space<vmem_shared>> -> memref<32x128xf32, #tpu.memory_space<vmem_shared>>
    %dma_start3A_24 = arith.constant 0 : i32
    %dma_start3A_25 = tpu.memref_slice %arg19[%add3A_21, %dma_start3A_24] : memref<10240x128xf32, #tpu.memory_space<vmem_shared>> -> memref<32x128xf32, #tpu.memory_space<vmem_shared>>
    tpu.enqueue_dma source(%arg18 : memref<32x128xf32, #tpu.memory_space<vmem>>) target(%dma_start3A_25 : memref<32x128xf32, #tpu.memory_space<vmem_shared>>) target_semaphore(%arg32 : memref<!tpu.dma_semaphore, #tpu.memory_space<semaphore_mem>>)
    %add3A_26 = arith.constant 96 : i32
    %add3A_27 = arith.addi %mul3A_8, %add3A_26 : i32
    %dma_start3A_28 = arith.constant 0 : i32
    %dma_start3A_29 = tpu.memref_slice %arg19[%add3A_27, %dma_start3A_28] : memref<10240x128xf32, #tpu.memory_space<vmem_shared>> -> memref<32x128xf32, #tpu.memory_space<vmem_shared>>
    %dma_start3A_30 = arith.constant 0 : i32
    %dma_start3A_31 = tpu.memref_slice %arg19[%add3A_27, %dma_start3A_30] : memref<10240x128xf32, #tpu.memory_space<vmem_shared>> -> memref<32x128xf32, #tpu.memory_space<vmem_shared>>
    tpu.enqueue_dma source(%arg18 : memref<32x128xf32, #tpu.memory_space<vmem>>) target(%dma_start3A_31 : memref<32x128xf32, #tpu.memory_space<vmem_shared>>) target_semaphore(%arg32 : memref<!tpu.dma_semaphore, #tpu.memory_space<semaphore_mem>>)
    %add3A_32 = arith.constant 128 : i32
    %add3A_33 = arith.addi %mul3A_8, %add3A_32 : i32
    %dma_start3A_34 = arith.constant 0 : i32
    %dma_start3A_35 = tpu.memref_slice %arg19[%add3A_33, %dma_start3A_34] : memref<10240x128xf32, #tpu.memory_space<vmem_shared>> -> memref<32x128xf32, #tpu.memory_space<vmem_shared>>
    %dma_start3A_36 = arith.constant 0 : i32
    %dma_start3A_37 = tpu.memref_slice %arg19[%add3A_33, %dma_start3A_36] : memref<10240x128xf32, #tpu.memory_space<vmem_shared>> -> memref<32x128xf32, #tpu.memory_space<vmem_shared>>
    tpu.enqueue_dma source(%arg18 : memref<32x128xf32, #tpu.memory_space<vmem>>) target(%dma_start3A_37 : memref<32x128xf32, #tpu.memory_space<vmem_shared>>) target_semaphore(%arg32 : memref<!tpu.dma_semaphore, #tpu.memory_space<semaphore_mem>>)
    %dma_wait3A = arith.constant 0 : i32
    %dma_wait3A_38 = tpu.memref_slice %arg19[%mul3A_8, %dma_wait3A] : memref<10240x128xf32, #tpu.memory_space<vmem_shared>> -> memref<32x128xf32, #tpu.memory_space<vmem_shared>>
    %dma_wait3A_39 = arith.constant 0 : i32
    %dma_wait3A_40 = tpu.memref_slice %arg19[%mul3A_8, %dma_wait3A_39] : memref<10240x128xf32, #tpu.memory_space<vmem_shared>> -> memref<32x128xf32, #tpu.memory_space<vmem_shared>>
    tpu.wait_dma2 semaphore(%arg32 : memref<!tpu.dma_semaphore, #tpu.memory_space<semaphore_mem>>) src(%arg18 : memref<32x128xf32, #tpu.memory_space<vmem>>) dst(%dma_wait3A_40 : memref<32x128xf32, #tpu.memory_space<vmem_shared>>)
    %dma_wait3A_41 = arith.constant 0 : i32
    %dma_wait3A_42 = tpu.memref_slice %arg19[%mul3A_8, %dma_wait3A_41] : memref<10240x128xf32, #tpu.memory_space<vmem_shared>> -> memref<32x128xf32, #tpu.memory_space<vmem_shared>>
    %dma_wait3A_43 = arith.constant 0 : i32
    %dma_wait3A_44 = tpu.memref_slice %arg19[%mul3A_8, %dma_wait3A_43] : memref<10240x128xf32, #tpu.memory_space<vmem_shared>> -> memref<32x128xf32, #tpu.memory_space<vmem_shared>>
    tpu.wait_dma2 semaphore(%arg32 : memref<!tpu.dma_semaphore, #tpu.memory_space<semaphore_mem>>) src(%arg18 : memref<32x128xf32, #tpu.memory_space<vmem>>) dst(%dma_wait3A_44 : memref<32x128xf32, #tpu.memory_space<vmem_shared>>)
    %dma_wait3A_45 = arith.constant 0 : i32
    %dma_wait3A_46 = tpu.memref_slice %arg19[%mul3A_8, %dma_wait3A_45] : memref<10240x128xf32, #tpu.memory_space<vmem_shared>> -> memref<32x128xf32, #tpu.memory_space<vmem_shared>>
    %dma_wait3A_47 = arith.constant 0 : i32
    %dma_wait3A_48 = tpu.memref_slice %arg19[%mul3A_8, %dma_wait3A_47] : memref<10240x128xf32, #tpu.memory_space<vmem_shared>> -> memref<32x128xf32, #tpu.memory_space<vmem_shared>>
    tpu.wait_dma2 semaphore(%arg32 : memref<!tpu.dma_semaphore, #tpu.memory_space<semaphore_mem>>) src(%arg18 : memref<32x128xf32, #tpu.memory_space<vmem>>) dst(%dma_wait3A_48 : memref<32x128xf32, #tpu.memory_space<vmem_shared>>)
    %dma_wait3A_49 = arith.constant 0 : i32
    %dma_wait3A_50 = tpu.memref_slice %arg19[%mul3A_8, %dma_wait3A_49] : memref<10240x128xf32, #tpu.memory_space<vmem_shared>> -> memref<32x128xf32, #tpu.memory_space<vmem_shared>>
    %dma_wait3A_51 = arith.constant 0 : i32
    %dma_wait3A_52 = tpu.memref_slice %arg19[%mul3A_8, %dma_wait3A_51] : memref<10240x128xf32, #tpu.memory_space<vmem_shared>> -> memref<32x128xf32, #tpu.memory_space<vmem_shared>>
    tpu.wait_dma2 semaphore(%arg32 : memref<!tpu.dma_semaphore, #tpu.memory_space<semaphore_mem>>) src(%arg18 : memref<32x128xf32, #tpu.memory_space<vmem>>) dst(%dma_wait3A_52 : memref<32x128xf32, #tpu.memory_space<vmem_shared>>)
    %dma_wait3A_53 = arith.constant 0 : i32
    %dma_wait3A_54 = tpu.memref_slice %arg19[%mul3A_8, %dma_wait3A_53] : memref<10240x128xf32, #tpu.memory_space<vmem_shared>> -> memref<32x128xf32, #tpu.memory_space<vmem_shared>>
    %dma_wait3A_55 = arith.constant 0 : i32
    %dma_wait3A_56 = tpu.memref_slice %arg19[%mul3A_8, %dma_wait3A_55] : memref<10240x128xf32, #tpu.memory_space<vmem_shared>> -> memref<32x128xf32, #tpu.memory_space<vmem_shared>>
    tpu.wait_dma2 semaphore(%arg32 : memref<!tpu.dma_semaphore, #tpu.memory_space<semaphore_mem>>) src(%arg18 : memref<32x128xf32, #tpu.memory_space<vmem>>) dst(%dma_wait3A_56 : memref<32x128xf32, #tpu.memory_space<vmem_shared>>)
    %add3A_57 = arith.constant 160 : i32
    %add3A_58 = arith.addi %mul3A_8, %add3A_57 : i32
    %dma_start3A_59 = arith.constant 0 : i32
    %dma_start3A_60 = tpu.memref_slice %arg19[%add3A_58, %dma_start3A_59] : memref<10240x128xf32, #tpu.memory_space<vmem_shared>> -> memref<32x128xf32, #tpu.memory_space<vmem_shared>>
    %dma_start3A_61 = arith.constant 0 : i32
    %dma_start3A_62 = tpu.memref_slice %arg19[%add3A_58, %dma_start3A_61] : memref<10240x128xf32, #tpu.memory_space<vmem_shared>> -> memref<32x128xf32, #tpu.memory_space<vmem_shared>>
    tpu.enqueue_dma source(%arg18 : memref<32x128xf32, #tpu.memory_space<vmem>>) target(%dma_start3A_62 : memref<32x128xf32, #tpu.memory_space<vmem_shared>>) target_semaphore(%arg32 : memref<!tpu.dma_semaphore, #tpu.memory_space<semaphore_mem>>)
    %add3A_63 = arith.constant 192 : i32
    %add3A_64 = arith.addi %mul3A_8, %add3A_63 : i32
    %dma_start3A_65 = arith.constant 0 : i32
    %dma_start3A_66 = tpu.memref_slice %arg19[%add3A_64, %dma_start3A_65] : memref<10240x128xf32, #tpu.memory_space<vmem_shared>> -> memref<32x128xf32, #tpu.memory_space<vmem_shared>>
    %dma_start3A_67 = arith.constant 0 : i32
    %dma_start3A_68 = tpu.memref_slice %arg19[%add3A_64, %dma_start3A_67] : memref<10240x128xf32, #tpu.memory_space<vmem_shared>> -> memref<32x128xf32, #tpu.memory_space<vmem_shared>>
    tpu.enqueue_dma source(%arg18 : memref<32x128xf32, #tpu.memory_space<vmem>>) target(%dma_start3A_68 : memref<32x128xf32, #tpu.memory_space<vmem_shared>>) target_semaphore(%arg32 : memref<!tpu.dma_semaphore, #tpu.memory_space<semaphore_mem>>)
    %add3A_69 = arith.constant 224 : i32
    %add3A_70 = arith.addi %mul3A_8, %add3A_69 : i32
    %dma_start3A_71 = arith.constant 0 : i32
    %dma_start3A_72 = tpu.memref_slice %arg19[%add3A_70, %dma_start3A_71] : memref<10240x128xf32, #tpu.memory_space<vmem_shared>> -> memref<32x128xf32, #tpu.memory_space<vmem_shared>>
    %dma_start3A_73 = arith.constant 0 : i32
    %dma_start3A_74 = tpu.memref_slice %arg19[%add3A_70, %dma_start3A_73] : memref<10240x128xf32, #tpu.memory_space<vmem_shared>> -> memref<32x128xf32, #tpu.memory_space<vmem_shared>>
    tpu.enqueue_dma source(%arg18 : memref<32x128xf32, #tpu.memory_space<vmem>>) target(%dma_start3A_74 : memref<32x128xf32, #tpu.memory_space<vmem_shared>>) target_semaphore(%arg32 : memref<!tpu.dma_semaphore, #tpu.memory_space<semaphore_mem>>)
    %add3A_75 = arith.constant 256 : i32
    %add3A_76 = arith.addi %mul3A_8, %add3A_75 : i32
    %dma_start3A_77 = arith.constant 0 : i32
    %dma_start3A_78 = tpu.memref_slice %arg19[%add3A_76, %dma_start3A_77] : memref<10240x128xf32, #tpu.memory_space<vmem_shared>> -> memref<32x128xf32, #tpu.memory_space<vmem_shared>>
    %dma_start3A_79 = arith.constant 0 : i32
    %dma_start3A_80 = tpu.memref_slice %arg19[%add3A_76, %dma_start3A_79] : memref<10240x128xf32, #tpu.memory_space<vmem_shared>> -> memref<32x128xf32, #tpu.memory_space<vmem_shared>>
    tpu.enqueue_dma source(%arg18 : memref<32x128xf32, #tpu.memory_space<vmem>>) target(%dma_start3A_80 : memref<32x128xf32, #tpu.memory_space<vmem_shared>>) target_semaphore(%arg32 : memref<!tpu.dma_semaphore, #tpu.memory_space<semaphore_mem>>)
    %add3A_81 = arith.constant 288 : i32
    %add3A_82 = arith.addi %mul3A_8, %add3A_81 : i32
    %dma_start3A_83 = arith.constant 0 : i32
    %dma_start3A_84 = tpu.memref_slice %arg19[%add3A_82, %dma_start3A_83] : memref<10240x128xf32, #tpu.memory_space<vmem_shared>> -> memref<32x128xf32, #tpu.memory_space<vmem_shared>>
    %dma_start3A_85 = arith.constant 0 : i32
    %dma_start3A_86 = tpu.memref_slice %arg19[%add3A_82, %dma_start3A_85] : memref<10240x128xf32, #tpu.memory_space<vmem_shared>> -> memref<32x128xf32, #tpu.memory_space<vmem_shared>>
    tpu.enqueue_dma source(%arg18 : memref<32x128xf32, #tpu.memory_space<vmem>>) target(%dma_start3A_86 : memref<32x128xf32, #tpu.memory_space<vmem_shared>>) target_semaphore(%arg32 : memref<!tpu.dma_semaphore, #tpu.memory_space<semaphore_mem>>)
    %dma_wait3A_87 = arith.constant 0 : i32
    %dma_wait3A_88 = tpu.memref_slice %arg19[%mul3A_8, %dma_wait3A_87] : memref<10240x128xf32, #tpu.memory_space<vmem_shared>> -> memref<32x128xf32, #tpu.memory_space<vmem_shared>>
    %dma_wait3A_89 = arith.constant 0 : i32
    %dma_wait3A_90 = tpu.memref_slice %arg19[%mul3A_8, %dma_wait3A_89] : memref<10240x128xf32, #tpu.memory_space<vmem_shared>> -> memref<32x128xf32, #tpu.memory_space<vmem_shared>>
    tpu.wait_dma2 semaphore(%arg32 : memref<!tpu.dma_semaphore, #tpu.memory_space<semaphore_mem>>) src(%arg18 : memref<32x128xf32, #tpu.memory_space<vmem>>) dst(%dma_wait3A_90 : memref<32x128xf32, #tpu.memory_space<vmem_shared>>)
    %dma_wait3A_91 = arith.constant 0 : i32
    %dma_wait3A_92 = tpu.memref_slice %arg19[%mul3A_8, %dma_wait3A_91] : memref<10240x128xf32, #tpu.memory_space<vmem_shared>> -> memref<32x128xf32, #tpu.memory_space<vmem_shared>>
    %dma_wait3A_93 = arith.constant 0 : i32
    %dma_wait3A_94 = tpu.memref_slice %arg19[%mul3A_8, %dma_wait3A_93] : memref<10240x128xf32, #tpu.memory_space<vmem_shared>> -> memref<32x128xf32, #tpu.memory_space<vmem_shared>>
    tpu.wait_dma2 semaphore(%arg32 : memref<!tpu.dma_semaphore, #tpu.memory_space<semaphore_mem>>) src(%arg18 : memref<32x128xf32, #tpu.memory_space<vmem>>) dst(%dma_wait3A_94 : memref<32x128xf32, #tpu.memory_space<vmem_shared>>)
    %dma_wait3A_95 = arith.constant 0 : i32
    %dma_wait3A_96 = tpu.memref_slice %arg19[%mul3A_8, %dma_wait3A_95] : memref<10240x128xf32, #tpu.memory_space<vmem_shared>> -> memref<32x128xf32, #tpu.memory_space<vmem_shared>>
    %dma_wait3A_97 = arith.constant 0 : i32
    %dma_wait3A_98 = tpu.memref_slice %arg19[%mul3A_8, %dma_wait3A_97] : memref<10240x128xf32, #tpu.memory_space<vmem_shared>> -> memref<32x128xf32, #tpu.memory_space<vmem_shared>>
    tpu.wait_dma2 semaphore(%arg32 : memref<!tpu.dma_semaphore, #tpu.memory_space<semaphore_mem>>) src(%arg18 : memref<32x128xf32, #tpu.memory_space<vmem>>) dst(%dma_wait3A_98 : memref<32x128xf32, #tpu.memory_space<vmem_shared>>)
    %dma_wait3A_99 = arith.constant 0 : i32
    %dma_wait3A_100 = tpu.memref_slice %arg19[%mul3A_8, %dma_wait3A_99] : memref<10240x128xf32, #tpu.memory_space<vmem_shared>> -> memref<32x128xf32, #tpu.memory_space<vmem_shared>>
    %dma_wait3A_101 = arith.constant 0 : i32
    %dma_wait3A_102 = tpu.memref_slice %arg19[%mul3A_8, %dma_wait3A_101] : memref<10240x128xf32, #tpu.memory_space<vmem_shared>> -> memref<32x128xf32, #tpu.memory_space<vmem_shared>>
    tpu.wait_dma2 semaphore(%arg32 : memref<!tpu.dma_semaphore, #tpu.memory_space<semaphore_mem>>) src(%arg18 : memref<32x128xf32, #tpu.memory_space<vmem>>) dst(%dma_wait3A_102 : memref<32x128xf32, #tpu.memory_space<vmem_shared>>)
    %dma_wait3A_103 = arith.constant 0 : i32
    %dma_wait3A_104 = tpu.memref_slice %arg19[%mul3A_8, %dma_wait3A_103] : memref<10240x128xf32, #tpu.memory_space<vmem_shared>> -> memref<32x128xf32, #tpu.memory_space<vmem_shared>>
    %dma_wait3A_105 = arith.constant 0 : i32
    %dma_wait3A_106 = tpu.memref_slice %arg19[%mul3A_8, %dma_wait3A_105] : memref<10240x128xf32, #tpu.memory_space<vmem_shared>> -> memref<32x128xf32, #tpu.memory_space<vmem_shared>>
    tpu.wait_dma2 semaphore(%arg32 : memref<!tpu.dma_semaphore, #tpu.memory_space<semaphore_mem>>) src(%arg18 : memref<32x128xf32, #tpu.memory_space<vmem>>) dst(%dma_wait3A_106 : memref<32x128xf32, #tpu.memory_space<vmem_shared>>)
    %add3A_107 = arith.constant 320 : i32
    %add3A_108 = arith.addi %mul3A_8, %add3A_107 : i32
    %dma_start3A_109 = arith.constant 0 : i32
    %dma_start3A_110 = tpu.memref_slice %arg19[%add3A_108, %dma_start3A_109] : memref<10240x128xf32, #tpu.memory_space<vmem_shared>> -> memref<32x128xf32, #tpu.memory_space<vmem_shared>>
    %dma_start3A_111 = arith.constant 0 : i32
    %dma_start3A_112 = tpu.memref_slice %arg19[%add3A_108, %dma_start3A_111] : memref<10240x128xf32, #tpu.memory_space<vmem_shared>> -> memref<32x128xf32, #tpu.memory_space<vmem_shared>>
    tpu.enqueue_dma source(%arg18 : memref<32x128xf32, #tpu.memory_space<vmem>>) target(%dma_start3A_112 : memref<32x128xf32, #tpu.memory_space<vmem_shared>>) target_semaphore(%arg32 : memref<!tpu.dma_semaphore, #tpu.memory_space<semaphore_mem>>)
    %add3A_113 = arith.constant 352 : i32
    %add3A_114 = arith.addi %mul3A_8, %add3A_113 : i32
    %dma_start3A_115 = arith.constant 0 : i32
    %dma_start3A_116 = tpu.memref_slice %arg19[%add3A_114, %dma_start3A_115] : memref<10240x128xf32, #tpu.memory_space<vmem_shared>> -> memref<32x128xf32, #tpu.memory_space<vmem_shared>>
    %dma_start3A_117 = arith.constant 0 : i32
    %dma_start3A_118 = tpu.memref_slice %arg19[%add3A_114, %dma_start3A_117] : memref<10240x128xf32, #tpu.memory_space<vmem_shared>> -> memref<32x128xf32, #tpu.memory_space<vmem_shared>>
    tpu.enqueue_dma source(%arg18 : memref<32x128xf32, #tpu.memory_space<vmem>>) target(%dma_start3A_118 : memref<32x128xf32, #tpu.memory_space<vmem_shared>>) target_semaphore(%arg32 : memref<!tpu.dma_semaphore, #tpu.memory_space<semaphore_mem>>)
    %add3A_119 = arith.constant 384 : i32
    %add3A_120 = arith.addi %mul3A_8, %add3A_119 : i32
    %dma_start3A_121 = arith.constant 0 : i32
    %dma_start3A_122 = tpu.memref_slice %arg19[%add3A_120, %dma_start3A_121] : memref<10240x128xf32, #tpu.memory_space<vmem_shared>> -> memref<32x128xf32, #tpu.memory_space<vmem_shared>>
    %dma_start3A_123 = arith.constant 0 : i32
    %dma_start3A_124 = tpu.memref_slice %arg19[%add3A_120, %dma_start3A_123] : memref<10240x128xf32, #tpu.memory_space<vmem_shared>> -> memref<32x128xf32, #tpu.memory_space<vmem_shared>>
    tpu.enqueue_dma source(%arg18 : memref<32x128xf32, #tpu.memory_space<vmem>>) target(%dma_start3A_124 : memref<32x128xf32, #tpu.memory_space<vmem_shared>>) target_semaphore(%arg32 : memref<!tpu.dma_semaphore, #tpu.memory_space<semaphore_mem>>)
    %add3A_125 = arith.constant 416 : i32
    %add3A_126 = arith.addi %mul3A_8, %add3A_125 : i32
    %dma_start3A_127 = arith.constant 0 : i32
    %dma_start3A_128 = tpu.memref_slice %arg19[%add3A_126, %dma_start3A_127] : memref<10240x128xf32, #tpu.memory_space<vmem_shared>> -> memref<32x128xf32, #tpu.memory_space<vmem_shared>>
    %dma_start3A_129 = arith.constant 0 : i32
    %dma_start3A_130 = tpu.memref_slice %arg19[%add3A_126, %dma_start3A_129] : memref<10240x128xf32, #tpu.memory_space<vmem_shared>> -> memref<32x128xf32, #tpu.memory_space<vmem_shared>>
    tpu.enqueue_dma source(%arg18 : memref<32x128xf32, #tpu.memory_space<vmem>>) target(%dma_start3A_130 : memref<32x128xf32, #tpu.memory_space<vmem_shared>>) target_semaphore(%arg32 : memref<!tpu.dma_semaphore, #tpu.memory_space<semaphore_mem>>)
    %add3A_131 = arith.constant 448 : i32
    %add3A_132 = arith.addi %mul3A_8, %add3A_131 : i32
    %dma_start3A_133 = arith.constant 0 : i32
    %dma_start3A_134 = tpu.memref_slice %arg19[%add3A_132, %dma_start3A_133] : memref<10240x128xf32, #tpu.memory_space<vmem_shared>> -> memref<32x128xf32, #tpu.memory_space<vmem_shared>>
    %dma_start3A_135 = arith.constant 0 : i32
    %dma_start3A_136 = tpu.memref_slice %arg19[%add3A_132, %dma_start3A_135] : memref<10240x128xf32, #tpu.memory_space<vmem_shared>> -> memref<32x128xf32, #tpu.memory_space<vmem_shared>>
    tpu.enqueue_dma source(%arg18 : memref<32x128xf32, #tpu.memory_space<vmem>>) target(%dma_start3A_136 : memref<32x128xf32, #tpu.memory_space<vmem_shared>>) target_semaphore(%arg32 : memref<!tpu.dma_semaphore, #tpu.memory_space<semaphore_mem>>)
    %dma_wait3A_137 = arith.constant 0 : i32
    %dma_wait3A_138 = tpu.memref_slice %arg19[%mul3A_8, %dma_wait3A_137] : memref<10240x128xf32, #tpu.memory_space<vmem_shared>> -> memref<32x128xf32, #tpu.memory_space<vmem_shared>>
    %dma_wait3A_139 = arith.constant 0 : i32
    %dma_wait3A_140 = tpu.memref_slice %arg19[%mul3A_8, %dma_wait3A_139] : memref<10240x128xf32, #tpu.memory_space<vmem_shared>> -> memref<32x128xf32, #tpu.memory_space<vmem_shared>>
    tpu.wait_dma2 semaphore(%arg32 : memref<!tpu.dma_semaphore, #tpu.memory_space<semaphore_mem>>) src(%arg18 : memref<32x128xf32, #tpu.memory_space<vmem>>) dst(%dma_wait3A_140 : memref<32x128xf32, #tpu.memory_space<vmem_shared>>)
    %dma_wait3A_141 = arith.constant 0 : i32
    %dma_wait3A_142 = tpu.memref_slice %arg19[%mul3A_8, %dma_wait3A_141] : memref<10240x128xf32, #tpu.memory_space<vmem_shared>> -> memref<32x128xf32, #tpu.memory_space<vmem_shared>>
    %dma_wait3A_143 = arith.constant 0 : i32
    %dma_wait3A_144 = tpu.memref_slice %arg19[%mul3A_8, %dma_wait3A_143] : memref<10240x128xf32, #tpu.memory_space<vmem_shared>> -> memref<32x128xf32, #tpu.memory_space<vmem_shared>>
    tpu.wait_dma2 semaphore(%arg32 : memref<!tpu.dma_semaphore, #tpu.memory_space<semaphore_mem>>) src(%arg18 : memref<32x128xf32, #tpu.memory_space<vmem>>) dst(%dma_wait3A_144 : memref<32x128xf32, #tpu.memory_space<vmem_shared>>)
    %dma_wait3A_145 = arith.constant 0 : i32
    %dma_wait3A_146 = tpu.memref_slice %arg19[%mul3A_8, %dma_wait3A_145] : memref<10240x128xf32, #tpu.memory_space<vmem_shared>> -> memref<32x128xf32, #tpu.memory_space<vmem_shared>>
    %dma_wait3A_147 = arith.constant 0 : i32
    %dma_wait3A_148 = tpu.memref_slice %arg19[%mul3A_8, %dma_wait3A_147] : memref<10240x128xf32, #tpu.memory_space<vmem_shared>> -> memref<32x128xf32, #tpu.memory_space<vmem_shared>>
    tpu.wait_dma2 semaphore(%arg32 : memref<!tpu.dma_semaphore, #tpu.memory_space<semaphore_mem>>) src(%arg18 : memref<32x128xf32, #tpu.memory_space<vmem>>) dst(%dma_wait3A_148 : memref<32x128xf32, #tpu.memory_space<vmem_shared>>)
    %dma_wait3A_149 = arith.constant 0 : i32
    %dma_wait3A_150 = tpu.memref_slice %arg19[%mul3A_8, %dma_wait3A_149] : memref<10240x128xf32, #tpu.memory_space<vmem_shared>> -> memref<32x128xf32, #tpu.memory_space<vmem_shared>>
    %dma_wait3A_151 = arith.constant 0 : i32
    %dma_wait3A_152 = tpu.memref_slice %arg19[%mul3A_8, %dma_wait3A_151] : memref<10240x128xf32, #tpu.memory_space<vmem_shared>> -> memref<32x128xf32, #tpu.memory_space<vmem_shared>>
    tpu.wait_dma2 semaphore(%arg32 : memref<!tpu.dma_semaphore, #tpu.memory_space<semaphore_mem>>) src(%arg18 : memref<32x128xf32, #tpu.memory_space<vmem>>) dst(%dma_wait3A_152 : memref<32x128xf32, #tpu.memory_space<vmem_shared>>)
    %dma_wait3A_153 = arith.constant 0 : i32
    %dma_wait3A_154 = tpu.memref_slice %arg19[%mul3A_8, %dma_wait3A_153] : memref<10240x128xf32, #tpu.memory_space<vmem_shared>> -> memref<32x128xf32, #tpu.memory_space<vmem_shared>>
    %dma_wait3A_155 = arith.constant 0 : i32
    %dma_wait3A_156 = tpu.memref_slice %arg19[%mul3A_8, %dma_wait3A_155] : memref<10240x128xf32, #tpu.memory_space<vmem_shared>> -> memref<32x128xf32, #tpu.memory_space<vmem_shared>>
    tpu.wait_dma2 semaphore(%arg32 : memref<!tpu.dma_semaphore, #tpu.memory_space<semaphore_mem>>) src(%arg18 : memref<32x128xf32, #tpu.memory_space<vmem>>) dst(%dma_wait3A_156 : memref<32x128xf32, #tpu.memory_space<vmem_shared>>)
    %add3A_157 = arith.constant 480 : i32
    %add3A_158 = arith.addi %mul3A_8, %add3A_157 : i32
    %dma_start3A_159 = arith.constant 0 : i32
    %dma_start3A_160 = tpu.memref_slice %arg19[%add3A_158, %dma_start3A_159] : memref<10240x128xf32, #tpu.memory_space<vmem_shared>> -> memref<32x128xf32, #tpu.memory_space<vmem_shared>>
    %dma_start3A_161 = arith.constant 0 : i32
    %dma_start3A_162 = tpu.memref_slice %arg19[%add3A_158, %dma_start3A_161] : memref<10240x128xf32, #tpu.memory_space<vmem_shared>> -> memref<32x128xf32, #tpu.memory_space<vmem_shared>>
    tpu.enqueue_dma source(%arg18 : memref<32x128xf32, #tpu.memory_space<vmem>>) target(%dma_start3A_162 : memref<32x128xf32, #tpu.memory_space<vmem_shared>>) target_semaphore(%arg32 : memref<!tpu.dma_semaphore, #tpu.memory_space<semaphore_mem>>)
    %add3A_163 = arith.constant 512 : i32
    %add3A_164 = arith.addi %mul3A_8, %add3A_163 : i32
    %dma_start3A_165 = arith.constant 0 : i32
    %dma_start3A_166 = tpu.memref_slice %arg19[%add3A_164, %dma_start3A_165] : memref<10240x128xf32, #tpu.memory_space<vmem_shared>> -> memref<32x128xf32, #tpu.memory_space<vmem_shared>>
    %dma_start3A_167 = arith.constant 0 : i32
    %dma_start3A_168 = tpu.memref_slice %arg19[%add3A_164, %dma_start3A_167] : memref<10240x128xf32, #tpu.memory_space<vmem_shared>> -> memref<32x128xf32, #tpu.memory_space<vmem_shared>>
    tpu.enqueue_dma source(%arg18 : memref<32x128xf32, #tpu.memory_space<vmem>>) target(%dma_start3A_168 : memref<32x128xf32, #tpu.memory_space<vmem_shared>>) target_semaphore(%arg32 : memref<!tpu.dma_semaphore, #tpu.memory_space<semaphore_mem>>)
    %add3A_169 = arith.constant 544 : i32
    %add3A_170 = arith.addi %mul3A_8, %add3A_169 : i32
    %dma_start3A_171 = arith.constant 0 : i32
    %dma_start3A_172 = tpu.memref_slice %arg19[%add3A_170, %dma_start3A_171] : memref<10240x128xf32, #tpu.memory_space<vmem_shared>> -> memref<32x128xf32, #tpu.memory_space<vmem_shared>>
    %dma_start3A_173 = arith.constant 0 : i32
    %dma_start3A_174 = tpu.memref_slice %arg19[%add3A_170, %dma_start3A_173] : memref<10240x128xf32, #tpu.memory_space<vmem_shared>> -> memref<32x128xf32, #tpu.memory_space<vmem_shared>>
    tpu.enqueue_dma source(%arg18 : memref<32x128xf32, #tpu.memory_space<vmem>>) target(%dma_start3A_174 : memref<32x128xf32, #tpu.memory_space<vmem_shared>>) target_semaphore(%arg32 : memref<!tpu.dma_semaphore, #tpu.memory_space<semaphore_mem>>)
    %add3A_175 = arith.constant 576 : i32
    %add3A_176 = arith.addi %mul3A_8, %add3A_175 : i32
    %dma_start3A_177 = arith.constant 0 : i32
    %dma_start3A_178 = tpu.memref_slice %arg19[%add3A_176, %dma_start3A_177] : memref<10240x128xf32, #tpu.memory_space<vmem_shared>> -> memref<32x128xf32, #tpu.memory_space<vmem_shared>>
    %dma_start3A_179 = arith.constant 0 : i32
    %dma_start3A_180 = tpu.memref_slice %arg19[%add3A_176, %dma_start3A_179] : memref<10240x128xf32, #tpu.memory_space<vmem_shared>> -> memref<32x128xf32, #tpu.memory_space<vmem_shared>>
    tpu.enqueue_dma source(%arg18 : memref<32x128xf32, #tpu.memory_space<vmem>>) target(%dma_start3A_180 : memref<32x128xf32, #tpu.memory_space<vmem_shared>>) target_semaphore(%arg32 : memref<!tpu.dma_semaphore, #tpu.memory_space<semaphore_mem>>)
    %add3A_181 = arith.constant 608 : i32
    %add3A_182 = arith.addi %mul3A_8, %add3A_181 : i32
    %dma_start3A_183 = arith.constant 0 : i32
    %dma_start3A_184 = tpu.memref_slice %arg19[%add3A_182, %dma_start3A_183] : memref<10240x128xf32, #tpu.memory_space<vmem_shared>> -> memref<32x128xf32, #tpu.memory_space<vmem_shared>>
    %dma_start3A_185 = arith.constant 0 : i32
    %dma_start3A_186 = tpu.memref_slice %arg19[%add3A_182, %dma_start3A_185] : memref<10240x128xf32, #tpu.memory_space<vmem_shared>> -> memref<32x128xf32, #tpu.memory_space<vmem_shared>>
    tpu.enqueue_dma source(%arg18 : memref<32x128xf32, #tpu.memory_space<vmem>>) target(%dma_start3A_186 : memref<32x128xf32, #tpu.memory_space<vmem_shared>>) target_semaphore(%arg32 : memref<!tpu.dma_semaphore, #tpu.memory_space<semaphore_mem>>)
    %dma_wait3A_187 = arith.constant 0 : i32
    %dma_wait3A_188 = tpu.memref_slice %arg19[%mul3A_8, %dma_wait3A_187] : memref<10240x128xf32, #tpu.memory_space<vmem_shared>> -> memref<32x128xf32, #tpu.memory_space<vmem_shared>>
    %dma_wait3A_189 = arith.constant 0 : i32
    %dma_wait3A_190 = tpu.memref_slice %arg19[%mul3A_8, %dma_wait3A_189] : memref<10240x128xf32, #tpu.memory_space<vmem_shared>> -> memref<32x128xf32, #tpu.memory_space<vmem_shared>>
    tpu.wait_dma2 semaphore(%arg32 : memref<!tpu.dma_semaphore, #tpu.memory_space<semaphore_mem>>) src(%arg18 : memref<32x128xf32, #tpu.memory_space<vmem>>) dst(%dma_wait3A_190 : memref<32x128xf32, #tpu.memory_space<vmem_shared>>)
    %dma_wait3A_191 = arith.constant 0 : i32
    %dma_wait3A_192 = tpu.memref_slice %arg19[%mul3A_8, %dma_wait3A_191] : memref<10240x128xf32, #tpu.memory_space<vmem_shared>> -> memref<32x128xf32, #tpu.memory_space<vmem_shared>>
    %dma_wait3A_193 = arith.constant 0 : i32
    %dma_wait3A_194 = tpu.memref_slice %arg19[%mul3A_8, %dma_wait3A_193] : memref<10240x128xf32, #tpu.memory_space<vmem_shared>> -> memref<32x128xf32, #tpu.memory_space<vmem_shared>>
    tpu.wait_dma2 semaphore(%arg32 : memref<!tpu.dma_semaphore, #tpu.memory_space<semaphore_mem>>) src(%arg18 : memref<32x128xf32, #tpu.memory_space<vmem>>) dst(%dma_wait3A_194 : memref<32x128xf32, #tpu.memory_space<vmem_shared>>)
    %dma_wait3A_195 = arith.constant 0 : i32
    %dma_wait3A_196 = tpu.memref_slice %arg19[%mul3A_8, %dma_wait3A_195] : memref<10240x128xf32, #tpu.memory_space<vmem_shared>> -> memref<32x128xf32, #tpu.memory_space<vmem_shared>>
    %dma_wait3A_197 = arith.constant 0 : i32
    %dma_wait3A_198 = tpu.memref_slice %arg19[%mul3A_8, %dma_wait3A_197] : memref<10240x128xf32, #tpu.memory_space<vmem_shared>> -> memref<32x128xf32, #tpu.memory_space<vmem_shared>>
    tpu.wait_dma2 semaphore(%arg32 : memref<!tpu.dma_semaphore, #tpu.memory_space<semaphore_mem>>) src(%arg18 : memref<32x128xf32, #tpu.memory_space<vmem>>) dst(%dma_wait3A_198 : memref<32x128xf32, #tpu.memory_space<vmem_shared>>)
    %dma_wait3A_199 = arith.constant 0 : i32
    %dma_wait3A_200 = tpu.memref_slice %arg19[%mul3A_8, %dma_wait3A_199] : memref<10240x128xf32, #tpu.memory_space<vmem_shared>> -> memref<32x128xf32, #tpu.memory_space<vmem_shared>>
    %dma_wait3A_201 = arith.constant 0 : i32
    %dma_wait3A_202 = tpu.memref_slice %arg19[%mul3A_8, %dma_wait3A_201] : memref<10240x128xf32, #tpu.memory_space<vmem_shared>> -> memref<32x128xf32, #tpu.memory_space<vmem_shared>>
    tpu.wait_dma2 semaphore(%arg32 : memref<!tpu.dma_semaphore, #tpu.memory_space<semaphore_mem>>) src(%arg18 : memref<32x128xf32, #tpu.memory_space<vmem>>) dst(%dma_wait3A_202 : memref<32x128xf32, #tpu.memory_space<vmem_shared>>)
    %dma_wait3A_203 = arith.constant 0 : i32
    %dma_wait3A_204 = tpu.memref_slice %arg19[%mul3A_8, %dma_wait3A_203] : memref<10240x128xf32, #tpu.memory_space<vmem_shared>> -> memref<32x128xf32, #tpu.memory_space<vmem_shared>>
    %dma_wait3A_205 = arith.constant 0 : i32
    %dma_wait3A_206 = tpu.memref_slice %arg19[%mul3A_8, %dma_wait3A_205] : memref<10240x128xf32, #tpu.memory_space<vmem_shared>> -> memref<32x128xf32, #tpu.memory_space<vmem_shared>>
    tpu.wait_dma2 semaphore(%arg32 : memref<!tpu.dma_semaphore, #tpu.memory_space<semaphore_mem>>) src(%arg18 : memref<32x128xf32, #tpu.memory_space<vmem>>) dst(%dma_wait3A_206 : memref<32x128xf32, #tpu.memory_space<vmem_shared>>)
    %barrier3A = arith.constant 0 : index
    tpu.barrier barrier_id(%barrier3A)
    %mul3A_207 = arith.constant 10000 : i32
    %mul3A_208 = arith.muli %add3A, %mul3A_207 : i32
    %add3A_209 = arith.constant 0 : i32
    %add3A_210 = arith.addi %mul3A_208, %add3A_209 : i32
    %dma_start3A_211 = tpu.memref_slice %arg3[%add3A_210] : memref<320000xi32, #tpu.memory_space<hbm>> -> memref<80xi32, #tpu.memory_space<hbm>>
    %dma_start3A_212 = tpu.memref_slice %arg3[%add3A_210] : memref<320000xi32, #tpu.memory_space<hbm>> -> memref<80xi32, #tpu.memory_space<hbm>>
    tpu.enqueue_dma source(%dma_start3A_212 : memref<80xi32, #tpu.memory_space<hbm>>) target(%arg6 : memref<80xi32, #tpu.memory_space<vmem>>) target_semaphore(%arg20 : memref<!tpu.dma_semaphore, #tpu.memory_space<semaphore_mem>>)
    %dma_start3A_213 = tpu.memref_slice %arg4[%add3A_210] : memref<320000xi32, #tpu.memory_space<hbm>> -> memref<80xi32, #tpu.memory_space<hbm>>
    %dma_start3A_214 = tpu.memref_slice %arg4[%add3A_210] : memref<320000xi32, #tpu.memory_space<hbm>> -> memref<80xi32, #tpu.memory_space<hbm>>
    tpu.enqueue_dma source(%dma_start3A_214 : memref<80xi32, #tpu.memory_space<hbm>>) target(%arg10 : memref<80xi32, #tpu.memory_space<vmem>>) target_semaphore(%arg20 : memref<!tpu.dma_semaphore, #tpu.memory_space<semaphore_mem>>)
    %add3A_215 = arith.constant 80 : i32
    %add3A_216 = arith.addi %mul3A_208, %add3A_215 : i32
    %dma_start3A_217 = tpu.memref_slice %arg3[%add3A_216] : memref<320000xi32, #tpu.memory_space<hbm>> -> memref<80xi32, #tpu.memory_space<hbm>>
    %dma_start3A_218 = tpu.memref_slice %arg3[%add3A_216] : memref<320000xi32, #tpu.memory_space<hbm>> -> memref<80xi32, #tpu.memory_space<hbm>>
    tpu.enqueue_dma source(%dma_start3A_218 : memref<80xi32, #tpu.memory_space<hbm>>) target(%arg7 : memref<80xi32, #tpu.memory_space<vmem>>) target_semaphore(%arg21 : memref<!tpu.dma_semaphore, #tpu.memory_space<semaphore_mem>>)
    %dma_start3A_219 = tpu.memref_slice %arg4[%add3A_216] : memref<320000xi32, #tpu.memory_space<hbm>> -> memref<80xi32, #tpu.memory_space<hbm>>
    %dma_start3A_220 = tpu.memref_slice %arg4[%add3A_216] : memref<320000xi32, #tpu.memory_space<hbm>> -> memref<80xi32, #tpu.memory_space<hbm>>
    tpu.enqueue_dma source(%dma_start3A_220 : memref<80xi32, #tpu.memory_space<hbm>>) target(%arg11 : memref<80xi32, #tpu.memory_space<vmem>>) target_semaphore(%arg21 : memref<!tpu.dma_semaphore, #tpu.memory_space<semaphore_mem>>)
    %add3A_221 = arith.constant 0 : i32
    %add3A_222 = arith.addi %mul3A_208, %add3A_221 : i32
    %dma_wait3A_223 = tpu.memref_slice %arg3[%add3A_222] : memref<320000xi32, #tpu.memory_space<hbm>> -> memref<80xi32, #tpu.memory_space<hbm>>
    %dma_wait3A_224 = tpu.memref_slice %arg3[%add3A_222] : memref<320000xi32, #tpu.memory_space<hbm>> -> memref<80xi32, #tpu.memory_space<hbm>>
    tpu.wait_dma2 semaphore(%arg20 : memref<!tpu.dma_semaphore, #tpu.memory_space<semaphore_mem>>) src(%dma_wait3A_224 : memref<80xi32, #tpu.memory_space<hbm>>) dst(%arg6 : memref<80xi32, #tpu.memory_space<vmem>>)
    %dma_wait3A_225 = tpu.memref_slice %arg4[%add3A_222] : memref<320000xi32, #tpu.memory_space<hbm>> -> memref<80xi32, #tpu.memory_space<hbm>>
    %dma_wait3A_226 = tpu.memref_slice %arg4[%add3A_222] : memref<320000xi32, #tpu.memory_space<hbm>> -> memref<80xi32, #tpu.memory_space<hbm>>
    tpu.wait_dma2 semaphore(%arg20 : memref<!tpu.dma_semaphore, #tpu.memory_space<semaphore_mem>>) src(%dma_wait3A_226 : memref<80xi32, #tpu.memory_space<hbm>>) dst(%arg10 : memref<80xi32, #tpu.memory_space<vmem>>)
    %dma_start3A_227 = arith.constant 0 : i32
    %dma_start3A_228 = arith.constant 0 : i32
    %dma_start3A_229 = tpu.memref_slice %arg2[%dma_start3A_227, %dma_start3A_228] : memref<10000x128xf32, #tpu.memory_space<hbm>> -> memref<10000x128xf32, #tpu.memory_space<hbm>>
    tpu.enqueue_indirect_dma source(%dma_start3A_229 : memref<10000x128xf32, #tpu.memory_space<hbm>>) target(%arg14 : memref<80x128xf32, #tpu.memory_space<vmem>>) offsets(%arg6 : memref<80xi32, #tpu.memory_space<vmem>>) semaphore(%arg24 : memref<!tpu.dma_semaphore, #tpu.memory_space<semaphore_mem>>)
    %add3A_230 = arith.constant 160 : i32
    %add3A_231 = arith.addi %mul3A_208, %add3A_230 : i32
    %dma_start3A_232 = tpu.memref_slice %arg3[%add3A_231] : memref<320000xi32, #tpu.memory_space<hbm>> -> memref<80xi32, #tpu.memory_space<hbm>>
    %dma_start3A_233 = tpu.memref_slice %arg3[%add3A_231] : memref<320000xi32, #tpu.memory_space<hbm>> -> memref<80xi32, #tpu.memory_space<hbm>>
    tpu.enqueue_dma source(%dma_start3A_233 : memref<80xi32, #tpu.memory_space<hbm>>) target(%arg8 : memref<80xi32, #tpu.memory_space<vmem>>) target_semaphore(%arg22 : memref<!tpu.dma_semaphore, #tpu.memory_space<semaphore_mem>>)
    %dma_start3A_234 = tpu.memref_slice %arg4[%add3A_231] : memref<320000xi32, #tpu.memory_space<hbm>> -> memref<80xi32, #tpu.memory_space<hbm>>
    %dma_start3A_235 = tpu.memref_slice %arg4[%add3A_231] : memref<320000xi32, #tpu.memory_space<hbm>> -> memref<80xi32, #tpu.memory_space<hbm>>
    tpu.enqueue_dma source(%dma_start3A_235 : memref<80xi32, #tpu.memory_space<hbm>>) target(%arg12 : memref<80xi32, #tpu.memory_space<vmem>>) target_semaphore(%arg22 : memref<!tpu.dma_semaphore, #tpu.memory_space<semaphore_mem>>)
    %add3A_236 = arith.constant 80 : i32
    %add3A_237 = arith.addi %mul3A_208, %add3A_236 : i32
    %dma_wait3A_238 = tpu.memref_slice %arg3[%add3A_237] : memref<320000xi32, #tpu.memory_space<hbm>> -> memref<80xi32, #tpu.memory_space<hbm>>
    %dma_wait3A_239 = tpu.memref_slice %arg3[%add3A_237] : memref<320000xi32, #tpu.memory_space<hbm>> -> memref<80xi32, #tpu.memory_space<hbm>>
    tpu.wait_dma2 semaphore(%arg21 : memref<!tpu.dma_semaphore, #tpu.memory_space<semaphore_mem>>) src(%dma_wait3A_239 : memref<80xi32, #tpu.memory_space<hbm>>) dst(%arg7 : memref<80xi32, #tpu.memory_space<vmem>>)
    %dma_wait3A_240 = tpu.memref_slice %arg4[%add3A_237] : memref<320000xi32, #tpu.memory_space<hbm>> -> memref<80xi32, #tpu.memory_space<hbm>>
    %dma_wait3A_241 = tpu.memref_slice %arg4[%add3A_237] : memref<320000xi32, #tpu.memory_space<hbm>> -> memref<80xi32, #tpu.memory_space<hbm>>
    tpu.wait_dma2 semaphore(%arg21 : memref<!tpu.dma_semaphore, #tpu.memory_space<semaphore_mem>>) src(%dma_wait3A_241 : memref<80xi32, #tpu.memory_space<hbm>>) dst(%arg11 : memref<80xi32, #tpu.memory_space<vmem>>)
    %dma_start3A_242 = arith.constant 0 : i32
    %dma_start3A_243 = arith.constant 0 : i32
    %dma_start3A_244 = tpu.memref_slice %arg2[%dma_start3A_242, %dma_start3A_243] : memref<10000x128xf32, #tpu.memory_space<hbm>> -> memref<10000x128xf32, #tpu.memory_space<hbm>>
    tpu.enqueue_indirect_dma source(%dma_start3A_244 : memref<10000x128xf32, #tpu.memory_space<hbm>>) target(%arg15 : memref<80x128xf32, #tpu.memory_space<vmem>>) offsets(%arg7 : memref<80xi32, #tpu.memory_space<vmem>>) semaphore(%arg25 : memref<!tpu.dma_semaphore, #tpu.memory_space<semaphore_mem>>)
    %dma_wait3A_245 = arith.constant 0 : i32
    %dma_wait3A_246 = arith.constant 0 : i32
    %dma_wait3A_247 = tpu.memref_slice %arg2[%dma_wait3A_245, %dma_wait3A_246] : memref<10000x128xf32, #tpu.memory_space<hbm>> -> memref<10000x128xf32, #tpu.memory_space<hbm>>
    tpu.wait_indirect_dma semaphore(%arg24 : memref<!tpu.dma_semaphore, #tpu.memory_space<semaphore_mem>>) src(%dma_wait3A_247 : memref<10000x128xf32, #tpu.memory_space<hbm>>) dst(%arg14 : memref<80x128xf32, #tpu.memory_space<vmem>>)
    %dma_start3A_248 = arith.constant 0 : i32
    %dma_start3A_249 = arith.constant 0 : i32
    %dma_start3A_250 = tpu.memref_slice %arg19[%dma_start3A_248, %dma_start3A_249] : memref<10240x128xf32, #tpu.memory_space<vmem_shared>> -> memref<10240x128xf32, #tpu.memory_space<vmem_shared>>
    tpu.enqueue_indirect_dma source(%arg14 : memref<80x128xf32, #tpu.memory_space<vmem>>) target(%dma_start3A_250 : memref<10240x128xf32, #tpu.memory_space<vmem_shared>>) offsets(%arg10 : memref<80xi32, #tpu.memory_space<vmem>>) semaphore(%arg28 : memref<!tpu.dma_semaphore, #tpu.memory_space<semaphore_mem>>) {add = true}
    %add3A_251 = arith.constant 240 : i32
    %add3A_252 = arith.addi %mul3A_208, %add3A_251 : i32
    %dma_start3A_253 = tpu.memref_slice %arg3[%add3A_252] : memref<320000xi32, #tpu.memory_space<hbm>> -> memref<80xi32, #tpu.memory_space<hbm>>
    %dma_start3A_254 = tpu.memref_slice %arg3[%add3A_252] : memref<320000xi32, #tpu.memory_space<hbm>> -> memref<80xi32, #tpu.memory_space<hbm>>
    tpu.enqueue_dma source(%dma_start3A_254 : memref<80xi32, #tpu.memory_space<hbm>>) target(%arg9 : memref<80xi32, #tpu.memory_space<vmem>>) target_semaphore(%arg23 : memref<!tpu.dma_semaphore, #tpu.memory_space<semaphore_mem>>)
    %dma_start3A_255 = tpu.memref_slice %arg4[%add3A_252] : memref<320000xi32, #tpu.memory_space<hbm>> -> memref<80xi32, #tpu.memory_space<hbm>>
    %dma_start3A_256 = tpu.memref_slice %arg4[%add3A_252] : memref<320000xi32, #tpu.memory_space<hbm>> -> memref<80xi32, #tpu.memory_space<hbm>>
    tpu.enqueue_dma source(%dma_start3A_256 : memref<80xi32, #tpu.memory_space<hbm>>) target(%arg13 : memref<80xi32, #tpu.memory_space<vmem>>) target_semaphore(%arg23 : memref<!tpu.dma_semaphore, #tpu.memory_space<semaphore_mem>>)
    %add3A_257 = arith.constant 160 : i32
    %add3A_258 = arith.addi %mul3A_208, %add3A_257 : i32
    %dma_wait3A_259 = tpu.memref_slice %arg3[%add3A_258] : memref<320000xi32, #tpu.memory_space<hbm>> -> memref<80xi32, #tpu.memory_space<hbm>>
    %dma_wait3A_260 = tpu.memref_slice %arg3[%add3A_258] : memref<320000xi32, #tpu.memory_space<hbm>> -> memref<80xi32, #tpu.memory_space<hbm>>
    tpu.wait_dma2 semaphore(%arg22 : memref<!tpu.dma_semaphore, #tpu.memory_space<semaphore_mem>>) src(%dma_wait3A_260 : memref<80xi32, #tpu.memory_space<hbm>>) dst(%arg8 : memref<80xi32, #tpu.memory_space<vmem>>)
    %dma_wait3A_261 = tpu.memref_slice %arg4[%add3A_258] : memref<320000xi32, #tpu.memory_space<hbm>> -> memref<80xi32, #tpu.memory_space<hbm>>
    %dma_wait3A_262 = tpu.memref_slice %arg4[%add3A_258] : memref<320000xi32, #tpu.memory_space<hbm>> -> memref<80xi32, #tpu.memory_space<hbm>>
    tpu.wait_dma2 semaphore(%arg22 : memref<!tpu.dma_semaphore, #tpu.memory_space<semaphore_mem>>) src(%dma_wait3A_262 : memref<80xi32, #tpu.memory_space<hbm>>) dst(%arg12 : memref<80xi32, #tpu.memory_space<vmem>>)
    %dma_start3A_263 = arith.constant 0 : i32
    %dma_start3A_264 = arith.constant 0 : i32
    %dma_start3A_265 = tpu.memref_slice %arg2[%dma_start3A_263, %dma_start3A_264] : memref<10000x128xf32, #tpu.memory_space<hbm>> -> memref<10000x128xf32, #tpu.memory_space<hbm>>
    tpu.enqueue_indirect_dma source(%dma_start3A_265 : memref<10000x128xf32, #tpu.memory_space<hbm>>) target(%arg16 : memref<80x128xf32, #tpu.memory_space<vmem>>) offsets(%arg8 : memref<80xi32, #tpu.memory_space<vmem>>) semaphore(%arg26 : memref<!tpu.dma_semaphore, #tpu.memory_space<semaphore_mem>>)
    %dma_wait3A_266 = arith.constant 0 : i32
    %dma_wait3A_267 = arith.constant 0 : i32
    %dma_wait3A_268 = tpu.memref_slice %arg2[%dma_wait3A_266, %dma_wait3A_267] : memref<10000x128xf32, #tpu.memory_space<hbm>> -> memref<10000x128xf32, #tpu.memory_space<hbm>>
    tpu.wait_indirect_dma semaphore(%arg25 : memref<!tpu.dma_semaphore, #tpu.memory_space<semaphore_mem>>) src(%dma_wait3A_268 : memref<10000x128xf32, #tpu.memory_space<hbm>>) dst(%arg15 : memref<80x128xf32, #tpu.memory_space<vmem>>)
    %dma_start3A_269 = arith.constant 0 : i32
    %dma_start3A_270 = arith.constant 0 : i32
    %dma_start3A_271 = tpu.memref_slice %arg19[%dma_start3A_269, %dma_start3A_270] : memref<10240x128xf32, #tpu.memory_space<vmem_shared>> -> memref<10240x128xf32, #tpu.memory_space<vmem_shared>>
    tpu.enqueue_indirect_dma source(%arg15 : memref<80x128xf32, #tpu.memory_space<vmem>>) target(%dma_start3A_271 : memref<10240x128xf32, #tpu.memory_space<vmem_shared>>) offsets(%arg11 : memref<80xi32, #tpu.memory_space<vmem>>) semaphore(%arg29 : memref<!tpu.dma_semaphore, #tpu.memory_space<semaphore_mem>>) {add = true}
    %scan3A_272 = arith.constant 0 : i32
    %scan3A_273 = arith.constant 1 : i32
    %scan3A_274 = arith.constant 30 : i32
    %scan3A_275 = arith.addi %scan3A_273, %scan3A_274 : i32
    %scan3A_276 = arith.constant 1 : i32
    scf.for %scan3A_340 = %scan3A_273 to %scan3A_275 step %scan3A_276  : i32 {
      %mul3A_341 = arith.constant 4 : i32
      %mul3A_342 = arith.muli %scan3A_340, %mul3A_341 : i32
      %add3A_343 = arith.constant 0 : i32
      %add3A_344 = arith.addi %mul3A_342, %add3A_343 : i32
      %sub3A = arith.constant 4 : i32
      %sub3A_345 = arith.subi %add3A_344, %sub3A : i32
      %dma_wait3A_346 = arith.constant 0 : i32
      %dma_wait3A_347 = arith.constant 0 : i32
      %dma_wait3A_348 = tpu.memref_slice %arg19[%dma_wait3A_346, %dma_wait3A_347] : memref<10240x128xf32, #tpu.memory_space<vmem_shared>> -> memref<10240x128xf32, #tpu.memory_space<vmem_shared>>
      tpu.wait_indirect_dma semaphore(%arg28 : memref<!tpu.dma_semaphore, #tpu.memory_space<semaphore_mem>>) src(%arg14 : memref<80x128xf32, #tpu.memory_space<vmem>>) dst(%dma_wait3A_348 : memref<10240x128xf32, #tpu.memory_space<vmem_shared>>)
      %mul3A_349 = arith.constant 80 : i32
      %mul3A_350 = arith.muli %add3A_344, %mul3A_349 : i32
      %add3A_351 = arith.addi %mul3A_208, %mul3A_350 : i32
      %dma_start3A_352 = tpu.memref_slice %arg3[%add3A_351] : memref<320000xi32, #tpu.memory_space<hbm>> -> memref<80xi32, #tpu.memory_space<hbm>>
      %dma_start3A_353 = tpu.memref_slice %arg3[%add3A_351] : memref<320000xi32, #tpu.memory_space<hbm>> -> memref<80xi32, #tpu.memory_space<hbm>>
      tpu.enqueue_dma source(%dma_start3A_353 : memref<80xi32, #tpu.memory_space<hbm>>) target(%arg6 : memref<80xi32, #tpu.memory_space<vmem>>) target_semaphore(%arg20 : memref<!tpu.dma_semaphore, #tpu.memory_space<semaphore_mem>>)
      %dma_start3A_354 = tpu.memref_slice %arg4[%add3A_351] : memref<320000xi32, #tpu.memory_space<hbm>> -> memref<80xi32, #tpu.memory_space<hbm>>
      %dma_start3A_355 = tpu.memref_slice %arg4[%add3A_351] : memref<320000xi32, #tpu.memory_space<hbm>> -> memref<80xi32, #tpu.memory_space<hbm>>
      tpu.enqueue_dma source(%dma_start3A_355 : memref<80xi32, #tpu.memory_space<hbm>>) target(%arg10 : memref<80xi32, #tpu.memory_space<vmem>>) target_semaphore(%arg20 : memref<!tpu.dma_semaphore, #tpu.memory_space<semaphore_mem>>)
      %sub3A_356 = arith.constant 1 : i32
      %sub3A_357 = arith.subi %add3A_344, %sub3A_356 : i32
      %mul3A_358 = arith.constant 80 : i32
      %mul3A_359 = arith.muli %sub3A_357, %mul3A_358 : i32
      %add3A_360 = arith.addi %mul3A_208, %mul3A_359 : i32
      %dma_wait3A_361 = tpu.memref_slice %arg3[%add3A_360] : memref<320000xi32, #tpu.memory_space<hbm>> -> memref<80xi32, #tpu.memory_space<hbm>>
      %dma_wait3A_362 = tpu.memref_slice %arg3[%add3A_360] : memref<320000xi32, #tpu.memory_space<hbm>> -> memref<80xi32, #tpu.memory_space<hbm>>
      tpu.wait_dma2 semaphore(%arg23 : memref<!tpu.dma_semaphore, #tpu.memory_space<semaphore_mem>>) src(%dma_wait3A_362 : memref<80xi32, #tpu.memory_space<hbm>>) dst(%arg9 : memref<80xi32, #tpu.memory_space<vmem>>)
      %dma_wait3A_363 = tpu.memref_slice %arg4[%add3A_360] : memref<320000xi32, #tpu.memory_space<hbm>> -> memref<80xi32, #tpu.memory_space<hbm>>
      %dma_wait3A_364 = tpu.memref_slice %arg4[%add3A_360] : memref<320000xi32, #tpu.memory_space<hbm>> -> memref<80xi32, #tpu.memory_space<hbm>>
      tpu.wait_dma2 semaphore(%arg23 : memref<!tpu.dma_semaphore, #tpu.memory_space<semaphore_mem>>) src(%dma_wait3A_364 : memref<80xi32, #tpu.memory_space<hbm>>) dst(%arg13 : memref<80xi32, #tpu.memory_space<vmem>>)
      %dma_start3A_365 = arith.constant 0 : i32
      %dma_start3A_366 = arith.constant 0 : i32
      %dma_start3A_367 = tpu.memref_slice %arg2[%dma_start3A_365, %dma_start3A_366] : memref<10000x128xf32, #tpu.memory_space<hbm>> -> memref<10000x128xf32, #tpu.memory_space<hbm>>
      tpu.enqueue_indirect_dma source(%dma_start3A_367 : memref<10000x128xf32, #tpu.memory_space<hbm>>) target(%arg17 : memref<80x128xf32, #tpu.memory_space<vmem>>) offsets(%arg9 : memref<80xi32, #tpu.memory_space<vmem>>) semaphore(%arg27 : memref<!tpu.dma_semaphore, #tpu.memory_space<semaphore_mem>>)
      %sub3A_368 = arith.constant 2 : i32
      %sub3A_369 = arith.subi %add3A_344, %sub3A_368 : i32
      %dma_wait3A_370 = arith.constant 0 : i32
      %dma_wait3A_371 = arith.constant 0 : i32
      %dma_wait3A_372 = tpu.memref_slice %arg2[%dma_wait3A_370, %dma_wait3A_371] : memref<10000x128xf32, #tpu.memory_space<hbm>> -> memref<10000x128xf32, #tpu.memory_space<hbm>>
      tpu.wait_indirect_dma semaphore(%arg26 : memref<!tpu.dma_semaphore, #tpu.memory_space<semaphore_mem>>) src(%dma_wait3A_372 : memref<10000x128xf32, #tpu.memory_space<hbm>>) dst(%arg16 : memref<80x128xf32, #tpu.memory_space<vmem>>)
      %dma_start3A_373 = arith.constant 0 : i32
      %dma_start3A_374 = arith.constant 0 : i32
      %dma_start3A_375 = tpu.memref_slice %arg19[%dma_start3A_373, %dma_start3A_374] : memref<10240x128xf32, #tpu.memory_space<vmem_shared>> -> memref<10240x128xf32, #tpu.memory_space<vmem_shared>>
      tpu.enqueue_indirect_dma source(%arg16 : memref<80x128xf32, #tpu.memory_space<vmem>>) target(%dma_start3A_375 : memref<10240x128xf32, #tpu.memory_space<vmem_shared>>) offsets(%arg12 : memref<80xi32, #tpu.memory_space<vmem>>) semaphore(%arg30 : memref<!tpu.dma_semaphore, #tpu.memory_space<semaphore_mem>>) {add = true}
      %mul3A_376 = arith.constant 4 : i32
      %mul3A_377 = arith.muli %scan3A_340, %mul3A_376 : i32
      %add3A_378 = arith.constant 1 : i32
      %add3A_379 = arith.addi %mul3A_377, %add3A_378 : i32
      %sub3A_380 = arith.constant 4 : i32
      %sub3A_381 = arith.subi %add3A_379, %sub3A_380 : i32
      %dma_wait3A_382 = arith.constant 0 : i32
      %dma_wait3A_383 = arith.constant 0 : i32
      %dma_wait3A_384 = tpu.memref_slice %arg19[%dma_wait3A_382, %dma_wait3A_383] : memref<10240x128xf32, #tpu.memory_space<vmem_shared>> -> memref<10240x128xf32, #tpu.memory_space<vmem_shared>>
      tpu.wait_indirect_dma semaphore(%arg29 : memref<!tpu.dma_semaphore, #tpu.memory_space<semaphore_mem>>) src(%arg15 : memref<80x128xf32, #tpu.memory_space<vmem>>) dst(%dma_wait3A_384 : memref<10240x128xf32, #tpu.memory_space<vmem_shared>>)
      %mul3A_385 = arith.constant 80 : i32
      %mul3A_386 = arith.muli %add3A_379, %mul3A_385 : i32
      %add3A_387 = arith.addi %mul3A_208, %mul3A_386 : i32
      %dma_start3A_388 = tpu.memref_slice %arg3[%add3A_387] : memref<320000xi32, #tpu.memory_space<hbm>> -> memref<80xi32, #tpu.memory_space<hbm>>
      %dma_start3A_389 = tpu.memref_slice %arg3[%add3A_387] : memref<320000xi32, #tpu.memory_space<hbm>> -> memref<80xi32, #tpu.memory_space<hbm>>
      tpu.enqueue_dma source(%dma_start3A_389 : memref<80xi32, #tpu.memory_space<hbm>>) target(%arg7 : memref<80xi32, #tpu.memory_space<vmem>>) target_semaphore(%arg21 : memref<!tpu.dma_semaphore, #tpu.memory_space<semaphore_mem>>)
      %dma_start3A_390 = tpu.memref_slice %arg4[%add3A_387] : memref<320000xi32, #tpu.memory_space<hbm>> -> memref<80xi32, #tpu.memory_space<hbm>>
      %dma_start3A_391 = tpu.memref_slice %arg4[%add3A_387] : memref<320000xi32, #tpu.memory_space<hbm>> -> memref<80xi32, #tpu.memory_space<hbm>>
      tpu.enqueue_dma source(%dma_start3A_391 : memref<80xi32, #tpu.memory_space<hbm>>) target(%arg11 : memref<80xi32, #tpu.memory_space<vmem>>) target_semaphore(%arg21 : memref<!tpu.dma_semaphore, #tpu.memory_space<semaphore_mem>>)
      %sub3A_392 = arith.constant 1 : i32
      %sub3A_393 = arith.subi %add3A_379, %sub3A_392 : i32
      %mul3A_394 = arith.constant 80 : i32
      %mul3A_395 = arith.muli %sub3A_393, %mul3A_394 : i32
      %add3A_396 = arith.addi %mul3A_208, %mul3A_395 : i32
      %dma_wait3A_397 = tpu.memref_slice %arg3[%add3A_396] : memref<320000xi32, #tpu.memory_space<hbm>> -> memref<80xi32, #tpu.memory_space<hbm>>
      %dma_wait3A_398 = tpu.memref_slice %arg3[%add3A_396] : memref<320000xi32, #tpu.memory_space<hbm>> -> memref<80xi32, #tpu.memory_space<hbm>>
      tpu.wait_dma2 semaphore(%arg20 : memref<!tpu.dma_semaphore, #tpu.memory_space<semaphore_mem>>) src(%dma_wait3A_398 : memref<80xi32, #tpu.memory_space<hbm>>) dst(%arg6 : memref<80xi32, #tpu.memory_space<vmem>>)
      %dma_wait3A_399 = tpu.memref_slice %arg4[%add3A_396] : memref<320000xi32, #tpu.memory_space<hbm>> -> memref<80xi32, #tpu.memory_space<hbm>>
      %dma_wait3A_400 = tpu.memref_slice %arg4[%add3A_396] : memref<320000xi32, #tpu.memory_space<hbm>> -> memref<80xi32, #tpu.memory_space<hbm>>
      tpu.wait_dma2 semaphore(%arg20 : memref<!tpu.dma_semaphore, #tpu.memory_space<semaphore_mem>>) src(%dma_wait3A_400 : memref<80xi32, #tpu.memory_space<hbm>>) dst(%arg10 : memref<80xi32, #tpu.memory_space<vmem>>)
      %dma_start3A_401 = arith.constant 0 : i32
      %dma_start3A_402 = arith.constant 0 : i32
      %dma_start3A_403 = tpu.memref_slice %arg2[%dma_start3A_401, %dma_start3A_402] : memref<10000x128xf32, #tpu.memory_space<hbm>> -> memref<10000x128xf32, #tpu.memory_space<hbm>>
      tpu.enqueue_indirect_dma source(%dma_start3A_403 : memref<10000x128xf32, #tpu.memory_space<hbm>>) target(%arg14 : memref<80x128xf32, #tpu.memory_space<vmem>>) offsets(%arg6 : memref<80xi32, #tpu.memory_space<vmem>>) semaphore(%arg24 : memref<!tpu.dma_semaphore, #tpu.memory_space<semaphore_mem>>)
      %sub3A_404 = arith.constant 2 : i32
      %sub3A_405 = arith.subi %add3A_379, %sub3A_404 : i32
      %dma_wait3A_406 = arith.constant 0 : i32
      %dma_wait3A_407 = arith.constant 0 : i32
      %dma_wait3A_408 = tpu.memref_slice %arg2[%dma_wait3A_406, %dma_wait3A_407] : memref<10000x128xf32, #tpu.memory_space<hbm>> -> memref<10000x128xf32, #tpu.memory_space<hbm>>
      tpu.wait_indirect_dma semaphore(%arg27 : memref<!tpu.dma_semaphore, #tpu.memory_space<semaphore_mem>>) src(%dma_wait3A_408 : memref<10000x128xf32, #tpu.memory_space<hbm>>) dst(%arg17 : memref<80x128xf32, #tpu.memory_space<vmem>>)
      %dma_start3A_409 = arith.constant 0 : i32
      %dma_start3A_410 = arith.constant 0 : i32
      %dma_start3A_411 = tpu.memref_slice %arg19[%dma_start3A_409, %dma_start3A_410] : memref<10240x128xf32, #tpu.memory_space<vmem_shared>> -> memref<10240x128xf32, #tpu.memory_space<vmem_shared>>
      tpu.enqueue_indirect_dma source(%arg17 : memref<80x128xf32, #tpu.memory_space<vmem>>) target(%dma_start3A_411 : memref<10240x128xf32, #tpu.memory_space<vmem_shared>>) offsets(%arg13 : memref<80xi32, #tpu.memory_space<vmem>>) semaphore(%arg31 : memref<!tpu.dma_semaphore, #tpu.memory_space<semaphore_mem>>) {add = true}
      %mul3A_412 = arith.constant 4 : i32
      %mul3A_413 = arith.muli %scan3A_340, %mul3A_412 : i32
      %add3A_414 = arith.constant 2 : i32
      %add3A_415 = arith.addi %mul3A_413, %add3A_414 : i32
      %sub3A_416 = arith.constant 4 : i32
      %sub3A_417 = arith.subi %add3A_415, %sub3A_416 : i32
      %dma_wait3A_418 = arith.constant 0 : i32
      %dma_wait3A_419 = arith.constant 0 : i32
      %dma_wait3A_420 = tpu.memref_slice %arg19[%dma_wait3A_418, %dma_wait3A_419] : memref<10240x128xf32, #tpu.memory_space<vmem_shared>> -> memref<10240x128xf32, #tpu.memory_space<vmem_shared>>
      tpu.wait_indirect_dma semaphore(%arg30 : memref<!tpu.dma_semaphore, #tpu.memory_space<semaphore_mem>>) src(%arg16 : memref<80x128xf32, #tpu.memory_space<vmem>>) dst(%dma_wait3A_420 : memref<10240x128xf32, #tpu.memory_space<vmem_shared>>)
      %mul3A_421 = arith.constant 80 : i32
      %mul3A_422 = arith.muli %add3A_415, %mul3A_421 : i32
      %add3A_423 = arith.addi %mul3A_208, %mul3A_422 : i32
      %dma_start3A_424 = tpu.memref_slice %arg3[%add3A_423] : memref<320000xi32, #tpu.memory_space<hbm>> -> memref<80xi32, #tpu.memory_space<hbm>>
      %dma_start3A_425 = tpu.memref_slice %arg3[%add3A_423] : memref<320000xi32, #tpu.memory_space<hbm>> -> memref<80xi32, #tpu.memory_space<hbm>>
      tpu.enqueue_dma source(%dma_start3A_425 : memref<80xi32, #tpu.memory_space<hbm>>) target(%arg8 : memref<80xi32, #tpu.memory_space<vmem>>) target_semaphore(%arg22 : memref<!tpu.dma_semaphore, #tpu.memory_space<semaphore_mem>>)
      %dma_start3A_426 = tpu.memref_slice %arg4[%add3A_423] : memref<320000xi32, #tpu.memory_space<hbm>> -> memref<80xi32, #tpu.memory_space<hbm>>
      %dma_start3A_427 = tpu.memref_slice %arg4[%add3A_423] : memref<320000xi32, #tpu.memory_space<hbm>> -> memref<80xi32, #tpu.memory_space<hbm>>
      tpu.enqueue_dma source(%dma_start3A_427 : memref<80xi32, #tpu.memory_space<hbm>>) target(%arg12 : memref<80xi32, #tpu.memory_space<vmem>>) target_semaphore(%arg22 : memref<!tpu.dma_semaphore, #tpu.memory_space<semaphore_mem>>)
      %sub3A_428 = arith.constant 1 : i32
      %sub3A_429 = arith.subi %add3A_415, %sub3A_428 : i32
      %mul3A_430 = arith.constant 80 : i32
      %mul3A_431 = arith.muli %sub3A_429, %mul3A_430 : i32
      %add3A_432 = arith.addi %mul3A_208, %mul3A_431 : i32
      %dma_wait3A_433 = tpu.memref_slice %arg3[%add3A_432] : memref<320000xi32, #tpu.memory_space<hbm>> -> memref<80xi32, #tpu.memory_space<hbm>>
      %dma_wait3A_434 = tpu.memref_slice %arg3[%add3A_432] : memref<320000xi32, #tpu.memory_space<hbm>> -> memref<80xi32, #tpu.memory_space<hbm>>
      tpu.wait_dma2 semaphore(%arg21 : memref<!tpu.dma_semaphore, #tpu.memory_space<semaphore_mem>>) src(%dma_wait3A_434 : memref<80xi32, #tpu.memory_space<hbm>>) dst(%arg7 : memref<80xi32, #tpu.memory_space<vmem>>)
      %dma_wait3A_435 = tpu.memref_slice %arg4[%add3A_432] : memref<320000xi32, #tpu.memory_space<hbm>> -> memref<80xi32, #tpu.memory_space<hbm>>
      %dma_wait3A_436 = tpu.memref_slice %arg4[%add3A_432] : memref<320000xi32, #tpu.memory_space<hbm>> -> memref<80xi32, #tpu.memory_space<hbm>>
      tpu.wait_dma2 semaphore(%arg21 : memref<!tpu.dma_semaphore, #tpu.memory_space<semaphore_mem>>) src(%dma_wait3A_436 : memref<80xi32, #tpu.memory_space<hbm>>) dst(%arg11 : memref<80xi32, #tpu.memory_space<vmem>>)
      %dma_start3A_437 = arith.constant 0 : i32
      %dma_start3A_438 = arith.constant 0 : i32
      %dma_start3A_439 = tpu.memref_slice %arg2[%dma_start3A_437, %dma_start3A_438] : memref<10000x128xf32, #tpu.memory_space<hbm>> -> memref<10000x128xf32, #tpu.memory_space<hbm>>
      tpu.enqueue_indirect_dma source(%dma_start3A_439 : memref<10000x128xf32, #tpu.memory_space<hbm>>) target(%arg15 : memref<80x128xf32, #tpu.memory_space<vmem>>) offsets(%arg7 : memref<80xi32, #tpu.memory_space<vmem>>) semaphore(%arg25 : memref<!tpu.dma_semaphore, #tpu.memory_space<semaphore_mem>>)
      %sub3A_440 = arith.constant 2 : i32
      %sub3A_441 = arith.subi %add3A_415, %sub3A_440 : i32
      %dma_wait3A_442 = arith.constant 0 : i32
      %dma_wait3A_443 = arith.constant 0 : i32
      %dma_wait3A_444 = tpu.memref_slice %arg2[%dma_wait3A_442, %dma_wait3A_443] : memref<10000x128xf32, #tpu.memory_space<hbm>> -> memref<10000x128xf32, #tpu.memory_space<hbm>>
      tpu.wait_indirect_dma semaphore(%arg24 : memref<!tpu.dma_semaphore, #tpu.memory_space<semaphore_mem>>) src(%dma_wait3A_444 : memref<10000x128xf32, #tpu.memory_space<hbm>>) dst(%arg14 : memref<80x128xf32, #tpu.memory_space<vmem>>)
      %dma_start3A_445 = arith.constant 0 : i32
      %dma_start3A_446 = arith.constant 0 : i32
      %dma_start3A_447 = tpu.memref_slice %arg19[%dma_start3A_445, %dma_start3A_446] : memref<10240x128xf32, #tpu.memory_space<vmem_shared>> -> memref<10240x128xf32, #tpu.memory_space<vmem_shared>>
      tpu.enqueue_indirect_dma source(%arg14 : memref<80x128xf32, #tpu.memory_space<vmem>>) target(%dma_start3A_447 : memref<10240x128xf32, #tpu.memory_space<vmem_shared>>) offsets(%arg10 : memref<80xi32, #tpu.memory_space<vmem>>) semaphore(%arg28 : memref<!tpu.dma_semaphore, #tpu.memory_space<semaphore_mem>>) {add = true}
      %mul3A_448 = arith.constant 4 : i32
      %mul3A_449 = arith.muli %scan3A_340, %mul3A_448 : i32
      %add3A_450 = arith.constant 3 : i32
      %add3A_451 = arith.addi %mul3A_449, %add3A_450 : i32
      %sub3A_452 = arith.constant 4 : i32
      %sub3A_453 = arith.subi %add3A_451, %sub3A_452 : i32
      %dma_wait3A_454 = arith.constant 0 : i32
      %dma_wait3A_455 = arith.constant 0 : i32
      %dma_wait3A_456 = tpu.memref_slice %arg19[%dma_wait3A_454, %dma_wait3A_455] : memref<10240x128xf32, #tpu.memory_space<vmem_shared>> -> memref<10240x128xf32, #tpu.memory_space<vmem_shared>>
      tpu.wait_indirect_dma semaphore(%arg31 : memref<!tpu.dma_semaphore, #tpu.memory_space<semaphore_mem>>) src(%arg17 : memref<80x128xf32, #tpu.memory_space<vmem>>) dst(%dma_wait3A_456 : memref<10240x128xf32, #tpu.memory_space<vmem_shared>>)
      %mul3A_457 = arith.constant 80 : i32
      %mul3A_458 = arith.muli %add3A_451, %mul3A_457 : i32
      %add3A_459 = arith.addi %mul3A_208, %mul3A_458 : i32
      %dma_start3A_460 = tpu.memref_slice %arg3[%add3A_459] : memref<320000xi32, #tpu.memory_space<hbm>> -> memref<80xi32, #tpu.memory_space<hbm>>
      %dma_start3A_461 = tpu.memref_slice %arg3[%add3A_459] : memref<320000xi32, #tpu.memory_space<hbm>> -> memref<80xi32, #tpu.memory_space<hbm>>
      tpu.enqueue_dma source(%dma_start3A_461 : memref<80xi32, #tpu.memory_space<hbm>>) target(%arg9 : memref<80xi32, #tpu.memory_space<vmem>>) target_semaphore(%arg23 : memref<!tpu.dma_semaphore, #tpu.memory_space<semaphore_mem>>)
      %dma_start3A_462 = tpu.memref_slice %arg4[%add3A_459] : memref<320000xi32, #tpu.memory_space<hbm>> -> memref<80xi32, #tpu.memory_space<hbm>>
      %dma_start3A_463 = tpu.memref_slice %arg4[%add3A_459] : memref<320000xi32, #tpu.memory_space<hbm>> -> memref<80xi32, #tpu.memory_space<hbm>>
      tpu.enqueue_dma source(%dma_start3A_463 : memref<80xi32, #tpu.memory_space<hbm>>) target(%arg13 : memref<80xi32, #tpu.memory_space<vmem>>) target_semaphore(%arg23 : memref<!tpu.dma_semaphore, #tpu.memory_space<semaphore_mem>>)
      %sub3A_464 = arith.constant 1 : i32
      %sub3A_465 = arith.subi %add3A_451, %sub3A_464 : i32
      %mul3A_466 = arith.constant 80 : i32
      %mul3A_467 = arith.muli %sub3A_465, %mul3A_466 : i32
      %add3A_468 = arith.addi %mul3A_208, %mul3A_467 : i32
      %dma_wait3A_469 = tpu.memref_slice %arg3[%add3A_468] : memref<320000xi32, #tpu.memory_space<hbm>> -> memref<80xi32, #tpu.memory_space<hbm>>
      %dma_wait3A_470 = tpu.memref_slice %arg3[%add3A_468] : memref<320000xi32, #tpu.memory_space<hbm>> -> memref<80xi32, #tpu.memory_space<hbm>>
      tpu.wait_dma2 semaphore(%arg22 : memref<!tpu.dma_semaphore, #tpu.memory_space<semaphore_mem>>) src(%dma_wait3A_470 : memref<80xi32, #tpu.memory_space<hbm>>) dst(%arg8 : memref<80xi32, #tpu.memory_space<vmem>>)
      %dma_wait3A_471 = tpu.memref_slice %arg4[%add3A_468] : memref<320000xi32, #tpu.memory_space<hbm>> -> memref<80xi32, #tpu.memory_space<hbm>>
      %dma_wait3A_472 = tpu.memref_slice %arg4[%add3A_468] : memref<320000xi32, #tpu.memory_space<hbm>> -> memref<80xi32, #tpu.memory_space<hbm>>
      tpu.wait_dma2 semaphore(%arg22 : memref<!tpu.dma_semaphore, #tpu.memory_space<semaphore_mem>>) src(%dma_wait3A_472 : memref<80xi32, #tpu.memory_space<hbm>>) dst(%arg12 : memref<80xi32, #tpu.memory_space<vmem>>)
      %dma_start3A_473 = arith.constant 0 : i32
      %dma_start3A_474 = arith.constant 0 : i32
      %dma_start3A_475 = tpu.memref_slice %arg2[%dma_start3A_473, %dma_start3A_474] : memref<10000x128xf32, #tpu.memory_space<hbm>> -> memref<10000x128xf32, #tpu.memory_space<hbm>>
      tpu.enqueue_indirect_dma source(%dma_start3A_475 : memref<10000x128xf32, #tpu.memory_space<hbm>>) target(%arg16 : memref<80x128xf32, #tpu.memory_space<vmem>>) offsets(%arg8 : memref<80xi32, #tpu.memory_space<vmem>>) semaphore(%arg26 : memref<!tpu.dma_semaphore, #tpu.memory_space<semaphore_mem>>)
      %sub3A_476 = arith.constant 2 : i32
      %sub3A_477 = arith.subi %add3A_451, %sub3A_476 : i32
      %dma_wait3A_478 = arith.constant 0 : i32
      %dma_wait3A_479 = arith.constant 0 : i32
      %dma_wait3A_480 = tpu.memref_slice %arg2[%dma_wait3A_478, %dma_wait3A_479] : memref<10000x128xf32, #tpu.memory_space<hbm>> -> memref<10000x128xf32, #tpu.memory_space<hbm>>
      tpu.wait_indirect_dma semaphore(%arg25 : memref<!tpu.dma_semaphore, #tpu.memory_space<semaphore_mem>>) src(%dma_wait3A_480 : memref<10000x128xf32, #tpu.memory_space<hbm>>) dst(%arg15 : memref<80x128xf32, #tpu.memory_space<vmem>>)
      %dma_start3A_481 = arith.constant 0 : i32
      %dma_start3A_482 = arith.constant 0 : i32
      %dma_start3A_483 = tpu.memref_slice %arg19[%dma_start3A_481, %dma_start3A_482] : memref<10240x128xf32, #tpu.memory_space<vmem_shared>> -> memref<10240x128xf32, #tpu.memory_space<vmem_shared>>
      tpu.enqueue_indirect_dma source(%arg15 : memref<80x128xf32, #tpu.memory_space<vmem>>) target(%dma_start3A_483 : memref<10240x128xf32, #tpu.memory_space<vmem_shared>>) offsets(%arg11 : memref<80xi32, #tpu.memory_space<vmem>>) semaphore(%arg29 : memref<!tpu.dma_semaphore, #tpu.memory_space<semaphore_mem>>) {add = true}
    }
    %scan3A_277 = arith.constant 30 : i32
    %dma_wait3A_278 = arith.constant 0 : i32
    %dma_wait3A_279 = arith.constant 0 : i32
    %dma_wait3A_280 = tpu.memref_slice %arg19[%dma_wait3A_278, %dma_wait3A_279] : memref<10240x128xf32, #tpu.memory_space<vmem_shared>> -> memref<10240x128xf32, #tpu.memory_space<vmem_shared>>
    tpu.wait_indirect_dma semaphore(%arg28 : memref<!tpu.dma_semaphore, #tpu.memory_space<semaphore_mem>>) src(%arg14 : memref<80x128xf32, #tpu.memory_space<vmem>>) dst(%dma_wait3A_280 : memref<10240x128xf32, #tpu.memory_space<vmem_shared>>)
    %add3A_281 = arith.constant 9920 : i32
    %add3A_282 = arith.addi %mul3A_208, %add3A_281 : i32
    %dma_start3A_283 = tpu.memref_slice %arg3[%add3A_282] : memref<320000xi32, #tpu.memory_space<hbm>> -> memref<80xi32, #tpu.memory_space<hbm>>
    %dma_start3A_284 = tpu.memref_slice %arg3[%add3A_282] : memref<320000xi32, #tpu.memory_space<hbm>> -> memref<80xi32, #tpu.memory_space<hbm>>
    tpu.enqueue_dma source(%dma_start3A_284 : memref<80xi32, #tpu.memory_space<hbm>>) target(%arg6 : memref<80xi32, #tpu.memory_space<vmem>>) target_semaphore(%arg20 : memref<!tpu.dma_semaphore, #tpu.memory_space<semaphore_mem>>)
    %dma_start3A_285 = tpu.memref_slice %arg4[%add3A_282] : memref<320000xi32, #tpu.memory_space<hbm>> -> memref<80xi32, #tpu.memory_space<hbm>>
    %dma_start3A_286 = tpu.memref_slice %arg4[%add3A_282] : memref<320000xi32, #tpu.memory_space<hbm>> -> memref<80xi32, #tpu.memory_space<hbm>>
    tpu.enqueue_dma source(%dma_start3A_286 : memref<80xi32, #tpu.memory_space<hbm>>) target(%arg10 : memref<80xi32, #tpu.memory_space<vmem>>) target_semaphore(%arg20 : memref<!tpu.dma_semaphore, #tpu.memory_space<semaphore_mem>>)
    %add3A_287 = arith.constant 9840 : i32
    %add3A_288 = arith.addi %mul3A_208, %add3A_287 : i32
    %dma_wait3A_289 = tpu.memref_slice %arg3[%add3A_288] : memref<320000xi32, #tpu.memory_space<hbm>> -> memref<80xi32, #tpu.memory_space<hbm>>
    %dma_wait3A_290 = tpu.memref_slice %arg3[%add3A_288] : memref<320000xi32, #tpu.memory_space<hbm>> -> memref<80xi32, #tpu.memory_space<hbm>>
    tpu.wait_dma2 semaphore(%arg23 : memref<!tpu.dma_semaphore, #tpu.memory_space<semaphore_mem>>) src(%dma_wait3A_290 : memref<80xi32, #tpu.memory_space<hbm>>) dst(%arg9 : memref<80xi32, #tpu.memory_space<vmem>>)
    %dma_wait3A_291 = tpu.memref_slice %arg4[%add3A_288] : memref<320000xi32, #tpu.memory_space<hbm>> -> memref<80xi32, #tpu.memory_space<hbm>>
    %dma_wait3A_292 = tpu.memref_slice %arg4[%add3A_288] : memref<320000xi32, #tpu.memory_space<hbm>> -> memref<80xi32, #tpu.memory_space<hbm>>
    tpu.wait_dma2 semaphore(%arg23 : memref<!tpu.dma_semaphore, #tpu.memory_space<semaphore_mem>>) src(%dma_wait3A_292 : memref<80xi32, #tpu.memory_space<hbm>>) dst(%arg13 : memref<80xi32, #tpu.memory_space<vmem>>)
    %dma_start3A_293 = arith.constant 0 : i32
    %dma_start3A_294 = arith.constant 0 : i32
    %dma_start3A_295 = tpu.memref_slice %arg2[%dma_start3A_293, %dma_start3A_294] : memref<10000x128xf32, #tpu.memory_space<hbm>> -> memref<10000x128xf32, #tpu.memory_space<hbm>>
    tpu.enqueue_indirect_dma source(%dma_start3A_295 : memref<10000x128xf32, #tpu.memory_space<hbm>>) target(%arg17 : memref<80x128xf32, #tpu.memory_space<vmem>>) offsets(%arg9 : memref<80xi32, #tpu.memory_space<vmem>>) semaphore(%arg27 : memref<!tpu.dma_semaphore, #tpu.memory_space<semaphore_mem>>)
    %dma_wait3A_296 = arith.constant 0 : i32
    %dma_wait3A_297 = arith.constant 0 : i32
    %dma_wait3A_298 = tpu.memref_slice %arg2[%dma_wait3A_296, %dma_wait3A_297] : memref<10000x128xf32, #tpu.memory_space<hbm>> -> memref<10000x128xf32, #tpu.memory_space<hbm>>
    tpu.wait_indirect_dma semaphore(%arg26 : memref<!tpu.dma_semaphore, #tpu.memory_space<semaphore_mem>>) src(%dma_wait3A_298 : memref<10000x128xf32, #tpu.memory_space<hbm>>) dst(%arg16 : memref<80x128xf32, #tpu.memory_space<vmem>>)
    %dma_start3A_299 = arith.constant 0 : i32
    %dma_start3A_300 = arith.constant 0 : i32
    %dma_start3A_301 = tpu.memref_slice %arg19[%dma_start3A_299, %dma_start3A_300] : memref<10240x128xf32, #tpu.memory_space<vmem_shared>> -> memref<10240x128xf32, #tpu.memory_space<vmem_shared>>
    tpu.enqueue_indirect_dma source(%arg16 : memref<80x128xf32, #tpu.memory_space<vmem>>) target(%dma_start3A_301 : memref<10240x128xf32, #tpu.memory_space<vmem_shared>>) offsets(%arg12 : memref<80xi32, #tpu.memory_space<vmem>>) semaphore(%arg30 : memref<!tpu.dma_semaphore, #tpu.memory_space<semaphore_mem>>) {add = true}
    %dma_wait3A_302 = arith.constant 0 : i32
    %dma_wait3A_303 = arith.constant 0 : i32
    %dma_wait3A_304 = tpu.memref_slice %arg19[%dma_wait3A_302, %dma_wait3A_303] : memref<10240x128xf32, #tpu.memory_space<vmem_shared>> -> memref<10240x128xf32, #tpu.memory_space<vmem_shared>>
    tpu.wait_indirect_dma semaphore(%arg29 : memref<!tpu.dma_semaphore, #tpu.memory_space<semaphore_mem>>) src(%arg15 : memref<80x128xf32, #tpu.memory_space<vmem>>) dst(%dma_wait3A_304 : memref<10240x128xf32, #tpu.memory_space<vmem_shared>>)
    %add3A_305 = arith.constant 9920 : i32
    %add3A_306 = arith.addi %mul3A_208, %add3A_305 : i32
    %dma_wait3A_307 = tpu.memref_slice %arg3[%add3A_306] : memref<320000xi32, #tpu.memory_space<hbm>> -> memref<80xi32, #tpu.memory_space<hbm>>
    %dma_wait3A_308 = tpu.memref_slice %arg3[%add3A_306] : memref<320000xi32, #tpu.memory_space<hbm>> -> memref<80xi32, #tpu.memory_space<hbm>>
    tpu.wait_dma2 semaphore(%arg20 : memref<!tpu.dma_semaphore, #tpu.memory_space<semaphore_mem>>) src(%dma_wait3A_308 : memref<80xi32, #tpu.memory_space<hbm>>) dst(%arg6 : memref<80xi32, #tpu.memory_space<vmem>>)
    %dma_wait3A_309 = tpu.memref_slice %arg4[%add3A_306] : memref<320000xi32, #tpu.memory_space<hbm>> -> memref<80xi32, #tpu.memory_space<hbm>>
    %dma_wait3A_310 = tpu.memref_slice %arg4[%add3A_306] : memref<320000xi32, #tpu.memory_space<hbm>> -> memref<80xi32, #tpu.memory_space<hbm>>
    tpu.wait_dma2 semaphore(%arg20 : memref<!tpu.dma_semaphore, #tpu.memory_space<semaphore_mem>>) src(%dma_wait3A_310 : memref<80xi32, #tpu.memory_space<hbm>>) dst(%arg10 : memref<80xi32, #tpu.memory_space<vmem>>)
    %dma_start3A_311 = arith.constant 0 : i32
    %dma_start3A_312 = arith.constant 0 : i32
    %dma_start3A_313 = tpu.memref_slice %arg2[%dma_start3A_311, %dma_start3A_312] : memref<10000x128xf32, #tpu.memory_space<hbm>> -> memref<10000x128xf32, #tpu.memory_space<hbm>>
    tpu.enqueue_indirect_dma source(%dma_start3A_313 : memref<10000x128xf32, #tpu.memory_space<hbm>>) target(%arg14 : memref<80x128xf32, #tpu.memory_space<vmem>>) offsets(%arg6 : memref<80xi32, #tpu.memory_space<vmem>>) semaphore(%arg24 : memref<!tpu.dma_semaphore, #tpu.memory_space<semaphore_mem>>)
    %dma_wait3A_314 = arith.constant 0 : i32
    %dma_wait3A_315 = arith.constant 0 : i32
    %dma_wait3A_316 = tpu.memref_slice %arg2[%dma_wait3A_314, %dma_wait3A_315] : memref<10000x128xf32, #tpu.memory_space<hbm>> -> memref<10000x128xf32, #tpu.memory_space<hbm>>
    tpu.wait_indirect_dma semaphore(%arg27 : memref<!tpu.dma_semaphore, #tpu.memory_space<semaphore_mem>>) src(%dma_wait3A_316 : memref<10000x128xf32, #tpu.memory_space<hbm>>) dst(%arg17 : memref<80x128xf32, #tpu.memory_space<vmem>>)
    %dma_start3A_317 = arith.constant 0 : i32
    %dma_start3A_318 = arith.constant 0 : i32
    %dma_start3A_319 = tpu.memref_slice %arg19[%dma_start3A_317, %dma_start3A_318] : memref<10240x128xf32, #tpu.memory_space<vmem_shared>> -> memref<10240x128xf32, #tpu.memory_space<vmem_shared>>
    tpu.enqueue_indirect_dma source(%arg17 : memref<80x128xf32, #tpu.memory_space<vmem>>) target(%dma_start3A_319 : memref<10240x128xf32, #tpu.memory_space<vmem_shared>>) offsets(%arg13 : memref<80xi32, #tpu.memory_space<vmem>>) semaphore(%arg31 : memref<!tpu.dma_semaphore, #tpu.memory_space<semaphore_mem>>) {add = true}
    %dma_wait3A_320 = arith.constant 0 : i32
    %dma_wait3A_321 = arith.constant 0 : i32
    %dma_wait3A_322 = tpu.memref_slice %arg19[%dma_wait3A_320, %dma_wait3A_321] : memref<10240x128xf32, #tpu.memory_space<vmem_shared>> -> memref<10240x128xf32, #tpu.memory_space<vmem_shared>>
    tpu.wait_indirect_dma semaphore(%arg30 : memref<!tpu.dma_semaphore, #tpu.memory_space<semaphore_mem>>) src(%arg16 : memref<80x128xf32, #tpu.memory_space<vmem>>) dst(%dma_wait3A_322 : memref<10240x128xf32, #tpu.memory_space<vmem_shared>>)
    %dma_wait3A_323 = arith.constant 0 : i32
    %dma_wait3A_324 = arith.constant 0 : i32
    %dma_wait3A_325 = tpu.memref_slice %arg2[%dma_wait3A_323, %dma_wait3A_324] : memref<10000x128xf32, #tpu.memory_space<hbm>> -> memref<10000x128xf32, #tpu.memory_space<hbm>>
    tpu.wait_indirect_dma semaphore(%arg24 : memref<!tpu.dma_semaphore, #tpu.memory_space<semaphore_mem>>) src(%dma_wait3A_325 : memref<10000x128xf32, #tpu.memory_space<hbm>>) dst(%arg14 : memref<80x128xf32, #tpu.memory_space<vmem>>)
    %dma_start3A_326 = arith.constant 0 : i32
    %dma_start3A_327 = arith.constant 0 : i32
    %dma_start3A_328 = tpu.memref_slice %arg19[%dma_start3A_326, %dma_start3A_327] : memref<10240x128xf32, #tpu.memory_space<vmem_shared>> -> memref<10240x128xf32, #tpu.memory_space<vmem_shared>>
    tpu.enqueue_indirect_dma source(%arg14 : memref<80x128xf32, #tpu.memory_space<vmem>>) target(%dma_start3A_328 : memref<10240x128xf32, #tpu.memory_space<vmem_shared>>) offsets(%arg10 : memref<80xi32, #tpu.memory_space<vmem>>) semaphore(%arg28 : memref<!tpu.dma_semaphore, #tpu.memory_space<semaphore_mem>>) {add = true}
    %dma_wait3A_329 = arith.constant 0 : i32
    %dma_wait3A_330 = arith.constant 0 : i32
    %dma_wait3A_331 = tpu.memref_slice %arg19[%dma_wait3A_329, %dma_wait3A_330] : memref<10240x128xf32, #tpu.memory_space<vmem_shared>> -> memref<10240x128xf32, #tpu.memory_space<vmem_shared>>
    tpu.wait_indirect_dma semaphore(%arg31 : memref<!tpu.dma_semaphore, #tpu.memory_space<semaphore_mem>>) src(%arg17 : memref<80x128xf32, #tpu.memory_space<vmem>>) dst(%dma_wait3A_331 : memref<10240x128xf32, #tpu.memory_space<vmem_shared>>)
    %dma_wait3A_332 = arith.constant 0 : i32
    %dma_wait3A_333 = arith.constant 0 : i32
    %dma_wait3A_334 = tpu.memref_slice %arg19[%dma_wait3A_332, %dma_wait3A_333] : memref<10240x128xf32, #tpu.memory_space<vmem_shared>> -> memref<10240x128xf32, #tpu.memory_space<vmem_shared>>
    tpu.wait_indirect_dma semaphore(%arg28 : memref<!tpu.dma_semaphore, #tpu.memory_space<semaphore_mem>>) src(%arg14 : memref<80x128xf32, #tpu.memory_space<vmem>>) dst(%dma_wait3A_334 : memref<10240x128xf32, #tpu.memory_space<vmem_shared>>)
    %barrier3A_335 = arith.constant 0 : index
    tpu.barrier barrier_id(%barrier3A_335)
    %mul3A_336 = arith.constant 640 : i32
    %mul3A_337 = arith.muli %arg1, %mul3A_336 : i32
    %mul3A_338 = arith.constant 640 : i32
    %mul3A_339 = arith.muli %arg1, %mul3A_338 : i32
    "tpu.region"() ({
      %run_scoped3A = tpu.sem_alloc : memref<!tpu.dma_semaphore, #tpu.memory_space<semaphore_mem>>
      %dma_start3A_340 = arith.constant 0 : i32
      %dma_start3A_341 = tpu.memref_slice %arg5[%arg0, %mul3A_339, %dma_start3A_340] : memref<2x10240x128xf32, #tpu.memory_space<hbm>> -> memref<1x640x128xf32, #tpu.memory_space<hbm>>
      %dma_start3A_342 = tpu.memref_squeeze %dma_start3A_341 : memref<1x640x128xf32, #tpu.memory_space<hbm>> -> memref<640x128xf32, #tpu.memory_space<hbm>>
      %dma_start3A_343 = arith.constant 0 : i32
      %dma_start3A_344 = tpu.memref_slice %arg19[%mul3A_337, %dma_start3A_343] : memref<10240x128xf32, #tpu.memory_space<vmem_shared>> -> memref<640x128xf32, #tpu.memory_space<vmem_shared>>
      tpu.enqueue_dma source(%dma_start3A_344 : memref<640x128xf32, #tpu.memory_space<vmem_shared>>) target(%dma_start3A_342 : memref<640x128xf32, #tpu.memory_space<hbm>>) target_semaphore(%run_scoped3A : memref<!tpu.dma_semaphore, #tpu.memory_space<semaphore_mem>>)
      %dma_wait3A_345 = arith.constant 0 : i32
      %dma_wait3A_346 = tpu.memref_slice %arg5[%arg0, %mul3A_339, %dma_wait3A_345] : memref<2x10240x128xf32, #tpu.memory_space<hbm>> -> memref<1x640x128xf32, #tpu.memory_space<hbm>>
      %dma_wait3A_347 = tpu.memref_squeeze %dma_wait3A_346 : memref<1x640x128xf32, #tpu.memory_space<hbm>> -> memref<640x128xf32, #tpu.memory_space<hbm>>
      %dma_wait3A_348 = arith.constant 0 : i32
      %dma_wait3A_349 = tpu.memref_slice %arg19[%mul3A_337, %dma_wait3A_348] : memref<10240x128xf32, #tpu.memory_space<vmem_shared>> -> memref<640x128xf32, #tpu.memory_space<vmem_shared>>
      tpu.wait_dma2 semaphore(%run_scoped3A : memref<!tpu.dma_semaphore, #tpu.memory_space<semaphore_mem>>) src(%dma_wait3A_349 : memref<640x128xf32, #tpu.memory_space<vmem_shared>>) dst(%dma_wait3A_347 : memref<640x128xf32, #tpu.memory_space<hbm>>)
      tpu.yield
    }) : () -> ()
    return
  }
}

#map = affine_map<(d0, d1) -> (0, 0)>
#map1 = affine_map<(d0, d1) -> (0)>
#map2 = affine_map<(d0, d1) -> (0, 0, 0)>
module attributes {stable_mosaic.version = 14 : i64} {
  func.func @agg_kernel(%arg0: i32, %arg1: i32, %arg2: memref<10000x128xf32, #tpu.memory_space<hbm>>, %arg3: memref<320000xi32, #tpu.memory_space<hbm>>, %arg4: memref<320000xi32, #tpu.memory_space<hbm>>, %arg5: memref<2x10240x128xf32, #tpu.memory_space<hbm>>, %arg6: memref<80xi32, #tpu.memory_space<vmem>>, %arg7: memref<80xi32, #tpu.memory_space<vmem>>, %arg8: memref<80xi32, #tpu.memory_space<vmem>>, %arg9: memref<80xi32, #tpu.memory_space<vmem>>, %arg10: memref<80xi32, #tpu.memory_space<vmem>>, %arg11: memref<80xi32, #tpu.memory_space<vmem>>, %arg12: memref<80xi32, #tpu.memory_space<vmem>>, %arg13: memref<80xi32, #tpu.memory_space<vmem>>, %arg14: memref<80x128xf32, #tpu.memory_space<vmem>>, %arg15: memref<80x128xf32, #tpu.memory_space<vmem>>, %arg16: memref<80x128xf32, #tpu.memory_space<vmem>>, %arg17: memref<80x128xf32, #tpu.memory_space<vmem>>, %arg18: memref<32x128xf32, #tpu.memory_space<vmem>>, %arg19: memref<10240x128xf32, #tpu.memory_space<vmem_shared>>, %arg20: memref<!tpu.dma_semaphore, #tpu.memory_space<semaphore_mem>>, %arg21: memref<!tpu.dma_semaphore, #tpu.memory_space<semaphore_mem>>, %arg22: memref<!tpu.dma_semaphore, #tpu.memory_space<semaphore_mem>>, %arg23: memref<!tpu.dma_semaphore, #tpu.memory_space<semaphore_mem>>, %arg24: memref<!tpu.dma_semaphore, #tpu.memory_space<semaphore_mem>>, %arg25: memref<!tpu.dma_semaphore, #tpu.memory_space<semaphore_mem>>, %arg26: memref<!tpu.dma_semaphore, #tpu.memory_space<semaphore_mem>>, %arg27: memref<!tpu.dma_semaphore, #tpu.memory_space<semaphore_mem>>, %arg28: memref<!tpu.dma_semaphore, #tpu.memory_space<semaphore_mem>>, %arg29: memref<!tpu.dma_semaphore, #tpu.memory_space<semaphore_mem>>, %arg30: memref<!tpu.dma_semaphore, #tpu.memory_space<semaphore_mem>>, %arg31: memref<!tpu.dma_semaphore, #tpu.memory_space<semaphore_mem>>, %arg32: memref<!tpu.dma_semaphore, #tpu.memory_space<semaphore_mem>>) attributes {dimension_semantics = [#tpu.dimension_semantics<core_parallel>, #tpu.dimension_semantics<subcore_parallel>], iteration_bounds = array<i64: 2, 16>, scalar_prefetch = 0 : i64, scratch_operands = 27 : i64, tpu.core_type = #tpu.core_type<sc_vector_subcore>, window_params = [{transform_indices = #map}, {transform_indices = #map1}, {transform_indices = #map1}, {transform_indices = #map2}]} {
    %mul3A = arith.constant 2 : i32
    %mul3A_0 = arith.muli %arg1, %mul3A : i32
    %add3A = arith.addi %mul3A_0, %arg0 : i32
    %broadcast_in_dim3A = arith.constant 0.000000e+00 : f32
    %broadcast_in_dim3A_1 = vector.broadcast %broadcast_in_dim3A : f32 to vector<16xf32>
    %scan3A = arith.constant 0 : i32
    %scan3A_2 = arith.constant 0 : i32
    %scan3A_3 = arith.constant 32 : i32
    %scan3A_4 = arith.addi %scan3A_2, %scan3A_3 : i32
    %scan3A_5 = arith.constant 1 : i32
    scf.for %scan3A_340 = %scan3A_2 to %scan3A_4 step %scan3A_5  : i32 {
      %swap3A = arith.index_cast %scan3A_340 : i32 to index
      %swap3A_341 = arith.constant 0 : index
      %swap3A_342 = tpu.vector_load %arg18[%swap3A, %swap3A_341] {strides = array<i32>} : memref<32x128xf32, #tpu.memory_space<vmem>>, vector<1x16xf32>,
      %swap3A_343 = vector.shape_cast %swap3A_342 : vector<1x16xf32> to vector<16xf32>
      %swap3A_344 = vector.shape_cast %broadcast_in_dim3A_1 : vector<16xf32> to vector<1x16xf32>
      tpu.vector_store %arg18[%swap3A, %swap3A_341], %swap3A_344 {strides = array<i32>} : memref<32x128xf32, #tpu.memory_space<vmem>>, vector<1x16xf32>,
      %swap3A_345 = arith.index_cast %scan3A_340 : i32 to index
      %swap3A_346 = arith.constant 16 : index
      %swap3A_347 = tpu.vector_load %arg18[%swap3A_345, %swap3A_346] {strides = array<i32>} : memref<32x128xf32, #tpu.memory_space<vmem>>, vector<1x16xf32>,
      %swap3A_348 = vector.shape_cast %swap3A_347 : vector<1x16xf32> to vector<16xf32>
      %swap3A_349 = vector.shape_cast %broadcast_in_dim3A_1 : vector<16xf32> to vector<1x16xf32>
      tpu.vector_store %arg18[%swap3A_345, %swap3A_346], %swap3A_349 {strides = array<i32>} : memref<32x128xf32, #tpu.memory_space<vmem>>, vector<1x16xf32>,
      %swap3A_350 = arith.index_cast %scan3A_340 : i32 to index
      %swap3A_351 = arith.constant 32 : index
      %swap3A_352 = tpu.vector_load %arg18[%swap3A_350, %swap3A_351] {strides = array<i32>} : memref<32x128xf32, #tpu.memory_space<vmem>>, vector<1x16xf32>,
      %swap3A_353 = vector.shape_cast %swap3A_352 : vector<1x16xf32> to vector<16xf32>
      %swap3A_354 = vector.shape_cast %broadcast_in_dim3A_1 : vector<16xf32> to vector<1x16xf32>
      tpu.vector_store %arg18[%swap3A_350, %swap3A_351], %swap3A_354 {strides = array<i32>} : memref<32x128xf32, #tpu.memory_space<vmem>>, vector<1x16xf32>,
      %swap3A_355 = arith.index_cast %scan3A_340 : i32 to index
      %swap3A_356 = arith.constant 48 : index
      %swap3A_357 = tpu.vector_load %arg18[%swap3A_355, %swap3A_356] {strides = array<i32>} : memref<32x128xf32, #tpu.memory_space<vmem>>, vector<1x16xf32>,
      %swap3A_358 = vector.shape_cast %swap3A_357 : vector<1x16xf32> to vector<16xf32>
      %swap3A_359 = vector.shape_cast %broadcast_in_dim3A_1 : vector<16xf32> to vector<1x16xf32>
      tpu.vector_store %arg18[%swap3A_355, %swap3A_356], %swap3A_359 {strides = array<i32>} : memref<32x128xf32, #tpu.memory_space<vmem>>, vector<1x16xf32>,
      %swap3A_360 = arith.index_cast %scan3A_340 : i32 to index
      %swap3A_361 = arith.constant 64 : index
      %swap3A_362 = tpu.vector_load %arg18[%swap3A_360, %swap3A_361] {strides = array<i32>} : memref<32x128xf32, #tpu.memory_space<vmem>>, vector<1x16xf32>,
      %swap3A_363 = vector.shape_cast %swap3A_362 : vector<1x16xf32> to vector<16xf32>
      %swap3A_364 = vector.shape_cast %broadcast_in_dim3A_1 : vector<16xf32> to vector<1x16xf32>
      tpu.vector_store %arg18[%swap3A_360, %swap3A_361], %swap3A_364 {strides = array<i32>} : memref<32x128xf32, #tpu.memory_space<vmem>>, vector<1x16xf32>,
      %swap3A_365 = arith.index_cast %scan3A_340 : i32 to index
      %swap3A_366 = arith.constant 80 : index
      %swap3A_367 = tpu.vector_load %arg18[%swap3A_365, %swap3A_366] {strides = array<i32>} : memref<32x128xf32, #tpu.memory_space<vmem>>, vector<1x16xf32>,
      %swap3A_368 = vector.shape_cast %swap3A_367 : vector<1x16xf32> to vector<16xf32>
      %swap3A_369 = vector.shape_cast %broadcast_in_dim3A_1 : vector<16xf32> to vector<1x16xf32>
      tpu.vector_store %arg18[%swap3A_365, %swap3A_366], %swap3A_369 {strides = array<i32>} : memref<32x128xf32, #tpu.memory_space<vmem>>, vector<1x16xf32>,
      %swap3A_370 = arith.index_cast %scan3A_340 : i32 to index
      %swap3A_371 = arith.constant 96 : index
      %swap3A_372 = tpu.vector_load %arg18[%swap3A_370, %swap3A_371] {strides = array<i32>} : memref<32x128xf32, #tpu.memory_space<vmem>>, vector<1x16xf32>,
      %swap3A_373 = vector.shape_cast %swap3A_372 : vector<1x16xf32> to vector<16xf32>
      %swap3A_374 = vector.shape_cast %broadcast_in_dim3A_1 : vector<16xf32> to vector<1x16xf32>
      tpu.vector_store %arg18[%swap3A_370, %swap3A_371], %swap3A_374 {strides = array<i32>} : memref<32x128xf32, #tpu.memory_space<vmem>>, vector<1x16xf32>,
      %swap3A_375 = arith.index_cast %scan3A_340 : i32 to index
      %swap3A_376 = arith.constant 112 : index
      %swap3A_377 = tpu.vector_load %arg18[%swap3A_375, %swap3A_376] {strides = array<i32>} : memref<32x128xf32, #tpu.memory_space<vmem>>, vector<1x16xf32>,
      %swap3A_378 = vector.shape_cast %swap3A_377 : vector<1x16xf32> to vector<16xf32>
      %swap3A_379 = vector.shape_cast %broadcast_in_dim3A_1 : vector<16xf32> to vector<1x16xf32>
      tpu.vector_store %arg18[%swap3A_375, %swap3A_376], %swap3A_379 {strides = array<i32>} : memref<32x128xf32, #tpu.memory_space<vmem>>, vector<1x16xf32>,
    }
    %scan3A_6 = arith.constant 32 : i32
    %mul3A_7 = arith.constant 640 : i32
    %mul3A_8 = arith.muli %arg1, %mul3A_7 : i32
    %add3A_9 = arith.constant 0 : i32
    %add3A_10 = arith.addi %mul3A_8, %add3A_9 : i32
    %dma_start3A = arith.constant 0 : i32
    %dma_start3A_11 = tpu.memref_slice %arg19[%add3A_10, %dma_start3A] : memref<10240x128xf32, #tpu.memory_space<vmem_shared>> -> memref<32x128xf32, #tpu.memory_space<vmem_shared>>
    %dma_start3A_12 = arith.constant 0 : i32
    %dma_start3A_13 = tpu.memref_slice %arg19[%add3A_10, %dma_start3A_12] : memref<10240x128xf32, #tpu.memory_space<vmem_shared>> -> memref<32x128xf32, #tpu.memory_space<vmem_shared>>
    tpu.enqueue_dma source(%arg18 : memref<32x128xf32, #tpu.memory_space<vmem>>) target(%dma_start3A_13 : memref<32x128xf32, #tpu.memory_space<vmem_shared>>) target_semaphore(%arg32 : memref<!tpu.dma_semaphore, #tpu.memory_space<semaphore_mem>>)
    %add3A_14 = arith.constant 32 : i32
    %add3A_15 = arith.addi %mul3A_8, %add3A_14 : i32
    %dma_start3A_16 = arith.constant 0 : i32
    %dma_start3A_17 = tpu.memref_slice %arg19[%add3A_15, %dma_start3A_16] : memref<10240x128xf32, #tpu.memory_space<vmem_shared>> -> memref<32x128xf32, #tpu.memory_space<vmem_shared>>
    %dma_start3A_18 = arith.constant 0 : i32
    %dma_start3A_19 = tpu.memref_slice %arg19[%add3A_15, %dma_start3A_18] : memref<10240x128xf32, #tpu.memory_space<vmem_shared>> -> memref<32x128xf32, #tpu.memory_space<vmem_shared>>
    tpu.enqueue_dma source(%arg18 : memref<32x128xf32, #tpu.memory_space<vmem>>) target(%dma_start3A_19 : memref<32x128xf32, #tpu.memory_space<vmem_shared>>) target_semaphore(%arg32 : memref<!tpu.dma_semaphore, #tpu.memory_space<semaphore_mem>>)
    %add3A_20 = arith.constant 64 : i32
    %add3A_21 = arith.addi %mul3A_8, %add3A_20 : i32
    %dma_start3A_22 = arith.constant 0 : i32
    %dma_start3A_23 = tpu.memref_slice %arg19[%add3A_21, %dma_start3A_22] : memref<10240x128xf32, #tpu.memory_space<vmem_shared>> -> memref<32x128xf32, #tpu.memory_space<vmem_shared>>
    %dma_start3A_24 = arith.constant 0 : i32
    %dma_start3A_25 = tpu.memref_slice %arg19[%add3A_21, %dma_start3A_24] : memref<10240x128xf32, #tpu.memory_space<vmem_shared>> -> memref<32x128xf32, #tpu.memory_space<vmem_shared>>
    tpu.enqueue_dma source(%arg18 : memref<32x128xf32, #tpu.memory_space<vmem>>) target(%dma_start3A_25 : memref<32x128xf32, #tpu.memory_space<vmem_shared>>) target_semaphore(%arg32 : memref<!tpu.dma_semaphore, #tpu.memory_space<semaphore_mem>>)
    %add3A_26 = arith.constant 96 : i32
    %add3A_27 = arith.addi %mul3A_8, %add3A_26 : i32
    %dma_start3A_28 = arith.constant 0 : i32
    %dma_start3A_29 = tpu.memref_slice %arg19[%add3A_27, %dma_start3A_28] : memref<10240x128xf32, #tpu.memory_space<vmem_shared>> -> memref<32x128xf32, #tpu.memory_space<vmem_shared>>
    %dma_start3A_30 = arith.constant 0 : i32
    %dma_start3A_31 = tpu.memref_slice %arg19[%add3A_27, %dma_start3A_30] : memref<10240x128xf32, #tpu.memory_space<vmem_shared>> -> memref<32x128xf32, #tpu.memory_space<vmem_shared>>
    tpu.enqueue_dma source(%arg18 : memref<32x128xf32, #tpu.memory_space<vmem>>) target(%dma_start3A_31 : memref<32x128xf32, #tpu.memory_space<vmem_shared>>) target_semaphore(%arg32 : memref<!tpu.dma_semaphore, #tpu.memory_space<semaphore_mem>>)
    %add3A_32 = arith.constant 128 : i32
    %add3A_33 = arith.addi %mul3A_8, %add3A_32 : i32
    %dma_start3A_34 = arith.constant 0 : i32
    %dma_start3A_35 = tpu.memref_slice %arg19[%add3A_33, %dma_start3A_34] : memref<10240x128xf32, #tpu.memory_space<vmem_shared>> -> memref<32x128xf32, #tpu.memory_space<vmem_shared>>
    %dma_start3A_36 = arith.constant 0 : i32
    %dma_start3A_37 = tpu.memref_slice %arg19[%add3A_33, %dma_start3A_36] : memref<10240x128xf32, #tpu.memory_space<vmem_shared>> -> memref<32x128xf32, #tpu.memory_space<vmem_shared>>
    tpu.enqueue_dma source(%arg18 : memref<32x128xf32, #tpu.memory_space<vmem>>) target(%dma_start3A_37 : memref<32x128xf32, #tpu.memory_space<vmem_shared>>) target_semaphore(%arg32 : memref<!tpu.dma_semaphore, #tpu.memory_space<semaphore_mem>>)
    %dma_wait3A = arith.constant 0 : i32
    %dma_wait3A_38 = tpu.memref_slice %arg19[%mul3A_8, %dma_wait3A] : memref<10240x128xf32, #tpu.memory_space<vmem_shared>> -> memref<32x128xf32, #tpu.memory_space<vmem_shared>>
    %dma_wait3A_39 = arith.constant 0 : i32
    %dma_wait3A_40 = tpu.memref_slice %arg19[%mul3A_8, %dma_wait3A_39] : memref<10240x128xf32, #tpu.memory_space<vmem_shared>> -> memref<32x128xf32, #tpu.memory_space<vmem_shared>>
    tpu.wait_dma2 semaphore(%arg32 : memref<!tpu.dma_semaphore, #tpu.memory_space<semaphore_mem>>) src(%arg18 : memref<32x128xf32, #tpu.memory_space<vmem>>) dst(%dma_wait3A_40 : memref<32x128xf32, #tpu.memory_space<vmem_shared>>)
    %dma_wait3A_41 = arith.constant 0 : i32
    %dma_wait3A_42 = tpu.memref_slice %arg19[%mul3A_8, %dma_wait3A_41] : memref<10240x128xf32, #tpu.memory_space<vmem_shared>> -> memref<32x128xf32, #tpu.memory_space<vmem_shared>>
    %dma_wait3A_43 = arith.constant 0 : i32
    %dma_wait3A_44 = tpu.memref_slice %arg19[%mul3A_8, %dma_wait3A_43] : memref<10240x128xf32, #tpu.memory_space<vmem_shared>> -> memref<32x128xf32, #tpu.memory_space<vmem_shared>>
    tpu.wait_dma2 semaphore(%arg32 : memref<!tpu.dma_semaphore, #tpu.memory_space<semaphore_mem>>) src(%arg18 : memref<32x128xf32, #tpu.memory_space<vmem>>) dst(%dma_wait3A_44 : memref<32x128xf32, #tpu.memory_space<vmem_shared>>)
    %dma_wait3A_45 = arith.constant 0 : i32
    %dma_wait3A_46 = tpu.memref_slice %arg19[%mul3A_8, %dma_wait3A_45] : memref<10240x128xf32, #tpu.memory_space<vmem_shared>> -> memref<32x128xf32, #tpu.memory_space<vmem_shared>>
    %dma_wait3A_47 = arith.constant 0 : i32
    %dma_wait3A_48 = tpu.memref_slice %arg19[%mul3A_8, %dma_wait3A_47] : memref<10240x128xf32, #tpu.memory_space<vmem_shared>> -> memref<32x128xf32, #tpu.memory_space<vmem_shared>>
    tpu.wait_dma2 semaphore(%arg32 : memref<!tpu.dma_semaphore, #tpu.memory_space<semaphore_mem>>) src(%arg18 : memref<32x128xf32, #tpu.memory_space<vmem>>) dst(%dma_wait3A_48 : memref<32x128xf32, #tpu.memory_space<vmem_shared>>)
    %dma_wait3A_49 = arith.constant 0 : i32
    %dma_wait3A_50 = tpu.memref_slice %arg19[%mul3A_8, %dma_wait3A_49] : memref<10240x128xf32, #tpu.memory_space<vmem_shared>> -> memref<32x128xf32, #tpu.memory_space<vmem_shared>>
    %dma_wait3A_51 = arith.constant 0 : i32
    %dma_wait3A_52 = tpu.memref_slice %arg19[%mul3A_8, %dma_wait3A_51] : memref<10240x128xf32, #tpu.memory_space<vmem_shared>> -> memref<32x128xf32, #tpu.memory_space<vmem_shared>>
    tpu.wait_dma2 semaphore(%arg32 : memref<!tpu.dma_semaphore, #tpu.memory_space<semaphore_mem>>) src(%arg18 : memref<32x128xf32, #tpu.memory_space<vmem>>) dst(%dma_wait3A_52 : memref<32x128xf32, #tpu.memory_space<vmem_shared>>)
    %dma_wait3A_53 = arith.constant 0 : i32
    %dma_wait3A_54 = tpu.memref_slice %arg19[%mul3A_8, %dma_wait3A_53] : memref<10240x128xf32, #tpu.memory_space<vmem_shared>> -> memref<32x128xf32, #tpu.memory_space<vmem_shared>>
    %dma_wait3A_55 = arith.constant 0 : i32
    %dma_wait3A_56 = tpu.memref_slice %arg19[%mul3A_8, %dma_wait3A_55] : memref<10240x128xf32, #tpu.memory_space<vmem_shared>> -> memref<32x128xf32, #tpu.memory_space<vmem_shared>>
    tpu.wait_dma2 semaphore(%arg32 : memref<!tpu.dma_semaphore, #tpu.memory_space<semaphore_mem>>) src(%arg18 : memref<32x128xf32, #tpu.memory_space<vmem>>) dst(%dma_wait3A_56 : memref<32x128xf32, #tpu.memory_space<vmem_shared>>)
    %add3A_57 = arith.constant 160 : i32
    %add3A_58 = arith.addi %mul3A_8, %add3A_57 : i32
    %dma_start3A_59 = arith.constant 0 : i32
    %dma_start3A_60 = tpu.memref_slice %arg19[%add3A_58, %dma_start3A_59] : memref<10240x128xf32, #tpu.memory_space<vmem_shared>> -> memref<32x128xf32, #tpu.memory_space<vmem_shared>>
    %dma_start3A_61 = arith.constant 0 : i32
    %dma_start3A_62 = tpu.memref_slice %arg19[%add3A_58, %dma_start3A_61] : memref<10240x128xf32, #tpu.memory_space<vmem_shared>> -> memref<32x128xf32, #tpu.memory_space<vmem_shared>>
    tpu.enqueue_dma source(%arg18 : memref<32x128xf32, #tpu.memory_space<vmem>>) target(%dma_start3A_62 : memref<32x128xf32, #tpu.memory_space<vmem_shared>>) target_semaphore(%arg32 : memref<!tpu.dma_semaphore, #tpu.memory_space<semaphore_mem>>)
    %add3A_63 = arith.constant 192 : i32
    %add3A_64 = arith.addi %mul3A_8, %add3A_63 : i32
    %dma_start3A_65 = arith.constant 0 : i32
    %dma_start3A_66 = tpu.memref_slice %arg19[%add3A_64, %dma_start3A_65] : memref<10240x128xf32, #tpu.memory_space<vmem_shared>> -> memref<32x128xf32, #tpu.memory_space<vmem_shared>>
    %dma_start3A_67 = arith.constant 0 : i32
    %dma_start3A_68 = tpu.memref_slice %arg19[%add3A_64, %dma_start3A_67] : memref<10240x128xf32, #tpu.memory_space<vmem_shared>> -> memref<32x128xf32, #tpu.memory_space<vmem_shared>>
    tpu.enqueue_dma source(%arg18 : memref<32x128xf32, #tpu.memory_space<vmem>>) target(%dma_start3A_68 : memref<32x128xf32, #tpu.memory_space<vmem_shared>>) target_semaphore(%arg32 : memref<!tpu.dma_semaphore, #tpu.memory_space<semaphore_mem>>)
    %add3A_69 = arith.constant 224 : i32
    %add3A_70 = arith.addi %mul3A_8, %add3A_69 : i32
    %dma_start3A_71 = arith.constant 0 : i32
    %dma_start3A_72 = tpu.memref_slice %arg19[%add3A_70, %dma_start3A_71] : memref<10240x128xf32, #tpu.memory_space<vmem_shared>> -> memref<32x128xf32, #tpu.memory_space<vmem_shared>>
    %dma_start3A_73 = arith.constant 0 : i32
    %dma_start3A_74 = tpu.memref_slice %arg19[%add3A_70, %dma_start3A_73] : memref<10240x128xf32, #tpu.memory_space<vmem_shared>> -> memref<32x128xf32, #tpu.memory_space<vmem_shared>>
    tpu.enqueue_dma source(%arg18 : memref<32x128xf32, #tpu.memory_space<vmem>>) target(%dma_start3A_74 : memref<32x128xf32, #tpu.memory_space<vmem_shared>>) target_semaphore(%arg32 : memref<!tpu.dma_semaphore, #tpu.memory_space<semaphore_mem>>)
    %add3A_75 = arith.constant 256 : i32
    %add3A_76 = arith.addi %mul3A_8, %add3A_75 : i32
    %dma_start3A_77 = arith.constant 0 : i32
    %dma_start3A_78 = tpu.memref_slice %arg19[%add3A_76, %dma_start3A_77] : memref<10240x128xf32, #tpu.memory_space<vmem_shared>> -> memref<32x128xf32, #tpu.memory_space<vmem_shared>>
    %dma_start3A_79 = arith.constant 0 : i32
    %dma_start3A_80 = tpu.memref_slice %arg19[%add3A_76, %dma_start3A_79] : memref<10240x128xf32, #tpu.memory_space<vmem_shared>> -> memref<32x128xf32, #tpu.memory_space<vmem_shared>>
    tpu.enqueue_dma source(%arg18 : memref<32x128xf32, #tpu.memory_space<vmem>>) target(%dma_start3A_80 : memref<32x128xf32, #tpu.memory_space<vmem_shared>>) target_semaphore(%arg32 : memref<!tpu.dma_semaphore, #tpu.memory_space<semaphore_mem>>)
    %add3A_81 = arith.constant 288 : i32
    %add3A_82 = arith.addi %mul3A_8, %add3A_81 : i32
    %dma_start3A_83 = arith.constant 0 : i32
    %dma_start3A_84 = tpu.memref_slice %arg19[%add3A_82, %dma_start3A_83] : memref<10240x128xf32, #tpu.memory_space<vmem_shared>> -> memref<32x128xf32, #tpu.memory_space<vmem_shared>>
    %dma_start3A_85 = arith.constant 0 : i32
    %dma_start3A_86 = tpu.memref_slice %arg19[%add3A_82, %dma_start3A_85] : memref<10240x128xf32, #tpu.memory_space<vmem_shared>> -> memref<32x128xf32, #tpu.memory_space<vmem_shared>>
    tpu.enqueue_dma source(%arg18 : memref<32x128xf32, #tpu.memory_space<vmem>>) target(%dma_start3A_86 : memref<32x128xf32, #tpu.memory_space<vmem_shared>>) target_semaphore(%arg32 : memref<!tpu.dma_semaphore, #tpu.memory_space<semaphore_mem>>)
    %dma_wait3A_87 = arith.constant 0 : i32
    %dma_wait3A_88 = tpu.memref_slice %arg19[%mul3A_8, %dma_wait3A_87] : memref<10240x128xf32, #tpu.memory_space<vmem_shared>> -> memref<32x128xf32, #tpu.memory_space<vmem_shared>>
    %dma_wait3A_89 = arith.constant 0 : i32
    %dma_wait3A_90 = tpu.memref_slice %arg19[%mul3A_8, %dma_wait3A_89] : memref<10240x128xf32, #tpu.memory_space<vmem_shared>> -> memref<32x128xf32, #tpu.memory_space<vmem_shared>>
    tpu.wait_dma2 semaphore(%arg32 : memref<!tpu.dma_semaphore, #tpu.memory_space<semaphore_mem>>) src(%arg18 : memref<32x128xf32, #tpu.memory_space<vmem>>) dst(%dma_wait3A_90 : memref<32x128xf32, #tpu.memory_space<vmem_shared>>)
    %dma_wait3A_91 = arith.constant 0 : i32
    %dma_wait3A_92 = tpu.memref_slice %arg19[%mul3A_8, %dma_wait3A_91] : memref<10240x128xf32, #tpu.memory_space<vmem_shared>> -> memref<32x128xf32, #tpu.memory_space<vmem_shared>>
    %dma_wait3A_93 = arith.constant 0 : i32
    %dma_wait3A_94 = tpu.memref_slice %arg19[%mul3A_8, %dma_wait3A_93] : memref<10240x128xf32, #tpu.memory_space<vmem_shared>> -> memref<32x128xf32, #tpu.memory_space<vmem_shared>>
    tpu.wait_dma2 semaphore(%arg32 : memref<!tpu.dma_semaphore, #tpu.memory_space<semaphore_mem>>) src(%arg18 : memref<32x128xf32, #tpu.memory_space<vmem>>) dst(%dma_wait3A_94 : memref<32x128xf32, #tpu.memory_space<vmem_shared>>)
    %dma_wait3A_95 = arith.constant 0 : i32
    %dma_wait3A_96 = tpu.memref_slice %arg19[%mul3A_8, %dma_wait3A_95] : memref<10240x128xf32, #tpu.memory_space<vmem_shared>> -> memref<32x128xf32, #tpu.memory_space<vmem_shared>>
    %dma_wait3A_97 = arith.constant 0 : i32
    %dma_wait3A_98 = tpu.memref_slice %arg19[%mul3A_8, %dma_wait3A_97] : memref<10240x128xf32, #tpu.memory_space<vmem_shared>> -> memref<32x128xf32, #tpu.memory_space<vmem_shared>>
    tpu.wait_dma2 semaphore(%arg32 : memref<!tpu.dma_semaphore, #tpu.memory_space<semaphore_mem>>) src(%arg18 : memref<32x128xf32, #tpu.memory_space<vmem>>) dst(%dma_wait3A_98 : memref<32x128xf32, #tpu.memory_space<vmem_shared>>)
    %dma_wait3A_99 = arith.constant 0 : i32
    %dma_wait3A_100 = tpu.memref_slice %arg19[%mul3A_8, %dma_wait3A_99] : memref<10240x128xf32, #tpu.memory_space<vmem_shared>> -> memref<32x128xf32, #tpu.memory_space<vmem_shared>>
    %dma_wait3A_101 = arith.constant 0 : i32
    %dma_wait3A_102 = tpu.memref_slice %arg19[%mul3A_8, %dma_wait3A_101] : memref<10240x128xf32, #tpu.memory_space<vmem_shared>> -> memref<32x128xf32, #tpu.memory_space<vmem_shared>>
    tpu.wait_dma2 semaphore(%arg32 : memref<!tpu.dma_semaphore, #tpu.memory_space<semaphore_mem>>) src(%arg18 : memref<32x128xf32, #tpu.memory_space<vmem>>) dst(%dma_wait3A_102 : memref<32x128xf32, #tpu.memory_space<vmem_shared>>)
    %dma_wait3A_103 = arith.constant 0 : i32
    %dma_wait3A_104 = tpu.memref_slice %arg19[%mul3A_8, %dma_wait3A_103] : memref<10240x128xf32, #tpu.memory_space<vmem_shared>> -> memref<32x128xf32, #tpu.memory_space<vmem_shared>>
    %dma_wait3A_105 = arith.constant 0 : i32
    %dma_wait3A_106 = tpu.memref_slice %arg19[%mul3A_8, %dma_wait3A_105] : memref<10240x128xf32, #tpu.memory_space<vmem_shared>> -> memref<32x128xf32, #tpu.memory_space<vmem_shared>>
    tpu.wait_dma2 semaphore(%arg32 : memref<!tpu.dma_semaphore, #tpu.memory_space<semaphore_mem>>) src(%arg18 : memref<32x128xf32, #tpu.memory_space<vmem>>) dst(%dma_wait3A_106 : memref<32x128xf32, #tpu.memory_space<vmem_shared>>)
    %add3A_107 = arith.constant 320 : i32
    %add3A_108 = arith.addi %mul3A_8, %add3A_107 : i32
    %dma_start3A_109 = arith.constant 0 : i32
    %dma_start3A_110 = tpu.memref_slice %arg19[%add3A_108, %dma_start3A_109] : memref<10240x128xf32, #tpu.memory_space<vmem_shared>> -> memref<32x128xf32, #tpu.memory_space<vmem_shared>>
    %dma_start3A_111 = arith.constant 0 : i32
    %dma_start3A_112 = tpu.memref_slice %arg19[%add3A_108, %dma_start3A_111] : memref<10240x128xf32, #tpu.memory_space<vmem_shared>> -> memref<32x128xf32, #tpu.memory_space<vmem_shared>>
    tpu.enqueue_dma source(%arg18 : memref<32x128xf32, #tpu.memory_space<vmem>>) target(%dma_start3A_112 : memref<32x128xf32, #tpu.memory_space<vmem_shared>>) target_semaphore(%arg32 : memref<!tpu.dma_semaphore, #tpu.memory_space<semaphore_mem>>)
    %add3A_113 = arith.constant 352 : i32
    %add3A_114 = arith.addi %mul3A_8, %add3A_113 : i32
    %dma_start3A_115 = arith.constant 0 : i32
    %dma_start3A_116 = tpu.memref_slice %arg19[%add3A_114, %dma_start3A_115] : memref<10240x128xf32, #tpu.memory_space<vmem_shared>> -> memref<32x128xf32, #tpu.memory_space<vmem_shared>>
    %dma_start3A_117 = arith.constant 0 : i32
    %dma_start3A_118 = tpu.memref_slice %arg19[%add3A_114, %dma_start3A_117] : memref<10240x128xf32, #tpu.memory_space<vmem_shared>> -> memref<32x128xf32, #tpu.memory_space<vmem_shared>>
    tpu.enqueue_dma source(%arg18 : memref<32x128xf32, #tpu.memory_space<vmem>>) target(%dma_start3A_118 : memref<32x128xf32, #tpu.memory_space<vmem_shared>>) target_semaphore(%arg32 : memref<!tpu.dma_semaphore, #tpu.memory_space<semaphore_mem>>)
    %add3A_119 = arith.constant 384 : i32
    %add3A_120 = arith.addi %mul3A_8, %add3A_119 : i32
    %dma_start3A_121 = arith.constant 0 : i32
    %dma_start3A_122 = tpu.memref_slice %arg19[%add3A_120, %dma_start3A_121] : memref<10240x128xf32, #tpu.memory_space<vmem_shared>> -> memref<32x128xf32, #tpu.memory_space<vmem_shared>>
    %dma_start3A_123 = arith.constant 0 : i32
    %dma_start3A_124 = tpu.memref_slice %arg19[%add3A_120, %dma_start3A_123] : memref<10240x128xf32, #tpu.memory_space<vmem_shared>> -> memref<32x128xf32, #tpu.memory_space<vmem_shared>>
    tpu.enqueue_dma source(%arg18 : memref<32x128xf32, #tpu.memory_space<vmem>>) target(%dma_start3A_124 : memref<32x128xf32, #tpu.memory_space<vmem_shared>>) target_semaphore(%arg32 : memref<!tpu.dma_semaphore, #tpu.memory_space<semaphore_mem>>)
    %add3A_125 = arith.constant 416 : i32
    %add3A_126 = arith.addi %mul3A_8, %add3A_125 : i32
    %dma_start3A_127 = arith.constant 0 : i32
    %dma_start3A_128 = tpu.memref_slice %arg19[%add3A_126, %dma_start3A_127] : memref<10240x128xf32, #tpu.memory_space<vmem_shared>> -> memref<32x128xf32, #tpu.memory_space<vmem_shared>>
    %dma_start3A_129 = arith.constant 0 : i32
    %dma_start3A_130 = tpu.memref_slice %arg19[%add3A_126, %dma_start3A_129] : memref<10240x128xf32, #tpu.memory_space<vmem_shared>> -> memref<32x128xf32, #tpu.memory_space<vmem_shared>>
    tpu.enqueue_dma source(%arg18 : memref<32x128xf32, #tpu.memory_space<vmem>>) target(%dma_start3A_130 : memref<32x128xf32, #tpu.memory_space<vmem_shared>>) target_semaphore(%arg32 : memref<!tpu.dma_semaphore, #tpu.memory_space<semaphore_mem>>)
    %add3A_131 = arith.constant 448 : i32
    %add3A_132 = arith.addi %mul3A_8, %add3A_131 : i32
    %dma_start3A_133 = arith.constant 0 : i32
    %dma_start3A_134 = tpu.memref_slice %arg19[%add3A_132, %dma_start3A_133] : memref<10240x128xf32, #tpu.memory_space<vmem_shared>> -> memref<32x128xf32, #tpu.memory_space<vmem_shared>>
    %dma_start3A_135 = arith.constant 0 : i32
    %dma_start3A_136 = tpu.memref_slice %arg19[%add3A_132, %dma_start3A_135] : memref<10240x128xf32, #tpu.memory_space<vmem_shared>> -> memref<32x128xf32, #tpu.memory_space<vmem_shared>>
    tpu.enqueue_dma source(%arg18 : memref<32x128xf32, #tpu.memory_space<vmem>>) target(%dma_start3A_136 : memref<32x128xf32, #tpu.memory_space<vmem_shared>>) target_semaphore(%arg32 : memref<!tpu.dma_semaphore, #tpu.memory_space<semaphore_mem>>)
    %dma_wait3A_137 = arith.constant 0 : i32
    %dma_wait3A_138 = tpu.memref_slice %arg19[%mul3A_8, %dma_wait3A_137] : memref<10240x128xf32, #tpu.memory_space<vmem_shared>> -> memref<32x128xf32, #tpu.memory_space<vmem_shared>>
    %dma_wait3A_139 = arith.constant 0 : i32
    %dma_wait3A_140 = tpu.memref_slice %arg19[%mul3A_8, %dma_wait3A_139] : memref<10240x128xf32, #tpu.memory_space<vmem_shared>> -> memref<32x128xf32, #tpu.memory_space<vmem_shared>>
    tpu.wait_dma2 semaphore(%arg32 : memref<!tpu.dma_semaphore, #tpu.memory_space<semaphore_mem>>) src(%arg18 : memref<32x128xf32, #tpu.memory_space<vmem>>) dst(%dma_wait3A_140 : memref<32x128xf32, #tpu.memory_space<vmem_shared>>)
    %dma_wait3A_141 = arith.constant 0 : i32
    %dma_wait3A_142 = tpu.memref_slice %arg19[%mul3A_8, %dma_wait3A_141] : memref<10240x128xf32, #tpu.memory_space<vmem_shared>> -> memref<32x128xf32, #tpu.memory_space<vmem_shared>>
    %dma_wait3A_143 = arith.constant 0 : i32
    %dma_wait3A_144 = tpu.memref_slice %arg19[%mul3A_8, %dma_wait3A_143] : memref<10240x128xf32, #tpu.memory_space<vmem_shared>> -> memref<32x128xf32, #tpu.memory_space<vmem_shared>>
    tpu.wait_dma2 semaphore(%arg32 : memref<!tpu.dma_semaphore, #tpu.memory_space<semaphore_mem>>) src(%arg18 : memref<32x128xf32, #tpu.memory_space<vmem>>) dst(%dma_wait3A_144 : memref<32x128xf32, #tpu.memory_space<vmem_shared>>)
    %dma_wait3A_145 = arith.constant 0 : i32
    %dma_wait3A_146 = tpu.memref_slice %arg19[%mul3A_8, %dma_wait3A_145] : memref<10240x128xf32, #tpu.memory_space<vmem_shared>> -> memref<32x128xf32, #tpu.memory_space<vmem_shared>>
    %dma_wait3A_147 = arith.constant 0 : i32
    %dma_wait3A_148 = tpu.memref_slice %arg19[%mul3A_8, %dma_wait3A_147] : memref<10240x128xf32, #tpu.memory_space<vmem_shared>> -> memref<32x128xf32, #tpu.memory_space<vmem_shared>>
    tpu.wait_dma2 semaphore(%arg32 : memref<!tpu.dma_semaphore, #tpu.memory_space<semaphore_mem>>) src(%arg18 : memref<32x128xf32, #tpu.memory_space<vmem>>) dst(%dma_wait3A_148 : memref<32x128xf32, #tpu.memory_space<vmem_shared>>)
    %dma_wait3A_149 = arith.constant 0 : i32
    %dma_wait3A_150 = tpu.memref_slice %arg19[%mul3A_8, %dma_wait3A_149] : memref<10240x128xf32, #tpu.memory_space<vmem_shared>> -> memref<32x128xf32, #tpu.memory_space<vmem_shared>>
    %dma_wait3A_151 = arith.constant 0 : i32
    %dma_wait3A_152 = tpu.memref_slice %arg19[%mul3A_8, %dma_wait3A_151] : memref<10240x128xf32, #tpu.memory_space<vmem_shared>> -> memref<32x128xf32, #tpu.memory_space<vmem_shared>>
    tpu.wait_dma2 semaphore(%arg32 : memref<!tpu.dma_semaphore, #tpu.memory_space<semaphore_mem>>) src(%arg18 : memref<32x128xf32, #tpu.memory_space<vmem>>) dst(%dma_wait3A_152 : memref<32x128xf32, #tpu.memory_space<vmem_shared>>)
    %dma_wait3A_153 = arith.constant 0 : i32
    %dma_wait3A_154 = tpu.memref_slice %arg19[%mul3A_8, %dma_wait3A_153] : memref<10240x128xf32, #tpu.memory_space<vmem_shared>> -> memref<32x128xf32, #tpu.memory_space<vmem_shared>>
    %dma_wait3A_155 = arith.constant 0 : i32
    %dma_wait3A_156 = tpu.memref_slice %arg19[%mul3A_8, %dma_wait3A_155] : memref<10240x128xf32, #tpu.memory_space<vmem_shared>> -> memref<32x128xf32, #tpu.memory_space<vmem_shared>>
    tpu.wait_dma2 semaphore(%arg32 : memref<!tpu.dma_semaphore, #tpu.memory_space<semaphore_mem>>) src(%arg18 : memref<32x128xf32, #tpu.memory_space<vmem>>) dst(%dma_wait3A_156 : memref<32x128xf32, #tpu.memory_space<vmem_shared>>)
    %add3A_157 = arith.constant 480 : i32
    %add3A_158 = arith.addi %mul3A_8, %add3A_157 : i32
    %dma_start3A_159 = arith.constant 0 : i32
    %dma_start3A_160 = tpu.memref_slice %arg19[%add3A_158, %dma_start3A_159] : memref<10240x128xf32, #tpu.memory_space<vmem_shared>> -> memref<32x128xf32, #tpu.memory_space<vmem_shared>>
    %dma_start3A_161 = arith.constant 0 : i32
    %dma_start3A_162 = tpu.memref_slice %arg19[%add3A_158, %dma_start3A_161] : memref<10240x128xf32, #tpu.memory_space<vmem_shared>> -> memref<32x128xf32, #tpu.memory_space<vmem_shared>>
    tpu.enqueue_dma source(%arg18 : memref<32x128xf32, #tpu.memory_space<vmem>>) target(%dma_start3A_162 : memref<32x128xf32, #tpu.memory_space<vmem_shared>>) target_semaphore(%arg32 : memref<!tpu.dma_semaphore, #tpu.memory_space<semaphore_mem>>)
    %add3A_163 = arith.constant 512 : i32
    %add3A_164 = arith.addi %mul3A_8, %add3A_163 : i32
    %dma_start3A_165 = arith.constant 0 : i32
    %dma_start3A_166 = tpu.memref_slice %arg19[%add3A_164, %dma_start3A_165] : memref<10240x128xf32, #tpu.memory_space<vmem_shared>> -> memref<32x128xf32, #tpu.memory_space<vmem_shared>>
    %dma_start3A_167 = arith.constant 0 : i32
    %dma_start3A_168 = tpu.memref_slice %arg19[%add3A_164, %dma_start3A_167] : memref<10240x128xf32, #tpu.memory_space<vmem_shared>> -> memref<32x128xf32, #tpu.memory_space<vmem_shared>>
    tpu.enqueue_dma source(%arg18 : memref<32x128xf32, #tpu.memory_space<vmem>>) target(%dma_start3A_168 : memref<32x128xf32, #tpu.memory_space<vmem_shared>>) target_semaphore(%arg32 : memref<!tpu.dma_semaphore, #tpu.memory_space<semaphore_mem>>)
    %add3A_169 = arith.constant 544 : i32
    %add3A_170 = arith.addi %mul3A_8, %add3A_169 : i32
    %dma_start3A_171 = arith.constant 0 : i32
    %dma_start3A_172 = tpu.memref_slice %arg19[%add3A_170, %dma_start3A_171] : memref<10240x128xf32, #tpu.memory_space<vmem_shared>> -> memref<32x128xf32, #tpu.memory_space<vmem_shared>>
    %dma_start3A_173 = arith.constant 0 : i32
    %dma_start3A_174 = tpu.memref_slice %arg19[%add3A_170, %dma_start3A_173] : memref<10240x128xf32, #tpu.memory_space<vmem_shared>> -> memref<32x128xf32, #tpu.memory_space<vmem_shared>>
    tpu.enqueue_dma source(%arg18 : memref<32x128xf32, #tpu.memory_space<vmem>>) target(%dma_start3A_174 : memref<32x128xf32, #tpu.memory_space<vmem_shared>>) target_semaphore(%arg32 : memref<!tpu.dma_semaphore, #tpu.memory_space<semaphore_mem>>)
    %add3A_175 = arith.constant 576 : i32
    %add3A_176 = arith.addi %mul3A_8, %add3A_175 : i32
    %dma_start3A_177 = arith.constant 0 : i32
    %dma_start3A_178 = tpu.memref_slice %arg19[%add3A_176, %dma_start3A_177] : memref<10240x128xf32, #tpu.memory_space<vmem_shared>> -> memref<32x128xf32, #tpu.memory_space<vmem_shared>>
    %dma_start3A_179 = arith.constant 0 : i32
    %dma_start3A_180 = tpu.memref_slice %arg19[%add3A_176, %dma_start3A_179] : memref<10240x128xf32, #tpu.memory_space<vmem_shared>> -> memref<32x128xf32, #tpu.memory_space<vmem_shared>>
    tpu.enqueue_dma source(%arg18 : memref<32x128xf32, #tpu.memory_space<vmem>>) target(%dma_start3A_180 : memref<32x128xf32, #tpu.memory_space<vmem_shared>>) target_semaphore(%arg32 : memref<!tpu.dma_semaphore, #tpu.memory_space<semaphore_mem>>)
    %add3A_181 = arith.constant 608 : i32
    %add3A_182 = arith.addi %mul3A_8, %add3A_181 : i32
    %dma_start3A_183 = arith.constant 0 : i32
    %dma_start3A_184 = tpu.memref_slice %arg19[%add3A_182, %dma_start3A_183] : memref<10240x128xf32, #tpu.memory_space<vmem_shared>> -> memref<32x128xf32, #tpu.memory_space<vmem_shared>>
    %dma_start3A_185 = arith.constant 0 : i32
    %dma_start3A_186 = tpu.memref_slice %arg19[%add3A_182, %dma_start3A_185] : memref<10240x128xf32, #tpu.memory_space<vmem_shared>> -> memref<32x128xf32, #tpu.memory_space<vmem_shared>>
    tpu.enqueue_dma source(%arg18 : memref<32x128xf32, #tpu.memory_space<vmem>>) target(%dma_start3A_186 : memref<32x128xf32, #tpu.memory_space<vmem_shared>>) target_semaphore(%arg32 : memref<!tpu.dma_semaphore, #tpu.memory_space<semaphore_mem>>)
    %dma_wait3A_187 = arith.constant 0 : i32
    %dma_wait3A_188 = tpu.memref_slice %arg19[%mul3A_8, %dma_wait3A_187] : memref<10240x128xf32, #tpu.memory_space<vmem_shared>> -> memref<32x128xf32, #tpu.memory_space<vmem_shared>>
    %dma_wait3A_189 = arith.constant 0 : i32
    %dma_wait3A_190 = tpu.memref_slice %arg19[%mul3A_8, %dma_wait3A_189] : memref<10240x128xf32, #tpu.memory_space<vmem_shared>> -> memref<32x128xf32, #tpu.memory_space<vmem_shared>>
    tpu.wait_dma2 semaphore(%arg32 : memref<!tpu.dma_semaphore, #tpu.memory_space<semaphore_mem>>) src(%arg18 : memref<32x128xf32, #tpu.memory_space<vmem>>) dst(%dma_wait3A_190 : memref<32x128xf32, #tpu.memory_space<vmem_shared>>)
    %dma_wait3A_191 = arith.constant 0 : i32
    %dma_wait3A_192 = tpu.memref_slice %arg19[%mul3A_8, %dma_wait3A_191] : memref<10240x128xf32, #tpu.memory_space<vmem_shared>> -> memref<32x128xf32, #tpu.memory_space<vmem_shared>>
    %dma_wait3A_193 = arith.constant 0 : i32
    %dma_wait3A_194 = tpu.memref_slice %arg19[%mul3A_8, %dma_wait3A_193] : memref<10240x128xf32, #tpu.memory_space<vmem_shared>> -> memref<32x128xf32, #tpu.memory_space<vmem_shared>>
    tpu.wait_dma2 semaphore(%arg32 : memref<!tpu.dma_semaphore, #tpu.memory_space<semaphore_mem>>) src(%arg18 : memref<32x128xf32, #tpu.memory_space<vmem>>) dst(%dma_wait3A_194 : memref<32x128xf32, #tpu.memory_space<vmem_shared>>)
    %dma_wait3A_195 = arith.constant 0 : i32
    %dma_wait3A_196 = tpu.memref_slice %arg19[%mul3A_8, %dma_wait3A_195] : memref<10240x128xf32, #tpu.memory_space<vmem_shared>> -> memref<32x128xf32, #tpu.memory_space<vmem_shared>>
    %dma_wait3A_197 = arith.constant 0 : i32
    %dma_wait3A_198 = tpu.memref_slice %arg19[%mul3A_8, %dma_wait3A_197] : memref<10240x128xf32, #tpu.memory_space<vmem_shared>> -> memref<32x128xf32, #tpu.memory_space<vmem_shared>>
    tpu.wait_dma2 semaphore(%arg32 : memref<!tpu.dma_semaphore, #tpu.memory_space<semaphore_mem>>) src(%arg18 : memref<32x128xf32, #tpu.memory_space<vmem>>) dst(%dma_wait3A_198 : memref<32x128xf32, #tpu.memory_space<vmem_shared>>)
    %dma_wait3A_199 = arith.constant 0 : i32
    %dma_wait3A_200 = tpu.memref_slice %arg19[%mul3A_8, %dma_wait3A_199] : memref<10240x128xf32, #tpu.memory_space<vmem_shared>> -> memref<32x128xf32, #tpu.memory_space<vmem_shared>>
    %dma_wait3A_201 = arith.constant 0 : i32
    %dma_wait3A_202 = tpu.memref_slice %arg19[%mul3A_8, %dma_wait3A_201] : memref<10240x128xf32, #tpu.memory_space<vmem_shared>> -> memref<32x128xf32, #tpu.memory_space<vmem_shared>>
    tpu.wait_dma2 semaphore(%arg32 : memref<!tpu.dma_semaphore, #tpu.memory_space<semaphore_mem>>) src(%arg18 : memref<32x128xf32, #tpu.memory_space<vmem>>) dst(%dma_wait3A_202 : memref<32x128xf32, #tpu.memory_space<vmem_shared>>)
    %dma_wait3A_203 = arith.constant 0 : i32
    %dma_wait3A_204 = tpu.memref_slice %arg19[%mul3A_8, %dma_wait3A_203] : memref<10240x128xf32, #tpu.memory_space<vmem_shared>> -> memref<32x128xf32, #tpu.memory_space<vmem_shared>>
    %dma_wait3A_205 = arith.constant 0 : i32
    %dma_wait3A_206 = tpu.memref_slice %arg19[%mul3A_8, %dma_wait3A_205] : memref<10240x128xf32, #tpu.memory_space<vmem_shared>> -> memref<32x128xf32, #tpu.memory_space<vmem_shared>>
    tpu.wait_dma2 semaphore(%arg32 : memref<!tpu.dma_semaphore, #tpu.memory_space<semaphore_mem>>) src(%arg18 : memref<32x128xf32, #tpu.memory_space<vmem>>) dst(%dma_wait3A_206 : memref<32x128xf32, #tpu.memory_space<vmem_shared>>)
    %barrier3A = arith.constant 0 : index
    tpu.barrier barrier_id(%barrier3A)
    %mul3A_207 = arith.constant 10000 : i32
    %mul3A_208 = arith.muli %add3A, %mul3A_207 : i32
    %add3A_209 = arith.constant 0 : i32
    %add3A_210 = arith.addi %mul3A_208, %add3A_209 : i32
    %dma_start3A_211 = tpu.memref_slice %arg3[%add3A_210] : memref<320000xi32, #tpu.memory_space<hbm>> -> memref<80xi32, #tpu.memory_space<hbm>>
    %dma_start3A_212 = tpu.memref_slice %arg3[%add3A_210] : memref<320000xi32, #tpu.memory_space<hbm>> -> memref<80xi32, #tpu.memory_space<hbm>>
    tpu.enqueue_dma source(%dma_start3A_212 : memref<80xi32, #tpu.memory_space<hbm>>) target(%arg6 : memref<80xi32, #tpu.memory_space<vmem>>) target_semaphore(%arg20 : memref<!tpu.dma_semaphore, #tpu.memory_space<semaphore_mem>>)
    %dma_start3A_213 = tpu.memref_slice %arg4[%add3A_210] : memref<320000xi32, #tpu.memory_space<hbm>> -> memref<80xi32, #tpu.memory_space<hbm>>
    %dma_start3A_214 = tpu.memref_slice %arg4[%add3A_210] : memref<320000xi32, #tpu.memory_space<hbm>> -> memref<80xi32, #tpu.memory_space<hbm>>
    tpu.enqueue_dma source(%dma_start3A_214 : memref<80xi32, #tpu.memory_space<hbm>>) target(%arg10 : memref<80xi32, #tpu.memory_space<vmem>>) target_semaphore(%arg20 : memref<!tpu.dma_semaphore, #tpu.memory_space<semaphore_mem>>)
    %add3A_215 = arith.constant 80 : i32
    %add3A_216 = arith.addi %mul3A_208, %add3A_215 : i32
    %dma_start3A_217 = tpu.memref_slice %arg3[%add3A_216] : memref<320000xi32, #tpu.memory_space<hbm>> -> memref<80xi32, #tpu.memory_space<hbm>>
    %dma_start3A_218 = tpu.memref_slice %arg3[%add3A_216] : memref<320000xi32, #tpu.memory_space<hbm>> -> memref<80xi32, #tpu.memory_space<hbm>>
    tpu.enqueue_dma source(%dma_start3A_218 : memref<80xi32, #tpu.memory_space<hbm>>) target(%arg7 : memref<80xi32, #tpu.memory_space<vmem>>) target_semaphore(%arg21 : memref<!tpu.dma_semaphore, #tpu.memory_space<semaphore_mem>>)
    %dma_start3A_219 = tpu.memref_slice %arg4[%add3A_216] : memref<320000xi32, #tpu.memory_space<hbm>> -> memref<80xi32, #tpu.memory_space<hbm>>
    %dma_start3A_220 = tpu.memref_slice %arg4[%add3A_216] : memref<320000xi32, #tpu.memory_space<hbm>> -> memref<80xi32, #tpu.memory_space<hbm>>
    tpu.enqueue_dma source(%dma_start3A_220 : memref<80xi32, #tpu.memory_space<hbm>>) target(%arg11 : memref<80xi32, #tpu.memory_space<vmem>>) target_semaphore(%arg21 : memref<!tpu.dma_semaphore, #tpu.memory_space<semaphore_mem>>)
    %add3A_221 = arith.constant 0 : i32
    %add3A_222 = arith.addi %mul3A_208, %add3A_221 : i32
    %dma_wait3A_223 = tpu.memref_slice %arg3[%add3A_222] : memref<320000xi32, #tpu.memory_space<hbm>> -> memref<80xi32, #tpu.memory_space<hbm>>
    %dma_wait3A_224 = tpu.memref_slice %arg3[%add3A_222] : memref<320000xi32, #tpu.memory_space<hbm>> -> memref<80xi32, #tpu.memory_space<hbm>>
    tpu.wait_dma2 semaphore(%arg20 : memref<!tpu.dma_semaphore, #tpu.memory_space<semaphore_mem>>) src(%dma_wait3A_224 : memref<80xi32, #tpu.memory_space<hbm>>) dst(%arg6 : memref<80xi32, #tpu.memory_space<vmem>>)
    %dma_wait3A_225 = tpu.memref_slice %arg4[%add3A_222] : memref<320000xi32, #tpu.memory_space<hbm>> -> memref<80xi32, #tpu.memory_space<hbm>>
    %dma_wait3A_226 = tpu.memref_slice %arg4[%add3A_222] : memref<320000xi32, #tpu.memory_space<hbm>> -> memref<80xi32, #tpu.memory_space<hbm>>
    tpu.wait_dma2 semaphore(%arg20 : memref<!tpu.dma_semaphore, #tpu.memory_space<semaphore_mem>>) src(%dma_wait3A_226 : memref<80xi32, #tpu.memory_space<hbm>>) dst(%arg10 : memref<80xi32, #tpu.memory_space<vmem>>)
    %dma_start3A_227 = arith.constant 0 : i32
    %dma_start3A_228 = arith.constant 0 : i32
    %dma_start3A_229 = tpu.memref_slice %arg2[%dma_start3A_227, %dma_start3A_228] : memref<10000x128xf32, #tpu.memory_space<hbm>> -> memref<10000x128xf32, #tpu.memory_space<hbm>>
    tpu.enqueue_indirect_dma source(%dma_start3A_229 : memref<10000x128xf32, #tpu.memory_space<hbm>>) target(%arg14 : memref<80x128xf32, #tpu.memory_space<vmem>>) offsets(%arg6 : memref<80xi32, #tpu.memory_space<vmem>>) semaphore(%arg24 : memref<!tpu.dma_semaphore, #tpu.memory_space<semaphore_mem>>)
    %add3A_230 = arith.constant 160 : i32
    %add3A_231 = arith.addi %mul3A_208, %add3A_230 : i32
    %dma_start3A_232 = tpu.memref_slice %arg3[%add3A_231] : memref<320000xi32, #tpu.memory_space<hbm>> -> memref<80xi32, #tpu.memory_space<hbm>>
    %dma_start3A_233 = tpu.memref_slice %arg3[%add3A_231] : memref<320000xi32, #tpu.memory_space<hbm>> -> memref<80xi32, #tpu.memory_space<hbm>>
    tpu.enqueue_dma source(%dma_start3A_233 : memref<80xi32, #tpu.memory_space<hbm>>) target(%arg8 : memref<80xi32, #tpu.memory_space<vmem>>) target_semaphore(%arg22 : memref<!tpu.dma_semaphore, #tpu.memory_space<semaphore_mem>>)
    %dma_start3A_234 = tpu.memref_slice %arg4[%add3A_231] : memref<320000xi32, #tpu.memory_space<hbm>> -> memref<80xi32, #tpu.memory_space<hbm>>
    %dma_start3A_235 = tpu.memref_slice %arg4[%add3A_231] : memref<320000xi32, #tpu.memory_space<hbm>> -> memref<80xi32, #tpu.memory_space<hbm>>
    tpu.enqueue_dma source(%dma_start3A_235 : memref<80xi32, #tpu.memory_space<hbm>>) target(%arg12 : memref<80xi32, #tpu.memory_space<vmem>>) target_semaphore(%arg22 : memref<!tpu.dma_semaphore, #tpu.memory_space<semaphore_mem>>)
    %add3A_236 = arith.constant 80 : i32
    %add3A_237 = arith.addi %mul3A_208, %add3A_236 : i32
    %dma_wait3A_238 = tpu.memref_slice %arg3[%add3A_237] : memref<320000xi32, #tpu.memory_space<hbm>> -> memref<80xi32, #tpu.memory_space<hbm>>
    %dma_wait3A_239 = tpu.memref_slice %arg3[%add3A_237] : memref<320000xi32, #tpu.memory_space<hbm>> -> memref<80xi32, #tpu.memory_space<hbm>>
    tpu.wait_dma2 semaphore(%arg21 : memref<!tpu.dma_semaphore, #tpu.memory_space<semaphore_mem>>) src(%dma_wait3A_239 : memref<80xi32, #tpu.memory_space<hbm>>) dst(%arg7 : memref<80xi32, #tpu.memory_space<vmem>>)
    %dma_wait3A_240 = tpu.memref_slice %arg4[%add3A_237] : memref<320000xi32, #tpu.memory_space<hbm>> -> memref<80xi32, #tpu.memory_space<hbm>>
    %dma_wait3A_241 = tpu.memref_slice %arg4[%add3A_237] : memref<320000xi32, #tpu.memory_space<hbm>> -> memref<80xi32, #tpu.memory_space<hbm>>
    tpu.wait_dma2 semaphore(%arg21 : memref<!tpu.dma_semaphore, #tpu.memory_space<semaphore_mem>>) src(%dma_wait3A_241 : memref<80xi32, #tpu.memory_space<hbm>>) dst(%arg11 : memref<80xi32, #tpu.memory_space<vmem>>)
    %dma_start3A_242 = arith.constant 0 : i32
    %dma_start3A_243 = arith.constant 0 : i32
    %dma_start3A_244 = tpu.memref_slice %arg2[%dma_start3A_242, %dma_start3A_243] : memref<10000x128xf32, #tpu.memory_space<hbm>> -> memref<10000x128xf32, #tpu.memory_space<hbm>>
    tpu.enqueue_indirect_dma source(%dma_start3A_244 : memref<10000x128xf32, #tpu.memory_space<hbm>>) target(%arg15 : memref<80x128xf32, #tpu.memory_space<vmem>>) offsets(%arg7 : memref<80xi32, #tpu.memory_space<vmem>>) semaphore(%arg25 : memref<!tpu.dma_semaphore, #tpu.memory_space<semaphore_mem>>)
    %dma_wait3A_245 = arith.constant 0 : i32
    %dma_wait3A_246 = arith.constant 0 : i32
    %dma_wait3A_247 = tpu.memref_slice %arg2[%dma_wait3A_245, %dma_wait3A_246] : memref<10000x128xf32, #tpu.memory_space<hbm>> -> memref<10000x128xf32, #tpu.memory_space<hbm>>
    tpu.wait_indirect_dma semaphore(%arg24 : memref<!tpu.dma_semaphore, #tpu.memory_space<semaphore_mem>>) src(%dma_wait3A_247 : memref<10000x128xf32, #tpu.memory_space<hbm>>) dst(%arg14 : memref<80x128xf32, #tpu.memory_space<vmem>>)
    %dma_start3A_248 = arith.constant 0 : i32
    %dma_start3A_249 = arith.constant 0 : i32
    %dma_start3A_250 = tpu.memref_slice %arg19[%dma_start3A_248, %dma_start3A_249] : memref<10240x128xf32, #tpu.memory_space<vmem_shared>> -> memref<10240x128xf32, #tpu.memory_space<vmem_shared>>
    tpu.enqueue_indirect_dma source(%arg14 : memref<80x128xf32, #tpu.memory_space<vmem>>) target(%dma_start3A_250 : memref<10240x128xf32, #tpu.memory_space<vmem_shared>>) offsets(%arg10 : memref<80xi32, #tpu.memory_space<vmem>>) semaphore(%arg28 : memref<!tpu.dma_semaphore, #tpu.memory_space<semaphore_mem>>) {add = true}
    %add3A_251 = arith.constant 240 : i32
    %add3A_252 = arith.addi %mul3A_208, %add3A_251 : i32
    %dma_start3A_253 = tpu.memref_slice %arg3[%add3A_252] : memref<320000xi32, #tpu.memory_space<hbm>> -> memref<80xi32, #tpu.memory_space<hbm>>
    %dma_start3A_254 = tpu.memref_slice %arg3[%add3A_252] : memref<320000xi32, #tpu.memory_space<hbm>> -> memref<80xi32, #tpu.memory_space<hbm>>
    tpu.enqueue_dma source(%dma_start3A_254 : memref<80xi32, #tpu.memory_space<hbm>>) target(%arg9 : memref<80xi32, #tpu.memory_space<vmem>>) target_semaphore(%arg23 : memref<!tpu.dma_semaphore, #tpu.memory_space<semaphore_mem>>)
    %dma_start3A_255 = tpu.memref_slice %arg4[%add3A_252] : memref<320000xi32, #tpu.memory_space<hbm>> -> memref<80xi32, #tpu.memory_space<hbm>>
    %dma_start3A_256 = tpu.memref_slice %arg4[%add3A_252] : memref<320000xi32, #tpu.memory_space<hbm>> -> memref<80xi32, #tpu.memory_space<hbm>>
    tpu.enqueue_dma source(%dma_start3A_256 : memref<80xi32, #tpu.memory_space<hbm>>) target(%arg13 : memref<80xi32, #tpu.memory_space<vmem>>) target_semaphore(%arg23 : memref<!tpu.dma_semaphore, #tpu.memory_space<semaphore_mem>>)
    %add3A_257 = arith.constant 160 : i32
    %add3A_258 = arith.addi %mul3A_208, %add3A_257 : i32
    %dma_wait3A_259 = tpu.memref_slice %arg3[%add3A_258] : memref<320000xi32, #tpu.memory_space<hbm>> -> memref<80xi32, #tpu.memory_space<hbm>>
    %dma_wait3A_260 = tpu.memref_slice %arg3[%add3A_258] : memref<320000xi32, #tpu.memory_space<hbm>> -> memref<80xi32, #tpu.memory_space<hbm>>
    tpu.wait_dma2 semaphore(%arg22 : memref<!tpu.dma_semaphore, #tpu.memory_space<semaphore_mem>>) src(%dma_wait3A_260 : memref<80xi32, #tpu.memory_space<hbm>>) dst(%arg8 : memref<80xi32, #tpu.memory_space<vmem>>)
    %dma_wait3A_261 = tpu.memref_slice %arg4[%add3A_258] : memref<320000xi32, #tpu.memory_space<hbm>> -> memref<80xi32, #tpu.memory_space<hbm>>
    %dma_wait3A_262 = tpu.memref_slice %arg4[%add3A_258] : memref<320000xi32, #tpu.memory_space<hbm>> -> memref<80xi32, #tpu.memory_space<hbm>>
    tpu.wait_dma2 semaphore(%arg22 : memref<!tpu.dma_semaphore, #tpu.memory_space<semaphore_mem>>) src(%dma_wait3A_262 : memref<80xi32, #tpu.memory_space<hbm>>) dst(%arg12 : memref<80xi32, #tpu.memory_space<vmem>>)
    %dma_start3A_263 = arith.constant 0 : i32
    %dma_start3A_264 = arith.constant 0 : i32
    %dma_start3A_265 = tpu.memref_slice %arg2[%dma_start3A_263, %dma_start3A_264] : memref<10000x128xf32, #tpu.memory_space<hbm>> -> memref<10000x128xf32, #tpu.memory_space<hbm>>
    tpu.enqueue_indirect_dma source(%dma_start3A_265 : memref<10000x128xf32, #tpu.memory_space<hbm>>) target(%arg16 : memref<80x128xf32, #tpu.memory_space<vmem>>) offsets(%arg8 : memref<80xi32, #tpu.memory_space<vmem>>) semaphore(%arg26 : memref<!tpu.dma_semaphore, #tpu.memory_space<semaphore_mem>>)
    %dma_wait3A_266 = arith.constant 0 : i32
    %dma_wait3A_267 = arith.constant 0 : i32
    %dma_wait3A_268 = tpu.memref_slice %arg2[%dma_wait3A_266, %dma_wait3A_267] : memref<10000x128xf32, #tpu.memory_space<hbm>> -> memref<10000x128xf32, #tpu.memory_space<hbm>>
    tpu.wait_indirect_dma semaphore(%arg25 : memref<!tpu.dma_semaphore, #tpu.memory_space<semaphore_mem>>) src(%dma_wait3A_268 : memref<10000x128xf32, #tpu.memory_space<hbm>>) dst(%arg15 : memref<80x128xf32, #tpu.memory_space<vmem>>)
    %dma_start3A_269 = arith.constant 0 : i32
    %dma_start3A_270 = arith.constant 0 : i32
    %dma_start3A_271 = tpu.memref_slice %arg19[%dma_start3A_269, %dma_start3A_270] : memref<10240x128xf32, #tpu.memory_space<vmem_shared>> -> memref<10240x128xf32, #tpu.memory_space<vmem_shared>>
    tpu.enqueue_indirect_dma source(%arg15 : memref<80x128xf32, #tpu.memory_space<vmem>>) target(%dma_start3A_271 : memref<10240x128xf32, #tpu.memory_space<vmem_shared>>) offsets(%arg11 : memref<80xi32, #tpu.memory_space<vmem>>) semaphore(%arg29 : memref<!tpu.dma_semaphore, #tpu.memory_space<semaphore_mem>>) {add = true}
    %scan3A_272 = arith.constant 0 : i32
    %scan3A_273 = arith.constant 1 : i32
    %scan3A_274 = arith.constant 30 : i32
    %scan3A_275 = arith.addi %scan3A_273, %scan3A_274 : i32
    %scan3A_276 = arith.constant 1 : i32
    scf.for %scan3A_340 = %scan3A_273 to %scan3A_275 step %scan3A_276  : i32 {
      %mul3A_341 = arith.constant 4 : i32
      %mul3A_342 = arith.muli %scan3A_340, %mul3A_341 : i32
      %add3A_343 = arith.constant 0 : i32
      %add3A_344 = arith.addi %mul3A_342, %add3A_343 : i32
      %sub3A = arith.constant 4 : i32
      %sub3A_345 = arith.subi %add3A_344, %sub3A : i32
      %dma_wait3A_346 = arith.constant 0 : i32
      %dma_wait3A_347 = arith.constant 0 : i32
      %dma_wait3A_348 = tpu.memref_slice %arg19[%dma_wait3A_346, %dma_wait3A_347] : memref<10240x128xf32, #tpu.memory_space<vmem_shared>> -> memref<10240x128xf32, #tpu.memory_space<vmem_shared>>
      tpu.wait_indirect_dma semaphore(%arg28 : memref<!tpu.dma_semaphore, #tpu.memory_space<semaphore_mem>>) src(%arg14 : memref<80x128xf32, #tpu.memory_space<vmem>>) dst(%dma_wait3A_348 : memref<10240x128xf32, #tpu.memory_space<vmem_shared>>)
      %mul3A_349 = arith.constant 80 : i32
      %mul3A_350 = arith.muli %add3A_344, %mul3A_349 : i32
      %add3A_351 = arith.addi %mul3A_208, %mul3A_350 : i32
      %dma_start3A_352 = tpu.memref_slice %arg3[%add3A_351] : memref<320000xi32, #tpu.memory_space<hbm>> -> memref<80xi32, #tpu.memory_space<hbm>>
      %dma_start3A_353 = tpu.memref_slice %arg3[%add3A_351] : memref<320000xi32, #tpu.memory_space<hbm>> -> memref<80xi32, #tpu.memory_space<hbm>>
      tpu.enqueue_dma source(%dma_start3A_353 : memref<80xi32, #tpu.memory_space<hbm>>) target(%arg6 : memref<80xi32, #tpu.memory_space<vmem>>) target_semaphore(%arg20 : memref<!tpu.dma_semaphore, #tpu.memory_space<semaphore_mem>>)
      %dma_start3A_354 = tpu.memref_slice %arg4[%add3A_351] : memref<320000xi32, #tpu.memory_space<hbm>> -> memref<80xi32, #tpu.memory_space<hbm>>
      %dma_start3A_355 = tpu.memref_slice %arg4[%add3A_351] : memref<320000xi32, #tpu.memory_space<hbm>> -> memref<80xi32, #tpu.memory_space<hbm>>
      tpu.enqueue_dma source(%dma_start3A_355 : memref<80xi32, #tpu.memory_space<hbm>>) target(%arg10 : memref<80xi32, #tpu.memory_space<vmem>>) target_semaphore(%arg20 : memref<!tpu.dma_semaphore, #tpu.memory_space<semaphore_mem>>)
      %sub3A_356 = arith.constant 1 : i32
      %sub3A_357 = arith.subi %add3A_344, %sub3A_356 : i32
      %mul3A_358 = arith.constant 80 : i32
      %mul3A_359 = arith.muli %sub3A_357, %mul3A_358 : i32
      %add3A_360 = arith.addi %mul3A_208, %mul3A_359 : i32
      %dma_wait3A_361 = tpu.memref_slice %arg3[%add3A_360] : memref<320000xi32, #tpu.memory_space<hbm>> -> memref<80xi32, #tpu.memory_space<hbm>>
      %dma_wait3A_362 = tpu.memref_slice %arg3[%add3A_360] : memref<320000xi32, #tpu.memory_space<hbm>> -> memref<80xi32, #tpu.memory_space<hbm>>
      tpu.wait_dma2 semaphore(%arg23 : memref<!tpu.dma_semaphore, #tpu.memory_space<semaphore_mem>>) src(%dma_wait3A_362 : memref<80xi32, #tpu.memory_space<hbm>>) dst(%arg9 : memref<80xi32, #tpu.memory_space<vmem>>)
      %dma_wait3A_363 = tpu.memref_slice %arg4[%add3A_360] : memref<320000xi32, #tpu.memory_space<hbm>> -> memref<80xi32, #tpu.memory_space<hbm>>
      %dma_wait3A_364 = tpu.memref_slice %arg4[%add3A_360] : memref<320000xi32, #tpu.memory_space<hbm>> -> memref<80xi32, #tpu.memory_space<hbm>>
      tpu.wait_dma2 semaphore(%arg23 : memref<!tpu.dma_semaphore, #tpu.memory_space<semaphore_mem>>) src(%dma_wait3A_364 : memref<80xi32, #tpu.memory_space<hbm>>) dst(%arg13 : memref<80xi32, #tpu.memory_space<vmem>>)
      %dma_start3A_365 = arith.constant 0 : i32
      %dma_start3A_366 = arith.constant 0 : i32
      %dma_start3A_367 = tpu.memref_slice %arg2[%dma_start3A_365, %dma_start3A_366] : memref<10000x128xf32, #tpu.memory_space<hbm>> -> memref<10000x128xf32, #tpu.memory_space<hbm>>
      tpu.enqueue_indirect_dma source(%dma_start3A_367 : memref<10000x128xf32, #tpu.memory_space<hbm>>) target(%arg17 : memref<80x128xf32, #tpu.memory_space<vmem>>) offsets(%arg9 : memref<80xi32, #tpu.memory_space<vmem>>) semaphore(%arg27 : memref<!tpu.dma_semaphore, #tpu.memory_space<semaphore_mem>>)
      %sub3A_368 = arith.constant 2 : i32
      %sub3A_369 = arith.subi %add3A_344, %sub3A_368 : i32
      %dma_wait3A_370 = arith.constant 0 : i32
      %dma_wait3A_371 = arith.constant 0 : i32
      %dma_wait3A_372 = tpu.memref_slice %arg2[%dma_wait3A_370, %dma_wait3A_371] : memref<10000x128xf32, #tpu.memory_space<hbm>> -> memref<10000x128xf32, #tpu.memory_space<hbm>>
      tpu.wait_indirect_dma semaphore(%arg26 : memref<!tpu.dma_semaphore, #tpu.memory_space<semaphore_mem>>) src(%dma_wait3A_372 : memref<10000x128xf32, #tpu.memory_space<hbm>>) dst(%arg16 : memref<80x128xf32, #tpu.memory_space<vmem>>)
      %dma_start3A_373 = arith.constant 0 : i32
      %dma_start3A_374 = arith.constant 0 : i32
      %dma_start3A_375 = tpu.memref_slice %arg19[%dma_start3A_373, %dma_start3A_374] : memref<10240x128xf32, #tpu.memory_space<vmem_shared>> -> memref<10240x128xf32, #tpu.memory_space<vmem_shared>>
      tpu.enqueue_indirect_dma source(%arg16 : memref<80x128xf32, #tpu.memory_space<vmem>>) target(%dma_start3A_375 : memref<10240x128xf32, #tpu.memory_space<vmem_shared>>) offsets(%arg12 : memref<80xi32, #tpu.memory_space<vmem>>) semaphore(%arg30 : memref<!tpu.dma_semaphore, #tpu.memory_space<semaphore_mem>>) {add = true}
      %mul3A_376 = arith.constant 4 : i32
      %mul3A_377 = arith.muli %scan3A_340, %mul3A_376 : i32
      %add3A_378 = arith.constant 1 : i32
      %add3A_379 = arith.addi %mul3A_377, %add3A_378 : i32
      %sub3A_380 = arith.constant 4 : i32
      %sub3A_381 = arith.subi %add3A_379, %sub3A_380 : i32
      %dma_wait3A_382 = arith.constant 0 : i32
      %dma_wait3A_383 = arith.constant 0 : i32
      %dma_wait3A_384 = tpu.memref_slice %arg19[%dma_wait3A_382, %dma_wait3A_383] : memref<10240x128xf32, #tpu.memory_space<vmem_shared>> -> memref<10240x128xf32, #tpu.memory_space<vmem_shared>>
      tpu.wait_indirect_dma semaphore(%arg29 : memref<!tpu.dma_semaphore, #tpu.memory_space<semaphore_mem>>) src(%arg15 : memref<80x128xf32, #tpu.memory_space<vmem>>) dst(%dma_wait3A_384 : memref<10240x128xf32, #tpu.memory_space<vmem_shared>>)
      %mul3A_385 = arith.constant 80 : i32
      %mul3A_386 = arith.muli %add3A_379, %mul3A_385 : i32
      %add3A_387 = arith.addi %mul3A_208, %mul3A_386 : i32
      %dma_start3A_388 = tpu.memref_slice %arg3[%add3A_387] : memref<320000xi32, #tpu.memory_space<hbm>> -> memref<80xi32, #tpu.memory_space<hbm>>
      %dma_start3A_389 = tpu.memref_slice %arg3[%add3A_387] : memref<320000xi32, #tpu.memory_space<hbm>> -> memref<80xi32, #tpu.memory_space<hbm>>
      tpu.enqueue_dma source(%dma_start3A_389 : memref<80xi32, #tpu.memory_space<hbm>>) target(%arg7 : memref<80xi32, #tpu.memory_space<vmem>>) target_semaphore(%arg21 : memref<!tpu.dma_semaphore, #tpu.memory_space<semaphore_mem>>)
      %dma_start3A_390 = tpu.memref_slice %arg4[%add3A_387] : memref<320000xi32, #tpu.memory_space<hbm>> -> memref<80xi32, #tpu.memory_space<hbm>>
      %dma_start3A_391 = tpu.memref_slice %arg4[%add3A_387] : memref<320000xi32, #tpu.memory_space<hbm>> -> memref<80xi32, #tpu.memory_space<hbm>>
      tpu.enqueue_dma source(%dma_start3A_391 : memref<80xi32, #tpu.memory_space<hbm>>) target(%arg11 : memref<80xi32, #tpu.memory_space<vmem>>) target_semaphore(%arg21 : memref<!tpu.dma_semaphore, #tpu.memory_space<semaphore_mem>>)
      %sub3A_392 = arith.constant 1 : i32
      %sub3A_393 = arith.subi %add3A_379, %sub3A_392 : i32
      %mul3A_394 = arith.constant 80 : i32
      %mul3A_395 = arith.muli %sub3A_393, %mul3A_394 : i32
      %add3A_396 = arith.addi %mul3A_208, %mul3A_395 : i32
      %dma_wait3A_397 = tpu.memref_slice %arg3[%add3A_396] : memref<320000xi32, #tpu.memory_space<hbm>> -> memref<80xi32, #tpu.memory_space<hbm>>
      %dma_wait3A_398 = tpu.memref_slice %arg3[%add3A_396] : memref<320000xi32, #tpu.memory_space<hbm>> -> memref<80xi32, #tpu.memory_space<hbm>>
      tpu.wait_dma2 semaphore(%arg20 : memref<!tpu.dma_semaphore, #tpu.memory_space<semaphore_mem>>) src(%dma_wait3A_398 : memref<80xi32, #tpu.memory_space<hbm>>) dst(%arg6 : memref<80xi32, #tpu.memory_space<vmem>>)
      %dma_wait3A_399 = tpu.memref_slice %arg4[%add3A_396] : memref<320000xi32, #tpu.memory_space<hbm>> -> memref<80xi32, #tpu.memory_space<hbm>>
      %dma_wait3A_400 = tpu.memref_slice %arg4[%add3A_396] : memref<320000xi32, #tpu.memory_space<hbm>> -> memref<80xi32, #tpu.memory_space<hbm>>
      tpu.wait_dma2 semaphore(%arg20 : memref<!tpu.dma_semaphore, #tpu.memory_space<semaphore_mem>>) src(%dma_wait3A_400 : memref<80xi32, #tpu.memory_space<hbm>>) dst(%arg10 : memref<80xi32, #tpu.memory_space<vmem>>)
      %dma_start3A_401 = arith.constant 0 : i32
      %dma_start3A_402 = arith.constant 0 : i32
      %dma_start3A_403 = tpu.memref_slice %arg2[%dma_start3A_401, %dma_start3A_402] : memref<10000x128xf32, #tpu.memory_space<hbm>> -> memref<10000x128xf32, #tpu.memory_space<hbm>>
      tpu.enqueue_indirect_dma source(%dma_start3A_403 : memref<10000x128xf32, #tpu.memory_space<hbm>>) target(%arg14 : memref<80x128xf32, #tpu.memory_space<vmem>>) offsets(%arg6 : memref<80xi32, #tpu.memory_space<vmem>>) semaphore(%arg24 : memref<!tpu.dma_semaphore, #tpu.memory_space<semaphore_mem>>)
      %sub3A_404 = arith.constant 2 : i32
      %sub3A_405 = arith.subi %add3A_379, %sub3A_404 : i32
      %dma_wait3A_406 = arith.constant 0 : i32
      %dma_wait3A_407 = arith.constant 0 : i32
      %dma_wait3A_408 = tpu.memref_slice %arg2[%dma_wait3A_406, %dma_wait3A_407] : memref<10000x128xf32, #tpu.memory_space<hbm>> -> memref<10000x128xf32, #tpu.memory_space<hbm>>
      tpu.wait_indirect_dma semaphore(%arg27 : memref<!tpu.dma_semaphore, #tpu.memory_space<semaphore_mem>>) src(%dma_wait3A_408 : memref<10000x128xf32, #tpu.memory_space<hbm>>) dst(%arg17 : memref<80x128xf32, #tpu.memory_space<vmem>>)
      %dma_start3A_409 = arith.constant 0 : i32
      %dma_start3A_410 = arith.constant 0 : i32
      %dma_start3A_411 = tpu.memref_slice %arg19[%dma_start3A_409, %dma_start3A_410] : memref<10240x128xf32, #tpu.memory_space<vmem_shared>> -> memref<10240x128xf32, #tpu.memory_space<vmem_shared>>
      tpu.enqueue_indirect_dma source(%arg17 : memref<80x128xf32, #tpu.memory_space<vmem>>) target(%dma_start3A_411 : memref<10240x128xf32, #tpu.memory_space<vmem_shared>>) offsets(%arg13 : memref<80xi32, #tpu.memory_space<vmem>>) semaphore(%arg31 : memref<!tpu.dma_semaphore, #tpu.memory_space<semaphore_mem>>) {add = true}
      %mul3A_412 = arith.constant 4 : i32
      %mul3A_413 = arith.muli %scan3A_340, %mul3A_412 : i32
      %add3A_414 = arith.constant 2 : i32
      %add3A_415 = arith.addi %mul3A_413, %add3A_414 : i32
      %sub3A_416 = arith.constant 4 : i32
      %sub3A_417 = arith.subi %add3A_415, %sub3A_416 : i32
      %dma_wait3A_418 = arith.constant 0 : i32
      %dma_wait3A_419 = arith.constant 0 : i32
      %dma_wait3A_420 = tpu.memref_slice %arg19[%dma_wait3A_418, %dma_wait3A_419] : memref<10240x128xf32, #tpu.memory_space<vmem_shared>> -> memref<10240x128xf32, #tpu.memory_space<vmem_shared>>
      tpu.wait_indirect_dma semaphore(%arg30 : memref<!tpu.dma_semaphore, #tpu.memory_space<semaphore_mem>>) src(%arg16 : memref<80x128xf32, #tpu.memory_space<vmem>>) dst(%dma_wait3A_420 : memref<10240x128xf32, #tpu.memory_space<vmem_shared>>)
      %mul3A_421 = arith.constant 80 : i32
      %mul3A_422 = arith.muli %add3A_415, %mul3A_421 : i32
      %add3A_423 = arith.addi %mul3A_208, %mul3A_422 : i32
      %dma_start3A_424 = tpu.memref_slice %arg3[%add3A_423] : memref<320000xi32, #tpu.memory_space<hbm>> -> memref<80xi32, #tpu.memory_space<hbm>>
      %dma_start3A_425 = tpu.memref_slice %arg3[%add3A_423] : memref<320000xi32, #tpu.memory_space<hbm>> -> memref<80xi32, #tpu.memory_space<hbm>>
      tpu.enqueue_dma source(%dma_start3A_425 : memref<80xi32, #tpu.memory_space<hbm>>) target(%arg8 : memref<80xi32, #tpu.memory_space<vmem>>) target_semaphore(%arg22 : memref<!tpu.dma_semaphore, #tpu.memory_space<semaphore_mem>>)
      %dma_start3A_426 = tpu.memref_slice %arg4[%add3A_423] : memref<320000xi32, #tpu.memory_space<hbm>> -> memref<80xi32, #tpu.memory_space<hbm>>
      %dma_start3A_427 = tpu.memref_slice %arg4[%add3A_423] : memref<320000xi32, #tpu.memory_space<hbm>> -> memref<80xi32, #tpu.memory_space<hbm>>
      tpu.enqueue_dma source(%dma_start3A_427 : memref<80xi32, #tpu.memory_space<hbm>>) target(%arg12 : memref<80xi32, #tpu.memory_space<vmem>>) target_semaphore(%arg22 : memref<!tpu.dma_semaphore, #tpu.memory_space<semaphore_mem>>)
      %sub3A_428 = arith.constant 1 : i32
      %sub3A_429 = arith.subi %add3A_415, %sub3A_428 : i32
      %mul3A_430 = arith.constant 80 : i32
      %mul3A_431 = arith.muli %sub3A_429, %mul3A_430 : i32
      %add3A_432 = arith.addi %mul3A_208, %mul3A_431 : i32
      %dma_wait3A_433 = tpu.memref_slice %arg3[%add3A_432] : memref<320000xi32, #tpu.memory_space<hbm>> -> memref<80xi32, #tpu.memory_space<hbm>>
      %dma_wait3A_434 = tpu.memref_slice %arg3[%add3A_432] : memref<320000xi32, #tpu.memory_space<hbm>> -> memref<80xi32, #tpu.memory_space<hbm>>
      tpu.wait_dma2 semaphore(%arg21 : memref<!tpu.dma_semaphore, #tpu.memory_space<semaphore_mem>>) src(%dma_wait3A_434 : memref<80xi32, #tpu.memory_space<hbm>>) dst(%arg7 : memref<80xi32, #tpu.memory_space<vmem>>)
      %dma_wait3A_435 = tpu.memref_slice %arg4[%add3A_432] : memref<320000xi32, #tpu.memory_space<hbm>> -> memref<80xi32, #tpu.memory_space<hbm>>
      %dma_wait3A_436 = tpu.memref_slice %arg4[%add3A_432] : memref<320000xi32, #tpu.memory_space<hbm>> -> memref<80xi32, #tpu.memory_space<hbm>>
      tpu.wait_dma2 semaphore(%arg21 : memref<!tpu.dma_semaphore, #tpu.memory_space<semaphore_mem>>) src(%dma_wait3A_436 : memref<80xi32, #tpu.memory_space<hbm>>) dst(%arg11 : memref<80xi32, #tpu.memory_space<vmem>>)
      %dma_start3A_437 = arith.constant 0 : i32
      %dma_start3A_438 = arith.constant 0 : i32
      %dma_start3A_439 = tpu.memref_slice %arg2[%dma_start3A_437, %dma_start3A_438] : memref<10000x128xf32, #tpu.memory_space<hbm>> -> memref<10000x128xf32, #tpu.memory_space<hbm>>
      tpu.enqueue_indirect_dma source(%dma_start3A_439 : memref<10000x128xf32, #tpu.memory_space<hbm>>) target(%arg15 : memref<80x128xf32, #tpu.memory_space<vmem>>) offsets(%arg7 : memref<80xi32, #tpu.memory_space<vmem>>) semaphore(%arg25 : memref<!tpu.dma_semaphore, #tpu.memory_space<semaphore_mem>>)
      %sub3A_440 = arith.constant 2 : i32
      %sub3A_441 = arith.subi %add3A_415, %sub3A_440 : i32
      %dma_wait3A_442 = arith.constant 0 : i32
      %dma_wait3A_443 = arith.constant 0 : i32
      %dma_wait3A_444 = tpu.memref_slice %arg2[%dma_wait3A_442, %dma_wait3A_443] : memref<10000x128xf32, #tpu.memory_space<hbm>> -> memref<10000x128xf32, #tpu.memory_space<hbm>>
      tpu.wait_indirect_dma semaphore(%arg24 : memref<!tpu.dma_semaphore, #tpu.memory_space<semaphore_mem>>) src(%dma_wait3A_444 : memref<10000x128xf32, #tpu.memory_space<hbm>>) dst(%arg14 : memref<80x128xf32, #tpu.memory_space<vmem>>)
      %dma_start3A_445 = arith.constant 0 : i32
      %dma_start3A_446 = arith.constant 0 : i32
      %dma_start3A_447 = tpu.memref_slice %arg19[%dma_start3A_445, %dma_start3A_446] : memref<10240x128xf32, #tpu.memory_space<vmem_shared>> -> memref<10240x128xf32, #tpu.memory_space<vmem_shared>>
      tpu.enqueue_indirect_dma source(%arg14 : memref<80x128xf32, #tpu.memory_space<vmem>>) target(%dma_start3A_447 : memref<10240x128xf32, #tpu.memory_space<vmem_shared>>) offsets(%arg10 : memref<80xi32, #tpu.memory_space<vmem>>) semaphore(%arg28 : memref<!tpu.dma_semaphore, #tpu.memory_space<semaphore_mem>>) {add = true}
      %mul3A_448 = arith.constant 4 : i32
      %mul3A_449 = arith.muli %scan3A_340, %mul3A_448 : i32
      %add3A_450 = arith.constant 3 : i32
      %add3A_451 = arith.addi %mul3A_449, %add3A_450 : i32
      %sub3A_452 = arith.constant 4 : i32
      %sub3A_453 = arith.subi %add3A_451, %sub3A_452 : i32
      %dma_wait3A_454 = arith.constant 0 : i32
      %dma_wait3A_455 = arith.constant 0 : i32
      %dma_wait3A_456 = tpu.memref_slice %arg19[%dma_wait3A_454, %dma_wait3A_455] : memref<10240x128xf32, #tpu.memory_space<vmem_shared>> -> memref<10240x128xf32, #tpu.memory_space<vmem_shared>>
      tpu.wait_indirect_dma semaphore(%arg31 : memref<!tpu.dma_semaphore, #tpu.memory_space<semaphore_mem>>) src(%arg17 : memref<80x128xf32, #tpu.memory_space<vmem>>) dst(%dma_wait3A_456 : memref<10240x128xf32, #tpu.memory_space<vmem_shared>>)
      %mul3A_457 = arith.constant 80 : i32
      %mul3A_458 = arith.muli %add3A_451, %mul3A_457 : i32
      %add3A_459 = arith.addi %mul3A_208, %mul3A_458 : i32
      %dma_start3A_460 = tpu.memref_slice %arg3[%add3A_459] : memref<320000xi32, #tpu.memory_space<hbm>> -> memref<80xi32, #tpu.memory_space<hbm>>
      %dma_start3A_461 = tpu.memref_slice %arg3[%add3A_459] : memref<320000xi32, #tpu.memory_space<hbm>> -> memref<80xi32, #tpu.memory_space<hbm>>
      tpu.enqueue_dma source(%dma_start3A_461 : memref<80xi32, #tpu.memory_space<hbm>>) target(%arg9 : memref<80xi32, #tpu.memory_space<vmem>>) target_semaphore(%arg23 : memref<!tpu.dma_semaphore, #tpu.memory_space<semaphore_mem>>)
      %dma_start3A_462 = tpu.memref_slice %arg4[%add3A_459] : memref<320000xi32, #tpu.memory_space<hbm>> -> memref<80xi32, #tpu.memory_space<hbm>>
      %dma_start3A_463 = tpu.memref_slice %arg4[%add3A_459] : memref<320000xi32, #tpu.memory_space<hbm>> -> memref<80xi32, #tpu.memory_space<hbm>>
      tpu.enqueue_dma source(%dma_start3A_463 : memref<80xi32, #tpu.memory_space<hbm>>) target(%arg13 : memref<80xi32, #tpu.memory_space<vmem>>) target_semaphore(%arg23 : memref<!tpu.dma_semaphore, #tpu.memory_space<semaphore_mem>>)
      %sub3A_464 = arith.constant 1 : i32
      %sub3A_465 = arith.subi %add3A_451, %sub3A_464 : i32
      %mul3A_466 = arith.constant 80 : i32
      %mul3A_467 = arith.muli %sub3A_465, %mul3A_466 : i32
      %add3A_468 = arith.addi %mul3A_208, %mul3A_467 : i32
      %dma_wait3A_469 = tpu.memref_slice %arg3[%add3A_468] : memref<320000xi32, #tpu.memory_space<hbm>> -> memref<80xi32, #tpu.memory_space<hbm>>
      %dma_wait3A_470 = tpu.memref_slice %arg3[%add3A_468] : memref<320000xi32, #tpu.memory_space<hbm>> -> memref<80xi32, #tpu.memory_space<hbm>>
      tpu.wait_dma2 semaphore(%arg22 : memref<!tpu.dma_semaphore, #tpu.memory_space<semaphore_mem>>) src(%dma_wait3A_470 : memref<80xi32, #tpu.memory_space<hbm>>) dst(%arg8 : memref<80xi32, #tpu.memory_space<vmem>>)
      %dma_wait3A_471 = tpu.memref_slice %arg4[%add3A_468] : memref<320000xi32, #tpu.memory_space<hbm>> -> memref<80xi32, #tpu.memory_space<hbm>>
      %dma_wait3A_472 = tpu.memref_slice %arg4[%add3A_468] : memref<320000xi32, #tpu.memory_space<hbm>> -> memref<80xi32, #tpu.memory_space<hbm>>
      tpu.wait_dma2 semaphore(%arg22 : memref<!tpu.dma_semaphore, #tpu.memory_space<semaphore_mem>>) src(%dma_wait3A_472 : memref<80xi32, #tpu.memory_space<hbm>>) dst(%arg12 : memref<80xi32, #tpu.memory_space<vmem>>)
      %dma_start3A_473 = arith.constant 0 : i32
      %dma_start3A_474 = arith.constant 0 : i32
      %dma_start3A_475 = tpu.memref_slice %arg2[%dma_start3A_473, %dma_start3A_474] : memref<10000x128xf32, #tpu.memory_space<hbm>> -> memref<10000x128xf32, #tpu.memory_space<hbm>>
      tpu.enqueue_indirect_dma source(%dma_start3A_475 : memref<10000x128xf32, #tpu.memory_space<hbm>>) target(%arg16 : memref<80x128xf32, #tpu.memory_space<vmem>>) offsets(%arg8 : memref<80xi32, #tpu.memory_space<vmem>>) semaphore(%arg26 : memref<!tpu.dma_semaphore, #tpu.memory_space<semaphore_mem>>)
      %sub3A_476 = arith.constant 2 : i32
      %sub3A_477 = arith.subi %add3A_451, %sub3A_476 : i32
      %dma_wait3A_478 = arith.constant 0 : i32
      %dma_wait3A_479 = arith.constant 0 : i32
      %dma_wait3A_480 = tpu.memref_slice %arg2[%dma_wait3A_478, %dma_wait3A_479] : memref<10000x128xf32, #tpu.memory_space<hbm>> -> memref<10000x128xf32, #tpu.memory_space<hbm>>
      tpu.wait_indirect_dma semaphore(%arg25 : memref<!tpu.dma_semaphore, #tpu.memory_space<semaphore_mem>>) src(%dma_wait3A_480 : memref<10000x128xf32, #tpu.memory_space<hbm>>) dst(%arg15 : memref<80x128xf32, #tpu.memory_space<vmem>>)
      %dma_start3A_481 = arith.constant 0 : i32
      %dma_start3A_482 = arith.constant 0 : i32
      %dma_start3A_483 = tpu.memref_slice %arg19[%dma_start3A_481, %dma_start3A_482] : memref<10240x128xf32, #tpu.memory_space<vmem_shared>> -> memref<10240x128xf32, #tpu.memory_space<vmem_shared>>
      tpu.enqueue_indirect_dma source(%arg15 : memref<80x128xf32, #tpu.memory_space<vmem>>) target(%dma_start3A_483 : memref<10240x128xf32, #tpu.memory_space<vmem_shared>>) offsets(%arg11 : memref<80xi32, #tpu.memory_space<vmem>>) semaphore(%arg29 : memref<!tpu.dma_semaphore, #tpu.memory_space<semaphore_mem>>) {add = true}
    }
    %scan3A_277 = arith.constant 30 : i32
    %dma_wait3A_278 = arith.constant 0 : i32
    %dma_wait3A_279 = arith.constant 0 : i32
    %dma_wait3A_280 = tpu.memref_slice %arg19[%dma_wait3A_278, %dma_wait3A_279] : memref<10240x128xf32, #tpu.memory_space<vmem_shared>> -> memref<10240x128xf32, #tpu.memory_space<vmem_shared>>
    tpu.wait_indirect_dma semaphore(%arg28 : memref<!tpu.dma_semaphore, #tpu.memory_space<semaphore_mem>>) src(%arg14 : memref<80x128xf32, #tpu.memory_space<vmem>>) dst(%dma_wait3A_280 : memref<10240x128xf32, #tpu.memory_space<vmem_shared>>)
    %add3A_281 = arith.constant 9920 : i32
    %add3A_282 = arith.addi %mul3A_208, %add3A_281 : i32
    %dma_start3A_283 = tpu.memref_slice %arg3[%add3A_282] : memref<320000xi32, #tpu.memory_space<hbm>> -> memref<80xi32, #tpu.memory_space<hbm>>
    %dma_start3A_284 = tpu.memref_slice %arg3[%add3A_282] : memref<320000xi32, #tpu.memory_space<hbm>> -> memref<80xi32, #tpu.memory_space<hbm>>
    tpu.enqueue_dma source(%dma_start3A_284 : memref<80xi32, #tpu.memory_space<hbm>>) target(%arg6 : memref<80xi32, #tpu.memory_space<vmem>>) target_semaphore(%arg20 : memref<!tpu.dma_semaphore, #tpu.memory_space<semaphore_mem>>)
    %dma_start3A_285 = tpu.memref_slice %arg4[%add3A_282] : memref<320000xi32, #tpu.memory_space<hbm>> -> memref<80xi32, #tpu.memory_space<hbm>>
    %dma_start3A_286 = tpu.memref_slice %arg4[%add3A_282] : memref<320000xi32, #tpu.memory_space<hbm>> -> memref<80xi32, #tpu.memory_space<hbm>>
    tpu.enqueue_dma source(%dma_start3A_286 : memref<80xi32, #tpu.memory_space<hbm>>) target(%arg10 : memref<80xi32, #tpu.memory_space<vmem>>) target_semaphore(%arg20 : memref<!tpu.dma_semaphore, #tpu.memory_space<semaphore_mem>>)
    %add3A_287 = arith.constant 9840 : i32
    %add3A_288 = arith.addi %mul3A_208, %add3A_287 : i32
    %dma_wait3A_289 = tpu.memref_slice %arg3[%add3A_288] : memref<320000xi32, #tpu.memory_space<hbm>> -> memref<80xi32, #tpu.memory_space<hbm>>
    %dma_wait3A_290 = tpu.memref_slice %arg3[%add3A_288] : memref<320000xi32, #tpu.memory_space<hbm>> -> memref<80xi32, #tpu.memory_space<hbm>>
    tpu.wait_dma2 semaphore(%arg23 : memref<!tpu.dma_semaphore, #tpu.memory_space<semaphore_mem>>) src(%dma_wait3A_290 : memref<80xi32, #tpu.memory_space<hbm>>) dst(%arg9 : memref<80xi32, #tpu.memory_space<vmem>>)
    %dma_wait3A_291 = tpu.memref_slice %arg4[%add3A_288] : memref<320000xi32, #tpu.memory_space<hbm>> -> memref<80xi32, #tpu.memory_space<hbm>>
    %dma_wait3A_292 = tpu.memref_slice %arg4[%add3A_288] : memref<320000xi32, #tpu.memory_space<hbm>> -> memref<80xi32, #tpu.memory_space<hbm>>
    tpu.wait_dma2 semaphore(%arg23 : memref<!tpu.dma_semaphore, #tpu.memory_space<semaphore_mem>>) src(%dma_wait3A_292 : memref<80xi32, #tpu.memory_space<hbm>>) dst(%arg13 : memref<80xi32, #tpu.memory_space<vmem>>)
    %dma_start3A_293 = arith.constant 0 : i32
    %dma_start3A_294 = arith.constant 0 : i32
    %dma_start3A_295 = tpu.memref_slice %arg2[%dma_start3A_293, %dma_start3A_294] : memref<10000x128xf32, #tpu.memory_space<hbm>> -> memref<10000x128xf32, #tpu.memory_space<hbm>>
    tpu.enqueue_indirect_dma source(%dma_start3A_295 : memref<10000x128xf32, #tpu.memory_space<hbm>>) target(%arg17 : memref<80x128xf32, #tpu.memory_space<vmem>>) offsets(%arg9 : memref<80xi32, #tpu.memory_space<vmem>>) semaphore(%arg27 : memref<!tpu.dma_semaphore, #tpu.memory_space<semaphore_mem>>)
    %dma_wait3A_296 = arith.constant 0 : i32
    %dma_wait3A_297 = arith.constant 0 : i32
    %dma_wait3A_298 = tpu.memref_slice %arg2[%dma_wait3A_296, %dma_wait3A_297] : memref<10000x128xf32, #tpu.memory_space<hbm>> -> memref<10000x128xf32, #tpu.memory_space<hbm>>
    tpu.wait_indirect_dma semaphore(%arg26 : memref<!tpu.dma_semaphore, #tpu.memory_space<semaphore_mem>>) src(%dma_wait3A_298 : memref<10000x128xf32, #tpu.memory_space<hbm>>) dst(%arg16 : memref<80x128xf32, #tpu.memory_space<vmem>>)
    %dma_start3A_299 = arith.constant 0 : i32
    %dma_start3A_300 = arith.constant 0 : i32
    %dma_start3A_301 = tpu.memref_slice %arg19[%dma_start3A_299, %dma_start3A_300] : memref<10240x128xf32, #tpu.memory_space<vmem_shared>> -> memref<10240x128xf32, #tpu.memory_space<vmem_shared>>
    tpu.enqueue_indirect_dma source(%arg16 : memref<80x128xf32, #tpu.memory_space<vmem>>) target(%dma_start3A_301 : memref<10240x128xf32, #tpu.memory_space<vmem_shared>>) offsets(%arg12 : memref<80xi32, #tpu.memory_space<vmem>>) semaphore(%arg30 : memref<!tpu.dma_semaphore, #tpu.memory_space<semaphore_mem>>) {add = true}
    %dma_wait3A_302 = arith.constant 0 : i32
    %dma_wait3A_303 = arith.constant 0 : i32
    %dma_wait3A_304 = tpu.memref_slice %arg19[%dma_wait3A_302, %dma_wait3A_303] : memref<10240x128xf32, #tpu.memory_space<vmem_shared>> -> memref<10240x128xf32, #tpu.memory_space<vmem_shared>>
    tpu.wait_indirect_dma semaphore(%arg29 : memref<!tpu.dma_semaphore, #tpu.memory_space<semaphore_mem>>) src(%arg15 : memref<80x128xf32, #tpu.memory_space<vmem>>) dst(%dma_wait3A_304 : memref<10240x128xf32, #tpu.memory_space<vmem_shared>>)
    %add3A_305 = arith.constant 9920 : i32
    %add3A_306 = arith.addi %mul3A_208, %add3A_305 : i32
    %dma_wait3A_307 = tpu.memref_slice %arg3[%add3A_306] : memref<320000xi32, #tpu.memory_space<hbm>> -> memref<80xi32, #tpu.memory_space<hbm>>
    %dma_wait3A_308 = tpu.memref_slice %arg3[%add3A_306] : memref<320000xi32, #tpu.memory_space<hbm>> -> memref<80xi32, #tpu.memory_space<hbm>>
    tpu.wait_dma2 semaphore(%arg20 : memref<!tpu.dma_semaphore, #tpu.memory_space<semaphore_mem>>) src(%dma_wait3A_308 : memref<80xi32, #tpu.memory_space<hbm>>) dst(%arg6 : memref<80xi32, #tpu.memory_space<vmem>>)
    %dma_wait3A_309 = tpu.memref_slice %arg4[%add3A_306] : memref<320000xi32, #tpu.memory_space<hbm>> -> memref<80xi32, #tpu.memory_space<hbm>>
    %dma_wait3A_310 = tpu.memref_slice %arg4[%add3A_306] : memref<320000xi32, #tpu.memory_space<hbm>> -> memref<80xi32, #tpu.memory_space<hbm>>
    tpu.wait_dma2 semaphore(%arg20 : memref<!tpu.dma_semaphore, #tpu.memory_space<semaphore_mem>>) src(%dma_wait3A_310 : memref<80xi32, #tpu.memory_space<hbm>>) dst(%arg10 : memref<80xi32, #tpu.memory_space<vmem>>)
    %dma_start3A_311 = arith.constant 0 : i32
    %dma_start3A_312 = arith.constant 0 : i32
    %dma_start3A_313 = tpu.memref_slice %arg2[%dma_start3A_311, %dma_start3A_312] : memref<10000x128xf32, #tpu.memory_space<hbm>> -> memref<10000x128xf32, #tpu.memory_space<hbm>>
    tpu.enqueue_indirect_dma source(%dma_start3A_313 : memref<10000x128xf32, #tpu.memory_space<hbm>>) target(%arg14 : memref<80x128xf32, #tpu.memory_space<vmem>>) offsets(%arg6 : memref<80xi32, #tpu.memory_space<vmem>>) semaphore(%arg24 : memref<!tpu.dma_semaphore, #tpu.memory_space<semaphore_mem>>)
    %dma_wait3A_314 = arith.constant 0 : i32
    %dma_wait3A_315 = arith.constant 0 : i32
    %dma_wait3A_316 = tpu.memref_slice %arg2[%dma_wait3A_314, %dma_wait3A_315] : memref<10000x128xf32, #tpu.memory_space<hbm>> -> memref<10000x128xf32, #tpu.memory_space<hbm>>
    tpu.wait_indirect_dma semaphore(%arg27 : memref<!tpu.dma_semaphore, #tpu.memory_space<semaphore_mem>>) src(%dma_wait3A_316 : memref<10000x128xf32, #tpu.memory_space<hbm>>) dst(%arg17 : memref<80x128xf32, #tpu.memory_space<vmem>>)
    %dma_start3A_317 = arith.constant 0 : i32
    %dma_start3A_318 = arith.constant 0 : i32
    %dma_start3A_319 = tpu.memref_slice %arg19[%dma_start3A_317, %dma_start3A_318] : memref<10240x128xf32, #tpu.memory_space<vmem_shared>> -> memref<10240x128xf32, #tpu.memory_space<vmem_shared>>
    tpu.enqueue_indirect_dma source(%arg17 : memref<80x128xf32, #tpu.memory_space<vmem>>) target(%dma_start3A_319 : memref<10240x128xf32, #tpu.memory_space<vmem_shared>>) offsets(%arg13 : memref<80xi32, #tpu.memory_space<vmem>>) semaphore(%arg31 : memref<!tpu.dma_semaphore, #tpu.memory_space<semaphore_mem>>) {add = true}
    %dma_wait3A_320 = arith.constant 0 : i32
    %dma_wait3A_321 = arith.constant 0 : i32
    %dma_wait3A_322 = tpu.memref_slice %arg19[%dma_wait3A_320, %dma_wait3A_321] : memref<10240x128xf32, #tpu.memory_space<vmem_shared>> -> memref<10240x128xf32, #tpu.memory_space<vmem_shared>>
    tpu.wait_indirect_dma semaphore(%arg30 : memref<!tpu.dma_semaphore, #tpu.memory_space<semaphore_mem>>) src(%arg16 : memref<80x128xf32, #tpu.memory_space<vmem>>) dst(%dma_wait3A_322 : memref<10240x128xf32, #tpu.memory_space<vmem_shared>>)
    %dma_wait3A_323 = arith.constant 0 : i32
    %dma_wait3A_324 = arith.constant 0 : i32
    %dma_wait3A_325 = tpu.memref_slice %arg2[%dma_wait3A_323, %dma_wait3A_324] : memref<10000x128xf32, #tpu.memory_space<hbm>> -> memref<10000x128xf32, #tpu.memory_space<hbm>>
    tpu.wait_indirect_dma semaphore(%arg24 : memref<!tpu.dma_semaphore, #tpu.memory_space<semaphore_mem>>) src(%dma_wait3A_325 : memref<10000x128xf32, #tpu.memory_space<hbm>>) dst(%arg14 : memref<80x128xf32, #tpu.memory_space<vmem>>)
    %dma_start3A_326 = arith.constant 0 : i32
    %dma_start3A_327 = arith.constant 0 : i32
    %dma_start3A_328 = tpu.memref_slice %arg19[%dma_start3A_326, %dma_start3A_327] : memref<10240x128xf32, #tpu.memory_space<vmem_shared>> -> memref<10240x128xf32, #tpu.memory_space<vmem_shared>>
    tpu.enqueue_indirect_dma source(%arg14 : memref<80x128xf32, #tpu.memory_space<vmem>>) target(%dma_start3A_328 : memref<10240x128xf32, #tpu.memory_space<vmem_shared>>) offsets(%arg10 : memref<80xi32, #tpu.memory_space<vmem>>) semaphore(%arg28 : memref<!tpu.dma_semaphore, #tpu.memory_space<semaphore_mem>>) {add = true}
    %dma_wait3A_329 = arith.constant 0 : i32
    %dma_wait3A_330 = arith.constant 0 : i32
    %dma_wait3A_331 = tpu.memref_slice %arg19[%dma_wait3A_329, %dma_wait3A_330] : memref<10240x128xf32, #tpu.memory_space<vmem_shared>> -> memref<10240x128xf32, #tpu.memory_space<vmem_shared>>
    tpu.wait_indirect_dma semaphore(%arg31 : memref<!tpu.dma_semaphore, #tpu.memory_space<semaphore_mem>>) src(%arg17 : memref<80x128xf32, #tpu.memory_space<vmem>>) dst(%dma_wait3A_331 : memref<10240x128xf32, #tpu.memory_space<vmem_shared>>)
    %dma_wait3A_332 = arith.constant 0 : i32
    %dma_wait3A_333 = arith.constant 0 : i32
    %dma_wait3A_334 = tpu.memref_slice %arg19[%dma_wait3A_332, %dma_wait3A_333] : memref<10240x128xf32, #tpu.memory_space<vmem_shared>> -> memref<10240x128xf32, #tpu.memory_space<vmem_shared>>
    tpu.wait_indirect_dma semaphore(%arg28 : memref<!tpu.dma_semaphore, #tpu.memory_space<semaphore_mem>>) src(%arg14 : memref<80x128xf32, #tpu.memory_space<vmem>>) dst(%dma_wait3A_334 : memref<10240x128xf32, #tpu.memory_space<vmem_shared>>)
    %barrier3A_335 = arith.constant 0 : index
    tpu.barrier barrier_id(%barrier3A_335)
    %mul3A_336 = arith.constant 640 : i32
    %mul3A_337 = arith.muli %arg1, %mul3A_336 : i32
    %mul3A_338 = arith.constant 640 : i32
    %mul3A_339 = arith.muli %arg1, %mul3A_338 : i32
    "tpu.region"() ({
      %run_scoped3A = tpu.sem_alloc : memref<!tpu.dma_semaphore, #tpu.memory_space<semaphore_mem>>
      %dma_start3A_340 = arith.constant 0 : i32
      %dma_start3A_341 = tpu.memref_slice %arg5[%arg0, %mul3A_339, %dma_start3A_340] : memref<2x10240x128xf32, #tpu.memory_space<hbm>> -> memref<1x640x128xf32, #tpu.memory_space<hbm>>
      %dma_start3A_342 = tpu.memref_squeeze %dma_start3A_341 : memref<1x640x128xf32, #tpu.memory_space<hbm>> -> memref<640x128xf32, #tpu.memory_space<hbm>>
      %dma_start3A_343 = arith.constant 0 : i32
      %dma_start3A_344 = tpu.memref_slice %arg19[%mul3A_337, %dma_start3A_343] : memref<10240x128xf32, #tpu.memory_space<vmem_shared>> -> memref<640x128xf32, #tpu.memory_space<vmem_shared>>
      tpu.enqueue_dma source(%dma_start3A_344 : memref<640x128xf32, #tpu.memory_space<vmem_shared>>) target(%dma_start3A_342 : memref<640x128xf32, #tpu.memory_space<hbm>>) target_semaphore(%run_scoped3A : memref<!tpu.dma_semaphore, #tpu.memory_space<semaphore_mem>>)
      %dma_wait3A_345 = arith.constant 0 : i32
      %dma_wait3A_346 = tpu.memref_slice %arg5[%arg0, %mul3A_339, %dma_wait3A_345] : memref<2x10240x128xf32, #tpu.memory_space<hbm>> -> memref<1x640x128xf32, #tpu.memory_space<hbm>>
      %dma_wait3A_347 = tpu.memref_squeeze %dma_wait3A_346 : memref<1x640x128xf32, #tpu.memory_space<hbm>> -> memref<640x128xf32, #tpu.memory_space<hbm>>
      %dma_wait3A_348 = arith.constant 0 : i32
      %dma_wait3A_349 = tpu.memref_slice %arg19[%mul3A_337, %dma_wait3A_348] : memref<10240x128xf32, #tpu.memory_space<vmem_shared>> -> memref<640x128xf32, #tpu.memory_space<vmem_shared>>
      tpu.wait_dma2 semaphore(%run_scoped3A : memref<!tpu.dma_semaphore, #tpu.memory_space<semaphore_mem>>) src(%dma_wait3A_349 : memref<640x128xf32, #tpu.memory_space<vmem_shared>>) dst(%dma_wait3A_347 : memref<640x128xf32, #tpu.memory_space<hbm>>)
      tpu.yield
    }) : () -> ()
    return
  }
}

#map = affine_map<(d0, d1) -> (0)>
#map1 = affine_map<(d0, d1) -> (0, 0, 0)>
module attributes {stable_mosaic.version = 14 : i64} {
  func.func @deg_kernel(%arg0: i32, %arg1: i32, %arg2: memref<320000xi32, #tpu.memory_space<hbm>>, %arg3: memref<2x10240x128xf32, #tpu.memory_space<hbm>>, %arg4: memref<80xi32, #tpu.memory_space<vmem>>, %arg5: memref<80xi32, #tpu.memory_space<vmem>>, %arg6: memref<80xi32, #tpu.memory_space<vmem>>, %arg7: memref<80xi32, #tpu.memory_space<vmem>>, %arg8: memref<80xi32, #tpu.memory_space<vmem>>, %arg9: memref<80x128xf32, #tpu.memory_space<vmem>>, %arg10: memref<128x128xf32, #tpu.memory_space<vmem>>, %arg11: memref<10240x128xf32, #tpu.memory_space<vmem_shared>>, %arg12: memref<!tpu.dma_semaphore, #tpu.memory_space<semaphore_mem>>, %arg13: memref<!tpu.dma_semaphore, #tpu.memory_space<semaphore_mem>>, %arg14: memref<!tpu.dma_semaphore, #tpu.memory_space<semaphore_mem>>, %arg15: memref<!tpu.dma_semaphore, #tpu.memory_space<semaphore_mem>>, %arg16: memref<!tpu.dma_semaphore, #tpu.memory_space<semaphore_mem>>, %arg17: memref<!tpu.dma_semaphore, #tpu.memory_space<semaphore_mem>>, %arg18: memref<!tpu.dma_semaphore, #tpu.memory_space<semaphore_mem>>, %arg19: memref<!tpu.dma_semaphore, #tpu.memory_space<semaphore_mem>>, %arg20: memref<!tpu.dma_semaphore, #tpu.memory_space<semaphore_mem>>, %arg21: memref<!tpu.dma_semaphore, #tpu.memory_space<semaphore_mem>>, %arg22: memref<!tpu.dma_semaphore, #tpu.memory_space<semaphore_mem>>) attributes {dimension_semantics = [#tpu.dimension_semantics<core_parallel>, #tpu.dimension_semantics<subcore_parallel>], iteration_bounds = array<i64: 2, 16>, scalar_prefetch = 0 : i64, scratch_operands = 19 : i64, tpu.core_type = #tpu.core_type<sc_vector_subcore>, window_params = [{transform_indices = #map}, {transform_indices = #map1}]} {
    %mul3A = arith.constant 2 : i32
    %mul3A_0 = arith.muli %arg1, %mul3A : i32
    %add3A = arith.addi %mul3A_0, %arg0 : i32
    %broadcast_in_dim3A = arith.constant 1.000000e+00 : f32
    %broadcast_in_dim3A_1 = vector.broadcast %broadcast_in_dim3A : f32 to vector<16xf32>
    %scan3A = arith.constant 0 : i32
    %scan3A_2 = arith.constant 0 : i32
    %scan3A_3 = arith.constant 80 : i32
    %scan3A_4 = arith.addi %scan3A_2, %scan3A_3 : i32
    %scan3A_5 = arith.constant 1 : i32
    scf.for %scan3A_148 = %scan3A_2 to %scan3A_4 step %scan3A_5  : i32 {
      %swap3A = arith.index_cast %scan3A_148 : i32 to index
      %swap3A_149 = arith.constant 0 : index
      %swap3A_150 = tpu.vector_load %arg9[%swap3A, %swap3A_149] {strides = array<i32>} : memref<80x128xf32, #tpu.memory_space<vmem>>, vector<1x16xf32>,
      %swap3A_151 = vector.shape_cast %swap3A_150 : vector<1x16xf32> to vector<16xf32>
      %swap3A_152 = vector.shape_cast %broadcast_in_dim3A_1 : vector<16xf32> to vector<1x16xf32>
      tpu.vector_store %arg9[%swap3A, %swap3A_149], %swap3A_152 {strides = array<i32>} : memref<80x128xf32, #tpu.memory_space<vmem>>, vector<1x16xf32>,
      %swap3A_153 = arith.index_cast %scan3A_148 : i32 to index
      %swap3A_154 = arith.constant 16 : index
      %swap3A_155 = tpu.vector_load %arg9[%swap3A_153, %swap3A_154] {strides = array<i32>} : memref<80x128xf32, #tpu.memory_space<vmem>>, vector<1x16xf32>,
      %swap3A_156 = vector.shape_cast %swap3A_155 : vector<1x16xf32> to vector<16xf32>
      %swap3A_157 = vector.shape_cast %broadcast_in_dim3A_1 : vector<16xf32> to vector<1x16xf32>
      tpu.vector_store %arg9[%swap3A_153, %swap3A_154], %swap3A_157 {strides = array<i32>} : memref<80x128xf32, #tpu.memory_space<vmem>>, vector<1x16xf32>,
      %swap3A_158 = arith.index_cast %scan3A_148 : i32 to index
      %swap3A_159 = arith.constant 32 : index
      %swap3A_160 = tpu.vector_load %arg9[%swap3A_158, %swap3A_159] {strides = array<i32>} : memref<80x128xf32, #tpu.memory_space<vmem>>, vector<1x16xf32>,
      %swap3A_161 = vector.shape_cast %swap3A_160 : vector<1x16xf32> to vector<16xf32>
      %swap3A_162 = vector.shape_cast %broadcast_in_dim3A_1 : vector<16xf32> to vector<1x16xf32>
      tpu.vector_store %arg9[%swap3A_158, %swap3A_159], %swap3A_162 {strides = array<i32>} : memref<80x128xf32, #tpu.memory_space<vmem>>, vector<1x16xf32>,
      %swap3A_163 = arith.index_cast %scan3A_148 : i32 to index
      %swap3A_164 = arith.constant 48 : index
      %swap3A_165 = tpu.vector_load %arg9[%swap3A_163, %swap3A_164] {strides = array<i32>} : memref<80x128xf32, #tpu.memory_space<vmem>>, vector<1x16xf32>,
      %swap3A_166 = vector.shape_cast %swap3A_165 : vector<1x16xf32> to vector<16xf32>
      %swap3A_167 = vector.shape_cast %broadcast_in_dim3A_1 : vector<16xf32> to vector<1x16xf32>
      tpu.vector_store %arg9[%swap3A_163, %swap3A_164], %swap3A_167 {strides = array<i32>} : memref<80x128xf32, #tpu.memory_space<vmem>>, vector<1x16xf32>,
      %swap3A_168 = arith.index_cast %scan3A_148 : i32 to index
      %swap3A_169 = arith.constant 64 : index
      %swap3A_170 = tpu.vector_load %arg9[%swap3A_168, %swap3A_169] {strides = array<i32>} : memref<80x128xf32, #tpu.memory_space<vmem>>, vector<1x16xf32>,
      %swap3A_171 = vector.shape_cast %swap3A_170 : vector<1x16xf32> to vector<16xf32>
      %swap3A_172 = vector.shape_cast %broadcast_in_dim3A_1 : vector<16xf32> to vector<1x16xf32>
      tpu.vector_store %arg9[%swap3A_168, %swap3A_169], %swap3A_172 {strides = array<i32>} : memref<80x128xf32, #tpu.memory_space<vmem>>, vector<1x16xf32>,
      %swap3A_173 = arith.index_cast %scan3A_148 : i32 to index
      %swap3A_174 = arith.constant 80 : index
      %swap3A_175 = tpu.vector_load %arg9[%swap3A_173, %swap3A_174] {strides = array<i32>} : memref<80x128xf32, #tpu.memory_space<vmem>>, vector<1x16xf32>,
      %swap3A_176 = vector.shape_cast %swap3A_175 : vector<1x16xf32> to vector<16xf32>
      %swap3A_177 = vector.shape_cast %broadcast_in_dim3A_1 : vector<16xf32> to vector<1x16xf32>
      tpu.vector_store %arg9[%swap3A_173, %swap3A_174], %swap3A_177 {strides = array<i32>} : memref<80x128xf32, #tpu.memory_space<vmem>>, vector<1x16xf32>,
      %swap3A_178 = arith.index_cast %scan3A_148 : i32 to index
      %swap3A_179 = arith.constant 96 : index
      %swap3A_180 = tpu.vector_load %arg9[%swap3A_178, %swap3A_179] {strides = array<i32>} : memref<80x128xf32, #tpu.memory_space<vmem>>, vector<1x16xf32>,
      %swap3A_181 = vector.shape_cast %swap3A_180 : vector<1x16xf32> to vector<16xf32>
      %swap3A_182 = vector.shape_cast %broadcast_in_dim3A_1 : vector<16xf32> to vector<1x16xf32>
      tpu.vector_store %arg9[%swap3A_178, %swap3A_179], %swap3A_182 {strides = array<i32>} : memref<80x128xf32, #tpu.memory_space<vmem>>, vector<1x16xf32>,
      %swap3A_183 = arith.index_cast %scan3A_148 : i32 to index
      %swap3A_184 = arith.constant 112 : index
      %swap3A_185 = tpu.vector_load %arg9[%swap3A_183, %swap3A_184] {strides = array<i32>} : memref<80x128xf32, #tpu.memory_space<vmem>>, vector<1x16xf32>,
      %swap3A_186 = vector.shape_cast %swap3A_185 : vector<1x16xf32> to vector<16xf32>
      %swap3A_187 = vector.shape_cast %broadcast_in_dim3A_1 : vector<16xf32> to vector<1x16xf32>
      tpu.vector_store %arg9[%swap3A_183, %swap3A_184], %swap3A_187 {strides = array<i32>} : memref<80x128xf32, #tpu.memory_space<vmem>>, vector<1x16xf32>,
    }
    %scan3A_6 = arith.constant 80 : i32
    %broadcast_in_dim3A_7 = arith.constant 0.000000e+00 : f32
    %broadcast_in_dim3A_8 = vector.broadcast %broadcast_in_dim3A_7 : f32 to vector<16xf32>
    %scan3A_9 = arith.constant 0 : i32
    %scan3A_10 = arith.constant 0 : i32
    %scan3A_11 = arith.constant 128 : i32
    %scan3A_12 = arith.addi %scan3A_10, %scan3A_11 : i32
    %scan3A_13 = arith.constant 1 : i32
    scf.for %scan3A_148 = %scan3A_10 to %scan3A_12 step %scan3A_13  : i32 {
      %swap3A = arith.index_cast %scan3A_148 : i32 to index
      %swap3A_149 = arith.constant 0 : index
      %swap3A_150 = tpu.vector_load %arg10[%swap3A, %swap3A_149] {strides = array<i32>} : memref<128x128xf32, #tpu.memory_space<vmem>>, vector<1x16xf32>,
      %swap3A_151 = vector.shape_cast %swap3A_150 : vector<1x16xf32> to vector<16xf32>
      %swap3A_152 = vector.shape_cast %broadcast_in_dim3A_8 : vector<16xf32> to vector<1x16xf32>
      tpu.vector_store %arg10[%swap3A, %swap3A_149], %swap3A_152 {strides = array<i32>} : memref<128x128xf32, #tpu.memory_space<vmem>>, vector<1x16xf32>,
      %swap3A_153 = arith.index_cast %scan3A_148 : i32 to index
      %swap3A_154 = arith.constant 16 : index
      %swap3A_155 = tpu.vector_load %arg10[%swap3A_153, %swap3A_154] {strides = array<i32>} : memref<128x128xf32, #tpu.memory_space<vmem>>, vector<1x16xf32>,
      %swap3A_156 = vector.shape_cast %swap3A_155 : vector<1x16xf32> to vector<16xf32>
      %swap3A_157 = vector.shape_cast %broadcast_in_dim3A_8 : vector<16xf32> to vector<1x16xf32>
      tpu.vector_store %arg10[%swap3A_153, %swap3A_154], %swap3A_157 {strides = array<i32>} : memref<128x128xf32, #tpu.memory_space<vmem>>, vector<1x16xf32>,
      %swap3A_158 = arith.index_cast %scan3A_148 : i32 to index
      %swap3A_159 = arith.constant 32 : index
      %swap3A_160 = tpu.vector_load %arg10[%swap3A_158, %swap3A_159] {strides = array<i32>} : memref<128x128xf32, #tpu.memory_space<vmem>>, vector<1x16xf32>,
      %swap3A_161 = vector.shape_cast %swap3A_160 : vector<1x16xf32> to vector<16xf32>
      %swap3A_162 = vector.shape_cast %broadcast_in_dim3A_8 : vector<16xf32> to vector<1x16xf32>
      tpu.vector_store %arg10[%swap3A_158, %swap3A_159], %swap3A_162 {strides = array<i32>} : memref<128x128xf32, #tpu.memory_space<vmem>>, vector<1x16xf32>,
      %swap3A_163 = arith.index_cast %scan3A_148 : i32 to index
      %swap3A_164 = arith.constant 48 : index
      %swap3A_165 = tpu.vector_load %arg10[%swap3A_163, %swap3A_164] {strides = array<i32>} : memref<128x128xf32, #tpu.memory_space<vmem>>, vector<1x16xf32>,
      %swap3A_166 = vector.shape_cast %swap3A_165 : vector<1x16xf32> to vector<16xf32>
      %swap3A_167 = vector.shape_cast %broadcast_in_dim3A_8 : vector<16xf32> to vector<1x16xf32>
      tpu.vector_store %arg10[%swap3A_163, %swap3A_164], %swap3A_167 {strides = array<i32>} : memref<128x128xf32, #tpu.memory_space<vmem>>, vector<1x16xf32>,
      %swap3A_168 = arith.index_cast %scan3A_148 : i32 to index
      %swap3A_169 = arith.constant 64 : index
      %swap3A_170 = tpu.vector_load %arg10[%swap3A_168, %swap3A_169] {strides = array<i32>} : memref<128x128xf32, #tpu.memory_space<vmem>>, vector<1x16xf32>,
      %swap3A_171 = vector.shape_cast %swap3A_170 : vector<1x16xf32> to vector<16xf32>
      %swap3A_172 = vector.shape_cast %broadcast_in_dim3A_8 : vector<16xf32> to vector<1x16xf32>
      tpu.vector_store %arg10[%swap3A_168, %swap3A_169], %swap3A_172 {strides = array<i32>} : memref<128x128xf32, #tpu.memory_space<vmem>>, vector<1x16xf32>,
      %swap3A_173 = arith.index_cast %scan3A_148 : i32 to index
      %swap3A_174 = arith.constant 80 : index
      %swap3A_175 = tpu.vector_load %arg10[%swap3A_173, %swap3A_174] {strides = array<i32>} : memref<128x128xf32, #tpu.memory_space<vmem>>, vector<1x16xf32>,
      %swap3A_176 = vector.shape_cast %swap3A_175 : vector<1x16xf32> to vector<16xf32>
      %swap3A_177 = vector.shape_cast %broadcast_in_dim3A_8 : vector<16xf32> to vector<1x16xf32>
      tpu.vector_store %arg10[%swap3A_173, %swap3A_174], %swap3A_177 {strides = array<i32>} : memref<128x128xf32, #tpu.memory_space<vmem>>, vector<1x16xf32>,
      %swap3A_178 = arith.index_cast %scan3A_148 : i32 to index
      %swap3A_179 = arith.constant 96 : index
      %swap3A_180 = tpu.vector_load %arg10[%swap3A_178, %swap3A_179] {strides = array<i32>} : memref<128x128xf32, #tpu.memory_space<vmem>>, vector<1x16xf32>,
      %swap3A_181 = vector.shape_cast %swap3A_180 : vector<1x16xf32> to vector<16xf32>
      %swap3A_182 = vector.shape_cast %broadcast_in_dim3A_8 : vector<16xf32> to vector<1x16xf32>
      tpu.vector_store %arg10[%swap3A_178, %swap3A_179], %swap3A_182 {strides = array<i32>} : memref<128x128xf32, #tpu.memory_space<vmem>>, vector<1x16xf32>,
      %swap3A_183 = arith.index_cast %scan3A_148 : i32 to index
      %swap3A_184 = arith.constant 112 : index
      %swap3A_185 = tpu.vector_load %arg10[%swap3A_183, %swap3A_184] {strides = array<i32>} : memref<128x128xf32, #tpu.memory_space<vmem>>, vector<1x16xf32>,
      %swap3A_186 = vector.shape_cast %swap3A_185 : vector<1x16xf32> to vector<16xf32>
      %swap3A_187 = vector.shape_cast %broadcast_in_dim3A_8 : vector<16xf32> to vector<1x16xf32>
      tpu.vector_store %arg10[%swap3A_183, %swap3A_184], %swap3A_187 {strides = array<i32>} : memref<128x128xf32, #tpu.memory_space<vmem>>, vector<1x16xf32>,
    }
    %scan3A_14 = arith.constant 128 : i32
    %mul3A_15 = arith.constant 640 : i32
    %mul3A_16 = arith.muli %arg1, %mul3A_15 : i32
    %add3A_17 = arith.constant 0 : i32
    %add3A_18 = arith.addi %mul3A_16, %add3A_17 : i32
    %dma_start3A = arith.constant 0 : i32
    %dma_start3A_19 = tpu.memref_slice %arg11[%add3A_18, %dma_start3A] : memref<10240x128xf32, #tpu.memory_space<vmem_shared>> -> memref<128x128xf32, #tpu.memory_space<vmem_shared>>
    %dma_start3A_20 = arith.constant 0 : i32
    %dma_start3A_21 = tpu.memref_slice %arg11[%add3A_18, %dma_start3A_20] : memref<10240x128xf32, #tpu.memory_space<vmem_shared>> -> memref<128x128xf32, #tpu.memory_space<vmem_shared>>
    tpu.enqueue_dma source(%arg10 : memref<128x128xf32, #tpu.memory_space<vmem>>) target(%dma_start3A_21 : memref<128x128xf32, #tpu.memory_space<vmem_shared>>) target_semaphore(%arg22 : memref<!tpu.dma_semaphore, #tpu.memory_space<semaphore_mem>>)
    %add3A_22 = arith.constant 128 : i32
    %add3A_23 = arith.addi %mul3A_16, %add3A_22 : i32
    %dma_start3A_24 = arith.constant 0 : i32
    %dma_start3A_25 = tpu.memref_slice %arg11[%add3A_23, %dma_start3A_24] : memref<10240x128xf32, #tpu.memory_space<vmem_shared>> -> memref<128x128xf32, #tpu.memory_space<vmem_shared>>
    %dma_start3A_26 = arith.constant 0 : i32
    %dma_start3A_27 = tpu.memref_slice %arg11[%add3A_23, %dma_start3A_26] : memref<10240x128xf32, #tpu.memory_space<vmem_shared>> -> memref<128x128xf32, #tpu.memory_space<vmem_shared>>
    tpu.enqueue_dma source(%arg10 : memref<128x128xf32, #tpu.memory_space<vmem>>) target(%dma_start3A_27 : memref<128x128xf32, #tpu.memory_space<vmem_shared>>) target_semaphore(%arg22 : memref<!tpu.dma_semaphore, #tpu.memory_space<semaphore_mem>>)
    %add3A_28 = arith.constant 256 : i32
    %add3A_29 = arith.addi %mul3A_16, %add3A_28 : i32
    %dma_start3A_30 = arith.constant 0 : i32
    %dma_start3A_31 = tpu.memref_slice %arg11[%add3A_29, %dma_start3A_30] : memref<10240x128xf32, #tpu.memory_space<vmem_shared>> -> memref<128x128xf32, #tpu.memory_space<vmem_shared>>
    %dma_start3A_32 = arith.constant 0 : i32
    %dma_start3A_33 = tpu.memref_slice %arg11[%add3A_29, %dma_start3A_32] : memref<10240x128xf32, #tpu.memory_space<vmem_shared>> -> memref<128x128xf32, #tpu.memory_space<vmem_shared>>
    tpu.enqueue_dma source(%arg10 : memref<128x128xf32, #tpu.memory_space<vmem>>) target(%dma_start3A_33 : memref<128x128xf32, #tpu.memory_space<vmem_shared>>) target_semaphore(%arg22 : memref<!tpu.dma_semaphore, #tpu.memory_space<semaphore_mem>>)
    %add3A_34 = arith.constant 384 : i32
    %add3A_35 = arith.addi %mul3A_16, %add3A_34 : i32
    %dma_start3A_36 = arith.constant 0 : i32
    %dma_start3A_37 = tpu.memref_slice %arg11[%add3A_35, %dma_start3A_36] : memref<10240x128xf32, #tpu.memory_space<vmem_shared>> -> memref<128x128xf32, #tpu.memory_space<vmem_shared>>
    %dma_start3A_38 = arith.constant 0 : i32
    %dma_start3A_39 = tpu.memref_slice %arg11[%add3A_35, %dma_start3A_38] : memref<10240x128xf32, #tpu.memory_space<vmem_shared>> -> memref<128x128xf32, #tpu.memory_space<vmem_shared>>
    tpu.enqueue_dma source(%arg10 : memref<128x128xf32, #tpu.memory_space<vmem>>) target(%dma_start3A_39 : memref<128x128xf32, #tpu.memory_space<vmem_shared>>) target_semaphore(%arg22 : memref<!tpu.dma_semaphore, #tpu.memory_space<semaphore_mem>>)
    %add3A_40 = arith.constant 512 : i32
    %add3A_41 = arith.addi %mul3A_16, %add3A_40 : i32
    %dma_start3A_42 = arith.constant 0 : i32
    %dma_start3A_43 = tpu.memref_slice %arg11[%add3A_41, %dma_start3A_42] : memref<10240x128xf32, #tpu.memory_space<vmem_shared>> -> memref<128x128xf32, #tpu.memory_space<vmem_shared>>
    %dma_start3A_44 = arith.constant 0 : i32
    %dma_start3A_45 = tpu.memref_slice %arg11[%add3A_41, %dma_start3A_44] : memref<10240x128xf32, #tpu.memory_space<vmem_shared>> -> memref<128x128xf32, #tpu.memory_space<vmem_shared>>
    tpu.enqueue_dma source(%arg10 : memref<128x128xf32, #tpu.memory_space<vmem>>) target(%dma_start3A_45 : memref<128x128xf32, #tpu.memory_space<vmem_shared>>) target_semaphore(%arg22 : memref<!tpu.dma_semaphore, #tpu.memory_space<semaphore_mem>>)
    %dma_wait3A = arith.constant 0 : i32
    %dma_wait3A_46 = tpu.memref_slice %arg11[%mul3A_16, %dma_wait3A] : memref<10240x128xf32, #tpu.memory_space<vmem_shared>> -> memref<128x128xf32, #tpu.memory_space<vmem_shared>>
    %dma_wait3A_47 = arith.constant 0 : i32
    %dma_wait3A_48 = tpu.memref_slice %arg11[%mul3A_16, %dma_wait3A_47] : memref<10240x128xf32, #tpu.memory_space<vmem_shared>> -> memref<128x128xf32, #tpu.memory_space<vmem_shared>>
    tpu.wait_dma2 semaphore(%arg22 : memref<!tpu.dma_semaphore, #tpu.memory_space<semaphore_mem>>) src(%arg10 : memref<128x128xf32, #tpu.memory_space<vmem>>) dst(%dma_wait3A_48 : memref<128x128xf32, #tpu.memory_space<vmem_shared>>)
    %dma_wait3A_49 = arith.constant 0 : i32
    %dma_wait3A_50 = tpu.memref_slice %arg11[%mul3A_16, %dma_wait3A_49] : memref<10240x128xf32, #tpu.memory_space<vmem_shared>> -> memref<128x128xf32, #tpu.memory_space<vmem_shared>>
    %dma_wait3A_51 = arith.constant 0 : i32
    %dma_wait3A_52 = tpu.memref_slice %arg11[%mul3A_16, %dma_wait3A_51] : memref<10240x128xf32, #tpu.memory_space<vmem_shared>> -> memref<128x128xf32, #tpu.memory_space<vmem_shared>>
    tpu.wait_dma2 semaphore(%arg22 : memref<!tpu.dma_semaphore, #tpu.memory_space<semaphore_mem>>) src(%arg10 : memref<128x128xf32, #tpu.memory_space<vmem>>) dst(%dma_wait3A_52 : memref<128x128xf32, #tpu.memory_space<vmem_shared>>)
    %dma_wait3A_53 = arith.constant 0 : i32
    %dma_wait3A_54 = tpu.memref_slice %arg11[%mul3A_16, %dma_wait3A_53] : memref<10240x128xf32, #tpu.memory_space<vmem_shared>> -> memref<128x128xf32, #tpu.memory_space<vmem_shared>>
    %dma_wait3A_55 = arith.constant 0 : i32
    %dma_wait3A_56 = tpu.memref_slice %arg11[%mul3A_16, %dma_wait3A_55] : memref<10240x128xf32, #tpu.memory_space<vmem_shared>> -> memref<128x128xf32, #tpu.memory_space<vmem_shared>>
    tpu.wait_dma2 semaphore(%arg22 : memref<!tpu.dma_semaphore, #tpu.memory_space<semaphore_mem>>) src(%arg10 : memref<128x128xf32, #tpu.memory_space<vmem>>) dst(%dma_wait3A_56 : memref<128x128xf32, #tpu.memory_space<vmem_shared>>)
    %dma_wait3A_57 = arith.constant 0 : i32
    %dma_wait3A_58 = tpu.memref_slice %arg11[%mul3A_16, %dma_wait3A_57] : memref<10240x128xf32, #tpu.memory_space<vmem_shared>> -> memref<128x128xf32, #tpu.memory_space<vmem_shared>>
    %dma_wait3A_59 = arith.constant 0 : i32
    %dma_wait3A_60 = tpu.memref_slice %arg11[%mul3A_16, %dma_wait3A_59] : memref<10240x128xf32, #tpu.memory_space<vmem_shared>> -> memref<128x128xf32, #tpu.memory_space<vmem_shared>>
    tpu.wait_dma2 semaphore(%arg22 : memref<!tpu.dma_semaphore, #tpu.memory_space<semaphore_mem>>) src(%arg10 : memref<128x128xf32, #tpu.memory_space<vmem>>) dst(%dma_wait3A_60 : memref<128x128xf32, #tpu.memory_space<vmem_shared>>)
    %dma_wait3A_61 = arith.constant 0 : i32
    %dma_wait3A_62 = tpu.memref_slice %arg11[%mul3A_16, %dma_wait3A_61] : memref<10240x128xf32, #tpu.memory_space<vmem_shared>> -> memref<128x128xf32, #tpu.memory_space<vmem_shared>>
    %dma_wait3A_63 = arith.constant 0 : i32
    %dma_wait3A_64 = tpu.memref_slice %arg11[%mul3A_16, %dma_wait3A_63] : memref<10240x128xf32, #tpu.memory_space<vmem_shared>> -> memref<128x128xf32, #tpu.memory_space<vmem_shared>>
    tpu.wait_dma2 semaphore(%arg22 : memref<!tpu.dma_semaphore, #tpu.memory_space<semaphore_mem>>) src(%arg10 : memref<128x128xf32, #tpu.memory_space<vmem>>) dst(%dma_wait3A_64 : memref<128x128xf32, #tpu.memory_space<vmem_shared>>)
    %barrier3A = arith.constant 0 : index
    tpu.barrier barrier_id(%barrier3A)
    %mul3A_65 = arith.constant 10000 : i32
    %mul3A_66 = arith.muli %add3A, %mul3A_65 : i32
    %add3A_67 = arith.constant 0 : i32
    %add3A_68 = arith.addi %mul3A_66, %add3A_67 : i32
    %dma_start3A_69 = tpu.memref_slice %arg2[%add3A_68] : memref<320000xi32, #tpu.memory_space<hbm>> -> memref<80xi32, #tpu.memory_space<hbm>>
    %dma_start3A_70 = tpu.memref_slice %arg2[%add3A_68] : memref<320000xi32, #tpu.memory_space<hbm>> -> memref<80xi32, #tpu.memory_space<hbm>>
    tpu.enqueue_dma source(%dma_start3A_70 : memref<80xi32, #tpu.memory_space<hbm>>) target(%arg4 : memref<80xi32, #tpu.memory_space<vmem>>) target_semaphore(%arg12 : memref<!tpu.dma_semaphore, #tpu.memory_space<semaphore_mem>>)
    %add3A_71 = arith.constant 80 : i32
    %add3A_72 = arith.addi %mul3A_66, %add3A_71 : i32
    %dma_start3A_73 = tpu.memref_slice %arg2[%add3A_72] : memref<320000xi32, #tpu.memory_space<hbm>> -> memref<80xi32, #tpu.memory_space<hbm>>
    %dma_start3A_74 = tpu.memref_slice %arg2[%add3A_72] : memref<320000xi32, #tpu.memory_space<hbm>> -> memref<80xi32, #tpu.memory_space<hbm>>
    tpu.enqueue_dma source(%dma_start3A_74 : memref<80xi32, #tpu.memory_space<hbm>>) target(%arg5 : memref<80xi32, #tpu.memory_space<vmem>>) target_semaphore(%arg13 : memref<!tpu.dma_semaphore, #tpu.memory_space<semaphore_mem>>)
    %add3A_75 = arith.constant 0 : i32
    %add3A_76 = arith.addi %mul3A_66, %add3A_75 : i32
    %dma_wait3A_77 = tpu.memref_slice %arg2[%add3A_76] : memref<320000xi32, #tpu.memory_space<hbm>> -> memref<80xi32, #tpu.memory_space<hbm>>
    %dma_wait3A_78 = tpu.memref_slice %arg2[%add3A_76] : memref<320000xi32, #tpu.memory_space<hbm>> -> memref<80xi32, #tpu.memory_space<hbm>>
    tpu.wait_dma2 semaphore(%arg12 : memref<!tpu.dma_semaphore, #tpu.memory_space<semaphore_mem>>) src(%dma_wait3A_78 : memref<80xi32, #tpu.memory_space<hbm>>) dst(%arg4 : memref<80xi32, #tpu.memory_space<vmem>>)
    %dma_start3A_79 = arith.constant 0 : i32
    %dma_start3A_80 = arith.constant 0 : i32
    %dma_start3A_81 = tpu.memref_slice %arg11[%dma_start3A_79, %dma_start3A_80] : memref<10240x128xf32, #tpu.memory_space<vmem_shared>> -> memref<10240x128xf32, #tpu.memory_space<vmem_shared>>
    tpu.enqueue_indirect_dma source(%arg9 : memref<80x128xf32, #tpu.memory_space<vmem>>) target(%dma_start3A_81 : memref<10240x128xf32, #tpu.memory_space<vmem_shared>>) offsets(%arg4 : memref<80xi32, #tpu.memory_space<vmem>>) semaphore(%arg17 : memref<!tpu.dma_semaphore, #tpu.memory_space<semaphore_mem>>) {add = true}
    %add3A_82 = arith.constant 160 : i32
    %add3A_83 = arith.addi %mul3A_66, %add3A_82 : i32
    %dma_start3A_84 = tpu.memref_slice %arg2[%add3A_83] : memref<320000xi32, #tpu.memory_space<hbm>> -> memref<80xi32, #tpu.memory_space<hbm>>
    %dma_start3A_85 = tpu.memref_slice %arg2[%add3A_83] : memref<320000xi32, #tpu.memory_space<hbm>> -> memref<80xi32, #tpu.memory_space<hbm>>
    tpu.enqueue_dma source(%dma_start3A_85 : memref<80xi32, #tpu.memory_space<hbm>>) target(%arg6 : memref<80xi32, #tpu.memory_space<vmem>>) target_semaphore(%arg14 : memref<!tpu.dma_semaphore, #tpu.memory_space<semaphore_mem>>)
    %add3A_86 = arith.constant 80 : i32
    %add3A_87 = arith.addi %mul3A_66, %add3A_86 : i32
    %dma_wait3A_88 = tpu.memref_slice %arg2[%add3A_87] : memref<320000xi32, #tpu.memory_space<hbm>> -> memref<80xi32, #tpu.memory_space<hbm>>
    %dma_wait3A_89 = tpu.memref_slice %arg2[%add3A_87] : memref<320000xi32, #tpu.memory_space<hbm>> -> memref<80xi32, #tpu.memory_space<hbm>>
    tpu.wait_dma2 semaphore(%arg13 : memref<!tpu.dma_semaphore, #tpu.memory_space<semaphore_mem>>) src(%dma_wait3A_89 : memref<80xi32, #tpu.memory_space<hbm>>) dst(%arg5 : memref<80xi32, #tpu.memory_space<vmem>>)
    %dma_start3A_90 = arith.constant 0 : i32
    %dma_start3A_91 = arith.constant 0 : i32
    %dma_start3A_92 = tpu.memref_slice %arg11[%dma_start3A_90, %dma_start3A_91] : memref<10240x128xf32, #tpu.memory_space<vmem_shared>> -> memref<10240x128xf32, #tpu.memory_space<vmem_shared>>
    tpu.enqueue_indirect_dma source(%arg9 : memref<80x128xf32, #tpu.memory_space<vmem>>) target(%dma_start3A_92 : memref<10240x128xf32, #tpu.memory_space<vmem_shared>>) offsets(%arg5 : memref<80xi32, #tpu.memory_space<vmem>>) semaphore(%arg18 : memref<!tpu.dma_semaphore, #tpu.memory_space<semaphore_mem>>) {add = true}
    %add3A_93 = arith.constant 240 : i32
    %add3A_94 = arith.addi %mul3A_66, %add3A_93 : i32
    %dma_start3A_95 = tpu.memref_slice %arg2[%add3A_94] : memref<320000xi32, #tpu.memory_space<hbm>> -> memref<80xi32, #tpu.memory_space<hbm>>
    %dma_start3A_96 = tpu.memref_slice %arg2[%add3A_94] : memref<320000xi32, #tpu.memory_space<hbm>> -> memref<80xi32, #tpu.memory_space<hbm>>
    tpu.enqueue_dma source(%dma_start3A_96 : memref<80xi32, #tpu.memory_space<hbm>>) target(%arg7 : memref<80xi32, #tpu.memory_space<vmem>>) target_semaphore(%arg15 : memref<!tpu.dma_semaphore, #tpu.memory_space<semaphore_mem>>)
    %add3A_97 = arith.constant 160 : i32
    %add3A_98 = arith.addi %mul3A_66, %add3A_97 : i32
    %dma_wait3A_99 = tpu.memref_slice %arg2[%add3A_98] : memref<320000xi32, #tpu.memory_space<hbm>> -> memref<80xi32, #tpu.memory_space<hbm>>
    %dma_wait3A_100 = tpu.memref_slice %arg2[%add3A_98] : memref<320000xi32, #tpu.memory_space<hbm>> -> memref<80xi32, #tpu.memory_space<hbm>>
    tpu.wait_dma2 semaphore(%arg14 : memref<!tpu.dma_semaphore, #tpu.memory_space<semaphore_mem>>) src(%dma_wait3A_100 : memref<80xi32, #tpu.memory_space<hbm>>) dst(%arg6 : memref<80xi32, #tpu.memory_space<vmem>>)
    %dma_start3A_101 = arith.constant 0 : i32
    %dma_start3A_102 = arith.constant 0 : i32
    %dma_start3A_103 = tpu.memref_slice %arg11[%dma_start3A_101, %dma_start3A_102] : memref<10240x128xf32, #tpu.memory_space<vmem_shared>> -> memref<10240x128xf32, #tpu.memory_space<vmem_shared>>
    tpu.enqueue_indirect_dma source(%arg9 : memref<80x128xf32, #tpu.memory_space<vmem>>) target(%dma_start3A_103 : memref<10240x128xf32, #tpu.memory_space<vmem_shared>>) offsets(%arg6 : memref<80xi32, #tpu.memory_space<vmem>>) semaphore(%arg19 : memref<!tpu.dma_semaphore, #tpu.memory_space<semaphore_mem>>) {add = true}
    %add3A_104 = arith.constant 320 : i32
    %add3A_105 = arith.addi %mul3A_66, %add3A_104 : i32
    %dma_start3A_106 = tpu.memref_slice %arg2[%add3A_105] : memref<320000xi32, #tpu.memory_space<hbm>> -> memref<80xi32, #tpu.memory_space<hbm>>
    %dma_start3A_107 = tpu.memref_slice %arg2[%add3A_105] : memref<320000xi32, #tpu.memory_space<hbm>> -> memref<80xi32, #tpu.memory_space<hbm>>
    tpu.enqueue_dma source(%dma_start3A_107 : memref<80xi32, #tpu.memory_space<hbm>>) target(%arg8 : memref<80xi32, #tpu.memory_space<vmem>>) target_semaphore(%arg16 : memref<!tpu.dma_semaphore, #tpu.memory_space<semaphore_mem>>)
    %add3A_108 = arith.constant 240 : i32
    %add3A_109 = arith.addi %mul3A_66, %add3A_108 : i32
    %dma_wait3A_110 = tpu.memref_slice %arg2[%add3A_109] : memref<320000xi32, #tpu.memory_space<hbm>> -> memref<80xi32, #tpu.memory_space<hbm>>
    %dma_wait3A_111 = tpu.memref_slice %arg2[%add3A_109] : memref<320000xi32, #tpu.memory_space<hbm>> -> memref<80xi32, #tpu.memory_space<hbm>>
    tpu.wait_dma2 semaphore(%arg15 : memref<!tpu.dma_semaphore, #tpu.memory_space<semaphore_mem>>) src(%dma_wait3A_111 : memref<80xi32, #tpu.memory_space<hbm>>) dst(%arg7 : memref<80xi32, #tpu.memory_space<vmem>>)
    %dma_start3A_112 = arith.constant 0 : i32
    %dma_start3A_113 = arith.constant 0 : i32
    %dma_start3A_114 = tpu.memref_slice %arg11[%dma_start3A_112, %dma_start3A_113] : memref<10240x128xf32, #tpu.memory_space<vmem_shared>> -> memref<10240x128xf32, #tpu.memory_space<vmem_shared>>
    tpu.enqueue_indirect_dma source(%arg9 : memref<80x128xf32, #tpu.memory_space<vmem>>) target(%dma_start3A_114 : memref<10240x128xf32, #tpu.memory_space<vmem_shared>>) offsets(%arg7 : memref<80xi32, #tpu.memory_space<vmem>>) semaphore(%arg20 : memref<!tpu.dma_semaphore, #tpu.memory_space<semaphore_mem>>) {add = true}
    %scan3A_115 = arith.constant 0 : i32
    %scan3A_116 = arith.constant 1 : i32
    %scan3A_117 = arith.constant 24 : i32
    %scan3A_118 = arith.addi %scan3A_116, %scan3A_117 : i32
    %scan3A_119 = arith.constant 1 : i32
    scf.for %scan3A_148 = %scan3A_116 to %scan3A_118 step %scan3A_119  : i32 {
      %mul3A_149 = arith.constant 5 : i32
      %mul3A_150 = arith.muli %scan3A_148, %mul3A_149 : i32
      %add3A_151 = arith.constant 0 : i32
      %add3A_152 = arith.addi %mul3A_150, %add3A_151 : i32
      %dma_wait3A_153 = arith.constant 0 : i32
      %dma_wait3A_154 = arith.constant 0 : i32
      %dma_wait3A_155 = tpu.memref_slice %arg11[%dma_wait3A_153, %dma_wait3A_154] : memref<10240x128xf32, #tpu.memory_space<vmem_shared>> -> memref<10240x128xf32, #tpu.memory_space<vmem_shared>>
      tpu.wait_indirect_dma semaphore(%arg17 : memref<!tpu.dma_semaphore, #tpu.memory_space<semaphore_mem>>) src(%arg9 : memref<80x128xf32, #tpu.memory_space<vmem>>) dst(%dma_wait3A_155 : memref<10240x128xf32, #tpu.memory_space<vmem_shared>>)
      %mul3A_156 = arith.constant 80 : i32
      %mul3A_157 = arith.muli %add3A_152, %mul3A_156 : i32
      %add3A_158 = arith.addi %mul3A_66, %mul3A_157 : i32
      %dma_start3A_159 = tpu.memref_slice %arg2[%add3A_158] : memref<320000xi32, #tpu.memory_space<hbm>> -> memref<80xi32, #tpu.memory_space<hbm>>
      %dma_start3A_160 = tpu.memref_slice %arg2[%add3A_158] : memref<320000xi32, #tpu.memory_space<hbm>> -> memref<80xi32, #tpu.memory_space<hbm>>
      tpu.enqueue_dma source(%dma_start3A_160 : memref<80xi32, #tpu.memory_space<hbm>>) target(%arg4 : memref<80xi32, #tpu.memory_space<vmem>>) target_semaphore(%arg12 : memref<!tpu.dma_semaphore, #tpu.memory_space<semaphore_mem>>)
      %sub3A = arith.constant 1 : i32
      %sub3A_161 = arith.subi %add3A_152, %sub3A : i32
      %mul3A_162 = arith.constant 80 : i32
      %mul3A_163 = arith.muli %sub3A_161, %mul3A_162 : i32
      %add3A_164 = arith.addi %mul3A_66, %mul3A_163 : i32
      %dma_wait3A_165 = tpu.memref_slice %arg2[%add3A_164] : memref<320000xi32, #tpu.memory_space<hbm>> -> memref<80xi32, #tpu.memory_space<hbm>>
      %dma_wait3A_166 = tpu.memref_slice %arg2[%add3A_164] : memref<320000xi32, #tpu.memory_space<hbm>> -> memref<80xi32, #tpu.memory_space<hbm>>
      tpu.wait_dma2 semaphore(%arg16 : memref<!tpu.dma_semaphore, #tpu.memory_space<semaphore_mem>>) src(%dma_wait3A_166 : memref<80xi32, #tpu.memory_space<hbm>>) dst(%arg8 : memref<80xi32, #tpu.memory_space<vmem>>)
      %dma_start3A_167 = arith.constant 0 : i32
      %dma_start3A_168 = arith.constant 0 : i32
      %dma_start3A_169 = tpu.memref_slice %arg11[%dma_start3A_167, %dma_start3A_168] : memref<10240x128xf32, #tpu.memory_space<vmem_shared>> -> memref<10240x128xf32, #tpu.memory_space<vmem_shared>>
      tpu.enqueue_indirect_dma source(%arg9 : memref<80x128xf32, #tpu.memory_space<vmem>>) target(%dma_start3A_169 : memref<10240x128xf32, #tpu.memory_space<vmem_shared>>) offsets(%arg8 : memref<80xi32, #tpu.memory_space<vmem>>) semaphore(%arg21 : memref<!tpu.dma_semaphore, #tpu.memory_space<semaphore_mem>>) {add = true}
      %mul3A_170 = arith.constant 5 : i32
      %mul3A_171 = arith.muli %scan3A_148, %mul3A_170 : i32
      %add3A_172 = arith.constant 1 : i32
      %add3A_173 = arith.addi %mul3A_171, %add3A_172 : i32
      %dma_wait3A_174 = arith.constant 0 : i32
      %dma_wait3A_175 = arith.constant 0 : i32
      %dma_wait3A_176 = tpu.memref_slice %arg11[%dma_wait3A_174, %dma_wait3A_175] : memref<10240x128xf32, #tpu.memory_space<vmem_shared>> -> memref<10240x128xf32, #tpu.memory_space<vmem_shared>>
      tpu.wait_indirect_dma semaphore(%arg18 : memref<!tpu.dma_semaphore, #tpu.memory_space<semaphore_mem>>) src(%arg9 : memref<80x128xf32, #tpu.memory_space<vmem>>) dst(%dma_wait3A_176 : memref<10240x128xf32, #tpu.memory_space<vmem_shared>>)
      %mul3A_177 = arith.constant 80 : i32
      %mul3A_178 = arith.muli %add3A_173, %mul3A_177 : i32
      %add3A_179 = arith.addi %mul3A_66, %mul3A_178 : i32
      %dma_start3A_180 = tpu.memref_slice %arg2[%add3A_179] : memref<320000xi32, #tpu.memory_space<hbm>> -> memref<80xi32, #tpu.memory_space<hbm>>
      %dma_start3A_181 = tpu.memref_slice %arg2[%add3A_179] : memref<320000xi32, #tpu.memory_space<hbm>> -> memref<80xi32, #tpu.memory_space<hbm>>
      tpu.enqueue_dma source(%dma_start3A_181 : memref<80xi32, #tpu.memory_space<hbm>>) target(%arg5 : memref<80xi32, #tpu.memory_space<vmem>>) target_semaphore(%arg13 : memref<!tpu.dma_semaphore, #tpu.memory_space<semaphore_mem>>)
      %sub3A_182 = arith.constant 1 : i32
      %sub3A_183 = arith.subi %add3A_173, %sub3A_182 : i32
      %mul3A_184 = arith.constant 80 : i32
      %mul3A_185 = arith.muli %sub3A_183, %mul3A_184 : i32
      %add3A_186 = arith.addi %mul3A_66, %mul3A_185 : i32
      %dma_wait3A_187 = tpu.memref_slice %arg2[%add3A_186] : memref<320000xi32, #tpu.memory_space<hbm>> -> memref<80xi32, #tpu.memory_space<hbm>>
      %dma_wait3A_188 = tpu.memref_slice %arg2[%add3A_186] : memref<320000xi32, #tpu.memory_space<hbm>> -> memref<80xi32, #tpu.memory_space<hbm>>
      tpu.wait_dma2 semaphore(%arg12 : memref<!tpu.dma_semaphore, #tpu.memory_space<semaphore_mem>>) src(%dma_wait3A_188 : memref<80xi32, #tpu.memory_space<hbm>>) dst(%arg4 : memref<80xi32, #tpu.memory_space<vmem>>)
      %dma_start3A_189 = arith.constant 0 : i32
      %dma_start3A_190 = arith.constant 0 : i32
      %dma_start3A_191 = tpu.memref_slice %arg11[%dma_start3A_189, %dma_start3A_190] : memref<10240x128xf32, #tpu.memory_space<vmem_shared>> -> memref<10240x128xf32, #tpu.memory_space<vmem_shared>>
      tpu.enqueue_indirect_dma source(%arg9 : memref<80x128xf32, #tpu.memory_space<vmem>>) target(%dma_start3A_191 : memref<10240x128xf32, #tpu.memory_space<vmem_shared>>) offsets(%arg4 : memref<80xi32, #tpu.memory_space<vmem>>) semaphore(%arg17 : memref<!tpu.dma_semaphore, #tpu.memory_space<semaphore_mem>>) {add = true}
      %mul3A_192 = arith.constant 5 : i32
      %mul3A_193 = arith.muli %scan3A_148, %mul3A_192 : i32
      %add3A_194 = arith.constant 2 : i32
      %add3A_195 = arith.addi %mul3A_193, %add3A_194 : i32
      %dma_wait3A_196 = arith.constant 0 : i32
      %dma_wait3A_197 = arith.constant 0 : i32
      %dma_wait3A_198 = tpu.memref_slice %arg11[%dma_wait3A_196, %dma_wait3A_197] : memref<10240x128xf32, #tpu.memory_space<vmem_shared>> -> memref<10240x128xf32, #tpu.memory_space<vmem_shared>>
      tpu.wait_indirect_dma semaphore(%arg19 : memref<!tpu.dma_semaphore, #tpu.memory_space<semaphore_mem>>) src(%arg9 : memref<80x128xf32, #tpu.memory_space<vmem>>) dst(%dma_wait3A_198 : memref<10240x128xf32, #tpu.memory_space<vmem_shared>>)
      %mul3A_199 = arith.constant 80 : i32
      %mul3A_200 = arith.muli %add3A_195, %mul3A_199 : i32
      %add3A_201 = arith.addi %mul3A_66, %mul3A_200 : i32
      %dma_start3A_202 = tpu.memref_slice %arg2[%add3A_201] : memref<320000xi32, #tpu.memory_space<hbm>> -> memref<80xi32, #tpu.memory_space<hbm>>
      %dma_start3A_203 = tpu.memref_slice %arg2[%add3A_201] : memref<320000xi32, #tpu.memory_space<hbm>> -> memref<80xi32, #tpu.memory_space<hbm>>
      tpu.enqueue_dma source(%dma_start3A_203 : memref<80xi32, #tpu.memory_space<hbm>>) target(%arg6 : memref<80xi32, #tpu.memory_space<vmem>>) target_semaphore(%arg14 : memref<!tpu.dma_semaphore, #tpu.memory_space<semaphore_mem>>)
      %sub3A_204 = arith.constant 1 : i32
      %sub3A_205 = arith.subi %add3A_195, %sub3A_204 : i32
      %mul3A_206 = arith.constant 80 : i32
      %mul3A_207 = arith.muli %sub3A_205, %mul3A_206 : i32
      %add3A_208 = arith.addi %mul3A_66, %mul3A_207 : i32
      %dma_wait3A_209 = tpu.memref_slice %arg2[%add3A_208] : memref<320000xi32, #tpu.memory_space<hbm>> -> memref<80xi32, #tpu.memory_space<hbm>>
      %dma_wait3A_210 = tpu.memref_slice %arg2[%add3A_208] : memref<320000xi32, #tpu.memory_space<hbm>> -> memref<80xi32, #tpu.memory_space<hbm>>
      tpu.wait_dma2 semaphore(%arg13 : memref<!tpu.dma_semaphore, #tpu.memory_space<semaphore_mem>>) src(%dma_wait3A_210 : memref<80xi32, #tpu.memory_space<hbm>>) dst(%arg5 : memref<80xi32, #tpu.memory_space<vmem>>)
      %dma_start3A_211 = arith.constant 0 : i32
      %dma_start3A_212 = arith.constant 0 : i32
      %dma_start3A_213 = tpu.memref_slice %arg11[%dma_start3A_211, %dma_start3A_212] : memref<10240x128xf32, #tpu.memory_space<vmem_shared>> -> memref<10240x128xf32, #tpu.memory_space<vmem_shared>>
      tpu.enqueue_indirect_dma source(%arg9 : memref<80x128xf32, #tpu.memory_space<vmem>>) target(%dma_start3A_213 : memref<10240x128xf32, #tpu.memory_space<vmem_shared>>) offsets(%arg5 : memref<80xi32, #tpu.memory_space<vmem>>) semaphore(%arg18 : memref<!tpu.dma_semaphore, #tpu.memory_space<semaphore_mem>>) {add = true}
      %mul3A_214 = arith.constant 5 : i32
      %mul3A_215 = arith.muli %scan3A_148, %mul3A_214 : i32
      %add3A_216 = arith.constant 3 : i32
      %add3A_217 = arith.addi %mul3A_215, %add3A_216 : i32
      %dma_wait3A_218 = arith.constant 0 : i32
      %dma_wait3A_219 = arith.constant 0 : i32
      %dma_wait3A_220 = tpu.memref_slice %arg11[%dma_wait3A_218, %dma_wait3A_219] : memref<10240x128xf32, #tpu.memory_space<vmem_shared>> -> memref<10240x128xf32, #tpu.memory_space<vmem_shared>>
      tpu.wait_indirect_dma semaphore(%arg20 : memref<!tpu.dma_semaphore, #tpu.memory_space<semaphore_mem>>) src(%arg9 : memref<80x128xf32, #tpu.memory_space<vmem>>) dst(%dma_wait3A_220 : memref<10240x128xf32, #tpu.memory_space<vmem_shared>>)
      %mul3A_221 = arith.constant 80 : i32
      %mul3A_222 = arith.muli %add3A_217, %mul3A_221 : i32
      %add3A_223 = arith.addi %mul3A_66, %mul3A_222 : i32
      %dma_start3A_224 = tpu.memref_slice %arg2[%add3A_223] : memref<320000xi32, #tpu.memory_space<hbm>> -> memref<80xi32, #tpu.memory_space<hbm>>
      %dma_start3A_225 = tpu.memref_slice %arg2[%add3A_223] : memref<320000xi32, #tpu.memory_space<hbm>> -> memref<80xi32, #tpu.memory_space<hbm>>
      tpu.enqueue_dma source(%dma_start3A_225 : memref<80xi32, #tpu.memory_space<hbm>>) target(%arg7 : memref<80xi32, #tpu.memory_space<vmem>>) target_semaphore(%arg15 : memref<!tpu.dma_semaphore, #tpu.memory_space<semaphore_mem>>)
      %sub3A_226 = arith.constant 1 : i32
      %sub3A_227 = arith.subi %add3A_217, %sub3A_226 : i32
      %mul3A_228 = arith.constant 80 : i32
      %mul3A_229 = arith.muli %sub3A_227, %mul3A_228 : i32
      %add3A_230 = arith.addi %mul3A_66, %mul3A_229 : i32
      %dma_wait3A_231 = tpu.memref_slice %arg2[%add3A_230] : memref<320000xi32, #tpu.memory_space<hbm>> -> memref<80xi32, #tpu.memory_space<hbm>>
      %dma_wait3A_232 = tpu.memref_slice %arg2[%add3A_230] : memref<320000xi32, #tpu.memory_space<hbm>> -> memref<80xi32, #tpu.memory_space<hbm>>
      tpu.wait_dma2 semaphore(%arg14 : memref<!tpu.dma_semaphore, #tpu.memory_space<semaphore_mem>>) src(%dma_wait3A_232 : memref<80xi32, #tpu.memory_space<hbm>>) dst(%arg6 : memref<80xi32, #tpu.memory_space<vmem>>)
      %dma_start3A_233 = arith.constant 0 : i32
      %dma_start3A_234 = arith.constant 0 : i32
      %dma_start3A_235 = tpu.memref_slice %arg11[%dma_start3A_233, %dma_start3A_234] : memref<10240x128xf32, #tpu.memory_space<vmem_shared>> -> memref<10240x128xf32, #tpu.memory_space<vmem_shared>>
      tpu.enqueue_indirect_dma source(%arg9 : memref<80x128xf32, #tpu.memory_space<vmem>>) target(%dma_start3A_235 : memref<10240x128xf32, #tpu.memory_space<vmem_shared>>) offsets(%arg6 : memref<80xi32, #tpu.memory_space<vmem>>) semaphore(%arg19 : memref<!tpu.dma_semaphore, #tpu.memory_space<semaphore_mem>>) {add = true}
      %mul3A_236 = arith.constant 5 : i32
      %mul3A_237 = arith.muli %scan3A_148, %mul3A_236 : i32
      %add3A_238 = arith.constant 4 : i32
      %add3A_239 = arith.addi %mul3A_237, %add3A_238 : i32
      %dma_wait3A_240 = arith.constant 0 : i32
      %dma_wait3A_241 = arith.constant 0 : i32
      %dma_wait3A_242 = tpu.memref_slice %arg11[%dma_wait3A_240, %dma_wait3A_241] : memref<10240x128xf32, #tpu.memory_space<vmem_shared>> -> memref<10240x128xf32, #tpu.memory_space<vmem_shared>>
      tpu.wait_indirect_dma semaphore(%arg21 : memref<!tpu.dma_semaphore, #tpu.memory_space<semaphore_mem>>) src(%arg9 : memref<80x128xf32, #tpu.memory_space<vmem>>) dst(%dma_wait3A_242 : memref<10240x128xf32, #tpu.memory_space<vmem_shared>>)
      %mul3A_243 = arith.constant 80 : i32
      %mul3A_244 = arith.muli %add3A_239, %mul3A_243 : i32
      %add3A_245 = arith.addi %mul3A_66, %mul3A_244 : i32
      %dma_start3A_246 = tpu.memref_slice %arg2[%add3A_245] : memref<320000xi32, #tpu.memory_space<hbm>> -> memref<80xi32, #tpu.memory_space<hbm>>
      %dma_start3A_247 = tpu.memref_slice %arg2[%add3A_245] : memref<320000xi32, #tpu.memory_space<hbm>> -> memref<80xi32, #tpu.memory_space<hbm>>
      tpu.enqueue_dma source(%dma_start3A_247 : memref<80xi32, #tpu.memory_space<hbm>>) target(%arg8 : memref<80xi32, #tpu.memory_space<vmem>>) target_semaphore(%arg16 : memref<!tpu.dma_semaphore, #tpu.memory_space<semaphore_mem>>)
      %sub3A_248 = arith.constant 1 : i32
      %sub3A_249 = arith.subi %add3A_239, %sub3A_248 : i32
      %mul3A_250 = arith.constant 80 : i32
      %mul3A_251 = arith.muli %sub3A_249, %mul3A_250 : i32
      %add3A_252 = arith.addi %mul3A_66, %mul3A_251 : i32
      %dma_wait3A_253 = tpu.memref_slice %arg2[%add3A_252] : memref<320000xi32, #tpu.memory_space<hbm>> -> memref<80xi32, #tpu.memory_space<hbm>>
      %dma_wait3A_254 = tpu.memref_slice %arg2[%add3A_252] : memref<320000xi32, #tpu.memory_space<hbm>> -> memref<80xi32, #tpu.memory_space<hbm>>
      tpu.wait_dma2 semaphore(%arg15 : memref<!tpu.dma_semaphore, #tpu.memory_space<semaphore_mem>>) src(%dma_wait3A_254 : memref<80xi32, #tpu.memory_space<hbm>>) dst(%arg7 : memref<80xi32, #tpu.memory_space<vmem>>)
      %dma_start3A_255 = arith.constant 0 : i32
      %dma_start3A_256 = arith.constant 0 : i32
      %dma_start3A_257 = tpu.memref_slice %arg11[%dma_start3A_255, %dma_start3A_256] : memref<10240x128xf32, #tpu.memory_space<vmem_shared>> -> memref<10240x128xf32, #tpu.memory_space<vmem_shared>>
      tpu.enqueue_indirect_dma source(%arg9 : memref<80x128xf32, #tpu.memory_space<vmem>>) target(%dma_start3A_257 : memref<10240x128xf32, #tpu.memory_space<vmem_shared>>) offsets(%arg7 : memref<80xi32, #tpu.memory_space<vmem>>) semaphore(%arg20 : memref<!tpu.dma_semaphore, #tpu.memory_space<semaphore_mem>>) {add = true}
    }
    %scan3A_120 = arith.constant 24 : i32
    %dma_wait3A_121 = arith.constant 0 : i32
    %dma_wait3A_122 = arith.constant 0 : i32
    %dma_wait3A_123 = tpu.memref_slice %arg11[%dma_wait3A_121, %dma_wait3A_122] : memref<10240x128xf32, #tpu.memory_space<vmem_shared>> -> memref<10240x128xf32, #tpu.memory_space<vmem_shared>>
    tpu.wait_indirect_dma semaphore(%arg17 : memref<!tpu.dma_semaphore, #tpu.memory_space<semaphore_mem>>) src(%arg9 : memref<80x128xf32, #tpu.memory_space<vmem>>) dst(%dma_wait3A_123 : memref<10240x128xf32, #tpu.memory_space<vmem_shared>>)
    %add3A_124 = arith.constant 9920 : i32
    %add3A_125 = arith.addi %mul3A_66, %add3A_124 : i32
    %dma_wait3A_126 = tpu.memref_slice %arg2[%add3A_125] : memref<320000xi32, #tpu.memory_space<hbm>> -> memref<80xi32, #tpu.memory_space<hbm>>
    %dma_wait3A_127 = tpu.memref_slice %arg2[%add3A_125] : memref<320000xi32, #tpu.memory_space<hbm>> -> memref<80xi32, #tpu.memory_space<hbm>>
    tpu.wait_dma2 semaphore(%arg16 : memref<!tpu.dma_semaphore, #tpu.memory_space<semaphore_mem>>) src(%dma_wait3A_127 : memref<80xi32, #tpu.memory_space<hbm>>) dst(%arg8 : memref<80xi32, #tpu.memory_space<vmem>>)
    %dma_start3A_128 = arith.constant 0 : i32
    %dma_start3A_129 = arith.constant 0 : i32
    %dma_start3A_130 = tpu.memref_slice %arg11[%dma_start3A_128, %dma_start3A_129] : memref<10240x128xf32, #tpu.memory_space<vmem_shared>> -> memref<10240x128xf32, #tpu.memory_space<vmem_shared>>
    tpu.enqueue_indirect_dma source(%arg9 : memref<80x128xf32, #tpu.memory_space<vmem>>) target(%dma_start3A_130 : memref<10240x128xf32, #tpu.memory_space<vmem_shared>>) offsets(%arg8 : memref<80xi32, #tpu.memory_space<vmem>>) semaphore(%arg21 : memref<!tpu.dma_semaphore, #tpu.memory_space<semaphore_mem>>) {add = true}
    %dma_wait3A_131 = arith.constant 0 : i32
    %dma_wait3A_132 = arith.constant 0 : i32
    %dma_wait3A_133 = tpu.memref_slice %arg11[%dma_wait3A_131, %dma_wait3A_132] : memref<10240x128xf32, #tpu.memory_space<vmem_shared>> -> memref<10240x128xf32, #tpu.memory_space<vmem_shared>>
    tpu.wait_indirect_dma semaphore(%arg18 : memref<!tpu.dma_semaphore, #tpu.memory_space<semaphore_mem>>) src(%arg9 : memref<80x128xf32, #tpu.memory_space<vmem>>) dst(%dma_wait3A_133 : memref<10240x128xf32, #tpu.memory_space<vmem_shared>>)
    %dma_wait3A_134 = arith.constant 0 : i32
    %dma_wait3A_135 = arith.constant 0 : i32
    %dma_wait3A_136 = tpu.memref_slice %arg11[%dma_wait3A_134, %dma_wait3A_135] : memref<10240x128xf32, #tpu.memory_space<vmem_shared>> -> memref<10240x128xf32, #tpu.memory_space<vmem_shared>>
    tpu.wait_indirect_dma semaphore(%arg19 : memref<!tpu.dma_semaphore, #tpu.memory_space<semaphore_mem>>) src(%arg9 : memref<80x128xf32, #tpu.memory_space<vmem>>) dst(%dma_wait3A_136 : memref<10240x128xf32, #tpu.memory_space<vmem_shared>>)
    %dma_wait3A_137 = arith.constant 0 : i32
    %dma_wait3A_138 = arith.constant 0 : i32
    %dma_wait3A_139 = tpu.memref_slice %arg11[%dma_wait3A_137, %dma_wait3A_138] : memref<10240x128xf32, #tpu.memory_space<vmem_shared>> -> memref<10240x128xf32, #tpu.memory_space<vmem_shared>>
    tpu.wait_indirect_dma semaphore(%arg20 : memref<!tpu.dma_semaphore, #tpu.memory_space<semaphore_mem>>) src(%arg9 : memref<80x128xf32, #tpu.memory_space<vmem>>) dst(%dma_wait3A_139 : memref<10240x128xf32, #tpu.memory_space<vmem_shared>>)
    %dma_wait3A_140 = arith.constant 0 : i32
    %dma_wait3A_141 = arith.constant 0 : i32
    %dma_wait3A_142 = tpu.memref_slice %arg11[%dma_wait3A_140, %dma_wait3A_141] : memref<10240x128xf32, #tpu.memory_space<vmem_shared>> -> memref<10240x128xf32, #tpu.memory_space<vmem_shared>>
    tpu.wait_indirect_dma semaphore(%arg21 : memref<!tpu.dma_semaphore, #tpu.memory_space<semaphore_mem>>) src(%arg9 : memref<80x128xf32, #tpu.memory_space<vmem>>) dst(%dma_wait3A_142 : memref<10240x128xf32, #tpu.memory_space<vmem_shared>>)
    %barrier3A_143 = arith.constant 0 : index
    tpu.barrier barrier_id(%barrier3A_143)
    %mul3A_144 = arith.constant 640 : i32
    %mul3A_145 = arith.muli %arg1, %mul3A_144 : i32
    %mul3A_146 = arith.constant 640 : i32
    %mul3A_147 = arith.muli %arg1, %mul3A_146 : i32
    "tpu.region"() ({
      %run_scoped3A = tpu.sem_alloc : memref<!tpu.dma_semaphore, #tpu.memory_space<semaphore_mem>>
      %dma_start3A_148 = arith.constant 0 : i32
      %dma_start3A_149 = tpu.memref_slice %arg3[%arg0, %mul3A_147, %dma_start3A_148] : memref<2x10240x128xf32, #tpu.memory_space<hbm>> -> memref<1x640x128xf32, #tpu.memory_space<hbm>>
      %dma_start3A_150 = tpu.memref_squeeze %dma_start3A_149 : memref<1x640x128xf32, #tpu.memory_space<hbm>> -> memref<640x128xf32, #tpu.memory_space<hbm>>
      %dma_start3A_151 = arith.constant 0 : i32
      %dma_start3A_152 = tpu.memref_slice %arg11[%mul3A_145, %dma_start3A_151] : memref<10240x128xf32, #tpu.memory_space<vmem_shared>> -> memref<640x128xf32, #tpu.memory_space<vmem_shared>>
      tpu.enqueue_dma source(%dma_start3A_152 : memref<640x128xf32, #tpu.memory_space<vmem_shared>>) target(%dma_start3A_150 : memref<640x128xf32, #tpu.memory_space<hbm>>) target_semaphore(%run_scoped3A : memref<!tpu.dma_semaphore, #tpu.memory_space<semaphore_mem>>)
      %dma_wait3A_153 = arith.constant 0 : i32
      %dma_wait3A_154 = tpu.memref_slice %arg3[%arg0, %mul3A_147, %dma_wait3A_153] : memref<2x10240x128xf32, #tpu.memory_space<hbm>> -> memref<1x640x128xf32, #tpu.memory_space<hbm>>
      %dma_wait3A_155 = tpu.memref_squeeze %dma_wait3A_154 : memref<1x640x128xf32, #tpu.memory_space<hbm>> -> memref<640x128xf32, #tpu.memory_space<hbm>>
      %dma_wait3A_156 = arith.constant 0 : i32
      %dma_wait3A_157 = tpu.memref_slice %arg11[%mul3A_145, %dma_wait3A_156] : memref<10240x128xf32, #tpu.memory_space<vmem_shared>> -> memref<640x128xf32, #tpu.memory_space<vmem_shared>>
      tpu.wait_dma2 semaphore(%run_scoped3A : memref<!tpu.dma_semaphore, #tpu.memory_space<semaphore_mem>>) src(%dma_wait3A_157 : memref<640x128xf32, #tpu.memory_space<vmem_shared>>) dst(%dma_wait3A_155 : memref<640x128xf32, #tpu.memory_space<hbm>>)
      tpu.yield
    }) : () -> ()
    return
  }
}

module attributes {stable_mosaic.version = 14 : i64} {
  func.func @_tc_mm_body(%arg0: i32, %arg1: memref<5000x128xf32, #tpu.memory_space<vmem>>, %arg2: memref<128x128xf32, #tpu.memory_space<vmem>>, %arg3: memref<5000x128xf32, #tpu.memory_space<vmem>>) attributes {dimension_semantics = [#tpu.dimension_semantics<arbitrary>], iteration_bounds = array<i64: 2>, scalar_prefetch = 0 : i64, scratch_operands = 0 : i64, tpu.core_type = #tpu.core_type<tc>, window_params = [{transform_indices = @transform_0, window_bounds = array<i64: 5000, 128>}, {pipeline_mode = #tpu.pipeline_mode<synchronous>, transform_indices = @transform_1, window_bounds = array<i64: 128, 128>}, {transform_indices = @transform_2, window_bounds = array<i64: 5000, 128>}]} {
    %get3A = arith.constant 0 : index
    %get3A_0 = arith.constant 0 : index
    %get3A_1 = vector.load %arg1[%get3A, %get3A_0] : memref<5000x128xf32, #tpu.memory_space<vmem>>, vector<5000x128xf32>
    %get3A_2 = arith.constant 0 : index
    %get3A_3 = arith.constant 0 : index
    %get3A_4 = vector.load %arg2[%get3A_2, %get3A_3] : memref<128x128xf32, #tpu.memory_space<vmem>>, vector<128x128xf32>
    %dot_general3A = arith.constant dense<0.000000e+00> : vector<5000x128xf32>
    %dot_general3A_5 = tpu.matmul %get3A_1, %get3A_4, %dot_general3A {dimension_numbers = #tpu.dot_dimension_numbers<[1], [0], [0], [1], [0, 0, 1, 1], [], []>, transpose_lhs_hint = false} : vector<5000x128xf32>, vector<128x128xf32>, vector<5000x128xf32> -> vector<5000x128xf32>
    %swap3A = arith.constant 0 : index
    %swap3A_6 = arith.constant 0 : index
    %swap3A_7 = vector.load %arg3[%swap3A, %swap3A_6] : memref<5000x128xf32, #tpu.memory_space<vmem>>, vector<5000x128xf32>
    tpu.vector_store %arg3[%swap3A, %swap3A_6], %dot_general3A_5 {strides = array<i32>} : memref<5000x128xf32, #tpu.memory_space<vmem>>, vector<5000x128xf32>,
    return
  }
  func.func @transform_0(%arg0: i32) -> (i32, i32) {
    %c0_i32 = arith.constant 0 : i32
    %c0_i32_0 = arith.constant 0 : i32
    return %arg0, %c0_i32 : i32, i32
  }
  func.func @transform_1(%arg0: i32) -> (i32, i32) {
    %c0_i32 = arith.constant 0 : i32
    %c0_i32_0 = arith.constant 0 : i32
    %c0_i32_1 = arith.constant 0 : i32
    return %c0_i32, %c0_i32_0 : i32, i32
  }
  func.func @transform_2(%arg0: i32) -> (i32, i32) {
    %c0_i32 = arith.constant 0 : i32
    %c0_i32_0 = arith.constant 0 : i32
    return %arg0, %c0_i32 : i32, i32
  }
}

module attributes {stable_mosaic.version = 14 : i64} {
  func.func @_tc_scale_body(%arg0: i32, %arg1: memref<5000x128xf32, #tpu.memory_space<vmem>>, %arg2: memref<5000x1xf32, #tpu.memory_space<vmem>>, %arg3: memref<5000x128xf32, #tpu.memory_space<vmem>>) attributes {dimension_semantics = [#tpu.dimension_semantics<arbitrary>], iteration_bounds = array<i64: 2>, scalar_prefetch = 0 : i64, scratch_operands = 0 : i64, tpu.core_type = #tpu.core_type<tc>, window_params = [{transform_indices = @transform_0, window_bounds = array<i64: 5000, 128>}, {transform_indices = @transform_1, window_bounds = array<i64: 5000, 1>}, {transform_indices = @transform_2, window_bounds = array<i64: 5000, 128>}]} {
    %get3A = arith.constant 0 : index
    %get3A_0 = arith.constant 0 : index
    %get3A_1 = vector.load %arg1[%get3A, %get3A_0] : memref<5000x128xf32, #tpu.memory_space<vmem>>, vector<5000x128xf32>
    %get3A_2 = arith.constant 0 : index
    %get3A_3 = arith.constant 0 : index
    %get3A_4 = vector.load %arg2[%get3A_2, %get3A_3] : memref<5000x1xf32, #tpu.memory_space<vmem>>, vector<5000x1xf32>
    %mul3A = vector.broadcast %get3A_4 : vector<5000x1xf32> to vector<5000x128xf32>
    %mul3A_5 = arith.mulf %get3A_1, %mul3A : vector<5000x128xf32>
    %swap3A = arith.constant 0 : index
    %swap3A_6 = arith.constant 0 : index
    %swap3A_7 = vector.load %arg3[%swap3A, %swap3A_6] : memref<5000x128xf32, #tpu.memory_space<vmem>>, vector<5000x128xf32>
    tpu.vector_store %arg3[%swap3A, %swap3A_6], %mul3A_5 {strides = array<i32>} : memref<5000x128xf32, #tpu.memory_space<vmem>>, vector<5000x128xf32>,
    return
  }
  func.func @transform_0(%arg0: i32) -> (i32, i32) {
    %c0_i32 = arith.constant 0 : i32
    %c0_i32_0 = arith.constant 0 : i32
    return %arg0, %c0_i32 : i32, i32
  }
  func.func @transform_1(%arg0: i32) -> (i32, i32) {
    %c0_i32 = arith.constant 0 : i32
    %c0_i32_0 = arith.constant 0 : i32
    return %arg0, %c0_i32 : i32, i32
  }
  func.func @transform_2(%arg0: i32) -> (i32, i32) {
    %c0_i32 = arith.constant 0 : i32
    %c0_i32_0 = arith.constant 0 : i32
    return %arg0, %c0_i32 : i32, i32
  }
}

module attributes {stable_mosaic.version = 14 : i64} {
  func.func @_tc2_body(%arg0: i32, %arg1: memref<2x5000x128xf32, #tpu.memory_space<vmem>>, %arg2: memref<5000x128xf32, #tpu.memory_space<vmem>>, %arg3: memref<5000x1xf32, #tpu.memory_space<vmem>>, %arg4: memref<1x128xf32, #tpu.memory_space<vmem>>, %arg5: memref<128x128xf32, #tpu.memory_space<vmem>>, %arg6: memref<5000x128xf32, #tpu.memory_space<vmem>>, %arg7: memref<5000x128xf32, #tpu.memory_space<vmem>>) attributes {dimension_semantics = [#tpu.dimension_semantics<arbitrary>], iteration_bounds = array<i64: 2>, scalar_prefetch = 0 : i64, scratch_operands = 0 : i64, tpu.core_type = #tpu.core_type<tc>, window_params = [{transform_indices = @transform_0, window_bounds = array<i64: 2, 5000, 128>}, {transform_indices = @transform_1, window_bounds = array<i64: 5000, 128>}, {transform_indices = @transform_2, window_bounds = array<i64: 5000, 1>}, {pipeline_mode = #tpu.pipeline_mode<synchronous>, transform_indices = @transform_3, window_bounds = array<i64: 1, 128>}, {pipeline_mode = #tpu.pipeline_mode<synchronous>, transform_indices = @transform_4, window_bounds = array<i64: 128, 128>}, {transform_indices = @transform_5, window_bounds = array<i64: 5000, 128>}, {transform_indices = @transform_6, window_bounds = array<i64: 5000, 128>}]} {
    %get3A = arith.constant 0 : index
    %get3A_0 = arith.constant 0 : index
    %get3A_1 = vector.load %arg3[%get3A, %get3A_0] : memref<5000x1xf32, #tpu.memory_space<vmem>>, vector<5000x1xf32>
    %get3A_2 = arith.constant 0 : index
    %get3A_3 = arith.constant 0 : index
    %get3A_4 = arith.constant 0 : index
    %get3A_5 = vector.load %arg1[%get3A_2, %get3A_3, %get3A_4] : memref<2x5000x128xf32, #tpu.memory_space<vmem>>, vector<1x5000x128xf32>
    %get3A_6 = vector.shape_cast %get3A_5 : vector<1x5000x128xf32> to vector<5000x128xf32>
    %get3A_7 = arith.constant 1 : index
    %get3A_8 = arith.constant 0 : index
    %get3A_9 = arith.constant 0 : index
    %get3A_10 = vector.load %arg1[%get3A_7, %get3A_8, %get3A_9] : memref<2x5000x128xf32, #tpu.memory_space<vmem>>, vector<1x5000x128xf32>
    %get3A_11 = vector.shape_cast %get3A_10 : vector<1x5000x128xf32> to vector<5000x128xf32>
    %add3A = arith.addf %get3A_6, %get3A_11 : vector<5000x128xf32>
    %mul3A = vector.broadcast %get3A_1 : vector<5000x1xf32> to vector<5000x128xf32>
    %mul3A_12 = arith.mulf %mul3A, %add3A : vector<5000x128xf32>
    %mul3A_13 = arith.mulf %get3A_1, %get3A_1 : vector<5000x1xf32>
    %get3A_14 = arith.constant 0 : index
    %get3A_15 = arith.constant 0 : index
    %get3A_16 = vector.load %arg2[%get3A_14, %get3A_15] : memref<5000x128xf32, #tpu.memory_space<vmem>>, vector<5000x128xf32>
    %mul3A_17 = vector.broadcast %mul3A_13 : vector<5000x1xf32> to vector<5000x128xf32>
    %mul3A_18 = arith.mulf %mul3A_17, %get3A_16 : vector<5000x128xf32>
    %add3A_19 = arith.addf %mul3A_12, %mul3A_18 : vector<5000x128xf32>
    %get3A_20 = arith.constant 0 : index
    %get3A_21 = arith.constant 0 : index
    %get3A_22 = vector.load %arg4[%get3A_20, %get3A_21] : memref<1x128xf32, #tpu.memory_space<vmem>>, vector<1x128xf32>
    %add3A_23 = vector.broadcast %get3A_22 : vector<1x128xf32> to vector<5000x128xf32>
    %add3A_24 = arith.addf %add3A_19, %add3A_23 : vector<5000x128xf32>
    %max3A = arith.constant 0.000000e+00 : f32
    %max3A_25 = vector.broadcast %max3A : f32 to vector<5000x128xf32>
    %max3A_26 = arith.maximumf %add3A_24, %max3A_25 : vector<5000x128xf32>
    %get3A_27 = arith.constant 0 : index
    %get3A_28 = arith.constant 0 : index
    %get3A_29 = vector.load %arg5[%get3A_27, %get3A_28] : memref<128x128xf32, #tpu.memory_space<vmem>>, vector<128x128xf32>
    %dot_general3A = arith.constant dense<0.000000e+00> : vector<5000x128xf32>
    %dot_general3A_30 = tpu.matmul %max3A_26, %get3A_29, %dot_general3A {dimension_numbers = #tpu.dot_dimension_numbers<[1], [0], [0], [1], [0, 0, 1, 1], [], []>, transpose_lhs_hint = false} : vector<5000x128xf32>, vector<128x128xf32>, vector<5000x128xf32> -> vector<5000x128xf32>
    %swap3A = arith.constant 0 : index
    %swap3A_31 = arith.constant 0 : index
    %swap3A_32 = vector.load %arg6[%swap3A, %swap3A_31] : memref<5000x128xf32, #tpu.memory_space<vmem>>, vector<5000x128xf32>
    tpu.vector_store %arg6[%swap3A, %swap3A_31], %dot_general3A_30 {strides = array<i32>} : memref<5000x128xf32, #tpu.memory_space<vmem>>, vector<5000x128xf32>,
    %mul3A_33 = vector.broadcast %get3A_1 : vector<5000x1xf32> to vector<5000x128xf32>
    %mul3A_34 = arith.mulf %dot_general3A_30, %mul3A_33 : vector<5000x128xf32>
    %swap3A_35 = arith.constant 0 : index
    %swap3A_36 = arith.constant 0 : index
    %swap3A_37 = vector.load %arg7[%swap3A_35, %swap3A_36] : memref<5000x128xf32, #tpu.memory_space<vmem>>, vector<5000x128xf32>
    tpu.vector_store %arg7[%swap3A_35, %swap3A_36], %mul3A_34 {strides = array<i32>} : memref<5000x128xf32, #tpu.memory_space<vmem>>, vector<5000x128xf32>,
    return
  }
  func.func @transform_0(%arg0: i32) -> (i32, i32, i32) {
    %c0_i32 = arith.constant 0 : i32
    %c0_i32_0 = arith.constant 0 : i32
    %c0_i32_1 = arith.constant 0 : i32
    return %c0_i32, %arg0, %c0_i32_0 : i32, i32, i32
  }
  func.func @transform_1(%arg0: i32) -> (i32, i32) {
    %c0_i32 = arith.constant 0 : i32
    %c0_i32_0 = arith.constant 0 : i32
    return %arg0, %c0_i32 : i32, i32
  }
  func.func @transform_2(%arg0: i32) -> (i32, i32) {
    %c0_i32 = arith.constant 0 : i32
    %c0_i32_0 = arith.constant 0 : i32
    return %arg0, %c0_i32 : i32, i32
  }
  func.func @transform_3(%arg0: i32) -> (i32, i32) {
    %c0_i32 = arith.constant 0 : i32
    %c0_i32_0 = arith.constant 0 : i32
    %c0_i32_1 = arith.constant 0 : i32
    return %c0_i32, %c0_i32_0 : i32, i32
  }
  func.func @transform_4(%arg0: i32) -> (i32, i32) {
    %c0_i32 = arith.constant 0 : i32
    %c0_i32_0 = arith.constant 0 : i32
    %c0_i32_1 = arith.constant 0 : i32
    return %c0_i32, %c0_i32_0 : i32, i32
  }
  func.func @transform_5(%arg0: i32) -> (i32, i32) {
    %c0_i32 = arith.constant 0 : i32
    %c0_i32_0 = arith.constant 0 : i32
    return %arg0, %c0_i32 : i32, i32
  }
  func.func @transform_6(%arg0: i32) -> (i32, i32) {
    %c0_i32 = arith.constant 0 : i32
    %c0_i32_0 = arith.constant 0 : i32
    return %arg0, %c0_i32 : i32, i32
  }
}

module attributes {stable_mosaic.version = 14 : i64} {
  func.func @_tc3_body(%arg0: i32, %arg1: memref<2x5000x128xf32, #tpu.memory_space<vmem>>, %arg2: memref<5000x128xf32, #tpu.memory_space<vmem>>, %arg3: memref<5000x1xf32, #tpu.memory_space<vmem>>, %arg4: memref<1x128xf32, #tpu.memory_space<vmem>>, %arg5: memref<128x1xf32, #tpu.memory_space<vmem>>, %arg6: memref<1x1xf32, #tpu.memory_space<vmem>>, %arg7: memref<5000x1xf32, #tpu.memory_space<vmem>>) attributes {dimension_semantics = [#tpu.dimension_semantics<arbitrary>], iteration_bounds = array<i64: 2>, scalar_prefetch = 0 : i64, scratch_operands = 0 : i64, tpu.core_type = #tpu.core_type<tc>, window_params = [{transform_indices = @transform_0, window_bounds = array<i64: 2, 5000, 128>}, {transform_indices = @transform_1, window_bounds = array<i64: 5000, 128>}, {transform_indices = @transform_2, window_bounds = array<i64: 5000, 1>}, {pipeline_mode = #tpu.pipeline_mode<synchronous>, transform_indices = @transform_3, window_bounds = array<i64: 1, 128>}, {pipeline_mode = #tpu.pipeline_mode<synchronous>, transform_indices = @transform_4, window_bounds = array<i64: 128, 1>}, {pipeline_mode = #tpu.pipeline_mode<synchronous>, transform_indices = @transform_5, window_bounds = array<i64: 1, 1>}, {transform_indices = @transform_6, window_bounds = array<i64: 5000, 1>}]} {
    %get3A = arith.constant 0 : index
    %get3A_0 = arith.constant 0 : index
    %get3A_1 = vector.load %arg3[%get3A, %get3A_0] : memref<5000x1xf32, #tpu.memory_space<vmem>>, vector<5000x1xf32>
    %get3A_2 = arith.constant 0 : index
    %get3A_3 = arith.constant 0 : index
    %get3A_4 = arith.constant 0 : index
    %get3A_5 = vector.load %arg1[%get3A_2, %get3A_3, %get3A_4] : memref<2x5000x128xf32, #tpu.memory_space<vmem>>, vector<1x5000x128xf32>
    %get3A_6 = vector.shape_cast %get3A_5 : vector<1x5000x128xf32> to vector<5000x128xf32>
    %get3A_7 = arith.constant 1 : index
    %get3A_8 = arith.constant 0 : index
    %get3A_9 = arith.constant 0 : index
    %get3A_10 = vector.load %arg1[%get3A_7, %get3A_8, %get3A_9] : memref<2x5000x128xf32, #tpu.memory_space<vmem>>, vector<1x5000x128xf32>
    %get3A_11 = vector.shape_cast %get3A_10 : vector<1x5000x128xf32> to vector<5000x128xf32>
    %add3A = arith.addf %get3A_6, %get3A_11 : vector<5000x128xf32>
    %mul3A = vector.broadcast %get3A_1 : vector<5000x1xf32> to vector<5000x128xf32>
    %mul3A_12 = arith.mulf %mul3A, %add3A : vector<5000x128xf32>
    %mul3A_13 = arith.mulf %get3A_1, %get3A_1 : vector<5000x1xf32>
    %get3A_14 = arith.constant 0 : index
    %get3A_15 = arith.constant 0 : index
    %get3A_16 = vector.load %arg2[%get3A_14, %get3A_15] : memref<5000x128xf32, #tpu.memory_space<vmem>>, vector<5000x128xf32>
    %mul3A_17 = vector.broadcast %mul3A_13 : vector<5000x1xf32> to vector<5000x128xf32>
    %mul3A_18 = arith.mulf %mul3A_17, %get3A_16 : vector<5000x128xf32>
    %add3A_19 = arith.addf %mul3A_12, %mul3A_18 : vector<5000x128xf32>
    %get3A_20 = arith.constant 0 : index
    %get3A_21 = arith.constant 0 : index
    %get3A_22 = vector.load %arg4[%get3A_20, %get3A_21] : memref<1x128xf32, #tpu.memory_space<vmem>>, vector<1x128xf32>
    %add3A_23 = vector.broadcast %get3A_22 : vector<1x128xf32> to vector<5000x128xf32>
    %add3A_24 = arith.addf %add3A_19, %add3A_23 : vector<5000x128xf32>
    %max3A = arith.constant 0.000000e+00 : f32
    %max3A_25 = vector.broadcast %max3A : f32 to vector<5000x128xf32>
    %max3A_26 = arith.maximumf %add3A_24, %max3A_25 : vector<5000x128xf32>
    %get3A_27 = arith.constant 0 : index
    %get3A_28 = arith.constant 0 : index
    %get3A_29 = vector.load %arg5[%get3A_27, %get3A_28] : memref<128x1xf32, #tpu.memory_space<vmem>>, vector<128x1xf32>
    %dot_general3A = arith.constant dense<0.000000e+00> : vector<5000x1xf32>
    %dot_general3A_30 = tpu.matmul %max3A_26, %get3A_29, %dot_general3A {dimension_numbers = #tpu.dot_dimension_numbers<[1], [0], [0], [1], [0, 0, 1, 1], [], []>, transpose_lhs_hint = false} : vector<5000x128xf32>, vector<128x1xf32>, vector<5000x1xf32> -> vector<5000x1xf32>
    %get3A_31 = arith.constant 0 : index
    %get3A_32 = arith.constant 0 : index
    %get3A_33 = vector.load %arg6[%get3A_31, %get3A_32] : memref<1x1xf32, #tpu.memory_space<vmem>>, vector<1x1xf32>
    %add3A_34 = vector.broadcast %get3A_33 : vector<1x1xf32> to vector<5000x1xf32>
    %add3A_35 = arith.addf %dot_general3A_30, %add3A_34 : vector<5000x1xf32>
    %neg3A = arith.constant 0.000000e+00 : f32
    %neg3A_36 = vector.broadcast %neg3A : f32 to vector<5000x1xf32>
    %neg3A_37 = arith.subf %neg3A_36, %add3A_35 : vector<5000x1xf32>
    %exp3A = math.exp %neg3A_37 : vector<5000x1xf32>
    %add3A_38 = arith.constant 1.000000e+00 : f32
    %add3A_39 = vector.broadcast %add3A_38 : f32 to vector<5000x1xf32>
    %add3A_40 = arith.addf %add3A_39, %exp3A : vector<5000x1xf32>
    %div3A = arith.constant 1.000000e+00 : f32
    %div3A_41 = vector.broadcast %div3A : f32 to vector<5000x1xf32>
    %div3A_42 = arith.divf %div3A_41, %add3A_40 : vector<5000x1xf32>
    %swap3A = arith.constant 0 : index
    %swap3A_43 = arith.constant 0 : index
    %swap3A_44 = vector.load %arg7[%swap3A, %swap3A_43] : memref<5000x1xf32, #tpu.memory_space<vmem>>, vector<5000x1xf32>
    tpu.vector_store %arg7[%swap3A, %swap3A_43], %div3A_42 {strides = array<i32>} : memref<5000x1xf32, #tpu.memory_space<vmem>>, vector<5000x1xf32>,
    return
  }
  func.func @transform_0(%arg0: i32) -> (i32, i32, i32) {
    %c0_i32 = arith.constant 0 : i32
    %c0_i32_0 = arith.constant 0 : i32
    %c0_i32_1 = arith.constant 0 : i32
    return %c0_i32, %arg0, %c0_i32_0 : i32, i32, i32
  }
  func.func @transform_1(%arg0: i32) -> (i32, i32) {
    %c0_i32 = arith.constant 0 : i32
    %c0_i32_0 = arith.constant 0 : i32
    return %arg0, %c0_i32 : i32, i32
  }
  func.func @transform_2(%arg0: i32) -> (i32, i32) {
    %c0_i32 = arith.constant 0 : i32
    %c0_i32_0 = arith.constant 0 : i32
    return %arg0, %c0_i32 : i32, i32
  }
  func.func @transform_3(%arg0: i32) -> (i32, i32) {
    %c0_i32 = arith.constant 0 : i32
    %c0_i32_0 = arith.constant 0 : i32
    %c0_i32_1 = arith.constant 0 : i32
    return %c0_i32, %c0_i32_0 : i32, i32
  }
  func.func @transform_4(%arg0: i32) -> (i32, i32) {
    %c0_i32 = arith.constant 0 : i32
    %c0_i32_0 = arith.constant 0 : i32
    %c0_i32_1 = arith.constant 0 : i32
    return %c0_i32, %c0_i32_0 : i32, i32
  }
  func.func @transform_5(%arg0: i32) -> (i32, i32) {
    %c0_i32 = arith.constant 0 : i32
    %c0_i32_0 = arith.constant 0 : i32
    %c0_i32_1 = arith.constant 0 : i32
    return %c0_i32, %c0_i32_0 : i32, i32
  }
  func.func @transform_6(%arg0: i32) -> (i32, i32) {
    %c0_i32 = arith.constant 0 : i32
    %c0_i32_0 = arith.constant 0 : i32
    return %arg0, %c0_i32 : i32, i32
  }
}

</mosaic_0001>

<sc_bundles>
// kernel: kernel.12.cloned.1.call-start
scs
__scs_entry_jumppad:
0x0: {  	(pc) =	sbr.rel $0x88, $3  }
0x1: {  	(tag) =	ssettag $0x0;
	lr =	simm.s32 $0x1  }
0x2: {  	[smem:$0x3F99] =	sst lr;
	_ =	strace $0xD0000000  }
0x3: {  	_ = 	snop  }
0x4: {  	_ = 	snop  }
0x5: {  	_ = 	snop  }
0x6: {  	_ = 	snop  }
0x7: {  	_ = 	snop  }
__scs_overlays_trampoline_lowered:
0x8: {  	[smem:$0x3FA8] =	sst s0  }
0x9: {  	[smem:$0x3FA9] =	sst s1  }
0xa: {  	[smem:$0x3FAA] =	sst s2  }
0xb: {  	[smem:$0x3FAB] =	sst s3  }
0xc: {  	[smem:$0x3FAC] =	sst s4  }
0xd: {  	[smem:$0x3FAD] =	sst s5  }
0xe: {  	[smem:$0x3FAE] =	sst s6  }
0xf: {  	[smem:$0x3FAF] =	sst s7  }
0x10: {  	[smem:$0x3FB0] =	sst s8  }
0x11: {  	[smem:$0x3FB1] =	sst s9;
	s0 =	simm.s32 @!p0 $0x0  }
0x12: {  	s1 =	sld [smem:$0x3F97];
	s0 =	simm.s32 @p0 $0x1  }
0x13: {  	[smem:$0x3FB2] =	sst s0;
	s0 =	simm.s32 @!p1 $0x0  }
0x14: {  	s2 =	sld [smem:$0x3F96];
	s0 =	simm.s32 @p1 $0x1  }
0x15: {  	[smem:$0x3FB3] =	sst s0;
	s0 =	simm.s32 @!p2 $0x0  }
0x16: {  	s3 =	sld [smem:$0x3FDB];
	s0 =	simm.s32 @p2 $0x1  }
0x17: {  	s4 =	simm.s32 $0x1BF5;
	[smem:$0x3FB5] =	sst s0  }
0x18: {  	s0 =	sld [smem:$0x3F98];
	_ =	swait.ge [sflag:s4], $0x0  }
0x19: {  	s7 =	sld [smem:$0x3F99]  }
0x1a: {  	s8 =	sadd.s32 $0xFFFFE003, lr  }
0x1b: {  	s9 =	sadd.s32 $0xFFFFFEF7, lr;
	s5 =	simm.s32 $0xFFFFFFFF;
	p2 =	slt.u32 s8, $0xFFFFF086  }
0x1c: {  	p1 =	slt.u32 s9, $0xF7A;
	s5 =	simm.s32 @!p2 $0x0  }
0x1d: {  	s5 =	simm.s32 @p1 $0x1;
	p0 =	seq.s32 s7, s2  }
0x1e: {  	s7 =	smul.u32 @!p0 $0xF7A, s2;
	p2 =	seq.s32 @!p0 s5, $0x0  }
0x1f: {  	s9 =	smul.u32 $0xF7A, s1;
	s8 =	simm.s32 @!p0 $0x1BF5;
	p2 =	por !p2, p0  }
0x20: {  	[sflag:s8] =	ssyncset.s32 @!p0 $0xFFFFF086;
	s6 =	sadd.s32 @!p0 s3, s7;
	s7 =	simm.s32 @!p0 $0x108  }
0x21: {  	s3 =	sadd.s32 s3, s9;
	s6 =	sadd.s32 @!p0 $0x88, s6;
	s7 =	simm.s32 @p2 $0x1082  }
0x22: {  	[simem:s7], [sflag:s8] =	dma.local @!p0 [hbm:s6], $0xF7A  }
0x23: {  	s9 =	sor.u32 $0xD0000000, s2;
	s6 =	simm.s32 $0x108;
	_ =	swait.ge @!p0 [sflag:s8], $0x0  }
0x24: {  	s3 =	sadd.s32 $0x88, s3;
	s6 =	simm.s32 @!p1 $0x1082;
	[sflag:s4] =	ssyncset.s32 $0xFFFFF086  }
0x25: {  	[simem:s6], [sflag:s4] =	dma.local [hbm:s3], $0xF7A  }
0x26: {  	[smem:$0x3F99] =	sst s1;
	(tag) =	ssettag s2;
	_ =	strace s9  }
0x27: {  	s1 =	sld [smem:$0x3FA9]  }
0x28: {  	s2 =	sld [smem:$0x3FAA]  }
0x29: {  	s4 =	sld [smem:$0x3FAC]  }
0x2a: {  	p0 =	seq.s32 s5, $0x0;
	s5 =	sld [smem:$0x3FAD]  }
0x2b: {  	s6 =	sld [smem:$0x3FAE]  }
0x2c: {  	s7 =	sld [smem:$0x3FAF]  }
0x2d: {  	s3 =	simm.s32 $0x108;
	s8 =	sld [smem:$0x3FB0]  }
0x2e: {  	s3 =	simm.s32 @!p0 $0x1082;
	s9 =	sld [smem:$0x3FB1]  }
0x2f: {  	lr =	sadd.s32 s0, s3;
	s0 =	sld [smem:$0x3FA8]  }
0x30: {  	s3 =	sld [smem:$0x3FAB]  }
0x31: {  	[smem:$0x3FB4] =	sst s10  }
0x32: {  	s10 =	sld [smem:$0x3FB2];
	_ =	sdelay $0x3  }
0x33: {  	p0 =	seq.s32 s10, $0x1;
	s10 =	sld [smem:$0x3FB4];
	_ =	sdelay $0x3  }
0x34: {  	[smem:$0x3FB4] =	sst s10  }
0x35: {  	s10 =	sld [smem:$0x3FB3];
	_ =	sdelay $0x3  }
0x36: {  	p1 =	seq.s32 s10, $0x1;
	s10 =	sld [smem:$0x3FB4];
	_ =	sdelay $0x3  }
0x37: {  	[smem:$0x3FB4] =	sst s10  }
0x38: {  	s10 =	sld [smem:$0x3FB5]  }
0x39: {  	_ = 	snop;
	(pc) =	sbr.ind lr, $3  }
0x3a: {  	_ = 	snop  }
0x3b: {  	_ = 	snop  }
0x3c: {  	p2 =	seq.s32 s10, $0x1;
	s10 =	sld [smem:$0x3FB4]  }
0x3d: {  	_ =	shalt  }
0x3e: {  	_ =	shalt  }
0x3f: {  	_ =	shalt  }
0x40: {  	_ =	shalt  }
0x41: {  	_ =	shalt  }
0x42: {  	_ =	shalt  }
0x43: {  	_ =	shalt  }
0x44: {  	_ =	shalt  }
0x45: {  	_ =	shalt  }
0x46: {  	_ =	shalt  }
0x47: {  	_ =	shalt  }
0x48: {  	_ =	shalt  }
0x49: {  	_ =	shalt  }
0x4a: {  	_ =	shalt  }
0x4b: {  	_ =	shalt  }
0x4c: {  	_ =	shalt  }
0x4d: {  	_ =	shalt  }
0x4e: {  	_ =	shalt  }
0x4f: {  	_ =	shalt  }
0x50: {  	_ =	shalt  }
0x51: {  	_ =	shalt  }
0x52: {  	_ =	shalt  }
0x53: {  	_ =	shalt  }
0x54: {  	_ =	shalt  }
0x55: {  	_ =	shalt  }
0x56: {  	_ =	shalt  }
0x57: {  	_ =	shalt  }
0x58: {  	_ =	shalt  }
0x59: {  	_ =	shalt  }
0x5a: {  	_ =	shalt  }
0x5b: {  	_ =	shalt  }
0x5c: {  	_ =	shalt  }
0x5d: {  	_ =	shalt  }
0x5e: {  	_ =	shalt  }
0x5f: {  	_ =	shalt  }
0x60: {  	_ =	shalt  }
0x61: {  	_ =	shalt  }
0x62: {  	_ =	shalt  }
0x63: {  	_ =	shalt  }
0x64: {  	_ =	shalt  }
0x65: {  	_ =	shalt  }
0x66: {  	_ =	shalt  }
0x67: {  	_ =	shalt  }
0x68: {  	_ =	shalt  }
0x69: {  	_ =	shalt  }
0x6a: {  	_ =	shalt  }
0x6b: {  	_ =	shalt  }
0x6c: {  	_ =	shalt  }
0x6d: {  	_ =	shalt  }
0x6e: {  	_ =	shalt  }
0x6f: {  	_ =	shalt  }
0x70: {  	_ =	shalt  }
0x71: {  	_ =	shalt  }
0x72: {  	_ =	shalt  }
0x73: {  	_ =	shalt  }
0x74: {  	_ =	shalt  }
0x75: {  	_ =	shalt  }
0x76: {  	_ =	shalt  }
0x77: {  	_ =	shalt  }
0x78: {  	_ =	shalt  }
0x79: {  	_ =	shalt  }
0x7a: {  	_ =	shalt  }
0x7b: {  	_ =	shalt  }
0x7c: {  	_ =	shalt  }
0x7d: {  	_ =	shalt  }
0x7e: {  	_ =	shalt  }
0x7f: {  	_ =	shalt  }
0x80: {  	_ =	shalt  }
0x81: {  	_ =	shalt  }
0x82: {  	_ =	shalt  }
0x83: {  	_ =	shalt  }
0x84: {  	_ =	shalt  }
0x85: {  	_ =	shalt  }
0x86: {  	_ =	shalt  }
0x87: {  	_ =	shalt  }
.Lfunc_end0:
.L_simem_size_0:
called_computation.1_lowered:
.L_overlay_start_0:
0x88: {  	s2 =	sld [smem:$0x3FD9]  }
0x89: {  	s3 =	sld [smem:$0x3FFE];
	_ =	sdelay $0x1  }
0x8a: {  	s1 =	srdreg.scid  }
0x8b: {  	s0 =	sand.u32 $0x1, s1  }
0x8c: {  	s16 =	sshll.u32 s0, $0xA;
	s2 =	sadd.s32 s3, s2  }
0x8d: {  	s2 =	sadd.s32 s2, s16  }
0x8e: {  	[smem:$0x3FC0] =	sst s2  }
0x8f: {  	_ = 	snop  }
0x90: {  	(tm) =	ssettm $0x1  }
0x91: {  	s17 =	sld [smem:$0x3FFB];
	_ =	sdelay $0x3  }
0x92: {  	_ =	strace s17  }
0x93: {  	s2 =	sld [smem:$0x3FFC];
	_ =	sdelay $0x3  }
0x94: {  	_ =	strace s2  }
0x95: {  	s2 =	sld [smem:$0x3FFD];
	_ =	sdelay $0x3  }
0x96: {  	_ =	strace s2  }
0x97: {  	_ =	strace $0x8FFFFFFF  }
0x98: {  	s18 =	sld [smem:$0x3FDB];
	_ =	sdelay $0x1  }
0x99: {  	s19 =	simm.s32 $_scs_section_size  }
0x9a: {  	s4 =	simm.s32 $_size__tile_overlayer_lowered;
	s5 =	simm.s32 $_tile_overlayer_lowered  }
0x9b: {  	s22 =	simm.s32 $0x1BFF;
	s21 =	sshll.u32 s5, $0x1;
	s2 =	sadd.s32 s19, s18  }
0x9c: {  	s6 =	simm.s32 $0x0;
	s20 =	sshll.u32 s4, $0x1;
	s4 =	sadd.s32 s21, s2  }
0x9d: {  	[timem:s6], [sflag:s22] =	dma.local [hbm:s4], s20  }
0x9e: {  	_ =	swait.ge [sflag:s22], s20  }
0x9f: {  	s3 =	ssub.s32 $0x0, s20;
	[sflag:s22] =	ssyncset.done $0x0  }
0xa0: {  	[sflag:s22] =	ssyncadd.s32 s3;
	_ =	sdelay $0x1  }
0xa1: {  	s23 =	simm.s32 $0x1B8B  }
0xa2: {  	_ =	swait.ge [sflag:s23], $0x1  }
0xa3: {  	[sflag:s23] =	ssyncset.done $0x0  }
0xa4: {  	s25 =	simm.s32 $0x1B8E;
	s24 =	sld [smem:$0x3FFE];
	[sflag:s23] =	ssyncadd.s32 $0xFFFFFFFF  }
0xa5: {  	s26 =	simm.s32 $execute0_lowered;
	[smem:$0x3FD2] =	sst s25  }
0xa6: {  	s4 =	sshll.u32 s26, $0x1;
	_ =	strace $0x80000049;
	[dreg:$0x1] =	wrdreg $0xFFFFFFFF  }
0xa7: {  	s28 =	simm.s32 $_size_execute0_lowered;
	s2 =	sadd.s32 s2, s4;
	[dreg:$0x0] =	wrdreg $0x0  }
0xa8: {  	s4 =	sshll.u32 s28, $0x1;
	[dreg:$0x2] =	wrdreg s2  }
0xa9: {  	[dreg:$0x3] =	wrdreg s4  }
0xaa: {  	[dreg:$0x4] =	wrdreg $0xC0  }
0xab: {  	_ =	task [dreg:s6], $0x5FFFF  }
0xac: {  	[dreg:$0x1] =	wrdreg $0xFFFFFFFF  }
0xad: {  	[dreg:$0x0] =	wrdreg $0x60  }
0xae: {  	[dreg:$0x2] =	wrdreg s24  }
0xaf: {  	[dreg:$0x3] =	wrdreg $0xB4000  }
0xb0: {  	[dreg:$0x4] =	wrdreg $0x9  }
0xb1: {  	_ =	task.clear_ibuf [dreg:s6], $0x5FFFF;
	_ =	strace $0x90000049  }
0xb2: {  	s29 =	simm.s32 $0x9;
	_ =	strace $0x8000004B  }
0xb3: {  	_ =	swait.ge [sflag:s29], $0x1  }
0xb4: {  	[sflag:s29] =	ssyncadd.s32 $0xFFFFFFFF  }
0xb5: {  	_ =	strace $0x9000004B  }
0xb6: {  	_ =	sfence  }
0xb7: {  	s30 =	sld [smem:$0x0];
	_ =	sdelay $0x2  }
0xb8: {  	s31 =	sshll.u32 s1, $0xD;
	s1 =	sshrl.u32 s1, $0x2  }
0xb9: {  	s3 =	sand.u32 $0x4000, s31;
	s1 =	sadd.s32 s1, s30  }
0xba: {  	s0 =	sor.u32 s3, s0;
	s1 =	sshll.u32 s1, $0x11  }
0xbb: {  	s0 =	sor.u32 s1, s0  }
0xbc: {  	s0 =	sadd.s32 $0x8F2B, s0  }
0xbd: {  	[sflag:s0] =	ssyncadd.remote.s32 $0x1  }
0xbe: {  	_ =	sfence.sel $0xFFFF  }
0xbf: {  	[dreg:$0x0] =	wrdreg $0xFFFFFFFF;
	(pc) =	sbr.abs _section_cstart, $3  }
0xc0: {  	[dreg:$0x1] =	wrdreg $0xFFFFFFFF  }
0xc1: {  	_ =	task.clear_ibuf [dreg:s6], $0x2FFFF;
	_ =	strace $0x9FFFFFFF  }
0xc2: {  	(tm) =	ssettm $0x7FFFFFFF  }
0xc3: {  	_ =	shalt  }
tec
execute0_lowered:
.L_overlay_start_1:
0x0: {  	(tag) =	ssettag $0x1  }
0x1: {  	s0 =	rddreg [dreg:$0x0]  }
0x2: {  	s1 =	srdreg.scid;
	s10 =	stileid.u32  }
0x3: {  	s2 =	rddreg [dreg:$0x1];
	s3 =	simm.s32 $0x0;
	s6 =	smul.u32 $0x14000, s10  }
0x4: {  	s1 =	sand.u32 $0x1, s1;
	[smem:$0x7FF] =	sst s3;
	s7 =	smul.u32 $0x50000, s10  }
0x5: {  	s4 =	sadd.s32 $0x15200, s0;
	s17 =	sadd.s32 $0x1600, s0;
	s14 =	smul.u32 $0x4E20, s10  }
0x6: {  	s12 =	sshll.u32 s10, $0x1;
	s5 =	smul.u32 $0x140000, s1;
	s7 =	sshrl.u32 s7, $0x2  }
0x7: {  	_ =	strace $0x8000004A;
	s8 =	ssub.s32 $0x2, s1;
	s16 =	sadd.s32 s7, s2  }
0x8: {  	s5 =	sadd.s32 s6, s5;
	s6 =	sadd.s32 $0xB400, s0;
	[dreg:$0xa] =	wrdreg s16  }
0x9: {  	s9 =	sshrl.u32 s8, $0x1;
	s13 =	sadd.s32 $0x1000, s16;
	[dreg:$0x9] =	wrdreg s6  }
0xa: {  	s5 =	sshrl.u32 s5, $0x3;
	s15 =	sadd.s32 $0x2000, s16;
	[dreg:$0xb] =	wrdreg s13  }
0xb: {  	s18 =	sadd.s32 $0x3000, s16;
	s19 =	sadd.s32 $0x4000, s16;
	[dreg:$0xc] =	wrdreg s15  }
0xc: {  	s20 =	sadd.s32 $0x5000, s16;
	s0 =	sadd.s32 s5, s0;
	[dreg:$0xd] =	wrdreg s18  }
0xd: {  	s5 =	sor.u32 s1, s12;
	s1 =	smul.u32 $0x2710, s1;
	[dreg:$0xe] =	wrdreg s19  }
0xe: {  	[dreg:$0xf] =	wrdreg s20;
	s5 =	smul.u32 $0x2710, s5;
	s0 =	sadd.s32 $0x3C400, s0  }
0xf: {  	s7 =	ssub.s32 s8, s9;
	s1 =	sadd.s32 s1, s14;
	[dreg:$0x1a] =	wrdreg s0  }
0x10: {  	s5 =	sshrl.u32 s5, $0x3;
	s11 =	sadd.s32 $0x1E0, s1;
	s10 =	sadd.s32 $0x140, s1  }
0x11: {  	s18 =	sadd.s32 $0x190, s1;
	s21 =	sadd.s32 s17, s5;
	[dreg:$0x1c] =	wrdreg s10  }
0x12: {  	s22 =	sadd.s32 $0xA, s5;
	s23 =	sadd.s32 s6, s5;
	[dreg:$0x10] =	wrdreg s21  }
0x13: {  	s14 =	sshrl.u32 s11, $0x3;
	s11 =	sadd.s32 $0x6000, s16;
	[dreg:$0x11] =	wrdreg s23  }
0x14: {  	s20 =	sshrl.u32 s18, $0x3;
	s18 =	sadd.s32 $0xB000, s16;
	[dreg:$0x1d] =	wrdreg s11  }
0x15: {  	s25 =	sadd.s32 $0x230, s1;
	s24 =	sadd.s32 s17, s22;
	[smem:$0x7F5] =	sst s18  }
0x16: {  	s26 =	sadd.s32 $0x14, s5;
	s9 =	sadd.s32 s6, s22;
	[dreg:$0x12] =	wrdreg s24  }
0x17: {  	s8 =	sshrl.u32 s25, $0x3;
	s12 =	sadd.s32 s17, s26;
	[dreg:$0x13] =	wrdreg s9  }
0x18: {  	s13 =	sadd.s32 s8, s6;
	[dreg:$0x14] =	wrdreg s12  }
0x19: {  	s8 =	sadd.s32 s8, s17;
	[dreg:$0x3] =	wrdreg s13  }
0x1a: {  	s15 =	sadd.s32 s14, s6;
	[dreg:$0x4] =	wrdreg s8  }
0x1b: {  	s19 =	sadd.s32 s14, s17;
	[dreg:$0x5] =	wrdreg s15  }
0x1c: {  	s28 =	simm.s32 $0x300;
	s22 =	sadd.s32 s20, s6;
	[dreg:$0x6] =	wrdreg s19  }
0x1d: {  	s30 =	simm.s32 $0x2C00;
	s25 =	sadd.s32 s20, s17;
	[dreg:$0x7] =	wrdreg s22  }
0x1e: {  	s29 =	simm.s32 $0x5;
	s14 =	sadd.s32 $0x9000, s16;
	[dreg:$0x8] =	wrdreg s25  }
0x1f: {  	s31 =	simm.s32 $0xB;
	s20 =	sadd.s32 $0xD000, s16;
	[smem:$0x7F3] =	sst s14  }
0x20: {  	s21 =	sadd.s32 $0x1E, s5;
	s9 =	sadd.s32 s6, s26;
	[smem:$0x7F7] =	sst s20  }
0x21: {  	s0 =	simm.s32 $0x3;
	s23 =	sadd.s32 s17, s21;
	[dreg:$0x15] =	wrdreg s9  }
0x22: {  	s5 =	sadd.s32 $0x4D8, s5;
	s24 =	sadd.s32 s6, s21;
	[dreg:$0x16] =	wrdreg s23  }
0x23: {  	s1 =	simm.s32 $0x180;
	s26 =	sadd.s32 s17, s5;
	[dreg:$0x17] =	wrdreg s24  }
0x24: {  	s10 =	simm.s32 $0x4;
	s5 =	sadd.s32 s6, s5;
	[dreg:$0x18] =	wrdreg s26  }
0x25: {  	s18 =	simm.s32 $0x200;
	s12 =	sadd.s32 $0x7000, s16;
	[dreg:$0x19] =	wrdreg s5  }
0x26: {  	s11 =	simm.s32 $0x380;
	s13 =	sadd.s32 $0x8000, s16;
	[dreg:$0x1e] =	wrdreg s12  }
0x27: {  	s15 =	sadd.s32 $0xA000, s16;
	s19 =	sadd.s32 $0xC000, s16;
	[dreg:$0x1f] =	wrdreg s13  }
0x28: {  	s21 =	sadd.s32 $0xE000, s16;
	s22 =	sadd.s32 $0xF000, s16;
	[smem:$0x7F4] =	sst s15  }
0x29: {  	s25 =	sadd.s32 $0x12000, s16;
	s20 =	simm.s32 $0x1;
	[smem:$0x7F6] =	sst s19  }
0x2a: {  	s8 =	simm.s32 $0x6;
	s14 =	simm.s32 $0x0;
	[smem:$0x7F8] =	sst s21  }
0x2b: {  	s9 =	smax.u32 s7, $0x1;
	[smem:$0x7F9] =	sst s22;
	s23 =	sadd.s32 $0x10000, s16  }
0x2c: {  	s24 =	sadd.s32 $0x11000, s16;
	[smem:$0x7FC] =	sst s25;
	s26 =	sadd.s32 $0x13000, s16  }
0x2d: {  	s19 =	simm.s32 $0x80;
	s22 =	simm.s32 $0x280;
	[dreg:$0x1b] =	wrdreg s9  }
0x2e: {  	s21 =	simm.s32 $0x50;
	s12 =	simm.s32 $0x9;
	[smem:$0x7FA] =	sst s23  }
0x2f: {  	s13 =	simm.s32 $0x7C00;
	s25 =	simm.s32 $0xA;
	[smem:$0x7FB] =	sst s24  }
0x30: {  	s7 =	simm.s32 $0x8;
	[smem:$0x7FD] =	sst s26;
	s23 =	simm.s32 $0x400  }
0x31: {  	v0 =	vimm.f32 $0.0e+00;
	s24 =	simm.s32 $0x100;
	s26 =	simm.s32 $0x2;
	s9 =	simm.s32 $0x5400  }
.LBB2_1:
0x32: {  	[smem:$0x7F2] =	sst s14;
	s5 =	simm.s32 $0x0;
	s15 =	simm.s32 $0x200  }
.LBB2_2:
0x33: {  	p0 =	sne.s32 s15, $0x3E00;
	[tilespmem:s5+$0xA470] =	vst v0  }
0x34: {  	[tilespmem:s5+$0xA400] =	vst v0  }
0x35: {  	[tilespmem:s5+$0xA410] =	vst v0  }
.Ltmp0:
0x36: {  	[tilespmem:s5+$0xA420] =	vst v0;
	(pc) =	sbr.rel @p0 .LBB2_2-.Ltmp0, $4  }
0x37: {  	[tilespmem:s5+$0xA430] =	vst v0  }
0x38: {  	[tilespmem:s5+$0xA440] =	vst v0  }
0x39: {  	[tilespmem:s5+$0xA450] =	vst v0  }
0x3a: {  	[tilespmem:s5+$0xA460] =	vst v0;
	s5 =	sshra.s32 s15, $0x2;
	s15 =	sadd.s32 $0x200, s15  }
0x3b: {  	[tilespmem:s5+$0xA470] =	vst v0  }
0x3c: {  	[tilespmem:s5+$0xA400] =	vst v0  }
0x3d: {  	[tilespmem:s5+$0xA410] =	vst v0  }
0x3e: {  	[tilespmem:s5+$0xA420] =	vst v0  }
0x3f: {  	[tilespmem:s5+$0xA430] =	vst v0  }
0x40: {  	[tilespmem:s5+$0xA440] =	vst v0  }
0x41: {  	[tilespmem:s5+$0xA450] =	vst v0  }
0x42: {  	[tilespmem:s5+$0xA460] =	vst v0;
	s15 =	simm.s32 $0xA400  }
0x43: {  	[spmem:s16] =	stream.linear.scatter [tilespmem:s15], [sflag:$0xD], $0x1000, $0x38;
	[tilespmem:$0x1F400] =	vst v63  }
0x44: {  	s14 =	rddreg [dreg:$0xb]  }
0x45: {  	[spmem:s14] =	stream.linear.scatter [tilespmem:s15], [sflag:$0xD], $0x1000, $0x38;
	[tilespmem:$0x1F400] =	vst v63  }
0x46: {  	s16 =	rddreg [dreg:$0xc]  }
0x47: {  	[spmem:s16] =	stream.linear.scatter [tilespmem:s15], [sflag:$0xD], $0x1000, $0x38;
	[tilespmem:$0x1F400] =	vst v63  }
0x48: {  	s14 =	rddreg [dreg:$0xd]  }
0x49: {  	[spmem:s14] =	stream.linear.scatter [tilespmem:s15], [sflag:$0xD], $0x1000, $0x38;
	[tilespmem:$0x1F400] =	vst v63  }
0x4a: {  	s16 =	rddreg [dreg:$0xe]  }
0x4b: {  	[spmem:s16] =	stream.linear.scatter [tilespmem:s15], [sflag:$0xD], $0x1000, $0x38;
	[tilespmem:$0x1F400] =	vst v63  }
0x4c: {  	s16 =	simm.s32 $0xD  }
0x4d: {  	_ =	swait.ge [sflag:s16], $0x1000  }
0x4e: {  	[sflag:s16] =	ssyncset.done $0x0  }
0x4f: {  	[sflag:s16] =	ssyncadd.s32 $0xFFFFF000  }
0x50: {  	_ =	swait.ge [sflag:s16], $0x1000  }
0x51: {  	[sflag:s16] =	ssyncset.done $0x0  }
0x52: {  	[sflag:s16] =	ssyncadd.s32 $0xFFFFF000  }
0x53: {  	_ =	swait.ge [sflag:s16], $0x1000  }
0x54: {  	[sflag:s16] =	ssyncset.done $0x0  }
0x55: {  	[sflag:s16] =	ssyncadd.s32 $0xFFFFF000  }
0x56: {  	_ =	swait.ge [sflag:s16], $0x1000  }
0x57: {  	[sflag:s16] =	ssyncset.done $0x0  }
0x58: {  	[sflag:s16] =	ssyncadd.s32 $0xFFFFF000  }
0x59: {  	_ =	swait.ge [sflag:s16], $0x1000  }
0x5a: {  	[sflag:s16] =	ssyncset.done $0x0  }
0x5b: {  	s14 =	rddreg [dreg:$0xf];
	[sflag:s16] =	ssyncadd.s32 $0xFFFFF000  }
0x5c: {  	[spmem:s14] =	stream.linear.scatter [tilespmem:s15], [sflag:$0xD], $0x1000, $0x38;
	[tilespmem:$0x1F400] =	vst v63  }
0x5d: {  	s14 =	rddreg [dreg:$0x1d]  }
0x5e: {  	[spmem:s14] =	stream.linear.scatter [tilespmem:s15], [sflag:$0xD], $0x1000, $0x38;
	[tilespmem:$0x1F400] =	vst v63  }
0x5f: {  	s14 =	rddreg [dreg:$0x1e]  }
0x60: {  	[spmem:s14] =	stream.linear.scatter [tilespmem:s15], [sflag:$0xD], $0x1000, $0x38;
	[tilespmem:$0x1F400] =	vst v63  }
0x61: {  	s14 =	rddreg [dreg:$0x1f]  }
0x62: {  	[spmem:s14] =	stream.linear.scatter [tilespmem:s15], [sflag:$0xD], $0x1000, $0x38;
	[tilespmem:$0x1F400] =	vst v63  }
0x63: {  	s14 =	sld [smem:$0x7F3];
	_ =	sdelay $0x2  }
0x64: {  	[spmem:s14] =	stream.linear.scatter [tilespmem:s15], [sflag:$0xD], $0x1000, $0x38;
	[tilespmem:$0x1F400] =	vst v63  }
0x65: {  	_ =	swait.ge [sflag:s16], $0x1000  }
0x66: {  	[sflag:s16] =	ssyncset.done $0x0  }
0x67: {  	[sflag:s16] =	ssyncadd.s32 $0xFFFFF000  }
0x68: {  	_ =	swait.ge [sflag:s16], $0x1000  }
0x69: {  	[sflag:s16] =	ssyncset.done $0x0  }
0x6a: {  	[sflag:s16] =	ssyncadd.s32 $0xFFFFF000  }
0x6b: {  	_ =	swait.ge [sflag:s16], $0x1000  }
0x6c: {  	[sflag:s16] =	ssyncset.done $0x0  }
0x6d: {  	[sflag:s16] =	ssyncadd.s32 $0xFFFFF000  }
0x6e: {  	_ =	swait.ge [sflag:s16], $0x1000  }
0x6f: {  	[sflag:s16] =	ssyncset.done $0x0  }
0x70: {  	[sflag:s16] =	ssyncadd.s32 $0xFFFFF000  }
0x71: {  	_ =	swait.ge [sflag:s16], $0x1000  }
0x72: {  	s14 =	sld [smem:$0x7F4]  }
0x73: {  	[sflag:s16] =	ssyncset.done $0x0  }
0x74: {  	[sflag:s16] =	ssyncadd.s32 $0xFFFFF000  }
0x75: {  	[spmem:s14] =	stream.linear.scatter [tilespmem:s15], [sflag:$0xD], $0x1000, $0x38;
	[tilespmem:$0x1F400] =	vst v63  }
0x76: {  	s14 =	sld [smem:$0x7F5];
	_ =	sdelay $0x2  }
0x77: {  	[spmem:s14] =	stream.linear.scatter [tilespmem:s15], [sflag:$0xD], $0x1000, $0x38;
	[tilespmem:$0x1F400] =	vst v63  }
0x78: {  	s14 =	sld [smem:$0x7F6];
	_ =	sdelay $0x2  }
0x79: {  	[spmem:s14] =	stream.linear.scatter [tilespmem:s15], [sflag:$0xD], $0x1000, $0x38;
	[tilespmem:$0x1F400] =	vst v63  }
0x7a: {  	s14 =	sld [smem:$0x7F7];
	_ =	sdelay $0x2  }
0x7b: {  	[spmem:s14] =	stream.linear.scatter [tilespmem:s15], [sflag:$0xD], $0x1000, $0x38;
	[tilespmem:$0x1F400] =	vst v63  }
0x7c: {  	s14 =	sld [smem:$0x7F8];
	_ =	sdelay $0x2  }
0x7d: {  	[spmem:s14] =	stream.linear.scatter [tilespmem:s15], [sflag:$0xD], $0x1000, $0x38;
	[tilespmem:$0x1F400] =	vst v63  }
0x7e: {  	_ =	swait.ge [sflag:s16], $0x1000  }
0x7f: {  	[sflag:s16] =	ssyncset.done $0x0  }
0x80: {  	[sflag:s16] =	ssyncadd.s32 $0xFFFFF000  }
0x81: {  	_ =	swait.ge [sflag:s16], $0x1000  }
0x82: {  	[sflag:s16] =	ssyncset.done $0x0  }
0x83: {  	[sflag:s16] =	ssyncadd.s32 $0xFFFFF000  }
0x84: {  	_ =	swait.ge [sflag:s16], $0x1000  }
0x85: {  	[sflag:s16] =	ssyncset.done $0x0  }
0x86: {  	[sflag:s16] =	ssyncadd.s32 $0xFFFFF000  }
0x87: {  	_ =	swait.ge [sflag:s16], $0x1000  }
0x88: {  	[sflag:s16] =	ssyncset.done $0x0  }
0x89: {  	[sflag:s16] =	ssyncadd.s32 $0xFFFFF000  }
0x8a: {  	_ =	swait.ge [sflag:s16], $0x1000  }
0x8b: {  	s14 =	sld [smem:$0x7F9]  }
0x8c: {  	[sflag:s16] =	ssyncset.done $0x0  }
0x8d: {  	[sflag:s16] =	ssyncadd.s32 $0xFFFFF000  }
0x8e: {  	[spmem:s14] =	stream.linear.scatter [tilespmem:s15], [sflag:$0xD], $0x1000, $0x38;
	[tilespmem:$0x1F400] =	vst v63  }
0x8f: {  	s14 =	sld [smem:$0x7FA];
	_ =	sdelay $0x2  }
0x90: {  	[spmem:s14] =	stream.linear.scatter [tilespmem:s15], [sflag:$0xD], $0x1000, $0x38;
	[tilespmem:$0x1F400] =	vst v63  }
0x91: {  	s14 =	sld [smem:$0x7FB];
	_ =	sdelay $0x2  }
0x92: {  	[spmem:s14] =	stream.linear.scatter [tilespmem:s15], [sflag:$0xD], $0x1000, $0x38;
	[tilespmem:$0x1F400] =	vst v63  }
0x93: {  	s14 =	sld [smem:$0x7FC];
	_ =	sdelay $0x2  }
0x94: {  	[spmem:s14] =	stream.linear.scatter [tilespmem:s15], [sflag:$0xD], $0x1000, $0x38;
	[tilespmem:$0x1F400] =	vst v63  }
0x95: {  	s14 =	sld [smem:$0x7FD];
	_ =	sdelay $0x2  }
0x96: {  	[spmem:s14] =	stream.linear.scatter [tilespmem:s15], [sflag:$0xD], $0x1000, $0x38;
	[tilespmem:$0x1F400] =	vst v63  }
0x97: {  	_ =	swait.ge [sflag:s16], $0x1000  }
0x98: {  	[sflag:s16] =	ssyncset.done $0x0  }
0x99: {  	[sflag:s16] =	ssyncadd.s32 $0xFFFFF000  }
0x9a: {  	_ =	swait.ge [sflag:s16], $0x1000  }
0x9b: {  	[sflag:s16] =	ssyncset.done $0x0  }
0x9c: {  	[sflag:s16] =	ssyncadd.s32 $0xFFFFF000  }
0x9d: {  	_ =	swait.ge [sflag:s16], $0x1000  }
0x9e: {  	[sflag:s16] =	ssyncset.done $0x0  }
0x9f: {  	[sflag:s16] =	ssyncadd.s32 $0xFFFFF000  }
0xa0: {  	_ =	swait.ge [sflag:s16], $0x1000  }
0xa1: {  	[sflag:s16] =	ssyncset.done $0x0  }
0xa2: {  	[sflag:s16] =	ssyncadd.s32 $0xFFFFF000  }
0xa3: {  	_ =	swait.ge [sflag:s16], $0x1000  }
0xa4: {  	[sflag:s16] =	ssyncset.done $0x0  }
0xa5: {  	[sflag:s16] =	ssyncadd.s32 $0xFFFFF000  }
0xa6: {  	[bflag:$0x0] =	sbarrier.arrive $0xFFFF  }
0xa7: {  	s5 =	simm.s32 $0x0;
	s14 =	rddreg [dreg:$0x10]  }
0xa8: {  	[tilespmem:s5], [sflag:$0x1] =	stream.linear.gather [hbm4b:s14+s5], $0x50, $0x38;
	[tilespmem:$0x1F400] =	vst v63  }
0xa9: {  	s16 =	rddreg [dreg:$0x11]  }
0xaa: {  	[tilespmem:s18], [sflag:$0x1] =	stream.linear.gather [hbm4b:s16+s5], $0x50, $0x38;
	[tilespmem:$0x1F400] =	vst v63  }
0xab: {  	s14 =	rddreg [dreg:$0x12]  }
0xac: {  	[tilespmem:s19], [sflag:$0x2] =	stream.linear.gather [hbm4b:s14+s5], $0x50, $0x38;
	[tilespmem:$0x1F400] =	vst v63  }
0xad: {  	s16 =	rddreg [dreg:$0x13]  }
0xae: {  	[tilespmem:s22], [sflag:$0x2] =	stream.linear.gather [hbm4b:s16+s5], $0x50, $0x38;
	[tilespmem:$0x1F400] =	vst v63  }
0xaf: {  	_ =	swait.ge [sflag:s20], $0x50  }
0xb0: {  	[sflag:s20] =	ssyncset.done $0x0  }
0xb1: {  	[sflag:s20] =	ssyncadd.s32 $0xFFFFFFB0  }
0xb2: {  	_ =	swait.ge [sflag:s20], $0x50  }
0xb3: {  	[sflag:s20] =	ssyncset.done $0x0  }
0xb4: {  	[sflag:s20] =	ssyncadd.s32 $0xFFFFFFB0  }
0xb5: {  	[tilespmem:s23], [sflag:$0x5] =	stream.indirect.gather [hbm4b:s4+s21], $0x80, s5, s21, $0xb8;
	[tilespmem:$0x1F400] =	vst v63  }
0xb6: {  	s14 =	rddreg [dreg:$0x14]  }
0xb7: {  	[tilespmem:s24], [sflag:$0x3] =	stream.linear.gather [hbm4b:s14+s5], $0x50, $0x38;
	[tilespmem:$0x1F400] =	vst v63  }
0xb8: {  	s16 =	rddreg [dreg:$0x15]  }
0xb9: {  	[tilespmem:s28], [sflag:$0x3] =	stream.linear.gather [hbm4b:s16+s5], $0x50, $0x38;
	[tilespmem:$0x1F400] =	vst v63  }
0xba: {  	_ =	swait.ge [sflag:s26], $0x50  }
0xbb: {  	[sflag:s26] =	ssyncset.done $0x0  }
0xbc: {  	[sflag:s26] =	ssyncadd.s32 $0xFFFFFFB0  }
0xbd: {  	_ =	swait.ge [sflag:s26], $0x50  }
0xbe: {  	[sflag:s26] =	ssyncset.done $0x0  }
0xbf: {  	[sflag:s26] =	ssyncadd.s32 $0xFFFFFFB0  }
0xc0: {  	[tilespmem:s30], [sflag:$0x6] =	stream.indirect.gather [hbm4b:s4+s21], $0x80, s19, s21, $0xb8;
	[tilespmem:$0x1F400] =	vst v63  }
0xc1: {  	_ =	swait.ge [sflag:s29], $0x2800  }
0xc2: {  	[sflag:s29] =	ssyncset.done $0x0  }
0xc3: {  	[sflag:s29] =	ssyncadd.s32 $0xFFFFD800  }
0xc4: {  	[spmem:s2] =	stream.indirect.scatter.add.f32 [tilespmem:s23], [sflag:$0x9], $0x80, s18, s21, $0xb8;
	[tilespmem:$0x1F400] =	vst v63  }
0xc5: {  	s14 =	rddreg [dreg:$0x16]  }
0xc6: {  	[tilespmem:s1], [sflag:$0x4] =	stream.linear.gather [hbm4b:s14+s5], $0x50, $0x38;
	[tilespmem:$0x1F400] =	vst v63  }
0xc7: {  	s16 =	rddreg [dreg:$0x17]  }
0xc8: {  	[tilespmem:s11], [sflag:$0x4] =	stream.linear.gather [hbm4b:s16+s5], $0x50, $0x38;
	[tilespmem:$0x1F400] =	vst v63  }
0xc9: {  	_ =	swait.ge [sflag:s0], $0x50  }
0xca: {  	[sflag:s0] =	ssyncset.done $0x0  }
0xcb: {  	[sflag:s0] =	ssyncadd.s32 $0xFFFFFFB0  }
0xcc: {  	_ =	swait.ge [sflag:s0], $0x50  }
0xcd: {  	[sflag:s0] =	ssyncset.done $0x0  }
0xce: {  	[sflag:s0] =	ssyncadd.s32 $0xFFFFFFB0  }
0xcf: {  	[tilespmem:s9], [sflag:$0x7] =	stream.indirect.gather [hbm4b:s4+s21], $0x80, s24, s21, $0xb8;
	[tilespmem:$0x1F400] =	vst v63  }
0xd0: {  	_ =	swait.ge [sflag:s8], $0x2800  }
0xd1: {  	[sflag:s8] =	ssyncset.done $0x0  }
0xd2: {  	[sflag:s8] =	ssyncadd.s32 $0xFFFFD800  }
0xd3: {  	[spmem:s2] =	stream.indirect.scatter.add.f32 [tilespmem:s30], [sflag:$0xA], $0x80, s22, s21, $0xb8;
	[tilespmem:$0x1F400] =	vst v63  }
0xd4: {  	_ =	swait.ge [sflag:s12], $0x2800  }
0xd5: {  	s16 =	rddreg [dreg:$0x1c]  }
0xd6: {  	[sflag:s12] =	ssyncset.done $0x0;
	s5 =	sshrl.u32 s16, $0x3  }
0xd7: {  	[sflag:s12] =	ssyncadd.s32 $0xFFFFD800;
	s14 =	sadd.s32 s17, s5  }
0xd8: {  	[tilespmem:s3], [sflag:$0x1] =	stream.linear.gather [hbm4b:s14+s3], $0x50, $0x38;
	[tilespmem:$0x1F400] =	vst v63  }
0xd9: {  	s5 =	sadd.s32 s6, s5  }
0xda: {  	[tilespmem:s18], [sflag:$0x1] =	stream.linear.gather [hbm4b:s5+s3], $0x50, $0x38;
	[tilespmem:$0x1F400] =	vst v63  }
0xdb: {  	_ =	swait.ge [sflag:s10], $0x50  }
0xdc: {  	[sflag:s10] =	ssyncset.done $0x0  }
0xdd: {  	[sflag:s10] =	ssyncadd.s32 $0xFFFFFFB0  }
0xde: {  	_ =	swait.ge [sflag:s10], $0x50  }
0xdf: {  	[sflag:s10] =	ssyncset.done $0x0  }
0xe0: {  	s15 =	simm.s32 $0x7;
	[sflag:s10] =	ssyncadd.s32 $0xFFFFFFB0  }
0xe1: {  	[tilespmem:s13], [sflag:$0x8] =	stream.indirect.gather [hbm4b:s4+s21], $0x80, s1, s21, $0xb8;
	[tilespmem:$0x1F400] =	vst v63  }
0xe2: {  	_ =	swait.ge [sflag:s15], $0x2800  }
0xe3: {  	[sflag:s15] =	ssyncset.done $0x0  }
0xe4: {  	[sflag:s15] =	ssyncadd.s32 $0xFFFFD800  }
0xe5: {  	[spmem:s2] =	stream.indirect.scatter.add.f32 [tilespmem:s9], [sflag:$0xB], $0x80, s28, s21, $0xb8;
	[tilespmem:$0x1F400] =	vst v63  }
0xe6: {  	_ =	swait.ge [sflag:s25], $0x2800  }
0xe7: {  	s6 =	rddreg [dreg:$0x8];
	[sflag:s25] =	ssyncset.done $0x0  }
0xe8: {  	s12 =	rddreg [dreg:$0x7];
	[sflag:s25] =	ssyncadd.s32 $0xFFFFD800;
	s5 =	sadd.s32 $0x0, s6  }
0xe9: {  	[tilespmem:s19], [sflag:$0x2] =	stream.linear.gather [hbm4b:s5+s3], $0x50, $0x38;
	[tilespmem:$0x1F400] =	vst v63  }
0xea: {  	s14 =	sadd.s32 $0x0, s12  }
0xeb: {  	[tilespmem:s22], [sflag:$0x2] =	stream.linear.gather [hbm4b:s14+s3], $0x50, $0x38;
	[tilespmem:$0x1F400] =	vst v63  }
0xec: {  	_ =	swait.ge [sflag:s20], $0x50  }
0xed: {  	[sflag:s20] =	ssyncset.done $0x0  }
0xee: {  	[sflag:s20] =	ssyncadd.s32 $0xFFFFFFB0  }
0xef: {  	_ =	swait.ge [sflag:s20], $0x50  }
0xf0: {  	[sflag:s20] =	ssyncset.done $0x0  }
0xf1: {  	[sflag:s20] =	ssyncadd.s32 $0xFFFFFFB0  }
0xf2: {  	[tilespmem:s23], [sflag:$0x5] =	stream.indirect.gather [hbm4b:s4+s21], $0x80, s3, s21, $0xb8;
	[tilespmem:$0x1F400] =	vst v63  }
0xf3: {  	_ =	swait.ge [sflag:s7], $0x2800  }
0xf4: {  	[sflag:s7] =	ssyncset.done $0x0  }
0xf5: {  	[sflag:s7] =	ssyncadd.s32 $0xFFFFD800  }
0xf6: {  	[spmem:s2] =	stream.indirect.scatter.add.f32 [tilespmem:s13], [sflag:$0xC], $0x80, s11, s21, $0xb8;
	[tilespmem:$0x1F400] =	vst v63  }
0xf7: {  	_ =	swait.ge [sflag:s31], $0x2800  }
0xf8: {  	s15 =	rddreg [dreg:$0x6];
	[sflag:s31] =	ssyncset.done $0x0  }
0xf9: {  	s22 =	rddreg [dreg:$0x5];
	[sflag:s31] =	ssyncadd.s32 $0xFFFFD800;
	s5 =	sadd.s32 $0x0, s15  }
0xfa: {  	[tilespmem:s24], [sflag:$0x3] =	stream.linear.gather [hbm4b:s5+s3], $0x50, $0x38;
	[tilespmem:$0x1F400] =	vst v63  }
0xfb: {  	s25 =	sadd.s32 $0x0, s22  }
0xfc: {  	[tilespmem:s28], [sflag:$0x3] =	stream.linear.gather [hbm4b:s25+s3], $0x50, $0x38;
	[tilespmem:$0x1F400] =	vst v63  }
0xfd: {  	_ =	swait.ge [sflag:s26], $0x50  }
0xfe: {  	[sflag:s26] =	ssyncset.done $0x0  }
0xff: {  	[sflag:s26] =	ssyncadd.s32 $0xFFFFFFB0  }
0x100: {  	_ =	swait.ge [sflag:s26], $0x50  }
0x101: {  	[sflag:s26] =	ssyncset.done $0x0  }
0x102: {  	[sflag:s26] =	ssyncadd.s32 $0xFFFFFFB0  }
0x103: {  	[tilespmem:s30], [sflag:$0x6] =	stream.indirect.gather [hbm4b:s4+s21], $0x80, s19, s21, $0xb8;
	[tilespmem:$0x1F400] =	vst v63  }
0x104: {  	_ =	swait.ge [sflag:s29], $0x2800  }
0x105: {  	[sflag:s29] =	ssyncset.done $0x0  }
0x106: {  	s28 =	simm.s32 $0xC;
	[sflag:s29] =	ssyncadd.s32 $0xFFFFD800  }
0x107: {  	[spmem:s2] =	stream.indirect.scatter.add.f32 [tilespmem:s23], [sflag:$0x9], $0x80, s18, s21, $0xb8;
	[tilespmem:$0x1F400] =	vst v63  }
0x108: {  	_ =	swait.ge [sflag:s28], $0x2800  }
0x109: {  	s29 =	rddreg [dreg:$0x4];
	[sflag:s28] =	ssyncset.done $0x0  }
0x10a: {  	s30 =	rddreg [dreg:$0x3];
	[sflag:s28] =	ssyncadd.s32 $0xFFFFD800;
	s5 =	sadd.s32 $0x0, s29  }
0x10b: {  	[tilespmem:s1], [sflag:$0x4] =	stream.linear.gather [hbm4b:s5+s3], $0x50, $0x38;
	[tilespmem:$0x1F400] =	vst v63  }
0x10c: {  	s31 =	sadd.s32 $0x0, s30  }
0x10d: {  	[tilespmem:s11], [sflag:$0x4] =	stream.linear.gather [hbm4b:s31+s3], $0x50, $0x38;
	[tilespmem:$0x1F400] =	vst v63  }
0x10e: {  	_ =	swait.ge [sflag:s0], $0x50  }
0x10f: {  	[sflag:s0] =	ssyncset.done $0x0  }
0x110: {  	[sflag:s0] =	ssyncadd.s32 $0xFFFFFFB0  }
0x111: {  	_ =	swait.ge [sflag:s0], $0x50  }
0x112: {  	[sflag:s0] =	ssyncset.done $0x0  }
0x113: {  	s16 =	sadd.s32 $0x140, s16;
	s7 =	simm.s32 $0xA;
	[sflag:s0] =	ssyncadd.s32 $0xFFFFFFB0  }
0x114: {  	[tilespmem:s9], [sflag:$0x7] =	stream.indirect.gather [hbm4b:s4+s21], $0x80, s24, s21, $0xb8;
	[tilespmem:$0x1F400] =	vst v63  }
0x115: {  	s13 =	simm.s32 $0x9;
	s15 =	simm.s32 $0x28;
	_ =	swait.ge [sflag:s8], $0x2800  }
0x116: {  	s22 =	simm.s32 $0xB;
	s19 =	simm.s32 $0x8;
	[sflag:s8] =	ssyncset.done $0x0  }
0x117: {  	s9 =	simm.s32 $0x6;
	[sflag:s8] =	ssyncadd.s32 $0xFFFFD800;
	s8 =	simm.s32 $0x5  }
.LBB2_4:
0x118: {  	s23 =	simm.s32 $0x2C00;
	s12 =	simm.s32 $0x280  }
0x119: {  	[spmem:s2] =	stream.indirect.scatter.add.f32 [tilespmem:s23], [sflag:$0xA], $0x80, s12, s21, $0xb8;
	[tilespmem:$0x1F400] =	vst v63  }
0x11a: {  	_ =	swait.ge [sflag:s13], $0x2800  }
0x11b: {  	s6 =	sshrl.u32 s16, $0x3;
	[sflag:s13] =	ssyncset.done $0x0  }
0x11c: {  	s14 =	sadd.s32 s17, s6;
	s24 =	rddreg [dreg:$0x9];
	[sflag:s13] =	ssyncadd.s32 $0xFFFFD800  }
0x11d: {  	[tilespmem:s3], [sflag:$0x1] =	stream.linear.gather [hbm4b:s14+s3], $0x50, $0x38;
	[tilespmem:$0x1F400] =	vst v63  }
0x11e: {  	s31 =	simm.s32 $0x200;
	s6 =	sadd.s32 s24, s6  }
0x11f: {  	[tilespmem:s31], [sflag:$0x1] =	stream.linear.gather [hbm4b:s6+s3], $0x50, $0x38;
	[tilespmem:$0x1F400] =	vst v63  }
0x120: {  	_ =	swait.ge [sflag:s10], $0x50  }
0x121: {  	[sflag:s10] =	ssyncset.done $0x0  }
0x122: {  	[sflag:s10] =	ssyncadd.s32 $0xFFFFFFB0  }
0x123: {  	_ =	swait.ge [sflag:s10], $0x50  }
0x124: {  	s29 =	simm.s32 $0x7C00;
	[sflag:s10] =	ssyncset.done $0x0  }
0x125: {  	s1 =	simm.s32 $0x180;
	s25 =	simm.s32 $0x7;
	[sflag:s10] =	ssyncadd.s32 $0xFFFFFFB0  }
0x126: {  	[tilespmem:s29], [sflag:$0x8] =	stream.indirect.gather [hbm4b:s4+s21], $0x80, s1, s21, $0xb8;
	[tilespmem:$0x1F400] =	vst v63  }
0x127: {  	_ =	swait.ge [sflag:s25], $0x2800  }
0x128: {  	[sflag:s25] =	ssyncset.done $0x0  }
0x129: {  	s11 =	simm.s32 $0x300;
	s24 =	simm.s32 $0x5400;
	[sflag:s25] =	ssyncadd.s32 $0xFFFFD800  }
0x12a: {  	[spmem:s2] =	stream.indirect.scatter.add.f32 [tilespmem:s24], [sflag:$0xB], $0x80, s11, s21, $0xb8;
	[tilespmem:$0x1F400] =	vst v63  }
0x12b: {  	_ =	swait.ge [sflag:s7], $0x2800  }
0x12c: {  	s28 =	rddreg [dreg:$0x8]  }
0x12d: {  	s5 =	smov.u32 s15;
	[sflag:s7] =	ssyncset.done $0x0;
	s14 =	rddreg [dreg:$0x7]  }
0x12e: {  	[sflag:s7] =	ssyncadd.s32 $0xFFFFD800;
	s6 =	sadd.s32 s5, s28;
	s28 =	simm.s32 $0x80  }
0x12f: {  	[tilespmem:s28], [sflag:$0x2] =	stream.linear.gather [hbm4b:s6+s3], $0x50, $0x38;
	[tilespmem:$0x1F400] =	vst v63  }
0x130: {  	s18 =	smov.u32 s17;
	s17 =	sadd.s32 s5, s14  }
0x131: {  	[tilespmem:s12], [sflag:$0x2] =	stream.linear.gather [hbm4b:s17+s3], $0x50, $0x38;
	[tilespmem:$0x1F400] =	vst v63  }
0x132: {  	_ =	swait.ge [sflag:s20], $0x50  }
0x133: {  	[sflag:s20] =	ssyncset.done $0x0  }
0x134: {  	[sflag:s20] =	ssyncadd.s32 $0xFFFFFFB0  }
0x135: {  	_ =	swait.ge [sflag:s20], $0x50  }
0x136: {  	[sflag:s20] =	ssyncset.done $0x0  }
0x137: {  	s25 =	simm.s32 $0x400;
	[sflag:s20] =	ssyncadd.s32 $0xFFFFFFB0  }
0x138: {  	[tilespmem:s25], [sflag:$0x5] =	stream.indirect.gather [hbm4b:s4+s21], $0x80, s3, s21, $0xb8;
	[tilespmem:$0x1F400] =	vst v63  }
0x139: {  	_ =	swait.ge [sflag:s19], $0x2800  }
0x13a: {  	[sflag:s19] =	ssyncset.done $0x0  }
0x13b: {  	s12 =	simm.s32 $0x380;
	[sflag:s19] =	ssyncadd.s32 $0xFFFFD800  }
0x13c: {  	[spmem:s2] =	stream.indirect.scatter.add.f32 [tilespmem:s29], [sflag:$0xC], $0x80, s12, s21, $0xb8;
	[tilespmem:$0x1F400] =	vst v63  }
0x13d: {  	_ =	swait.ge [sflag:s22], $0x2800  }
0x13e: {  	s20 =	rddreg [dreg:$0x6]  }
0x13f: {  	[sflag:s22] =	ssyncset.done $0x0;
	s17 =	rddreg [dreg:$0x5]  }
0x140: {  	[sflag:s22] =	ssyncadd.s32 $0xFFFFD800;
	s6 =	sadd.s32 s5, s20;
	s20 =	simm.s32 $0x100  }
0x141: {  	[tilespmem:s20], [sflag:$0x3] =	stream.linear.gather [hbm4b:s6+s3], $0x50, $0x38;
	[tilespmem:$0x1F400] =	vst v63  }
0x142: {  	s17 =	sadd.s32 s5, s17  }
0x143: {  	[tilespmem:s11], [sflag:$0x3] =	stream.linear.gather [hbm4b:s17+s3], $0x50, $0x38;
	[tilespmem:$0x1F400] =	vst v63  }
0x144: {  	_ =	swait.ge [sflag:s26], $0x50  }
0x145: {  	[sflag:s26] =	ssyncset.done $0x0  }
0x146: {  	[sflag:s26] =	ssyncadd.s32 $0xFFFFFFB0  }
0x147: {  	_ =	swait.ge [sflag:s26], $0x50  }
0x148: {  	[sflag:s26] =	ssyncset.done $0x0  }
0x149: {  	[sflag:s26] =	ssyncadd.s32 $0xFFFFFFB0  }
0x14a: {  	[tilespmem:s23], [sflag:$0x6] =	stream.indirect.gather [hbm4b:s4+s21], $0x80, s28, s21, $0xb8;
	[tilespmem:$0x1F400] =	vst v63  }
0x14b: {  	_ =	swait.ge [sflag:s8], $0x2800  }
0x14c: {  	[sflag:s8] =	ssyncset.done $0x0  }
0x14d: {  	[sflag:s8] =	ssyncadd.s32 $0xFFFFD800  }
0x14e: {  	[spmem:s2] =	stream.indirect.scatter.add.f32 [tilespmem:s25], [sflag:$0x9], $0x80, s31, s21, $0xb8;
	[tilespmem:$0x1F400] =	vst v63  }
0x14f: {  	s25 =	simm.s32 $0xC  }
0x150: {  	_ =	swait.ge [sflag:s25], $0x2800  }
0x151: {  	s28 =	rddreg [dreg:$0x4];
	[sflag:s25] =	ssyncset.done $0x0  }
0x152: {  	s31 =	rddreg [dreg:$0x3];
	[sflag:s25] =	ssyncadd.s32 $0xFFFFD800;
	s6 =	sadd.s32 s5, s28  }
0x153: {  	[tilespmem:s1], [sflag:$0x4] =	stream.linear.gather [hbm4b:s6+s3], $0x50, $0x38;
	[tilespmem:$0x1F400] =	vst v63  }
0x154: {  	s5 =	sadd.s32 s5, s31  }
0x155: {  	[tilespmem:s12], [sflag:$0x4] =	stream.linear.gather [hbm4b:s5+s3], $0x50, $0x38;
	[tilespmem:$0x1F400] =	vst v63  }
0x156: {  	_ =	swait.ge [sflag:s0], $0x50  }
0x157: {  	[sflag:s0] =	ssyncset.done $0x0  }
0x158: {  	[sflag:s0] =	ssyncadd.s32 $0xFFFFFFB0  }
0x159: {  	p0 =	sne.s32 s15, $0x488;
	s15 =	sadd.s32 $0x28, s15;
	_ =	swait.ge [sflag:s0], $0x50  }
0x15a: {  	s30 =	simm.s32 $0x2C00;
	s16 =	sadd.s32 $0x140, s16;
	[sflag:s0] =	ssyncset.done $0x0  }
.Ltmp1:
0x15b: {  	s14 =	simm.s32 $0x280;
	[sflag:s0] =	ssyncadd.s32 $0xFFFFFFB0;
	(pc) =	sbr.rel @p0 .LBB2_4-.Ltmp1, $4  }
0x15c: {  	[tilespmem:s24], [sflag:$0x7] =	stream.indirect.gather [hbm4b:s4+s21], $0x80, s20, s21, $0xb8;
	[tilespmem:$0x1F400] =	vst v63  }
0x15d: {  	s29 =	simm.s32 $0x300;
	s17 =	smov.u32 s18;
	_ =	swait.ge [sflag:s9], $0x2800  }
0x15e: {  	s18 =	simm.s32 $0x380;
	s11 =	simm.s32 $0x5400;
	[sflag:s9] =	ssyncset.done $0x0  }
0x15f: {  	s25 =	simm.s32 $0x180;
	s20 =	simm.s32 $0x1;
	[sflag:s9] =	ssyncadd.s32 $0xFFFFD800  }
0x160: {  	[spmem:s2] =	stream.indirect.scatter.add.f32 [tilespmem:s30], [sflag:$0xA], $0x80, s14, s21, $0xb8;
	[tilespmem:$0x1F400] =	vst v63  }
0x161: {  	_ =	swait.ge [sflag:s13], $0x2800  }
0x162: {  	[sflag:s13] =	ssyncset.done $0x0  }
0x163: {  	s5 =	rddreg [dreg:$0x18];
	[sflag:s13] =	ssyncadd.s32 $0xFFFFD800  }
0x164: {  	[tilespmem:s3], [sflag:$0x1] =	stream.linear.gather [hbm4b:s5+s3], $0x50, $0x38;
	[tilespmem:$0x1F400] =	vst v63  }
0x165: {  	s6 =	simm.s32 $0x200;
	s14 =	rddreg [dreg:$0x19]  }
0x166: {  	[tilespmem:s6], [sflag:$0x1] =	stream.linear.gather [hbm4b:s14+s3], $0x50, $0x38;
	[tilespmem:$0x1F400] =	vst v63  }
0x167: {  	_ =	swait.ge [sflag:s10], $0x50  }
0x168: {  	[sflag:s10] =	ssyncset.done $0x0  }
0x169: {  	[sflag:s10] =	ssyncadd.s32 $0xFFFFFFB0  }
0x16a: {  	_ =	swait.ge [sflag:s10], $0x50  }
0x16b: {  	[sflag:s10] =	ssyncset.done $0x0  }
0x16c: {  	s15 =	simm.s32 $0x7C00;
	s1 =	simm.s32 $0x7;
	[sflag:s10] =	ssyncadd.s32 $0xFFFFFFB0  }
0x16d: {  	[tilespmem:s15], [sflag:$0x8] =	stream.indirect.gather [hbm4b:s4+s21], $0x80, s25, s21, $0xb8;
	[tilespmem:$0x1F400] =	vst v63  }
0x16e: {  	_ =	swait.ge [sflag:s1], $0x2800  }
0x16f: {  	[sflag:s1] =	ssyncset.done $0x0  }
0x170: {  	[sflag:s1] =	ssyncadd.s32 $0xFFFFD800  }
0x171: {  	[spmem:s2] =	stream.indirect.scatter.add.f32 [tilespmem:s11], [sflag:$0xB], $0x80, s29, s21, $0xb8;
	[tilespmem:$0x1F400] =	vst v63  }
0x172: {  	_ =	swait.ge [sflag:s7], $0x2800  }
0x173: {  	[sflag:s7] =	ssyncset.done $0x0  }
0x174: {  	[sflag:s7] =	ssyncadd.s32 $0xFFFFD800  }
0x175: {  	_ =	swait.ge [sflag:s20], $0x50  }
0x176: {  	[sflag:s20] =	ssyncset.done $0x0  }
0x177: {  	[sflag:s20] =	ssyncadd.s32 $0xFFFFFFB0  }
0x178: {  	_ =	swait.ge [sflag:s20], $0x50  }
0x179: {  	[sflag:s20] =	ssyncset.done $0x0  }
0x17a: {  	s16 =	simm.s32 $0x400;
	[sflag:s20] =	ssyncadd.s32 $0xFFFFFFB0  }
0x17b: {  	[tilespmem:s16], [sflag:$0x5] =	stream.indirect.gather [hbm4b:s4+s21], $0x80, s3, s21, $0xb8;
	[tilespmem:$0x1F400] =	vst v63  }
0x17c: {  	_ =	swait.ge [sflag:s19], $0x2800  }
0x17d: {  	[sflag:s19] =	ssyncset.done $0x0  }
0x17e: {  	[sflag:s19] =	ssyncadd.s32 $0xFFFFD800  }
0x17f: {  	[spmem:s2] =	stream.indirect.scatter.add.f32 [tilespmem:s15], [sflag:$0xC], $0x80, s18, s21, $0xb8;
	[tilespmem:$0x1F400] =	vst v63  }
0x180: {  	_ =	swait.ge [sflag:s22], $0x2800  }
0x181: {  	[sflag:s22] =	ssyncset.done $0x0  }
0x182: {  	[sflag:s22] =	ssyncadd.s32 $0xFFFFD800  }
0x183: {  	_ =	swait.ge [sflag:s8], $0x2800  }
0x184: {  	[sflag:s8] =	ssyncset.done $0x0  }
0x185: {  	s18 =	simm.s32 $0xC;
	[sflag:s8] =	ssyncadd.s32 $0xFFFFD800  }
0x186: {  	[spmem:s2] =	stream.indirect.scatter.add.f32 [tilespmem:s16], [sflag:$0x9], $0x80, s6, s21, $0xb8;
	[tilespmem:$0x1F400] =	vst v63  }
0x187: {  	_ =	swait.ge [sflag:s18], $0x2800  }
0x188: {  	[sflag:s18] =	ssyncset.done $0x0  }
0x189: {  	[sflag:s18] =	ssyncadd.s32 $0xFFFFD800  }
0x18a: {  	_ =	swait.ge [sflag:s13], $0x2800  }
0x18b: {  	[sflag:s13] =	ssyncset.done $0x0  }
0x18c: {  	[sflag:s13] =	ssyncadd.s32 $0xFFFFD800  }
0x18d: {  	s19 =	stileid.u32;
	[bflag:$0x0] =	sbarrier.arrive $0xFFFF  }
0x18e: {  	s23 =	simm.s32 $0xE;
	s5 =	sshll.u32 s19, $0x6;
	s16 =	rddreg [dreg:$0xa]  }
0x18f: {  	s5 =	sor.u32 $0x1C0E, s5;
	s15 =	rddreg [dreg:$0x1a];
	s22 =	sshrl.u32 s16, $0x3  }
0x190: {  	[hbm:s15], [sflag:s5] =	dma.local [spmem:s22], $0x2800  }
0x191: {  	_ =	swait.ge [sflag:s23], $0x2800  }
0x192: {  	s24 =	sld [smem:$0x7F2];
	_ =	sdelay $0x1  }
0x193: {  	s28 =	simm.s32 $0x300;
	s30 =	simm.s32 $0x2C00;
	s9 =	simm.s32 $0x5400  }
0x194: {  	s12 =	simm.s32 $0x9;
	s25 =	rddreg [dreg:$0x1b];
	s14 =	sadd.s32 $0x1, s24  }
0x195: {  	s31 =	simm.s32 $0xB;
	s1 =	simm.s32 $0x180;
	p0 =	sne.s32 s14, s25  }
.Ltmp2:
0x196: {  	s11 =	simm.s32 $0x380;
	s29 =	simm.s32 $0x5;
	(pc) =	sbr.rel @p0 .LBB2_1-.Ltmp2, $4  }
0x197: {  	s7 =	simm.s32 $0x8;
	s19 =	simm.s32 $0x80;
	s8 =	simm.s32 $0x6  }
0x198: {  	s18 =	simm.s32 $0x200;
	s13 =	simm.s32 $0x7C00;
	[sflag:s23] =	ssyncset.done $0x0  }
0x199: {  	s22 =	simm.s32 $0x280;
	s6 =	rddreg [dreg:$0x9];
	[sflag:s23] =	ssyncadd.s32 $0xFFFFD800  }
0x19a: {  	s23 =	simm.s32 $0x400;
	s24 =	simm.s32 $0x100;
	s25 =	simm.s32 $0xA  }
0x19b: {  	_ =	sfence.sel $0x180000  }
0x19c: {  	[bflag:$0x0] =	sbarrier.arrive $0xFFFF  }
0x19d: {  	_ =	strace $0x9000004A  }
0x19e: {  	s0 =	stileid.u32;
	[bflag:$0x2] =	sbarrier.arrive $0xFFFF  }
0x19f: {  	p0 =	sne.s32 s0, $0x0;
	s0 =	rddreg [dreg:$0x2]  }
0x1a0: {  	s0 =	sadd.s32 @!p0 $0x100000, s0  }
0x1a1: {  	[sflag:s0] =	ssyncadd.tile.s32 @!p0 $0x1;
	_ =	shalt  }
.Lfunc_end2:
_tile_overlayer_lowered:
.L_overlay_start_2:
0x1a2: {  	(tag) =	ssettag $0x2  }
0x1a3: {  	s0 =	rddreg [dreg:$0x0];
	s2 =	stileid.u32  }
0x1a4: {  	s1 =	rddreg [dreg:$0x1];
	p0 =	sne.s32 s2, $0x0  }
0x1a5: {  	s3 =	rddreg [dreg:$0x2];
	[bflag:$0x3] =	sbarrier.arrive $0xFFFF;
	s2 =	simm.s32 @!p0 $0x1C0E  }
0x1a6: {  	[timem:s3], [sflag:s2] =	dma.local @!p0 [hbm:s0], s1  }
0x1a7: {  	s0 =	simm.s32 @!p0 $0xE  }
0x1a8: {  	_ =	swait.ge @!p0 [sflag:s0], s1  }
0x1a9: {  	s1 =	ssub.s32 @!p0 $0x0, s1;
	[sflag:s0] =	ssyncset.done @!p0 $0x0  }
0x1aa: {  	[sflag:s0] =	ssyncadd.s32 @!p0 s1  }
0x1ab: {  	[bflag:$0x3] =	sbarrier.arrive $0xFFFF  }
0x1ac: {  	_ =	shalt  }

// kernel: kernel.15.cloned.1.call-start
scs
__scs_entry_jumppad:
0x0: {  	(pc) =	sbr.rel $0x88, $3  }
0x1: {  	(tag) =	ssettag $0x0;
	lr =	simm.s32 $0x1  }
0x2: {  	[smem:$0x3F99] =	sst lr;
	_ =	strace $0xD0000000  }
0x3: {  	_ = 	snop  }
0x4: {  	_ = 	snop  }
0x5: {  	_ = 	snop  }
0x6: {  	_ = 	snop  }
0x7: {  	_ = 	snop  }
__scs_overlays_trampoline_lowered:
0x8: {  	[smem:$0x3FA8] =	sst s0  }
0x9: {  	[smem:$0x3FA9] =	sst s1  }
0xa: {  	[smem:$0x3FAA] =	sst s2  }
0xb: {  	[smem:$0x3FAB] =	sst s3  }
0xc: {  	[smem:$0x3FAC] =	sst s4  }
0xd: {  	[smem:$0x3FAD] =	sst s5  }
0xe: {  	[smem:$0x3FAE] =	sst s6  }
0xf: {  	[smem:$0x3FAF] =	sst s7  }
0x10: {  	[smem:$0x3FB0] =	sst s8  }
0x11: {  	[smem:$0x3FB1] =	sst s9;
	s0 =	simm.s32 @!p0 $0x0  }
0x12: {  	s1 =	sld [smem:$0x3F97];
	s0 =	simm.s32 @p0 $0x1  }
0x13: {  	[smem:$0x3FB2] =	sst s0;
	s0 =	simm.s32 @!p1 $0x0  }
0x14: {  	s2 =	sld [smem:$0x3F96];
	s0 =	simm.s32 @p1 $0x1  }
0x15: {  	[smem:$0x3FB3] =	sst s0;
	s0 =	simm.s32 @!p2 $0x0  }
0x16: {  	s3 =	sld [smem:$0x3FDB];
	s0 =	simm.s32 @p2 $0x1  }
0x17: {  	s4 =	simm.s32 $0x1BF5;
	[smem:$0x3FB5] =	sst s0  }
0x18: {  	s0 =	sld [smem:$0x3F98];
	_ =	swait.ge [sflag:s4], $0x0  }
0x19: {  	s7 =	sld [smem:$0x3F99]  }
0x1a: {  	s8 =	sadd.s32 $0xFFFFE003, lr  }
0x1b: {  	s9 =	sadd.s32 $0xFFFFFEF7, lr;
	s5 =	simm.s32 $0xFFFFFFFF;
	p2 =	slt.u32 s8, $0xFFFFF086  }
0x1c: {  	p1 =	slt.u32 s9, $0xF7A;
	s5 =	simm.s32 @!p2 $0x0  }
0x1d: {  	s5 =	simm.s32 @p1 $0x1;
	p0 =	seq.s32 s7, s2  }
0x1e: {  	s7 =	smul.u32 @!p0 $0xF7A, s2;
	p2 =	seq.s32 @!p0 s5, $0x0  }
0x1f: {  	s9 =	smul.u32 $0xF7A, s1;
	s8 =	simm.s32 @!p0 $0x1BF5;
	p2 =	por !p2, p0  }
0x20: {  	[sflag:s8] =	ssyncset.s32 @!p0 $0xFFFFF086;
	s6 =	sadd.s32 @!p0 s3, s7;
	s7 =	simm.s32 @!p0 $0x108  }
0x21: {  	s3 =	sadd.s32 s3, s9;
	s6 =	sadd.s32 @!p0 $0x88, s6;
	s7 =	simm.s32 @p2 $0x1082  }
0x22: {  	[simem:s7], [sflag:s8] =	dma.local @!p0 [hbm:s6], $0xF7A  }
0x23: {  	s9 =	sor.u32 $0xD0000000, s2;
	s6 =	simm.s32 $0x108;
	_ =	swait.ge @!p0 [sflag:s8], $0x0  }
0x24: {  	s3 =	sadd.s32 $0x88, s3;
	s6 =	simm.s32 @!p1 $0x1082;
	[sflag:s4] =	ssyncset.s32 $0xFFFFF086  }
0x25: {  	[simem:s6], [sflag:s4] =	dma.local [hbm:s3], $0xF7A  }
0x26: {  	[smem:$0x3F99] =	sst s1;
	(tag) =	ssettag s2;
	_ =	strace s9  }
0x27: {  	s1 =	sld [smem:$0x3FA9]  }
0x28: {  	s2 =	sld [smem:$0x3FAA]  }
0x29: {  	s4 =	sld [smem:$0x3FAC]  }
0x2a: {  	p0 =	seq.s32 s5, $0x0;
	s5 =	sld [smem:$0x3FAD]  }
0x2b: {  	s6 =	sld [smem:$0x3FAE]  }
0x2c: {  	s7 =	sld [smem:$0x3FAF]  }
0x2d: {  	s3 =	simm.s32 $0x108;
	s8 =	sld [smem:$0x3FB0]  }
0x2e: {  	s3 =	simm.s32 @!p0 $0x1082;
	s9 =	sld [smem:$0x3FB1]  }
0x2f: {  	lr =	sadd.s32 s0, s3;
	s0 =	sld [smem:$0x3FA8]  }
0x30: {  	s3 =	sld [smem:$0x3FAB]  }
0x31: {  	[smem:$0x3FB4] =	sst s10  }
0x32: {  	s10 =	sld [smem:$0x3FB2];
	_ =	sdelay $0x3  }
0x33: {  	p0 =	seq.s32 s10, $0x1;
	s10 =	sld [smem:$0x3FB4];
	_ =	sdelay $0x3  }
0x34: {  	[smem:$0x3FB4] =	sst s10  }
0x35: {  	s10 =	sld [smem:$0x3FB3];
	_ =	sdelay $0x3  }
0x36: {  	p1 =	seq.s32 s10, $0x1;
	s10 =	sld [smem:$0x3FB4];
	_ =	sdelay $0x3  }
0x37: {  	[smem:$0x3FB4] =	sst s10  }
0x38: {  	s10 =	sld [smem:$0x3FB5]  }
0x39: {  	_ = 	snop;
	(pc) =	sbr.ind lr, $3  }
0x3a: {  	_ = 	snop  }
0x3b: {  	_ = 	snop  }
0x3c: {  	p2 =	seq.s32 s10, $0x1;
	s10 =	sld [smem:$0x3FB4]  }
0x3d: {  	_ =	shalt  }
0x3e: {  	_ =	shalt  }
0x3f: {  	_ =	shalt  }
0x40: {  	_ =	shalt  }
0x41: {  	_ =	shalt  }
0x42: {  	_ =	shalt  }
0x43: {  	_ =	shalt  }
0x44: {  	_ =	shalt  }
0x45: {  	_ =	shalt  }
0x46: {  	_ =	shalt  }
0x47: {  	_ =	shalt  }
0x48: {  	_ =	shalt  }
0x49: {  	_ =	shalt  }
0x4a: {  	_ =	shalt  }
0x4b: {  	_ =	shalt  }
0x4c: {  	_ =	shalt  }
0x4d: {  	_ =	shalt  }
0x4e: {  	_ =	shalt  }
0x4f: {  	_ =	shalt  }
0x50: {  	_ =	shalt  }
0x51: {  	_ =	shalt  }
0x52: {  	_ =	shalt  }
0x53: {  	_ =	shalt  }
0x54: {  	_ =	shalt  }
0x55: {  	_ =	shalt  }
0x56: {  	_ =	shalt  }
0x57: {  	_ =	shalt  }
0x58: {  	_ =	shalt  }
0x59: {  	_ =	shalt  }
0x5a: {  	_ =	shalt  }
0x5b: {  	_ =	shalt  }
0x5c: {  	_ =	shalt  }
0x5d: {  	_ =	shalt  }
0x5e: {  	_ =	shalt  }
0x5f: {  	_ =	shalt  }
0x60: {  	_ =	shalt  }
0x61: {  	_ =	shalt  }
0x62: {  	_ =	shalt  }
0x63: {  	_ =	shalt  }
0x64: {  	_ =	shalt  }
0x65: {  	_ =	shalt  }
0x66: {  	_ =	shalt  }
0x67: {  	_ =	shalt  }
0x68: {  	_ =	shalt  }
0x69: {  	_ =	shalt  }
0x6a: {  	_ =	shalt  }
0x6b: {  	_ =	shalt  }
0x6c: {  	_ =	shalt  }
0x6d: {  	_ =	shalt  }
0x6e: {  	_ =	shalt  }
0x6f: {  	_ =	shalt  }
0x70: {  	_ =	shalt  }
0x71: {  	_ =	shalt  }
0x72: {  	_ =	shalt  }
0x73: {  	_ =	shalt  }
0x74: {  	_ =	shalt  }
0x75: {  	_ =	shalt  }
0x76: {  	_ =	shalt  }
0x77: {  	_ =	shalt  }
0x78: {  	_ =	shalt  }
0x79: {  	_ =	shalt  }
0x7a: {  	_ =	shalt  }
0x7b: {  	_ =	shalt  }
0x7c: {  	_ =	shalt  }
0x7d: {  	_ =	shalt  }
0x7e: {  	_ =	shalt  }
0x7f: {  	_ =	shalt  }
0x80: {  	_ =	shalt  }
0x81: {  	_ =	shalt  }
0x82: {  	_ =	shalt  }
0x83: {  	_ =	shalt  }
0x84: {  	_ =	shalt  }
0x85: {  	_ =	shalt  }
0x86: {  	_ =	shalt  }
0x87: {  	_ =	shalt  }
.Lfunc_end0:
.L_simem_size_0:
called_computation.2_lowered:
.L_overlay_start_0:
0x88: {  	s2 =	sld [smem:$0x3FD9]  }
0x89: {  	s3 =	sld [smem:$0x3FFE];
	_ =	sdelay $0x1  }
0x8a: {  	s1 =	srdreg.scid  }
0x8b: {  	s0 =	sand.u32 $0x1, s1  }
0x8c: {  	s16 =	sshll.u32 s0, $0xA;
	s2 =	sadd.s32 s3, s2  }
0x8d: {  	s2 =	sadd.s32 s2, s16  }
0x8e: {  	[smem:$0x3FC0] =	sst s2  }
0x8f: {  	_ = 	snop  }
0x90: {  	(tm) =	ssettm $0x1  }
0x91: {  	s17 =	sld [smem:$0x3FFB];
	_ =	sdelay $0x3  }
0x92: {  	_ =	strace s17  }
0x93: {  	s2 =	sld [smem:$0x3FFC];
	_ =	sdelay $0x3  }
0x94: {  	_ =	strace s2  }
0x95: {  	s2 =	sld [smem:$0x3FFD];
	_ =	sdelay $0x3  }
0x96: {  	_ =	strace s2  }
0x97: {  	_ =	strace $0x8FFFFFFF  }
0x98: {  	s18 =	sld [smem:$0x3FDB];
	_ =	sdelay $0x1  }
0x99: {  	s19 =	simm.s32 $_scs_section_size  }
0x9a: {  	s4 =	simm.s32 $_size__tile_overlayer_lowered;
	s5 =	simm.s32 $_tile_overlayer_lowered  }
0x9b: {  	s22 =	simm.s32 $0x1BFF;
	s21 =	sshll.u32 s5, $0x1;
	s2 =	sadd.s32 s19, s18  }
0x9c: {  	s6 =	simm.s32 $0x0;
	s20 =	sshll.u32 s4, $0x1;
	s4 =	sadd.s32 s21, s2  }
0x9d: {  	[timem:s6], [sflag:s22] =	dma.local [hbm:s4], s20  }
0x9e: {  	_ =	swait.ge [sflag:s22], s20  }
0x9f: {  	s3 =	ssub.s32 $0x0, s20;
	[sflag:s22] =	ssyncset.done $0x0  }
0xa0: {  	[sflag:s22] =	ssyncadd.s32 s3;
	_ =	sdelay $0x1  }
0xa1: {  	s23 =	simm.s32 $0x1B8B  }
0xa2: {  	_ =	swait.ge [sflag:s23], $0x1  }
0xa3: {  	[sflag:s23] =	ssyncset.done $0x0  }
0xa4: {  	s25 =	simm.s32 $0x1B8E;
	s24 =	sld [smem:$0x3FFE];
	[sflag:s23] =	ssyncadd.s32 $0xFFFFFFFF  }
0xa5: {  	s26 =	simm.s32 $execute0_lowered;
	[smem:$0x3FD2] =	sst s25  }
0xa6: {  	s4 =	sshll.u32 s26, $0x1;
	_ =	strace $0x8000004C;
	[dreg:$0x1] =	wrdreg $0xFFFFFFFF  }
0xa7: {  	s28 =	simm.s32 $_size_execute0_lowered;
	s2 =	sadd.s32 s2, s4;
	[dreg:$0x0] =	wrdreg $0x0  }
0xa8: {  	s4 =	sshll.u32 s28, $0x1;
	[dreg:$0x2] =	wrdreg s2  }
0xa9: {  	[dreg:$0x3] =	wrdreg s4  }
0xaa: {  	[dreg:$0x4] =	wrdreg $0xC0  }
0xab: {  	_ =	task [dreg:s6], $0x5FFFF  }
0xac: {  	[dreg:$0x1] =	wrdreg $0xFFFFFFFF  }
0xad: {  	[dreg:$0x0] =	wrdreg $0x60  }
0xae: {  	[dreg:$0x2] =	wrdreg s24  }
0xaf: {  	[dreg:$0x3] =	wrdreg $0xB4000  }
0xb0: {  	[dreg:$0x4] =	wrdreg $0x9  }
0xb1: {  	_ =	task.clear_ibuf [dreg:s6], $0x5FFFF;
	_ =	strace $0x9000004C  }
0xb2: {  	s29 =	simm.s32 $0x9;
	_ =	strace $0x8000004E  }
0xb3: {  	_ =	swait.ge [sflag:s29], $0x1  }
0xb4: {  	[sflag:s29] =	ssyncadd.s32 $0xFFFFFFFF  }
0xb5: {  	_ =	strace $0x9000004E  }
0xb6: {  	_ =	sfence  }
0xb7: {  	s30 =	sld [smem:$0x0];
	_ =	sdelay $0x2  }
0xb8: {  	s31 =	sshll.u32 s1, $0xD;
	s1 =	sshrl.u32 s1, $0x2  }
0xb9: {  	s3 =	sand.u32 $0x4000, s31;
	s1 =	sadd.s32 s1, s30  }
0xba: {  	s0 =	sor.u32 s3, s0;
	s1 =	sshll.u32 s1, $0x11  }
0xbb: {  	s0 =	sor.u32 s1, s0  }
0xbc: {  	s0 =	sadd.s32 $0x8F2B, s0  }
0xbd: {  	[sflag:s0] =	ssyncadd.remote.s32 $0x1  }
0xbe: {  	_ =	sfence.sel $0xFFFF  }
0xbf: {  	[dreg:$0x0] =	wrdreg $0xFFFFFFFF;
	(pc) =	sbr.abs _section_cstart, $3  }
0xc0: {  	[dreg:$0x1] =	wrdreg $0xFFFFFFFF  }
0xc1: {  	_ =	task.clear_ibuf [dreg:s6], $0x2FFFF;
	_ =	strace $0x9FFFFFFF  }
0xc2: {  	(tm) =	ssettm $0x7FFFFFFF  }
0xc3: {  	_ =	shalt  }
tec
execute0_lowered:
.L_overlay_start_1:
0x0: {  	(tag) =	ssettag $0x1  }
0x1: {  	s0 =	rddreg [dreg:$0x0]  }
0x2: {  	s1 =	srdreg.scid;
	s10 =	stileid.u32  }
0x3: {  	s2 =	rddreg [dreg:$0x1];
	s3 =	simm.s32 $0x0;
	s6 =	smul.u32 $0x14000, s10  }
0x4: {  	s1 =	sand.u32 $0x1, s1;
	[smem:$0x7FF] =	sst s3;
	s7 =	smul.u32 $0x50000, s10  }
0x5: {  	s4 =	sadd.s32 $0x15200, s0;
	s17 =	sadd.s32 $0x1600, s0;
	s14 =	smul.u32 $0x4E20, s10  }
0x6: {  	s12 =	sshll.u32 s10, $0x1;
	s5 =	smul.u32 $0x140000, s1;
	s7 =	sshrl.u32 s7, $0x2  }
0x7: {  	_ =	strace $0x8000004D;
	s8 =	ssub.s32 $0x2, s1;
	s16 =	sadd.s32 s7, s2  }
0x8: {  	s5 =	sadd.s32 s6, s5;
	s6 =	sadd.s32 $0xB400, s0;
	[dreg:$0xa] =	wrdreg s16  }
0x9: {  	s9 =	sshrl.u32 s8, $0x1;
	s13 =	sadd.s32 $0x1000, s16;
	[dreg:$0x9] =	wrdreg s6  }
0xa: {  	s5 =	sshrl.u32 s5, $0x3;
	s15 =	sadd.s32 $0x2000, s16;
	[dreg:$0xb] =	wrdreg s13  }
0xb: {  	s18 =	sadd.s32 $0x3000, s16;
	s19 =	sadd.s32 $0x4000, s16;
	[dreg:$0xc] =	wrdreg s15  }
0xc: {  	s20 =	sadd.s32 $0x5000, s16;
	s0 =	sadd.s32 s5, s0;
	[dreg:$0xd] =	wrdreg s18  }
0xd: {  	s5 =	sor.u32 s1, s12;
	s1 =	smul.u32 $0x2710, s1;
	[dreg:$0xe] =	wrdreg s19  }
0xe: {  	[dreg:$0xf] =	wrdreg s20;
	s5 =	smul.u32 $0x2710, s5;
	s0 =	sadd.s32 $0x3C400, s0  }
0xf: {  	s7 =	ssub.s32 s8, s9;
	s1 =	sadd.s32 s1, s14;
	[dreg:$0x1a] =	wrdreg s0  }
0x10: {  	s5 =	sshrl.u32 s5, $0x3;
	s11 =	sadd.s32 $0x1E0, s1;
	s10 =	sadd.s32 $0x140, s1  }
0x11: {  	s18 =	sadd.s32 $0x190, s1;
	s21 =	sadd.s32 s17, s5;
	[dreg:$0x1c] =	wrdreg s10  }
0x12: {  	s22 =	sadd.s32 $0xA, s5;
	s23 =	sadd.s32 s6, s5;
	[dreg:$0x10] =	wrdreg s21  }
0x13: {  	s14 =	sshrl.u32 s11, $0x3;
	s11 =	sadd.s32 $0x6000, s16;
	[dreg:$0x11] =	wrdreg s23  }
0x14: {  	s20 =	sshrl.u32 s18, $0x3;
	s18 =	sadd.s32 $0xB000, s16;
	[dreg:$0x1d] =	wrdreg s11  }
0x15: {  	s25 =	sadd.s32 $0x230, s1;
	s24 =	sadd.s32 s17, s22;
	[smem:$0x7F5] =	sst s18  }
0x16: {  	s26 =	sadd.s32 $0x14, s5;
	s9 =	sadd.s32 s6, s22;
	[dreg:$0x12] =	wrdreg s24  }
0x17: {  	s8 =	sshrl.u32 s25, $0x3;
	s12 =	sadd.s32 s17, s26;
	[dreg:$0x13] =	wrdreg s9  }
0x18: {  	s13 =	sadd.s32 s8, s6;
	[dreg:$0x14] =	wrdreg s12  }
0x19: {  	s8 =	sadd.s32 s8, s17;
	[dreg:$0x3] =	wrdreg s13  }
0x1a: {  	s15 =	sadd.s32 s14, s6;
	[dreg:$0x4] =	wrdreg s8  }
0x1b: {  	s19 =	sadd.s32 s14, s17;
	[dreg:$0x5] =	wrdreg s15  }
0x1c: {  	s28 =	simm.s32 $0x300;
	s22 =	sadd.s32 s20, s6;
	[dreg:$0x6] =	wrdreg s19  }
0x1d: {  	s30 =	simm.s32 $0x2C00;
	s25 =	sadd.s32 s20, s17;
	[dreg:$0x7] =	wrdreg s22  }
0x1e: {  	s29 =	simm.s32 $0x5;
	s14 =	sadd.s32 $0x9000, s16;
	[dreg:$0x8] =	wrdreg s25  }
0x1f: {  	s31 =	simm.s32 $0xB;
	s20 =	sadd.s32 $0xD000, s16;
	[smem:$0x7F3] =	sst s14  }
0x20: {  	s21 =	sadd.s32 $0x1E, s5;
	s9 =	sadd.s32 s6, s26;
	[smem:$0x7F7] =	sst s20  }
0x21: {  	s0 =	simm.s32 $0x3;
	s23 =	sadd.s32 s17, s21;
	[dreg:$0x15] =	wrdreg s9  }
0x22: {  	s5 =	sadd.s32 $0x4D8, s5;
	s24 =	sadd.s32 s6, s21;
	[dreg:$0x16] =	wrdreg s23  }
0x23: {  	s1 =	simm.s32 $0x180;
	s26 =	sadd.s32 s17, s5;
	[dreg:$0x17] =	wrdreg s24  }
0x24: {  	s10 =	simm.s32 $0x4;
	s5 =	sadd.s32 s6, s5;
	[dreg:$0x18] =	wrdreg s26  }
0x25: {  	s18 =	simm.s32 $0x200;
	s12 =	sadd.s32 $0x7000, s16;
	[dreg:$0x19] =	wrdreg s5  }
0x26: {  	s11 =	simm.s32 $0x380;
	s13 =	sadd.s32 $0x8000, s16;
	[dreg:$0x1e] =	wrdreg s12  }
0x27: {  	s15 =	sadd.s32 $0xA000, s16;
	s19 =	sadd.s32 $0xC000, s16;
	[dreg:$0x1f] =	wrdreg s13  }
0x28: {  	s21 =	sadd.s32 $0xE000, s16;
	s22 =	sadd.s32 $0xF000, s16;
	[smem:$0x7F4] =	sst s15  }
0x29: {  	s25 =	sadd.s32 $0x12000, s16;
	s20 =	simm.s32 $0x1;
	[smem:$0x7F6] =	sst s19  }
0x2a: {  	s8 =	simm.s32 $0x6;
	s14 =	simm.s32 $0x0;
	[smem:$0x7F8] =	sst s21  }
0x2b: {  	s9 =	smax.u32 s7, $0x1;
	[smem:$0x7F9] =	sst s22;
	s23 =	sadd.s32 $0x10000, s16  }
0x2c: {  	s24 =	sadd.s32 $0x11000, s16;
	[smem:$0x7FC] =	sst s25;
	s26 =	sadd.s32 $0x13000, s16  }
0x2d: {  	s19 =	simm.s32 $0x80;
	s22 =	simm.s32 $0x280;
	[dreg:$0x1b] =	wrdreg s9  }
0x2e: {  	s21 =	simm.s32 $0x50;
	s12 =	simm.s32 $0x9;
	[smem:$0x7FA] =	sst s23  }
0x2f: {  	s13 =	simm.s32 $0x7C00;
	s25 =	simm.s32 $0xA;
	[smem:$0x7FB] =	sst s24  }
0x30: {  	s7 =	simm.s32 $0x8;
	[smem:$0x7FD] =	sst s26;
	s23 =	simm.s32 $0x400  }
0x31: {  	v0 =	vimm.f32 $0.0e+00;
	s24 =	simm.s32 $0x100;
	s26 =	simm.s32 $0x2;
	s9 =	simm.s32 $0x5400  }
.LBB2_1:
0x32: {  	[smem:$0x7F2] =	sst s14;
	s5 =	simm.s32 $0x0;
	s15 =	simm.s32 $0x200  }
.LBB2_2:
0x33: {  	p0 =	sne.s32 s15, $0x3E00;
	[tilespmem:s5+$0xA470] =	vst v0  }
0x34: {  	[tilespmem:s5+$0xA400] =	vst v0  }
0x35: {  	[tilespmem:s5+$0xA410] =	vst v0  }
.Ltmp0:
0x36: {  	[tilespmem:s5+$0xA420] =	vst v0;
	(pc) =	sbr.rel @p0 .LBB2_2-.Ltmp0, $4  }
0x37: {  	[tilespmem:s5+$0xA430] =	vst v0  }
0x38: {  	[tilespmem:s5+$0xA440] =	vst v0  }
0x39: {  	[tilespmem:s5+$0xA450] =	vst v0  }
0x3a: {  	[tilespmem:s5+$0xA460] =	vst v0;
	s5 =	sshra.s32 s15, $0x2;
	s15 =	sadd.s32 $0x200, s15  }
0x3b: {  	[tilespmem:s5+$0xA470] =	vst v0  }
0x3c: {  	[tilespmem:s5+$0xA400] =	vst v0  }
0x3d: {  	[tilespmem:s5+$0xA410] =	vst v0  }
0x3e: {  	[tilespmem:s5+$0xA420] =	vst v0  }
0x3f: {  	[tilespmem:s5+$0xA430] =	vst v0  }
0x40: {  	[tilespmem:s5+$0xA440] =	vst v0  }
0x41: {  	[tilespmem:s5+$0xA450] =	vst v0  }
0x42: {  	[tilespmem:s5+$0xA460] =	vst v0;
	s15 =	simm.s32 $0xA400  }
0x43: {  	[spmem:s16] =	stream.linear.scatter [tilespmem:s15], [sflag:$0xD], $0x1000, $0x38;
	[tilespmem:$0x1F400] =	vst v63  }
0x44: {  	s14 =	rddreg [dreg:$0xb]  }
0x45: {  	[spmem:s14] =	stream.linear.scatter [tilespmem:s15], [sflag:$0xD], $0x1000, $0x38;
	[tilespmem:$0x1F400] =	vst v63  }
0x46: {  	s16 =	rddreg [dreg:$0xc]  }
0x47: {  	[spmem:s16] =	stream.linear.scatter [tilespmem:s15], [sflag:$0xD], $0x1000, $0x38;
	[tilespmem:$0x1F400] =	vst v63  }
0x48: {  	s14 =	rddreg [dreg:$0xd]  }
0x49: {  	[spmem:s14] =	stream.linear.scatter [tilespmem:s15], [sflag:$0xD], $0x1000, $0x38;
	[tilespmem:$0x1F400] =	vst v63  }
0x4a: {  	s16 =	rddreg [dreg:$0xe]  }
0x4b: {  	[spmem:s16] =	stream.linear.scatter [tilespmem:s15], [sflag:$0xD], $0x1000, $0x38;
	[tilespmem:$0x1F400] =	vst v63  }
0x4c: {  	s16 =	simm.s32 $0xD  }
0x4d: {  	_ =	swait.ge [sflag:s16], $0x1000  }
0x4e: {  	[sflag:s16] =	ssyncset.done $0x0  }
0x4f: {  	[sflag:s16] =	ssyncadd.s32 $0xFFFFF000  }
0x50: {  	_ =	swait.ge [sflag:s16], $0x1000  }
0x51: {  	[sflag:s16] =	ssyncset.done $0x0  }
0x52: {  	[sflag:s16] =	ssyncadd.s32 $0xFFFFF000  }
0x53: {  	_ =	swait.ge [sflag:s16], $0x1000  }
0x54: {  	[sflag:s16] =	ssyncset.done $0x0  }
0x55: {  	[sflag:s16] =	ssyncadd.s32 $0xFFFFF000  }
0x56: {  	_ =	swait.ge [sflag:s16], $0x1000  }
0x57: {  	[sflag:s16] =	ssyncset.done $0x0  }
0x58: {  	[sflag:s16] =	ssyncadd.s32 $0xFFFFF000  }
0x59: {  	_ =	swait.ge [sflag:s16], $0x1000  }
0x5a: {  	[sflag:s16] =	ssyncset.done $0x0  }
0x5b: {  	s14 =	rddreg [dreg:$0xf];
	[sflag:s16] =	ssyncadd.s32 $0xFFFFF000  }
0x5c: {  	[spmem:s14] =	stream.linear.scatter [tilespmem:s15], [sflag:$0xD], $0x1000, $0x38;
	[tilespmem:$0x1F400] =	vst v63  }
0x5d: {  	s14 =	rddreg [dreg:$0x1d]  }
0x5e: {  	[spmem:s14] =	stream.linear.scatter [tilespmem:s15], [sflag:$0xD], $0x1000, $0x38;
	[tilespmem:$0x1F400] =	vst v63  }
0x5f: {  	s14 =	rddreg [dreg:$0x1e]  }
0x60: {  	[spmem:s14] =	stream.linear.scatter [tilespmem:s15], [sflag:$0xD], $0x1000, $0x38;
	[tilespmem:$0x1F400] =	vst v63  }
0x61: {  	s14 =	rddreg [dreg:$0x1f]  }
0x62: {  	[spmem:s14] =	stream.linear.scatter [tilespmem:s15], [sflag:$0xD], $0x1000, $0x38;
	[tilespmem:$0x1F400] =	vst v63  }
0x63: {  	s14 =	sld [smem:$0x7F3];
	_ =	sdelay $0x2  }
0x64: {  	[spmem:s14] =	stream.linear.scatter [tilespmem:s15], [sflag:$0xD], $0x1000, $0x38;
	[tilespmem:$0x1F400] =	vst v63  }
0x65: {  	_ =	swait.ge [sflag:s16], $0x1000  }
0x66: {  	[sflag:s16] =	ssyncset.done $0x0  }
0x67: {  	[sflag:s16] =	ssyncadd.s32 $0xFFFFF000  }
0x68: {  	_ =	swait.ge [sflag:s16], $0x1000  }
0x69: {  	[sflag:s16] =	ssyncset.done $0x0  }
0x6a: {  	[sflag:s16] =	ssyncadd.s32 $0xFFFFF000  }
0x6b: {  	_ =	swait.ge [sflag:s16], $0x1000  }
0x6c: {  	[sflag:s16] =	ssyncset.done $0x0  }
0x6d: {  	[sflag:s16] =	ssyncadd.s32 $0xFFFFF000  }
0x6e: {  	_ =	swait.ge [sflag:s16], $0x1000  }
0x6f: {  	[sflag:s16] =	ssyncset.done $0x0  }
0x70: {  	[sflag:s16] =	ssyncadd.s32 $0xFFFFF000  }
0x71: {  	_ =	swait.ge [sflag:s16], $0x1000  }
0x72: {  	s14 =	sld [smem:$0x7F4]  }
0x73: {  	[sflag:s16] =	ssyncset.done $0x0  }
0x74: {  	[sflag:s16] =	ssyncadd.s32 $0xFFFFF000  }
0x75: {  	[spmem:s14] =	stream.linear.scatter [tilespmem:s15], [sflag:$0xD], $0x1000, $0x38;
	[tilespmem:$0x1F400] =	vst v63  }
0x76: {  	s14 =	sld [smem:$0x7F5];
	_ =	sdelay $0x2  }
0x77: {  	[spmem:s14] =	stream.linear.scatter [tilespmem:s15], [sflag:$0xD], $0x1000, $0x38;
	[tilespmem:$0x1F400] =	vst v63  }
0x78: {  	s14 =	sld [smem:$0x7F6];
	_ =	sdelay $0x2  }
0x79: {  	[spmem:s14] =	stream.linear.scatter [tilespmem:s15], [sflag:$0xD], $0x1000, $0x38;
	[tilespmem:$0x1F400] =	vst v63  }
0x7a: {  	s14 =	sld [smem:$0x7F7];
	_ =	sdelay $0x2  }
0x7b: {  	[spmem:s14] =	stream.linear.scatter [tilespmem:s15], [sflag:$0xD], $0x1000, $0x38;
	[tilespmem:$0x1F400] =	vst v63  }
0x7c: {  	s14 =	sld [smem:$0x7F8];
	_ =	sdelay $0x2  }
0x7d: {  	[spmem:s14] =	stream.linear.scatter [tilespmem:s15], [sflag:$0xD], $0x1000, $0x38;
	[tilespmem:$0x1F400] =	vst v63  }
0x7e: {  	_ =	swait.ge [sflag:s16], $0x1000  }
0x7f: {  	[sflag:s16] =	ssyncset.done $0x0  }
0x80: {  	[sflag:s16] =	ssyncadd.s32 $0xFFFFF000  }
0x81: {  	_ =	swait.ge [sflag:s16], $0x1000  }
0x82: {  	[sflag:s16] =	ssyncset.done $0x0  }
0x83: {  	[sflag:s16] =	ssyncadd.s32 $0xFFFFF000  }
0x84: {  	_ =	swait.ge [sflag:s16], $0x1000  }
0x85: {  	[sflag:s16] =	ssyncset.done $0x0  }
0x86: {  	[sflag:s16] =	ssyncadd.s32 $0xFFFFF000  }
0x87: {  	_ =	swait.ge [sflag:s16], $0x1000  }
0x88: {  	[sflag:s16] =	ssyncset.done $0x0  }
0x89: {  	[sflag:s16] =	ssyncadd.s32 $0xFFFFF000  }
0x8a: {  	_ =	swait.ge [sflag:s16], $0x1000  }
0x8b: {  	s14 =	sld [smem:$0x7F9]  }
0x8c: {  	[sflag:s16] =	ssyncset.done $0x0  }
0x8d: {  	[sflag:s16] =	ssyncadd.s32 $0xFFFFF000  }
0x8e: {  	[spmem:s14] =	stream.linear.scatter [tilespmem:s15], [sflag:$0xD], $0x1000, $0x38;
	[tilespmem:$0x1F400] =	vst v63  }
0x8f: {  	s14 =	sld [smem:$0x7FA];
	_ =	sdelay $0x2  }
0x90: {  	[spmem:s14] =	stream.linear.scatter [tilespmem:s15], [sflag:$0xD], $0x1000, $0x38;
	[tilespmem:$0x1F400] =	vst v63  }
0x91: {  	s14 =	sld [smem:$0x7FB];
	_ =	sdelay $0x2  }
0x92: {  	[spmem:s14] =	stream.linear.scatter [tilespmem:s15], [sflag:$0xD], $0x1000, $0x38;
	[tilespmem:$0x1F400] =	vst v63  }
0x93: {  	s14 =	sld [smem:$0x7FC];
	_ =	sdelay $0x2  }
0x94: {  	[spmem:s14] =	stream.linear.scatter [tilespmem:s15], [sflag:$0xD], $0x1000, $0x38;
	[tilespmem:$0x1F400] =	vst v63  }
0x95: {  	s14 =	sld [smem:$0x7FD];
	_ =	sdelay $0x2  }
0x96: {  	[spmem:s14] =	stream.linear.scatter [tilespmem:s15], [sflag:$0xD], $0x1000, $0x38;
	[tilespmem:$0x1F400] =	vst v63  }
0x97: {  	_ =	swait.ge [sflag:s16], $0x1000  }
0x98: {  	[sflag:s16] =	ssyncset.done $0x0  }
0x99: {  	[sflag:s16] =	ssyncadd.s32 $0xFFFFF000  }
0x9a: {  	_ =	swait.ge [sflag:s16], $0x1000  }
0x9b: {  	[sflag:s16] =	ssyncset.done $0x0  }
0x9c: {  	[sflag:s16] =	ssyncadd.s32 $0xFFFFF000  }
0x9d: {  	_ =	swait.ge [sflag:s16], $0x1000  }
0x9e: {  	[sflag:s16] =	ssyncset.done $0x0  }
0x9f: {  	[sflag:s16] =	ssyncadd.s32 $0xFFFFF000  }
0xa0: {  	_ =	swait.ge [sflag:s16], $0x1000  }
0xa1: {  	[sflag:s16] =	ssyncset.done $0x0  }
0xa2: {  	[sflag:s16] =	ssyncadd.s32 $0xFFFFF000  }
0xa3: {  	_ =	swait.ge [sflag:s16], $0x1000  }
0xa4: {  	[sflag:s16] =	ssyncset.done $0x0  }
0xa5: {  	[sflag:s16] =	ssyncadd.s32 $0xFFFFF000  }
0xa6: {  	[bflag:$0x0] =	sbarrier.arrive $0xFFFF  }
0xa7: {  	s5 =	simm.s32 $0x0;
	s14 =	rddreg [dreg:$0x10]  }
0xa8: {  	[tilespmem:s5], [sflag:$0x1] =	stream.linear.gather [hbm4b:s14+s5], $0x50, $0x38;
	[tilespmem:$0x1F400] =	vst v63  }
0xa9: {  	s16 =	rddreg [dreg:$0x11]  }
0xaa: {  	[tilespmem:s18], [sflag:$0x1] =	stream.linear.gather [hbm4b:s16+s5], $0x50, $0x38;
	[tilespmem:$0x1F400] =	vst v63  }
0xab: {  	s14 =	rddreg [dreg:$0x12]  }
0xac: {  	[tilespmem:s19], [sflag:$0x2] =	stream.linear.gather [hbm4b:s14+s5], $0x50, $0x38;
	[tilespmem:$0x1F400] =	vst v63  }
0xad: {  	s16 =	rddreg [dreg:$0x13]  }
0xae: {  	[tilespmem:s22], [sflag:$0x2] =	stream.linear.gather [hbm4b:s16+s5], $0x50, $0x38;
	[tilespmem:$0x1F400] =	vst v63  }
0xaf: {  	_ =	swait.ge [sflag:s20], $0x50  }
0xb0: {  	[sflag:s20] =	ssyncset.done $0x0  }
0xb1: {  	[sflag:s20] =	ssyncadd.s32 $0xFFFFFFB0  }
0xb2: {  	_ =	swait.ge [sflag:s20], $0x50  }
0xb3: {  	[sflag:s20] =	ssyncset.done $0x0  }
0xb4: {  	[sflag:s20] =	ssyncadd.s32 $0xFFFFFFB0  }
0xb5: {  	[tilespmem:s23], [sflag:$0x5] =	stream.indirect.gather [hbm4b:s4+s21], $0x80, s5, s21, $0xb8;
	[tilespmem:$0x1F400] =	vst v63  }
0xb6: {  	s14 =	rddreg [dreg:$0x14]  }
0xb7: {  	[tilespmem:s24], [sflag:$0x3] =	stream.linear.gather [hbm4b:s14+s5], $0x50, $0x38;
	[tilespmem:$0x1F400] =	vst v63  }
0xb8: {  	s16 =	rddreg [dreg:$0x15]  }
0xb9: {  	[tilespmem:s28], [sflag:$0x3] =	stream.linear.gather [hbm4b:s16+s5], $0x50, $0x38;
	[tilespmem:$0x1F400] =	vst v63  }
0xba: {  	_ =	swait.ge [sflag:s26], $0x50  }
0xbb: {  	[sflag:s26] =	ssyncset.done $0x0  }
0xbc: {  	[sflag:s26] =	ssyncadd.s32 $0xFFFFFFB0  }
0xbd: {  	_ =	swait.ge [sflag:s26], $0x50  }
0xbe: {  	[sflag:s26] =	ssyncset.done $0x0  }
0xbf: {  	[sflag:s26] =	ssyncadd.s32 $0xFFFFFFB0  }
0xc0: {  	[tilespmem:s30], [sflag:$0x6] =	stream.indirect.gather [hbm4b:s4+s21], $0x80, s19, s21, $0xb8;
	[tilespmem:$0x1F400] =	vst v63  }
0xc1: {  	_ =	swait.ge [sflag:s29], $0x2800  }
0xc2: {  	[sflag:s29] =	ssyncset.done $0x0  }
0xc3: {  	[sflag:s29] =	ssyncadd.s32 $0xFFFFD800  }
0xc4: {  	[spmem:s2] =	stream.indirect.scatter.add.f32 [tilespmem:s23], [sflag:$0x9], $0x80, s18, s21, $0xb8;
	[tilespmem:$0x1F400] =	vst v63  }
0xc5: {  	s14 =	rddreg [dreg:$0x16]  }
0xc6: {  	[tilespmem:s1], [sflag:$0x4] =	stream.linear.gather [hbm4b:s14+s5], $0x50, $0x38;
	[tilespmem:$0x1F400] =	vst v63  }
0xc7: {  	s16 =	rddreg [dreg:$0x17]  }
0xc8: {  	[tilespmem:s11], [sflag:$0x4] =	stream.linear.gather [hbm4b:s16+s5], $0x50, $0x38;
	[tilespmem:$0x1F400] =	vst v63  }
0xc9: {  	_ =	swait.ge [sflag:s0], $0x50  }
0xca: {  	[sflag:s0] =	ssyncset.done $0x0  }
0xcb: {  	[sflag:s0] =	ssyncadd.s32 $0xFFFFFFB0  }
0xcc: {  	_ =	swait.ge [sflag:s0], $0x50  }
0xcd: {  	[sflag:s0] =	ssyncset.done $0x0  }
0xce: {  	[sflag:s0] =	ssyncadd.s32 $0xFFFFFFB0  }
0xcf: {  	[tilespmem:s9], [sflag:$0x7] =	stream.indirect.gather [hbm4b:s4+s21], $0x80, s24, s21, $0xb8;
	[tilespmem:$0x1F400] =	vst v63  }
0xd0: {  	_ =	swait.ge [sflag:s8], $0x2800  }
0xd1: {  	[sflag:s8] =	ssyncset.done $0x0  }
0xd2: {  	[sflag:s8] =	ssyncadd.s32 $0xFFFFD800  }
0xd3: {  	[spmem:s2] =	stream.indirect.scatter.add.f32 [tilespmem:s30], [sflag:$0xA], $0x80, s22, s21, $0xb8;
	[tilespmem:$0x1F400] =	vst v63  }
0xd4: {  	_ =	swait.ge [sflag:s12], $0x2800  }
0xd5: {  	s16 =	rddreg [dreg:$0x1c]  }
0xd6: {  	[sflag:s12] =	ssyncset.done $0x0;
	s5 =	sshrl.u32 s16, $0x3  }
0xd7: {  	[sflag:s12] =	ssyncadd.s32 $0xFFFFD800;
	s14 =	sadd.s32 s17, s5  }
0xd8: {  	[tilespmem:s3], [sflag:$0x1] =	stream.linear.gather [hbm4b:s14+s3], $0x50, $0x38;
	[tilespmem:$0x1F400] =	vst v63  }
0xd9: {  	s5 =	sadd.s32 s6, s5  }
0xda: {  	[tilespmem:s18], [sflag:$0x1] =	stream.linear.gather [hbm4b:s5+s3], $0x50, $0x38;
	[tilespmem:$0x1F400] =	vst v63  }
0xdb: {  	_ =	swait.ge [sflag:s10], $0x50  }
0xdc: {  	[sflag:s10] =	ssyncset.done $0x0  }
0xdd: {  	[sflag:s10] =	ssyncadd.s32 $0xFFFFFFB0  }
0xde: {  	_ =	swait.ge [sflag:s10], $0x50  }
0xdf: {  	[sflag:s10] =	ssyncset.done $0x0  }
0xe0: {  	s15 =	simm.s32 $0x7;
	[sflag:s10] =	ssyncadd.s32 $0xFFFFFFB0  }
0xe1: {  	[tilespmem:s13], [sflag:$0x8] =	stream.indirect.gather [hbm4b:s4+s21], $0x80, s1, s21, $0xb8;
	[tilespmem:$0x1F400] =	vst v63  }
0xe2: {  	_ =	swait.ge [sflag:s15], $0x2800  }
0xe3: {  	[sflag:s15] =	ssyncset.done $0x0  }
0xe4: {  	[sflag:s15] =	ssyncadd.s32 $0xFFFFD800  }
0xe5: {  	[spmem:s2] =	stream.indirect.scatter.add.f32 [tilespmem:s9], [sflag:$0xB], $0x80, s28, s21, $0xb8;
	[tilespmem:$0x1F400] =	vst v63  }
0xe6: {  	_ =	swait.ge [sflag:s25], $0x2800  }
0xe7: {  	s6 =	rddreg [dreg:$0x8];
	[sflag:s25] =	ssyncset.done $0x0  }
0xe8: {  	s12 =	rddreg [dreg:$0x7];
	[sflag:s25] =	ssyncadd.s32 $0xFFFFD800;
	s5 =	sadd.s32 $0x0, s6  }
0xe9: {  	[tilespmem:s19], [sflag:$0x2] =	stream.linear.gather [hbm4b:s5+s3], $0x50, $0x38;
	[tilespmem:$0x1F400] =	vst v63  }
0xea: {  	s14 =	sadd.s32 $0x0, s12  }
0xeb: {  	[tilespmem:s22], [sflag:$0x2] =	stream.linear.gather [hbm4b:s14+s3], $0x50, $0x38;
	[tilespmem:$0x1F400] =	vst v63  }
0xec: {  	_ =	swait.ge [sflag:s20], $0x50  }
0xed: {  	[sflag:s20] =	ssyncset.done $0x0  }
0xee: {  	[sflag:s20] =	ssyncadd.s32 $0xFFFFFFB0  }
0xef: {  	_ =	swait.ge [sflag:s20], $0x50  }
0xf0: {  	[sflag:s20] =	ssyncset.done $0x0  }
0xf1: {  	[sflag:s20] =	ssyncadd.s32 $0xFFFFFFB0  }
0xf2: {  	[tilespmem:s23], [sflag:$0x5] =	stream.indirect.gather [hbm4b:s4+s21], $0x80, s3, s21, $0xb8;
	[tilespmem:$0x1F400] =	vst v63  }
0xf3: {  	_ =	swait.ge [sflag:s7], $0x2800  }
0xf4: {  	[sflag:s7] =	ssyncset.done $0x0  }
0xf5: {  	[sflag:s7] =	ssyncadd.s32 $0xFFFFD800  }
0xf6: {  	[spmem:s2] =	stream.indirect.scatter.add.f32 [tilespmem:s13], [sflag:$0xC], $0x80, s11, s21, $0xb8;
	[tilespmem:$0x1F400] =	vst v63  }
0xf7: {  	_ =	swait.ge [sflag:s31], $0x2800  }
0xf8: {  	s15 =	rddreg [dreg:$0x6];
	[sflag:s31] =	ssyncset.done $0x0  }
0xf9: {  	s22 =	rddreg [dreg:$0x5];
	[sflag:s31] =	ssyncadd.s32 $0xFFFFD800;
	s5 =	sadd.s32 $0x0, s15  }
0xfa: {  	[tilespmem:s24], [sflag:$0x3] =	stream.linear.gather [hbm4b:s5+s3], $0x50, $0x38;
	[tilespmem:$0x1F400] =	vst v63  }
0xfb: {  	s25 =	sadd.s32 $0x0, s22  }
0xfc: {  	[tilespmem:s28], [sflag:$0x3] =	stream.linear.gather [hbm4b:s25+s3], $0x50, $0x38;
	[tilespmem:$0x1F400] =	vst v63  }
0xfd: {  	_ =	swait.ge [sflag:s26], $0x50  }
0xfe: {  	[sflag:s26] =	ssyncset.done $0x0  }
0xff: {  	[sflag:s26] =	ssyncadd.s32 $0xFFFFFFB0  }
0x100: {  	_ =	swait.ge [sflag:s26], $0x50  }
0x101: {  	[sflag:s26] =	ssyncset.done $0x0  }
0x102: {  	[sflag:s26] =	ssyncadd.s32 $0xFFFFFFB0  }
0x103: {  	[tilespmem:s30], [sflag:$0x6] =	stream.indirect.gather [hbm4b:s4+s21], $0x80, s19, s21, $0xb8;
	[tilespmem:$0x1F400] =	vst v63  }
0x104: {  	_ =	swait.ge [sflag:s29], $0x2800  }
0x105: {  	[sflag:s29] =	ssyncset.done $0x0  }
0x106: {  	s28 =	simm.s32 $0xC;
	[sflag:s29] =	ssyncadd.s32 $0xFFFFD800  }
0x107: {  	[spmem:s2] =	stream.indirect.scatter.add.f32 [tilespmem:s23], [sflag:$0x9], $0x80, s18, s21, $0xb8;
	[tilespmem:$0x1F400] =	vst v63  }
0x108: {  	_ =	swait.ge [sflag:s28], $0x2800  }
0x109: {  	s29 =	rddreg [dreg:$0x4];
	[sflag:s28] =	ssyncset.done $0x0  }
0x10a: {  	s30 =	rddreg [dreg:$0x3];
	[sflag:s28] =	ssyncadd.s32 $0xFFFFD800;
	s5 =	sadd.s32 $0x0, s29  }
0x10b: {  	[tilespmem:s1], [sflag:$0x4] =	stream.linear.gather [hbm4b:s5+s3], $0x50, $0x38;
	[tilespmem:$0x1F400] =	vst v63  }
0x10c: {  	s31 =	sadd.s32 $0x0, s30  }
0x10d: {  	[tilespmem:s11], [sflag:$0x4] =	stream.linear.gather [hbm4b:s31+s3], $0x50, $0x38;
	[tilespmem:$0x1F400] =	vst v63  }
0x10e: {  	_ =	swait.ge [sflag:s0], $0x50  }
0x10f: {  	[sflag:s0] =	ssyncset.done $0x0  }
0x110: {  	[sflag:s0] =	ssyncadd.s32 $0xFFFFFFB0  }
0x111: {  	_ =	swait.ge [sflag:s0], $0x50  }
0x112: {  	[sflag:s0] =	ssyncset.done $0x0  }
0x113: {  	s16 =	sadd.s32 $0x140, s16;
	s7 =	simm.s32 $0xA;
	[sflag:s0] =	ssyncadd.s32 $0xFFFFFFB0  }
0x114: {  	[tilespmem:s9], [sflag:$0x7] =	stream.indirect.gather [hbm4b:s4+s21], $0x80, s24, s21, $0xb8;
	[tilespmem:$0x1F400] =	vst v63  }
0x115: {  	s13 =	simm.s32 $0x9;
	s15 =	simm.s32 $0x28;
	_ =	swait.ge [sflag:s8], $0x2800  }
0x116: {  	s22 =	simm.s32 $0xB;
	s19 =	simm.s32 $0x8;
	[sflag:s8] =	ssyncset.done $0x0  }
0x117: {  	s9 =	simm.s32 $0x6;
	[sflag:s8] =	ssyncadd.s32 $0xFFFFD800;
	s8 =	simm.s32 $0x5  }
.LBB2_4:
0x118: {  	s23 =	simm.s32 $0x2C00;
	s12 =	simm.s32 $0x280  }
0x119: {  	[spmem:s2] =	stream.indirect.scatter.add.f32 [tilespmem:s23], [sflag:$0xA], $0x80, s12, s21, $0xb8;
	[tilespmem:$0x1F400] =	vst v63  }
0x11a: {  	_ =	swait.ge [sflag:s13], $0x2800  }
0x11b: {  	s6 =	sshrl.u32 s16, $0x3;
	[sflag:s13] =	ssyncset.done $0x0  }
0x11c: {  	s14 =	sadd.s32 s17, s6;
	s24 =	rddreg [dreg:$0x9];
	[sflag:s13] =	ssyncadd.s32 $0xFFFFD800  }
0x11d: {  	[tilespmem:s3], [sflag:$0x1] =	stream.linear.gather [hbm4b:s14+s3], $0x50, $0x38;
	[tilespmem:$0x1F400] =	vst v63  }
0x11e: {  	s31 =	simm.s32 $0x200;
	s6 =	sadd.s32 s24, s6  }
0x11f: {  	[tilespmem:s31], [sflag:$0x1] =	stream.linear.gather [hbm4b:s6+s3], $0x50, $0x38;
	[tilespmem:$0x1F400] =	vst v63  }
0x120: {  	_ =	swait.ge [sflag:s10], $0x50  }
0x121: {  	[sflag:s10] =	ssyncset.done $0x0  }
0x122: {  	[sflag:s10] =	ssyncadd.s32 $0xFFFFFFB0  }
0x123: {  	_ =	swait.ge [sflag:s10], $0x50  }
0x124: {  	s29 =	simm.s32 $0x7C00;
	[sflag:s10] =	ssyncset.done $0x0  }
0x125: {  	s1 =	simm.s32 $0x180;
	s25 =	simm.s32 $0x7;
	[sflag:s10] =	ssyncadd.s32 $0xFFFFFFB0  }
0x126: {  	[tilespmem:s29], [sflag:$0x8] =	stream.indirect.gather [hbm4b:s4+s21], $0x80, s1, s21, $0xb8;
	[tilespmem:$0x1F400] =	vst v63  }
0x127: {  	_ =	swait.ge [sflag:s25], $0x2800  }
0x128: {  	[sflag:s25] =	ssyncset.done $0x0  }
0x129: {  	s11 =	simm.s32 $0x300;
	s24 =	simm.s32 $0x5400;
	[sflag:s25] =	ssyncadd.s32 $0xFFFFD800  }
0x12a: {  	[spmem:s2] =	stream.indirect.scatter.add.f32 [tilespmem:s24], [sflag:$0xB], $0x80, s11, s21, $0xb8;
	[tilespmem:$0x1F400] =	vst v63  }
0x12b: {  	_ =	swait.ge [sflag:s7], $0x2800  }
0x12c: {  	s28 =	rddreg [dreg:$0x8]  }
0x12d: {  	s5 =	smov.u32 s15;
	[sflag:s7] =	ssyncset.done $0x0;
	s14 =	rddreg [dreg:$0x7]  }
0x12e: {  	[sflag:s7] =	ssyncadd.s32 $0xFFFFD800;
	s6 =	sadd.s32 s5, s28;
	s28 =	simm.s32 $0x80  }
0x12f: {  	[tilespmem:s28], [sflag:$0x2] =	stream.linear.gather [hbm4b:s6+s3], $0x50, $0x38;
	[tilespmem:$0x1F400] =	vst v63  }
0x130: {  	s18 =	smov.u32 s17;
	s17 =	sadd.s32 s5, s14  }
0x131: {  	[tilespmem:s12], [sflag:$0x2] =	stream.linear.gather [hbm4b:s17+s3], $0x50, $0x38;
	[tilespmem:$0x1F400] =	vst v63  }
0x132: {  	_ =	swait.ge [sflag:s20], $0x50  }
0x133: {  	[sflag:s20] =	ssyncset.done $0x0  }
0x134: {  	[sflag:s20] =	ssyncadd.s32 $0xFFFFFFB0  }
0x135: {  	_ =	swait.ge [sflag:s20], $0x50  }
0x136: {  	[sflag:s20] =	ssyncset.done $0x0  }
0x137: {  	s25 =	simm.s32 $0x400;
	[sflag:s20] =	ssyncadd.s32 $0xFFFFFFB0  }
0x138: {  	[tilespmem:s25], [sflag:$0x5] =	stream.indirect.gather [hbm4b:s4+s21], $0x80, s3, s21, $0xb8;
	[tilespmem:$0x1F400] =	vst v63  }
0x139: {  	_ =	swait.ge [sflag:s19], $0x2800  }
0x13a: {  	[sflag:s19] =	ssyncset.done $0x0  }
0x13b: {  	s12 =	simm.s32 $0x380;
	[sflag:s19] =	ssyncadd.s32 $0xFFFFD800  }
0x13c: {  	[spmem:s2] =	stream.indirect.scatter.add.f32 [tilespmem:s29], [sflag:$0xC], $0x80, s12, s21, $0xb8;
	[tilespmem:$0x1F400] =	vst v63  }
0x13d: {  	_ =	swait.ge [sflag:s22], $0x2800  }
0x13e: {  	s20 =	rddreg [dreg:$0x6]  }
0x13f: {  	[sflag:s22] =	ssyncset.done $0x0;
	s17 =	rddreg [dreg:$0x5]  }
0x140: {  	[sflag:s22] =	ssyncadd.s32 $0xFFFFD800;
	s6 =	sadd.s32 s5, s20;
	s20 =	simm.s32 $0x100  }
0x141: {  	[tilespmem:s20], [sflag:$0x3] =	stream.linear.gather [hbm4b:s6+s3], $0x50, $0x38;
	[tilespmem:$0x1F400] =	vst v63  }
0x142: {  	s17 =	sadd.s32 s5, s17  }
0x143: {  	[tilespmem:s11], [sflag:$0x3] =	stream.linear.gather [hbm4b:s17+s3], $0x50, $0x38;
	[tilespmem:$0x1F400] =	vst v63  }
0x144: {  	_ =	swait.ge [sflag:s26], $0x50  }
0x145: {  	[sflag:s26] =	ssyncset.done $0x0  }
0x146: {  	[sflag:s26] =	ssyncadd.s32 $0xFFFFFFB0  }
0x147: {  	_ =	swait.ge [sflag:s26], $0x50  }
0x148: {  	[sflag:s26] =	ssyncset.done $0x0  }
0x149: {  	[sflag:s26] =	ssyncadd.s32 $0xFFFFFFB0  }
0x14a: {  	[tilespmem:s23], [sflag:$0x6] =	stream.indirect.gather [hbm4b:s4+s21], $0x80, s28, s21, $0xb8;
	[tilespmem:$0x1F400] =	vst v63  }
0x14b: {  	_ =	swait.ge [sflag:s8], $0x2800  }
0x14c: {  	[sflag:s8] =	ssyncset.done $0x0  }
0x14d: {  	[sflag:s8] =	ssyncadd.s32 $0xFFFFD800  }
0x14e: {  	[spmem:s2] =	stream.indirect.scatter.add.f32 [tilespmem:s25], [sflag:$0x9], $0x80, s31, s21, $0xb8;
	[tilespmem:$0x1F400] =	vst v63  }
0x14f: {  	s25 =	simm.s32 $0xC  }
0x150: {  	_ =	swait.ge [sflag:s25], $0x2800  }
0x151: {  	s28 =	rddreg [dreg:$0x4];
	[sflag:s25] =	ssyncset.done $0x0  }
0x152: {  	s31 =	rddreg [dreg:$0x3];
	[sflag:s25] =	ssyncadd.s32 $0xFFFFD800;
	s6 =	sadd.s32 s5, s28  }
0x153: {  	[tilespmem:s1], [sflag:$0x4] =	stream.linear.gather [hbm4b:s6+s3], $0x50, $0x38;
	[tilespmem:$0x1F400] =	vst v63  }
0x154: {  	s5 =	sadd.s32 s5, s31  }
0x155: {  	[tilespmem:s12], [sflag:$0x4] =	stream.linear.gather [hbm4b:s5+s3], $0x50, $0x38;
	[tilespmem:$0x1F400] =	vst v63  }
0x156: {  	_ =	swait.ge [sflag:s0], $0x50  }
0x157: {  	[sflag:s0] =	ssyncset.done $0x0  }
0x158: {  	[sflag:s0] =	ssyncadd.s32 $0xFFFFFFB0  }
0x159: {  	p0 =	sne.s32 s15, $0x488;
	s15 =	sadd.s32 $0x28, s15;
	_ =	swait.ge [sflag:s0], $0x50  }
0x15a: {  	s30 =	simm.s32 $0x2C00;
	s16 =	sadd.s32 $0x140, s16;
	[sflag:s0] =	ssyncset.done $0x0  }
.Ltmp1:
0x15b: {  	s14 =	simm.s32 $0x280;
	[sflag:s0] =	ssyncadd.s32 $0xFFFFFFB0;
	(pc) =	sbr.rel @p0 .LBB2_4-.Ltmp1, $4  }
0x15c: {  	[tilespmem:s24], [sflag:$0x7] =	stream.indirect.gather [hbm4b:s4+s21], $0x80, s20, s21, $0xb8;
	[tilespmem:$0x1F400] =	vst v63  }
0x15d: {  	s29 =	simm.s32 $0x300;
	s17 =	smov.u32 s18;
	_ =	swait.ge [sflag:s9], $0x2800  }
0x15e: {  	s18 =	simm.s32 $0x380;
	s11 =	simm.s32 $0x5400;
	[sflag:s9] =	ssyncset.done $0x0  }
0x15f: {  	s25 =	simm.s32 $0x180;
	s20 =	simm.s32 $0x1;
	[sflag:s9] =	ssyncadd.s32 $0xFFFFD800  }
0x160: {  	[spmem:s2] =	stream.indirect.scatter.add.f32 [tilespmem:s30], [sflag:$0xA], $0x80, s14, s21, $0xb8;
	[tilespmem:$0x1F400] =	vst v63  }
0x161: {  	_ =	swait.ge [sflag:s13], $0x2800  }
0x162: {  	[sflag:s13] =	ssyncset.done $0x0  }
0x163: {  	s5 =	rddreg [dreg:$0x18];
	[sflag:s13] =	ssyncadd.s32 $0xFFFFD800  }
0x164: {  	[tilespmem:s3], [sflag:$0x1] =	stream.linear.gather [hbm4b:s5+s3], $0x50, $0x38;
	[tilespmem:$0x1F400] =	vst v63  }
0x165: {  	s6 =	simm.s32 $0x200;
	s14 =	rddreg [dreg:$0x19]  }
0x166: {  	[tilespmem:s6], [sflag:$0x1] =	stream.linear.gather [hbm4b:s14+s3], $0x50, $0x38;
	[tilespmem:$0x1F400] =	vst v63  }
0x167: {  	_ =	swait.ge [sflag:s10], $0x50  }
0x168: {  	[sflag:s10] =	ssyncset.done $0x0  }
0x169: {  	[sflag:s10] =	ssyncadd.s32 $0xFFFFFFB0  }
0x16a: {  	_ =	swait.ge [sflag:s10], $0x50  }
0x16b: {  	[sflag:s10] =	ssyncset.done $0x0  }
0x16c: {  	s15 =	simm.s32 $0x7C00;
	s1 =	simm.s32 $0x7;
	[sflag:s10] =	ssyncadd.s32 $0xFFFFFFB0  }
0x16d: {  	[tilespmem:s15], [sflag:$0x8] =	stream.indirect.gather [hbm4b:s4+s21], $0x80, s25, s21, $0xb8;
	[tilespmem:$0x1F400] =	vst v63  }
0x16e: {  	_ =	swait.ge [sflag:s1], $0x2800  }
0x16f: {  	[sflag:s1] =	ssyncset.done $0x0  }
0x170: {  	[sflag:s1] =	ssyncadd.s32 $0xFFFFD800  }
0x171: {  	[spmem:s2] =	stream.indirect.scatter.add.f32 [tilespmem:s11], [sflag:$0xB], $0x80, s29, s21, $0xb8;
	[tilespmem:$0x1F400] =	vst v63  }
0x172: {  	_ =	swait.ge [sflag:s7], $0x2800  }
0x173: {  	[sflag:s7] =	ssyncset.done $0x0  }
0x174: {  	[sflag:s7] =	ssyncadd.s32 $0xFFFFD800  }
0x175: {  	_ =	swait.ge [sflag:s20], $0x50  }
0x176: {  	[sflag:s20] =	ssyncset.done $0x0  }
0x177: {  	[sflag:s20] =	ssyncadd.s32 $0xFFFFFFB0  }
0x178: {  	_ =	swait.ge [sflag:s20], $0x50  }
0x179: {  	[sflag:s20] =	ssyncset.done $0x0  }
0x17a: {  	s16 =	simm.s32 $0x400;
	[sflag:s20] =	ssyncadd.s32 $0xFFFFFFB0  }
0x17b: {  	[tilespmem:s16], [sflag:$0x5] =	stream.indirect.gather [hbm4b:s4+s21], $0x80, s3, s21, $0xb8;
	[tilespmem:$0x1F400] =	vst v63  }
0x17c: {  	_ =	swait.ge [sflag:s19], $0x2800  }
0x17d: {  	[sflag:s19] =	ssyncset.done $0x0  }
0x17e: {  	[sflag:s19] =	ssyncadd.s32 $0xFFFFD800  }
0x17f: {  	[spmem:s2] =	stream.indirect.scatter.add.f32 [tilespmem:s15], [sflag:$0xC], $0x80, s18, s21, $0xb8;
	[tilespmem:$0x1F400] =	vst v63  }
0x180: {  	_ =	swait.ge [sflag:s22], $0x2800  }
0x181: {  	[sflag:s22] =	ssyncset.done $0x0  }
0x182: {  	[sflag:s22] =	ssyncadd.s32 $0xFFFFD800  }
0x183: {  	_ =	swait.ge [sflag:s8], $0x2800  }
0x184: {  	[sflag:s8] =	ssyncset.done $0x0  }
0x185: {  	s18 =	simm.s32 $0xC;
	[sflag:s8] =	ssyncadd.s32 $0xFFFFD800  }
0x186: {  	[spmem:s2] =	stream.indirect.scatter.add.f32 [tilespmem:s16], [sflag:$0x9], $0x80, s6, s21, $0xb8;
	[tilespmem:$0x1F400] =	vst v63  }
0x187: {  	_ =	swait.ge [sflag:s18], $0x2800  }
0x188: {  	[sflag:s18] =	ssyncset.done $0x0  }
0x189: {  	[sflag:s18] =	ssyncadd.s32 $0xFFFFD800  }
0x18a: {  	_ =	swait.ge [sflag:s13], $0x2800  }
0x18b: {  	[sflag:s13] =	ssyncset.done $0x0  }
0x18c: {  	[sflag:s13] =	ssyncadd.s32 $0xFFFFD800  }
0x18d: {  	s19 =	stileid.u32;
	[bflag:$0x0] =	sbarrier.arrive $0xFFFF  }
0x18e: {  	s23 =	simm.s32 $0xE;
	s5 =	sshll.u32 s19, $0x6;
	s16 =	rddreg [dreg:$0xa]  }
0x18f: {  	s5 =	sor.u32 $0x1C0E, s5;
	s15 =	rddreg [dreg:$0x1a];
	s22 =	sshrl.u32 s16, $0x3  }
0x190: {  	[hbm:s15], [sflag:s5] =	dma.local [spmem:s22], $0x2800  }
0x191: {  	_ =	swait.ge [sflag:s23], $0x2800  }
0x192: {  	s24 =	sld [smem:$0x7F2];
	_ =	sdelay $0x1  }
0x193: {  	s28 =	simm.s32 $0x300;
	s30 =	simm.s32 $0x2C00;
	s9 =	simm.s32 $0x5400  }
0x194: {  	s12 =	simm.s32 $0x9;
	s25 =	rddreg [dreg:$0x1b];
	s14 =	sadd.s32 $0x1, s24  }
0x195: {  	s31 =	simm.s32 $0xB;
	s1 =	simm.s32 $0x180;
	p0 =	sne.s32 s14, s25  }
.Ltmp2:
0x196: {  	s11 =	simm.s32 $0x380;
	s29 =	simm.s32 $0x5;
	(pc) =	sbr.rel @p0 .LBB2_1-.Ltmp2, $4  }
0x197: {  	s7 =	simm.s32 $0x8;
	s19 =	simm.s32 $0x80;
	s8 =	simm.s32 $0x6  }
0x198: {  	s18 =	simm.s32 $0x200;
	s13 =	simm.s32 $0x7C00;
	[sflag:s23] =	ssyncset.done $0x0  }
0x199: {  	s22 =	simm.s32 $0x280;
	s6 =	rddreg [dreg:$0x9];
	[sflag:s23] =	ssyncadd.s32 $0xFFFFD800  }
0x19a: {  	s23 =	simm.s32 $0x400;
	s24 =	simm.s32 $0x100;
	s25 =	simm.s32 $0xA  }
0x19b: {  	_ =	sfence.sel $0x180000  }
0x19c: {  	[bflag:$0x0] =	sbarrier.arrive $0xFFFF  }
0x19d: {  	_ =	strace $0x9000004D  }
0x19e: {  	s0 =	stileid.u32;
	[bflag:$0x2] =	sbarrier.arrive $0xFFFF  }
0x19f: {  	p0 =	sne.s32 s0, $0x0;
	s0 =	rddreg [dreg:$0x2]  }
0x1a0: {  	s0 =	sadd.s32 @!p0 $0x100000, s0  }
0x1a1: {  	[sflag:s0] =	ssyncadd.tile.s32 @!p0 $0x1;
	_ =	shalt  }
.Lfunc_end2:
_tile_overlayer_lowered:
.L_overlay_start_2:
0x1a2: {  	(tag) =	ssettag $0x2  }
0x1a3: {  	s0 =	rddreg [dreg:$0x0];
	s2 =	stileid.u32  }
0x1a4: {  	s1 =	rddreg [dreg:$0x1];
	p0 =	sne.s32 s2, $0x0  }
0x1a5: {  	s3 =	rddreg [dreg:$0x2];
	[bflag:$0x3] =	sbarrier.arrive $0xFFFF;
	s2 =	simm.s32 @!p0 $0x1C0E  }
0x1a6: {  	[timem:s3], [sflag:s2] =	dma.local @!p0 [hbm:s0], s1  }
0x1a7: {  	s0 =	simm.s32 @!p0 $0xE  }
0x1a8: {  	_ =	swait.ge @!p0 [sflag:s0], s1  }
0x1a9: {  	s1 =	ssub.s32 @!p0 $0x0, s1;
	[sflag:s0] =	ssyncset.done @!p0 $0x0  }
0x1aa: {  	[sflag:s0] =	ssyncadd.s32 @!p0 s1  }
0x1ab: {  	[bflag:$0x3] =	sbarrier.arrive $0xFFFF  }
0x1ac: {  	_ =	shalt  }

// kernel: kernel.9.cloned.1.call-start
scs
__scs_entry_jumppad:
0x0: {  	(pc) =	sbr.rel $0x88, $3  }
0x1: {  	(tag) =	ssettag $0x0;
	lr =	simm.s32 $0x1  }
0x2: {  	[smem:$0x3F99] =	sst lr;
	_ =	strace $0xD0000000  }
0x3: {  	_ = 	snop  }
0x4: {  	_ = 	snop  }
0x5: {  	_ = 	snop  }
0x6: {  	_ = 	snop  }
0x7: {  	_ = 	snop  }
__scs_overlays_trampoline_lowered:
0x8: {  	[smem:$0x3FA8] =	sst s0  }
0x9: {  	[smem:$0x3FA9] =	sst s1  }
0xa: {  	[smem:$0x3FAA] =	sst s2  }
0xb: {  	[smem:$0x3FAB] =	sst s3  }
0xc: {  	[smem:$0x3FAC] =	sst s4  }
0xd: {  	[smem:$0x3FAD] =	sst s5  }
0xe: {  	[smem:$0x3FAE] =	sst s6  }
0xf: {  	[smem:$0x3FAF] =	sst s7  }
0x10: {  	[smem:$0x3FB0] =	sst s8  }
0x11: {  	[smem:$0x3FB1] =	sst s9;
	s0 =	simm.s32 @!p0 $0x0  }
0x12: {  	s1 =	sld [smem:$0x3F97];
	s0 =	simm.s32 @p0 $0x1  }
0x13: {  	[smem:$0x3FB2] =	sst s0;
	s0 =	simm.s32 @!p1 $0x0  }
0x14: {  	s2 =	sld [smem:$0x3F96];
	s0 =	simm.s32 @p1 $0x1  }
0x15: {  	[smem:$0x3FB3] =	sst s0;
	s0 =	simm.s32 @!p2 $0x0  }
0x16: {  	s3 =	sld [smem:$0x3FDB];
	s0 =	simm.s32 @p2 $0x1  }
0x17: {  	s4 =	simm.s32 $0x1BF5;
	[smem:$0x3FB5] =	sst s0  }
0x18: {  	s0 =	sld [smem:$0x3F98];
	_ =	swait.ge [sflag:s4], $0x0  }
0x19: {  	s7 =	sld [smem:$0x3F99]  }
0x1a: {  	s8 =	sadd.s32 $0xFFFFE003, lr  }
0x1b: {  	s9 =	sadd.s32 $0xFFFFFEF7, lr;
	s5 =	simm.s32 $0xFFFFFFFF;
	p2 =	slt.u32 s8, $0xFFFFF086  }
0x1c: {  	p1 =	slt.u32 s9, $0xF7A;
	s5 =	simm.s32 @!p2 $0x0  }
0x1d: {  	s5 =	simm.s32 @p1 $0x1;
	p0 =	seq.s32 s7, s2  }
0x1e: {  	s7 =	smul.u32 @!p0 $0xF7A, s2;
	p2 =	seq.s32 @!p0 s5, $0x0  }
0x1f: {  	s9 =	smul.u32 $0xF7A, s1;
	s8 =	simm.s32 @!p0 $0x1BF5;
	p2 =	por !p2, p0  }
0x20: {  	[sflag:s8] =	ssyncset.s32 @!p0 $0xFFFFF086;
	s6 =	sadd.s32 @!p0 s3, s7;
	s7 =	simm.s32 @!p0 $0x108  }
0x21: {  	s3 =	sadd.s32 s3, s9;
	s6 =	sadd.s32 @!p0 $0x88, s6;
	s7 =	simm.s32 @p2 $0x1082  }
0x22: {  	[simem:s7], [sflag:s8] =	dma.local @!p0 [hbm:s6], $0xF7A  }
0x23: {  	s9 =	sor.u32 $0xD0000000, s2;
	s6 =	simm.s32 $0x108;
	_ =	swait.ge @!p0 [sflag:s8], $0x0  }
0x24: {  	s3 =	sadd.s32 $0x88, s3;
	s6 =	simm.s32 @!p1 $0x1082;
	[sflag:s4] =	ssyncset.s32 $0xFFFFF086  }
0x25: {  	[simem:s6], [sflag:s4] =	dma.local [hbm:s3], $0xF7A  }
0x26: {  	[smem:$0x3F99] =	sst s1;
	(tag) =	ssettag s2;
	_ =	strace s9  }
0x27: {  	s1 =	sld [smem:$0x3FA9]  }
0x28: {  	s2 =	sld [smem:$0x3FAA]  }
0x29: {  	s4 =	sld [smem:$0x3FAC]  }
0x2a: {  	p0 =	seq.s32 s5, $0x0;
	s5 =	sld [smem:$0x3FAD]  }
0x2b: {  	s6 =	sld [smem:$0x3FAE]  }
0x2c: {  	s7 =	sld [smem:$0x3FAF]  }
0x2d: {  	s3 =	simm.s32 $0x108;
	s8 =	sld [smem:$0x3FB0]  }
0x2e: {  	s3 =	simm.s32 @!p0 $0x1082;
	s9 =	sld [smem:$0x3FB1]  }
0x2f: {  	lr =	sadd.s32 s0, s3;
	s0 =	sld [smem:$0x3FA8]  }
0x30: {  	s3 =	sld [smem:$0x3FAB]  }
0x31: {  	[smem:$0x3FB4] =	sst s10  }
0x32: {  	s10 =	sld [smem:$0x3FB2];
	_ =	sdelay $0x3  }
0x33: {  	p0 =	seq.s32 s10, $0x1;
	s10 =	sld [smem:$0x3FB4];
	_ =	sdelay $0x3  }
0x34: {  	[smem:$0x3FB4] =	sst s10  }
0x35: {  	s10 =	sld [smem:$0x3FB3];
	_ =	sdelay $0x3  }
0x36: {  	p1 =	seq.s32 s10, $0x1;
	s10 =	sld [smem:$0x3FB4];
	_ =	sdelay $0x3  }
0x37: {  	[smem:$0x3FB4] =	sst s10  }
0x38: {  	s10 =	sld [smem:$0x3FB5]  }
0x39: {  	_ = 	snop;
	(pc) =	sbr.ind lr, $3  }
0x3a: {  	_ = 	snop  }
0x3b: {  	_ = 	snop  }
0x3c: {  	p2 =	seq.s32 s10, $0x1;
	s10 =	sld [smem:$0x3FB4]  }
0x3d: {  	_ =	shalt  }
0x3e: {  	_ =	shalt  }
0x3f: {  	_ =	shalt  }
0x40: {  	_ =	shalt  }
0x41: {  	_ =	shalt  }
0x42: {  	_ =	shalt  }
0x43: {  	_ =	shalt  }
0x44: {  	_ =	shalt  }
0x45: {  	_ =	shalt  }
0x46: {  	_ =	shalt  }
0x47: {  	_ =	shalt  }
0x48: {  	_ =	shalt  }
0x49: {  	_ =	shalt  }
0x4a: {  	_ =	shalt  }
0x4b: {  	_ =	shalt  }
0x4c: {  	_ =	shalt  }
0x4d: {  	_ =	shalt  }
0x4e: {  	_ =	shalt  }
0x4f: {  	_ =	shalt  }
0x50: {  	_ =	shalt  }
0x51: {  	_ =	shalt  }
0x52: {  	_ =	shalt  }
0x53: {  	_ =	shalt  }
0x54: {  	_ =	shalt  }
0x55: {  	_ =	shalt  }
0x56: {  	_ =	shalt  }
0x57: {  	_ =	shalt  }
0x58: {  	_ =	shalt  }
0x59: {  	_ =	shalt  }
0x5a: {  	_ =	shalt  }
0x5b: {  	_ =	shalt  }
0x5c: {  	_ =	shalt  }
0x5d: {  	_ =	shalt  }
0x5e: {  	_ =	shalt  }
0x5f: {  	_ =	shalt  }
0x60: {  	_ =	shalt  }
0x61: {  	_ =	shalt  }
0x62: {  	_ =	shalt  }
0x63: {  	_ =	shalt  }
0x64: {  	_ =	shalt  }
0x65: {  	_ =	shalt  }
0x66: {  	_ =	shalt  }
0x67: {  	_ =	shalt  }
0x68: {  	_ =	shalt  }
0x69: {  	_ =	shalt  }
0x6a: {  	_ =	shalt  }
0x6b: {  	_ =	shalt  }
0x6c: {  	_ =	shalt  }
0x6d: {  	_ =	shalt  }
0x6e: {  	_ =	shalt  }
0x6f: {  	_ =	shalt  }
0x70: {  	_ =	shalt  }
0x71: {  	_ =	shalt  }
0x72: {  	_ =	shalt  }
0x73: {  	_ =	shalt  }
0x74: {  	_ =	shalt  }
0x75: {  	_ =	shalt  }
0x76: {  	_ =	shalt  }
0x77: {  	_ =	shalt  }
0x78: {  	_ =	shalt  }
0x79: {  	_ =	shalt  }
0x7a: {  	_ =	shalt  }
0x7b: {  	_ =	shalt  }
0x7c: {  	_ =	shalt  }
0x7d: {  	_ =	shalt  }
0x7e: {  	_ =	shalt  }
0x7f: {  	_ =	shalt  }
0x80: {  	_ =	shalt  }
0x81: {  	_ =	shalt  }
0x82: {  	_ =	shalt  }
0x83: {  	_ =	shalt  }
0x84: {  	_ =	shalt  }
0x85: {  	_ =	shalt  }
0x86: {  	_ =	shalt  }
0x87: {  	_ =	shalt  }
.Lfunc_end0:
.L_simem_size_0:
called_computation_lowered:
.L_overlay_start_0:
0x88: {  	s2 =	sld [smem:$0x3FD9]  }
0x89: {  	s3 =	sld [smem:$0x3FFE];
	_ =	sdelay $0x1  }
0x8a: {  	s1 =	srdreg.scid  }
0x8b: {  	s0 =	sand.u32 $0x1, s1  }
0x8c: {  	s16 =	sshll.u32 s0, $0xA;
	s2 =	sadd.s32 s3, s2  }
0x8d: {  	s2 =	sadd.s32 s2, s16  }
0x8e: {  	[smem:$0x3FC0] =	sst s2  }
0x8f: {  	_ = 	snop  }
0x90: {  	(tm) =	ssettm $0x1  }
0x91: {  	s17 =	sld [smem:$0x3FFB];
	_ =	sdelay $0x3  }
0x92: {  	_ =	strace s17  }
0x93: {  	s2 =	sld [smem:$0x3FFC];
	_ =	sdelay $0x3  }
0x94: {  	_ =	strace s2  }
0x95: {  	s2 =	sld [smem:$0x3FFD];
	_ =	sdelay $0x3  }
0x96: {  	_ =	strace s2  }
0x97: {  	_ =	strace $0x8FFFFFFF  }
0x98: {  	s18 =	sld [smem:$0x3FDB];
	_ =	sdelay $0x1  }
0x99: {  	s19 =	simm.s32 $_scs_section_size  }
0x9a: {  	s4 =	simm.s32 $_size__tile_overlayer_lowered;
	s5 =	simm.s32 $_tile_overlayer_lowered  }
0x9b: {  	s22 =	simm.s32 $0x1BFF;
	s21 =	sshll.u32 s5, $0x1;
	s2 =	sadd.s32 s19, s18  }
0x9c: {  	s6 =	simm.s32 $0x0;
	s20 =	sshll.u32 s4, $0x1;
	s4 =	sadd.s32 s21, s2  }
0x9d: {  	[timem:s6], [sflag:s22] =	dma.local [hbm:s4], s20  }
0x9e: {  	_ =	swait.ge [sflag:s22], s20  }
0x9f: {  	s3 =	ssub.s32 $0x0, s20;
	[sflag:s22] =	ssyncset.done $0x0  }
0xa0: {  	[sflag:s22] =	ssyncadd.s32 s3;
	_ =	sdelay $0x1  }
0xa1: {  	s23 =	simm.s32 $0x1B8B  }
0xa2: {  	_ =	swait.ge [sflag:s23], $0x1  }
0xa3: {  	[sflag:s23] =	ssyncset.done $0x0  }
0xa4: {  	s25 =	simm.s32 $0x1B8E;
	s24 =	sld [smem:$0x3FFE];
	[sflag:s23] =	ssyncadd.s32 $0xFFFFFFFF  }
0xa5: {  	s26 =	simm.s32 $execute0_lowered;
	[smem:$0x3FD2] =	sst s25  }
0xa6: {  	s4 =	sshll.u32 s26, $0x1;
	_ =	strace $0x80000046;
	[dreg:$0x1] =	wrdreg $0xFFFFFFFF  }
0xa7: {  	s28 =	simm.s32 $_size_execute0_lowered;
	s2 =	sadd.s32 s2, s4;
	[dreg:$0x0] =	wrdreg $0x0  }
0xa8: {  	s4 =	sshll.u32 s28, $0x1;
	[dreg:$0x2] =	wrdreg s2  }
0xa9: {  	[dreg:$0x3] =	wrdreg s4  }
0xaa: {  	[dreg:$0x4] =	wrdreg $0xC0  }
0xab: {  	_ =	task [dreg:s6], $0x5FFFF  }
0xac: {  	[dreg:$0x1] =	wrdreg $0xFFFFFFFF  }
0xad: {  	[dreg:$0x0] =	wrdreg $0x60  }
0xae: {  	[dreg:$0x2] =	wrdreg s24  }
0xaf: {  	[dreg:$0x3] =	wrdreg $0x6A800  }
0xb0: {  	[dreg:$0x4] =	wrdreg $0x9  }
0xb1: {  	_ =	task.clear_ibuf [dreg:s6], $0x5FFFF;
	_ =	strace $0x90000046  }
0xb2: {  	s29 =	simm.s32 $0x9;
	_ =	strace $0x80000048  }
0xb3: {  	_ =	swait.ge [sflag:s29], $0x1  }
0xb4: {  	[sflag:s29] =	ssyncadd.s32 $0xFFFFFFFF  }
0xb5: {  	_ =	strace $0x90000048  }
0xb6: {  	_ =	sfence  }
0xb7: {  	s30 =	sld [smem:$0x0];
	_ =	sdelay $0x2  }
0xb8: {  	s31 =	sshll.u32 s1, $0xD;
	s1 =	sshrl.u32 s1, $0x2  }
0xb9: {  	s3 =	sand.u32 $0x4000, s31;
	s1 =	sadd.s32 s1, s30  }
0xba: {  	s0 =	sor.u32 s3, s0;
	s1 =	sshll.u32 s1, $0x11  }
0xbb: {  	s0 =	sor.u32 s1, s0  }
0xbc: {  	s0 =	sadd.s32 $0x8F2B, s0  }
0xbd: {  	[sflag:s0] =	ssyncadd.remote.s32 $0x1  }
0xbe: {  	_ =	sfence.sel $0xFFFF  }
0xbf: {  	[dreg:$0x0] =	wrdreg $0xFFFFFFFF;
	(pc) =	sbr.abs _section_cstart, $3  }
0xc0: {  	[dreg:$0x1] =	wrdreg $0xFFFFFFFF  }
0xc1: {  	_ =	task.clear_ibuf [dreg:s6], $0x2FFFF;
	_ =	strace $0x9FFFFFFF  }
0xc2: {  	(tm) =	ssettm $0x7FFFFFFF  }
0xc3: {  	_ =	shalt  }
tec
execute0_lowered:
.L_overlay_start_1:
0x0: {  	(tag) =	ssettag $0x1  }
0x1: {  	s0 =	rddreg [dreg:$0x0];
	s1 =	srdreg.scid  }
0x2: {  	s2 =	rddreg [dreg:$0x1];
	s9 =	stileid.u32  }
0x3: {  	s3 =	simm.s32 $0x0;
	s28 =	simm.s32 $0x100;
	s5 =	smul.u32 $0x14000, s9  }
0x4: {  	s29 =	simm.s32 $0x2;
	s30 =	simm.s32 $0x180;
	s7 =	smul.u32 $0x50000, s9  }
0x5: {  	s31 =	simm.s32 $0x3;
	s1 =	sand.u32 $0x1, s1;
	s12 =	smul.u32 $0x4E20, s9  }
0x6: {  	[smem:$0x7FF] =	sst s3;
	s8 =	sshll.u32 s9, $0x1;
	s4 =	smul.u32 $0x140000, s1  }
0x7: {  	s9 =	simm.s32 $0x8;
	_ =	strace $0x80000047;
	s11 =	sshrl.u32 s7, $0x2  }
0x8: {  	s4 =	sadd.s32 s5, s4;
	s5 =	sor.u32 s1, s8;
	s8 =	ssub.s32 $0x2, s1  }
0x9: {  	s1 =	smul.u32 $0x2710, s1;
	s6 =	sshrl.u32 s4, $0x3;
	s4 =	sadd.s32 $0xB400, s0  }
0xa: {  	s10 =	smul.u32 $0x2710, s5;
	s13 =	sshrl.u32 s8, $0x1;
	s5 =	sadd.s32 s11, s2  }
0xb: {  	s11 =	simm.s32 $0x9;
	s0 =	sadd.s32 s6, s0;
	s14 =	sadd.s32 $0x4000, s5  }
0xc: {  	s8 =	ssub.s32 s8, s13;
	s15 =	sadd.s32 $0x8000, s5;
	[dreg:$0x4] =	wrdreg s14  }
0xd: {  	s16 =	sadd.s32 $0xC000, s5;
	s1 =	sadd.s32 s1, s12;
	[dreg:$0x5] =	wrdreg s15  }
0xe: {  	s17 =	sadd.s32 $0x10000, s5;
	s12 =	simm.s32 $0xA;
	[dreg:$0x6] =	wrdreg s16  }
0xf: {  	s6 =	sshrl.u32 s10, $0x3;
	[dreg:$0x7] =	wrdreg s17;
	s19 =	sadd.s32 $0x2D0, s1  }
0x10: {  	s0 =	sadd.s32 $0x15200, s0;
	s23 =	smax.u32 s8, $0x1;
	s24 =	sadd.s32 $0x280, s1  }
0x11: {  	s25 =	sadd.s32 $0x230, s1;
	s26 =	sadd.s32 $0x1E0, s1;
	[dreg:$0xd] =	wrdreg s0  }
0x12: {  	s8 =	simm.s32 $0x7;
	s18 =	sadd.s32 s4, s6;
	[dreg:$0xe] =	wrdreg s23  }
0x13: {  	s14 =	simm.s32 $0x0;
	s20 =	sadd.s32 $0xA, s18;
	[dreg:$0x8] =	wrdreg s18  }
0x14: {  	s6 =	sshrl.u32 s19, $0x3;
	s21 =	sadd.s32 $0x14, s18;
	[dreg:$0x9] =	wrdreg s20  }
0x15: {  	s0 =	sshrl.u32 s24, $0x3;
	s22 =	sadd.s32 $0x1E, s18;
	[dreg:$0xa] =	wrdreg s21  }
0x16: {  	s23 =	simm.s32 $0x80;
	s7 =	sadd.s32 $0x28, s18;
	[dreg:$0xb] =	wrdreg s22  }
0x17: {  	s24 =	simm.s32 $0x1;
	s6 =	sadd.s32 s6, s4;
	[dreg:$0xc] =	wrdreg s7  }
0x18: {  	s17 =	sadd.s32 s0, s4;
	s0 =	simm.s32 $0x200;
	[dreg:$0x3] =	wrdreg s6  }
0x19: {  	s6 =	sshrl.u32 s25, $0x3;
	s7 =	sshrl.u32 s26, $0x3;
	s20 =	sadd.s32 $0x190, s1  }
0x1a: {  	s21 =	simm.s32 $0x2A80;
	s22 =	simm.s32 $0xB;
	s25 =	simm.s32 $0x50  }
0x1b: {  	s26 =	simm.s32 $0x280;
	s1 =	simm.s32 $0x4;
	s18 =	sadd.s32 s6, s4  }
0x1c: {  	v0 =	vimm.f32 $1.000000000e+00;
	v1 =	vimm.f32 $0.0e+00;
	s19 =	sadd.s32 s7, s4;
	s6 =	simm.s32 $0x6;
	s7 =	simm.s32 $0x5  }
.LBB2_1:
0x1d: {  	s10 =	simm.s32 $0x0;
	s15 =	simm.s32 $0x200  }
.LBB2_2:
0x1e: {  	p0 =	sne.s32 s15, $0x9E00;
	[tilespmem:s10+$0x2F0] =	vst v0  }
0x1f: {  	[tilespmem:s10+$0x280] =	vst v0  }
0x20: {  	[tilespmem:s10+$0x290] =	vst v0  }
.Ltmp0:
0x21: {  	[tilespmem:s10+$0x2A0] =	vst v0;
	(pc) =	sbr.rel @p0 .LBB2_2-.Ltmp0, $4  }
0x22: {  	[tilespmem:s10+$0x2B0] =	vst v0  }
0x23: {  	[tilespmem:s10+$0x2C0] =	vst v0  }
0x24: {  	[tilespmem:s10+$0x2D0] =	vst v0  }
0x25: {  	[tilespmem:s10+$0x2E0] =	vst v0;
	s10 =	sshra.s32 s15, $0x2;
	s15 =	sadd.s32 $0x200, s15  }
0x26: {  	[tilespmem:s10+$0x2F0] =	vst v0  }
0x27: {  	[tilespmem:s10+$0x280] =	vst v0  }
0x28: {  	[tilespmem:s10+$0x290] =	vst v0  }
0x29: {  	[tilespmem:s10+$0x2A0] =	vst v0  }
0x2a: {  	[tilespmem:s10+$0x2B0] =	vst v0  }
0x2b: {  	[tilespmem:s10+$0x2C0] =	vst v0  }
0x2c: {  	[tilespmem:s10+$0x2D0] =	vst v0  }
0x2d: {  	[tilespmem:s10+$0x2E0] =	vst v0;
	s10 =	simm.s32 $0x0;
	s15 =	simm.s32 $0x200  }
.LBB2_4:
0x2e: {  	p0 =	sne.s32 s15, $0xFE00;
	[tilespmem:s10+$0x2AF0] =	vst v1  }
0x2f: {  	[tilespmem:s10+$0x2A80] =	vst v1  }
0x30: {  	[tilespmem:s10+$0x2A90] =	vst v1  }
.Ltmp1:
0x31: {  	[tilespmem:s10+$0x2AA0] =	vst v1;
	(pc) =	sbr.rel @p0 .LBB2_4-.Ltmp1, $4  }
0x32: {  	[tilespmem:s10+$0x2AB0] =	vst v1  }
0x33: {  	[tilespmem:s10+$0x2AC0] =	vst v1  }
0x34: {  	[tilespmem:s10+$0x2AD0] =	vst v1  }
0x35: {  	[tilespmem:s10+$0x2AE0] =	vst v1;
	s10 =	sshra.s32 s15, $0x2;
	s15 =	sadd.s32 $0x200, s15  }
0x36: {  	[tilespmem:s10+$0x2AF0] =	vst v1  }
0x37: {  	[tilespmem:s10+$0x2A80] =	vst v1  }
0x38: {  	[tilespmem:s10+$0x2A90] =	vst v1  }
0x39: {  	[tilespmem:s10+$0x2AA0] =	vst v1  }
0x3a: {  	[tilespmem:s10+$0x2AB0] =	vst v1  }
0x3b: {  	[tilespmem:s10+$0x2AC0] =	vst v1  }
0x3c: {  	[tilespmem:s10+$0x2AD0] =	vst v1  }
0x3d: {  	[tilespmem:s10+$0x2AE0] =	vst v1  }
0x3e: {  	[spmem:s5] =	stream.linear.scatter [tilespmem:s21], [sflag:$0xB], $0x4000, $0x38;
	[tilespmem:$0x1AA80] =	vst v63  }
0x3f: {  	s13 =	rddreg [dreg:$0x4]  }
0x40: {  	[spmem:s13] =	stream.linear.scatter [tilespmem:s21], [sflag:$0xB], $0x4000, $0x38;
	[tilespmem:$0x1AA80] =	vst v63  }
0x41: {  	s15 =	rddreg [dreg:$0x5]  }
0x42: {  	[spmem:s15] =	stream.linear.scatter [tilespmem:s21], [sflag:$0xB], $0x4000, $0x38;
	[tilespmem:$0x1AA80] =	vst v63  }
0x43: {  	s16 =	rddreg [dreg:$0x6]  }
0x44: {  	[spmem:s16] =	stream.linear.scatter [tilespmem:s21], [sflag:$0xB], $0x4000, $0x38;
	[tilespmem:$0x1AA80] =	vst v63  }
0x45: {  	s13 =	rddreg [dreg:$0x7]  }
0x46: {  	[spmem:s13] =	stream.linear.scatter [tilespmem:s21], [sflag:$0xB], $0x4000, $0x38;
	[tilespmem:$0x1AA80] =	vst v63  }
0x47: {  	_ =	swait.ge [sflag:s22], $0x4000  }
0x48: {  	[sflag:s22] =	ssyncset.done $0x0  }
0x49: {  	[sflag:s22] =	ssyncadd.s32 $0xFFFFC000  }
0x4a: {  	_ =	swait.ge [sflag:s22], $0x4000  }
0x4b: {  	[sflag:s22] =	ssyncset.done $0x0  }
0x4c: {  	[sflag:s22] =	ssyncadd.s32 $0xFFFFC000  }
0x4d: {  	_ =	swait.ge [sflag:s22], $0x4000  }
0x4e: {  	[sflag:s22] =	ssyncset.done $0x0  }
0x4f: {  	[sflag:s22] =	ssyncadd.s32 $0xFFFFC000  }
0x50: {  	_ =	swait.ge [sflag:s22], $0x4000  }
0x51: {  	[sflag:s22] =	ssyncset.done $0x0  }
0x52: {  	[sflag:s22] =	ssyncadd.s32 $0xFFFFC000  }
0x53: {  	_ =	swait.ge [sflag:s22], $0x4000  }
0x54: {  	[sflag:s22] =	ssyncset.done $0x0  }
0x55: {  	[sflag:s22] =	ssyncadd.s32 $0xFFFFC000  }
0x56: {  	[bflag:$0x0] =	sbarrier.arrive $0xFFFF  }
0x57: {  	s10 =	simm.s32 $0x0;
	s13 =	rddreg [dreg:$0x8]  }
0x58: {  	[tilespmem:s10], [sflag:$0x1] =	stream.linear.gather [hbm4b:s13+s10], $0x50, $0x38;
	[tilespmem:$0x1AA80] =	vst v63  }
0x59: {  	s15 =	rddreg [dreg:$0x9]  }
0x5a: {  	[tilespmem:s23], [sflag:$0x2] =	stream.linear.gather [hbm4b:s15+s10], $0x50, $0x38;
	[tilespmem:$0x1AA80] =	vst v63  }
0x5b: {  	_ =	swait.ge [sflag:s24], $0x50  }
0x5c: {  	[sflag:s24] =	ssyncset.done $0x0  }
0x5d: {  	[sflag:s24] =	ssyncadd.s32 $0xFFFFFFB0  }
0x5e: {  	[spmem:s2] =	stream.indirect.scatter.add.f32 [tilespmem:s26], [sflag:$0x6], $0x80, s10, s25, $0xb8;
	[tilespmem:$0x1AA80] =	vst v63  }
0x5f: {  	s16 =	rddreg [dreg:$0xa]  }
0x60: {  	[tilespmem:s28], [sflag:$0x3] =	stream.linear.gather [hbm4b:s16+s10], $0x50, $0x38;
	[tilespmem:$0x1AA80] =	vst v63  }
0x61: {  	_ =	swait.ge [sflag:s29], $0x50  }
0x62: {  	[sflag:s29] =	ssyncset.done $0x0  }
0x63: {  	[sflag:s29] =	ssyncadd.s32 $0xFFFFFFB0  }
0x64: {  	[spmem:s2] =	stream.indirect.scatter.add.f32 [tilespmem:s26], [sflag:$0x7], $0x80, s23, s25, $0xb8;
	[tilespmem:$0x1AA80] =	vst v63  }
0x65: {  	s15 =	rddreg [dreg:$0xb]  }
0x66: {  	[tilespmem:s30], [sflag:$0x4] =	stream.linear.gather [hbm4b:s15+s10], $0x50, $0x38;
	[tilespmem:$0x1AA80] =	vst v63  }
0x67: {  	_ =	swait.ge [sflag:s31], $0x50  }
0x68: {  	[sflag:s31] =	ssyncset.done $0x0  }
0x69: {  	[sflag:s31] =	ssyncadd.s32 $0xFFFFFFB0  }
0x6a: {  	[spmem:s2] =	stream.indirect.scatter.add.f32 [tilespmem:s26], [sflag:$0x8], $0x80, s28, s25, $0xb8;
	[tilespmem:$0x1AA80] =	vst v63  }
0x6b: {  	s16 =	rddreg [dreg:$0xc]  }
0x6c: {  	[tilespmem:s0], [sflag:$0x5] =	stream.linear.gather [hbm4b:s16+s10], $0x50, $0x38;
	[tilespmem:$0x1AA80] =	vst v63  }
0x6d: {  	_ =	swait.ge [sflag:s1], $0x50  }
0x6e: {  	[sflag:s1] =	ssyncset.done $0x0  }
0x6f: {  	[sflag:s1] =	ssyncadd.s32 $0xFFFFFFB0  }
0x70: {  	[spmem:s2] =	stream.indirect.scatter.add.f32 [tilespmem:s26], [sflag:$0x9], $0x80, s30, s25, $0xb8;
	[tilespmem:$0x1AA80] =	vst v63  }
0x71: {  	_ =	swait.ge [sflag:s6], $0x2800  }
0x72: {  	s15 =	sshrl.u32 s20, $0x3;
	[sflag:s6] =	ssyncset.done $0x0  }
0x73: {  	s10 =	sadd.s32 s4, s15;
	[sflag:s6] =	ssyncadd.s32 $0xFFFFD800  }
0x74: {  	[tilespmem:s3], [sflag:$0x1] =	stream.linear.gather [hbm4b:s10+s3], $0x50, $0x38;
	[tilespmem:$0x1AA80] =	vst v63  }
0x75: {  	_ =	swait.ge [sflag:s7], $0x50  }
0x76: {  	[sflag:s7] =	ssyncset.done $0x0  }
0x77: {  	[sflag:s7] =	ssyncadd.s32 $0xFFFFFFB0  }
0x78: {  	[spmem:s2] =	stream.indirect.scatter.add.f32 [tilespmem:s26], [sflag:$0xA], $0x80, s0, s25, $0xb8;
	[tilespmem:$0x1AA80] =	vst v63  }
0x79: {  	_ =	swait.ge [sflag:s8], $0x2800  }
0x7a: {  	[sflag:s8] =	ssyncset.done $0x0  }
0x7b: {  	s16 =	sadd.s32 $0x0, s19;
	[sflag:s8] =	ssyncadd.s32 $0xFFFFD800  }
0x7c: {  	[tilespmem:s23], [sflag:$0x2] =	stream.linear.gather [hbm4b:s16+s3], $0x50, $0x38;
	[tilespmem:$0x1AA80] =	vst v63  }
0x7d: {  	_ =	swait.ge [sflag:s24], $0x50  }
0x7e: {  	[sflag:s24] =	ssyncset.done $0x0  }
0x7f: {  	[sflag:s24] =	ssyncadd.s32 $0xFFFFFFB0  }
0x80: {  	[spmem:s2] =	stream.indirect.scatter.add.f32 [tilespmem:s26], [sflag:$0x6], $0x80, s3, s25, $0xb8;
	[tilespmem:$0x1AA80] =	vst v63  }
0x81: {  	_ =	swait.ge [sflag:s9], $0x2800  }
0x82: {  	[sflag:s9] =	ssyncset.done $0x0  }
0x83: {  	s13 =	sadd.s32 $0x0, s18;
	[sflag:s9] =	ssyncadd.s32 $0xFFFFD800  }
0x84: {  	[tilespmem:s28], [sflag:$0x3] =	stream.linear.gather [hbm4b:s13+s3], $0x50, $0x38;
	[tilespmem:$0x1AA80] =	vst v63  }
0x85: {  	_ =	swait.ge [sflag:s29], $0x50  }
0x86: {  	[sflag:s29] =	ssyncset.done $0x0  }
0x87: {  	[sflag:s29] =	ssyncadd.s32 $0xFFFFFFB0  }
0x88: {  	[spmem:s2] =	stream.indirect.scatter.add.f32 [tilespmem:s26], [sflag:$0x7], $0x80, s23, s25, $0xb8;
	[tilespmem:$0x1AA80] =	vst v63  }
0x89: {  	_ =	swait.ge [sflag:s11], $0x2800  }
0x8a: {  	[sflag:s11] =	ssyncset.done $0x0  }
0x8b: {  	s15 =	sadd.s32 $0x0, s17;
	[sflag:s11] =	ssyncadd.s32 $0xFFFFD800  }
0x8c: {  	[tilespmem:s30], [sflag:$0x4] =	stream.linear.gather [hbm4b:s15+s3], $0x50, $0x38;
	[tilespmem:$0x1AA80] =	vst v63  }
0x8d: {  	_ =	swait.ge [sflag:s31], $0x50  }
0x8e: {  	[sflag:s31] =	ssyncset.done $0x0  }
0x8f: {  	[sflag:s31] =	ssyncadd.s32 $0xFFFFFFB0  }
0x90: {  	[spmem:s2] =	stream.indirect.scatter.add.f32 [tilespmem:s26], [sflag:$0x8], $0x80, s28, s25, $0xb8;
	[tilespmem:$0x1AA80] =	vst v63  }
0x91: {  	_ =	swait.ge [sflag:s12], $0x2800  }
0x92: {  	s16 =	rddreg [dreg:$0x3];
	[sflag:s12] =	ssyncset.done $0x0  }
0x93: {  	[sflag:s12] =	ssyncadd.s32 $0xFFFFD800;
	s10 =	sadd.s32 $0x0, s16  }
0x94: {  	[tilespmem:s0], [sflag:$0x5] =	stream.linear.gather [hbm4b:s10+s3], $0x50, $0x38;
	[tilespmem:$0x1AA80] =	vst v63  }
0x95: {  	_ =	swait.ge [sflag:s1], $0x50  }
0x96: {  	[sflag:s1] =	ssyncset.done $0x0  }
0x97: {  	s15 =	simm.s32 $0x32;
	s16 =	sadd.s32 $0x190, s20;
	[sflag:s1] =	ssyncadd.s32 $0xFFFFFFB0  }
.LBB2_6:
0x98: {  	[spmem:s2] =	stream.indirect.scatter.add.f32 [tilespmem:s26], [sflag:$0x9], $0x80, s30, s25, $0xb8;
	[tilespmem:$0x1AA80] =	vst v63  }
0x99: {  	_ =	swait.ge [sflag:s6], $0x2800  }
0x9a: {  	s13 =	sshrl.u32 s16, $0x3;
	[sflag:s6] =	ssyncset.done $0x0  }
0x9b: {  	s13 =	sadd.s32 s4, s13;
	[sflag:s6] =	ssyncadd.s32 $0xFFFFD800  }
0x9c: {  	[tilespmem:s3], [sflag:$0x1] =	stream.linear.gather [hbm4b:s13+s3], $0x50, $0x38;
	[tilespmem:$0x1AA80] =	vst v63  }
0x9d: {  	_ =	swait.ge [sflag:s7], $0x50  }
0x9e: {  	[sflag:s7] =	ssyncset.done $0x0  }
0x9f: {  	[sflag:s7] =	ssyncadd.s32 $0xFFFFFFB0  }
0xa0: {  	[spmem:s2] =	stream.indirect.scatter.add.f32 [tilespmem:s26], [sflag:$0xA], $0x80, s0, s25, $0xb8;
	[tilespmem:$0x1AA80] =	vst v63  }
0xa1: {  	_ =	swait.ge [sflag:s8], $0x2800  }
0xa2: {  	s10 =	smov.u32 s15;
	[sflag:s8] =	ssyncset.done $0x0  }
0xa3: {  	s13 =	sadd.s32 s10, s19;
	[sflag:s8] =	ssyncadd.s32 $0xFFFFD800  }
0xa4: {  	[tilespmem:s23], [sflag:$0x2] =	stream.linear.gather [hbm4b:s13+s3], $0x50, $0x38;
	[tilespmem:$0x1AA80] =	vst v63  }
0xa5: {  	_ =	swait.ge [sflag:s24], $0x50  }
0xa6: {  	[sflag:s24] =	ssyncset.done $0x0  }
0xa7: {  	[sflag:s24] =	ssyncadd.s32 $0xFFFFFFB0  }
0xa8: {  	[spmem:s2] =	stream.indirect.scatter.add.f32 [tilespmem:s26], [sflag:$0x6], $0x80, s3, s25, $0xb8;
	[tilespmem:$0x1AA80] =	vst v63  }
0xa9: {  	_ =	swait.ge [sflag:s9], $0x2800  }
0xaa: {  	[sflag:s9] =	ssyncset.done $0x0  }
0xab: {  	s13 =	sadd.s32 s10, s18;
	[sflag:s9] =	ssyncadd.s32 $0xFFFFD800  }
0xac: {  	[tilespmem:s28], [sflag:$0x3] =	stream.linear.gather [hbm4b:s13+s3], $0x50, $0x38;
	[tilespmem:$0x1AA80] =	vst v63  }
0xad: {  	_ =	swait.ge [sflag:s29], $0x50  }
0xae: {  	[sflag:s29] =	ssyncset.done $0x0  }
0xaf: {  	[sflag:s29] =	ssyncadd.s32 $0xFFFFFFB0  }
0xb0: {  	[spmem:s2] =	stream.indirect.scatter.add.f32 [tilespmem:s26], [sflag:$0x7], $0x80, s23, s25, $0xb8;
	[tilespmem:$0x1AA80] =	vst v63  }
0xb1: {  	_ =	swait.ge [sflag:s11], $0x2800  }
0xb2: {  	[sflag:s11] =	ssyncset.done $0x0  }
0xb3: {  	s13 =	sadd.s32 s10, s17;
	[sflag:s11] =	ssyncadd.s32 $0xFFFFD800  }
0xb4: {  	[tilespmem:s30], [sflag:$0x4] =	stream.linear.gather [hbm4b:s13+s3], $0x50, $0x38;
	[tilespmem:$0x1AA80] =	vst v63  }
0xb5: {  	_ =	swait.ge [sflag:s31], $0x50  }
0xb6: {  	[sflag:s31] =	ssyncset.done $0x0  }
0xb7: {  	[sflag:s31] =	ssyncadd.s32 $0xFFFFFFB0  }
0xb8: {  	[spmem:s2] =	stream.indirect.scatter.add.f32 [tilespmem:s26], [sflag:$0x8], $0x80, s28, s25, $0xb8;
	[tilespmem:$0x1AA80] =	vst v63  }
0xb9: {  	_ =	swait.ge [sflag:s12], $0x2800  }
0xba: {  	p0 =	sne.s32 s15, $0x47E;
	s13 =	rddreg [dreg:$0x3];
	[sflag:s12] =	ssyncset.done $0x0  }
.Ltmp2:
0xbb: {  	[sflag:s12] =	ssyncadd.s32 $0xFFFFD800;
	s10 =	sadd.s32 s10, s13;
	(pc) =	sbr.rel @p0 .LBB2_6-.Ltmp2, $4  }
0xbc: {  	[tilespmem:s0], [sflag:$0x5] =	stream.linear.gather [hbm4b:s10+s3], $0x50, $0x38;
	[tilespmem:$0x1AA80] =	vst v63  }
0xbd: {  	_ =	swait.ge [sflag:s1], $0x50  }
0xbe: {  	[sflag:s1] =	ssyncset.done $0x0  }
0xbf: {  	s15 =	sadd.s32 $0x32, s15;
	s16 =	sadd.s32 $0x190, s16;
	[sflag:s1] =	ssyncadd.s32 $0xFFFFFFB0  }
0xc0: {  	[spmem:s2] =	stream.indirect.scatter.add.f32 [tilespmem:s26], [sflag:$0x9], $0x80, s30, s25, $0xb8;
	[tilespmem:$0x1AA80] =	vst v63  }
0xc1: {  	_ =	swait.ge [sflag:s6], $0x2800  }
0xc2: {  	[sflag:s6] =	ssyncset.done $0x0  }
0xc3: {  	[sflag:s6] =	ssyncadd.s32 $0xFFFFD800  }
0xc4: {  	_ =	swait.ge [sflag:s7], $0x50  }
0xc5: {  	[sflag:s7] =	ssyncset.done $0x0  }
0xc6: {  	[sflag:s7] =	ssyncadd.s32 $0xFFFFFFB0  }
0xc7: {  	[spmem:s2] =	stream.indirect.scatter.add.f32 [tilespmem:s26], [sflag:$0xA], $0x80, s0, s25, $0xb8;
	[tilespmem:$0x1AA80] =	vst v63  }
0xc8: {  	_ =	swait.ge [sflag:s8], $0x2800  }
0xc9: {  	[sflag:s8] =	ssyncset.done $0x0  }
0xca: {  	[sflag:s8] =	ssyncadd.s32 $0xFFFFD800  }
0xcb: {  	_ =	swait.ge [sflag:s9], $0x2800  }
0xcc: {  	[sflag:s9] =	ssyncset.done $0x0  }
0xcd: {  	[sflag:s9] =	ssyncadd.s32 $0xFFFFD800  }
0xce: {  	_ =	swait.ge [sflag:s11], $0x2800  }
0xcf: {  	[sflag:s11] =	ssyncset.done $0x0  }
0xd0: {  	[sflag:s11] =	ssyncadd.s32 $0xFFFFD800  }
0xd1: {  	_ =	swait.ge [sflag:s12], $0x2800  }
0xd2: {  	[sflag:s12] =	ssyncset.done $0x0  }
0xd3: {  	s10 =	stileid.u32;
	[sflag:s12] =	ssyncadd.s32 $0xFFFFD800  }
0xd4: {  	s10 =	sshll.u32 s10, $0x6;
	[bflag:$0x0] =	sbarrier.arrive $0xFFFF  }
0xd5: {  	s13 =	sshrl.u32 s5, $0x3;
	s10 =	sor.u32 $0x1C0C, s10;
	s15 =	rddreg [dreg:$0xd]  }
0xd6: {  	[hbm:s15], [sflag:s10] =	dma.local [spmem:s13], $0x2800  }
0xd7: {  	s15 =	simm.s32 $0xC  }
0xd8: {  	_ =	swait.ge [sflag:s15], $0x2800  }
0xd9: {  	s14 =	sadd.s32 $0x1, s14;
	s16 =	rddreg [dreg:$0xe]  }
0xda: {  	p0 =	sne.s32 s14, s16  }
.Ltmp3:
0xdb: {  	_ = 	snop;
	(pc) =	sbr.rel @p0 .LBB2_1-.Ltmp3, $3  }
0xdc: {  	_ =	sdelay $0x1  }
0xdd: {  	[sflag:s15] =	ssyncset.done $0x0  }
0xde: {  	[sflag:s15] =	ssyncadd.s32 $0xFFFFD800  }
0xdf: {  	_ =	sfence.sel $0x180000  }
0xe0: {  	[bflag:$0x0] =	sbarrier.arrive $0xFFFF  }
0xe1: {  	_ =	strace $0x90000047  }
0xe2: {  	s0 =	stileid.u32;
	[bflag:$0x2] =	sbarrier.arrive $0xFFFF  }
0xe3: {  	p0 =	sne.s32 s0, $0x0;
	s0 =	rddreg [dreg:$0x2]  }
0xe4: {  	s0 =	sadd.s32 @!p0 $0x100000, s0  }
0xe5: {  	[sflag:s0] =	ssyncadd.tile.s32 @!p0 $0x1;
	_ =	shalt  }
.Lfunc_end2:
_tile_overlayer_lowered:
.L_overlay_start_2:
0xe6: {  	(tag) =	ssettag $0x2  }
0xe7: {  	s0 =	rddreg [dreg:$0x0];
	s2 =	stileid.u32  }
0xe8: {  	s1 =	rddreg [dreg:$0x1];
	p0 =	sne.s32 s2, $0x0  }
0xe9: {  	s3 =	rddreg [dreg:$0x2];
	[bflag:$0x3] =	sbarrier.arrive $0xFFFF;
	s2 =	simm.s32 @!p0 $0x1C0C  }
0xea: {  	[timem:s3], [sflag:s2] =	dma.local @!p0 [hbm:s0], s1  }
0xeb: {  	s0 =	simm.s32 @!p0 $0xC  }
0xec: {  	_ =	swait.ge @!p0 [sflag:s0], s1  }
0xed: {  	s1 =	ssub.s32 @!p0 $0x0, s1;
	[sflag:s0] =	ssyncset.done @!p0 $0x0  }
0xee: {  	[sflag:s0] =	ssyncadd.s32 @!p0 s1  }
0xef: {  	[bflag:$0x3] =	sbarrier.arrive $0xFFFF  }
0xf0: {  	_ =	shalt  }

</sc_bundles>
